<compile_context>
chip_gen: v7x
topology: tpu7x:2x2x1
jax: 0.10.2.dev20260603
libtpu: 0.0.44.dev20260713+nightly
codegen_flags: <defaults>
</compile_context>

<pallas_src>
import functools

import jax
import jax.numpy as jnp
import numpy as np
from jax import lax
from jax.experimental import pallas as pl
from jax.experimental.pallas import tpu as pltpu
from jax.experimental.pallas import tpu_sc as plsc

N = 10000
NP = 10240
OUTC = 10
F = 128
H = 16
NC = 2
NS = 16
LANES = 16

CH = 1296
GPT = 8
EW = CH * GPT
EP = NC * NS * EW
RPT = NP // NS
DPT = NP // (NC * NS)
DEGR = EP // (NS * CH)

_mesh = plsc.VectorSubcoreMesh(core_axis_name="c", subcore_axis_name="s")


NBUF = 2


@functools.partial(
    pl.kernel,
    out_type=[
        jax.ShapeDtypeStruct((NC, NP, H), jnp.float32),
        jax.ShapeDtypeStruct((NP, H), jnp.float32),
    ],
    mesh=_mesh,
    scratch_types=[
        pltpu.VMEM((GPT, CH), jnp.int32),
        pltpu.VMEM((GPT, CH), jnp.int32),
        pltpu.VMEM((DEGR, CH), jnp.int32),
        pltpu.VMEM((CH,), jnp.float32),
        pltpu.VMEM((RPT,), jnp.float32),
        pltpu.VMEM((RPT, H), jnp.float32),
        pltpu.VMEM((RPT, H), jnp.float32),
        [pltpu.VMEM((CH, H), jnp.float32)] * NBUF,
        [pltpu.SemaphoreType.DMA] * NBUF,
        [pltpu.SemaphoreType.DMA] * NBUF,
        pltpu.SemaphoreType.DMA,
        pltpu.VMEM_SHARED((NP,), jnp.float32),
        pltpu.VMEM_SHARED((NP, H), jnp.float32),
        pltpu.VMEM_SHARED((NP, H), jnp.float32),
    ],
    compiler_params=pltpu.CompilerParams(use_tc_tiling_on_sc=False),
)
def _sc1(h1_hbm, edge_hbm, out_hbm, dis_hbm,
         srcv, dstv, dstdeg, ones, degb, h1v, disb, bufs, gsems, ssems,
         dsem, deg_sh, hp_sh, acc_sh):
    c = lax.axis_index("c")
    s = lax.axis_index("s")
    rowbase = s * RPT

    def zrow(i, _):
        for u in range(4):
            bufs[0][i * 4 + u] = jnp.zeros((H,), jnp.float32)
        return 0

    lax.fori_loop(0, RPT // 4, zrow, 0)

    def zb_init(i, _):
        degb[pl.ds(i * LANES, LANES)] = jnp.zeros((LANES,), jnp.float32)
        return 0

    lax.fori_loop(0, RPT // LANES, zb_init, 0)

    def ones_init(i, _):
        ones[pl.ds(i * LANES, LANES)] = jnp.full((LANES,), 1.0, jnp.float32)
        return 0

    lax.fori_loop(0, CH // LANES, ones_init, 0)
    pltpu.sync_copy(bufs[0].at[pl.ds(0, RPT)], acc_sh.at[pl.ds(rowbase, RPT)])
    pltpu.sync_copy(degb, deg_sh.at[pl.ds(rowbase, RPT)])
    pltpu.sync_copy(h1_hbm.at[pl.ds(rowbase, RPT)], h1v)
    wid = c * NS + s
    pltpu.sync_copy(edge_hbm.at[pl.ds(s * DEGR, DEGR)], dstdeg)
    pltpu.sync_copy(edge_hbm.at[pl.ds(wid * GPT, GPT)], srcv)

    for r in range(DEGR):
        def unpk_d(j, _, r=r):
            for u in range(3):
                sl = pl.ds((j * 3 + u) * LANES, LANES)
                dstdeg[r, sl] = lax.shift_right_arithmetic(dstdeg[r, sl], 16)
            return 0

        lax.fori_loop(0, CH // (3 * LANES), unpk_d, 0)
    for g in range(GPT):
        def unpk(j, _, g=g):
            for u in range(3):
                sl = pl.ds((j * 3 + u) * LANES, LANES)
                v = srcv[g, sl]
                dstv[g, sl] = lax.shift_right_arithmetic(v, 16)
                srcv[g, sl] = v & jnp.int32(0xFFFF)
            return 0

        lax.fori_loop(0, CH // (3 * LANES), unpk, 0)
    plsc.subcore_barrier()

    descs = [pltpu.async_copy(ones, deg_sh.at[dstdeg.at[r]], dsem, add=True)
             for r in range(DEGR)]
    for d in descs:
        d.wait()
    plsc.subcore_barrier()

    pltpu.sync_copy(deg_sh.at[pl.ds(rowbase, RPT)], degb)

    def scale_blk(i, _):
        v = degb[pl.ds(i * LANES, LANES)]
        v = jnp.maximum(v, jnp.float32(1.0))
        bi = lax.bitcast_convert_type(v, jnp.int32)
        bi = jnp.int32(0x5F3759DF) - lax.shift_right_arithmetic(bi, 1)
        y = lax.bitcast_convert_type(bi, jnp.float32)
        for _ in range(3):
            y = y * (jnp.float32(1.5) - jnp.float32(0.5) * v * y * y)
        for k in range(LANES):
            r = i * LANES + k
            dv = jnp.full((LANES,), y[k], jnp.float32)
            disb[r] = dv
            h1v[r] = h1v[r] * dv
        return 0

    lax.fori_loop(0, RPT // LANES, scale_blk, 0)
    pltpu.sync_copy(h1v, hp_sh.at[pl.ds(rowbase, RPT)])

    @pl.when(c == 0)
    def _():
        pltpu.sync_copy(disb, dis_hbm.at[pl.ds(rowbase, RPT)])

    plsc.subcore_barrier()

    gd = [None] * GPT
    sd = [None] * GPT
    gd[0] = pltpu.async_copy(hp_sh.at[srcv.at[0]], bufs[0], gsems[0])
    for g in range(GPT):
        gd[g].wait()
        sd[g] = pltpu.async_copy(bufs[g % NBUF], acc_sh.at[dstv.at[g]],
                                 ssems[g % NBUF], add=True)
        ng = g + 1
        if ng < GPT:
            if ng >= NBUF:
                sd[ng - NBUF].wait()
            gd[ng] = pltpu.async_copy(hp_sh.at[srcv.at[ng]],
                                      bufs[ng % NBUF], gsems[ng % NBUF])
    for g in range(max(0, GPT - NBUF), GPT):
        sd[g].wait()
    plsc.subcore_barrier()
    pltpu.sync_copy(acc_sh.at[pl.ds(rowbase, RPT)],
                    out_hbm.at[c, pl.ds(rowbase, RPT)])


@functools.partial(
    pl.kernel,
    out_type=jax.ShapeDtypeStruct((NC, NP, H), jnp.float32),
    mesh=_mesh,
    scratch_types=[
        pltpu.VMEM((GPT, CH), jnp.int32),
        pltpu.VMEM((GPT, CH), jnp.int32),
        [pltpu.VMEM((CH, H), jnp.float32)] * 4,
        [pltpu.SemaphoreType.DMA] * 4,
        [pltpu.SemaphoreType.DMA] * 4,
        pltpu.VMEM_SHARED((NP, H), jnp.float32),
    ],
    compiler_params=pltpu.CompilerParams(use_tc_tiling_on_sc=False),
)
def _agg(h_hbm, edge_hbm, out_hbm, srcv, dstv, bufs, gsems, ssems,
         acc_sh):
    c = lax.axis_index("c")
    s = lax.axis_index("s")
    rows0 = bufs[0]

    def zrow(i, _):
        for u in range(4):
            rows0[i * 4 + u] = jnp.zeros((H,), jnp.float32)
        return 0

    lax.fori_loop(0, RPT // 4, zrow, 0)
    pltpu.sync_copy(rows0.at[pl.ds(0, RPT)], acc_sh.at[pl.ds(s * RPT, RPT)])
    plsc.subcore_barrier()

    wid = c * NS + s
    pltpu.sync_copy(edge_hbm.at[pl.ds(wid * GPT, GPT)], srcv)
    for g in range(GPT):
        def unpk(j, _, g=g):
            for u in range(3):
                sl = pl.ds((j * 3 + u) * LANES, LANES)
                v = srcv[g, sl]
                dstv[g, sl] = lax.shift_right_arithmetic(v, 16)
                srcv[g, sl] = v & jnp.int32(0xFFFF)
            return 0

        lax.fori_loop(0, CH // (3 * LANES), unpk, 0)

    gd = [None] * GPT
    sd = [None] * GPT
    for g in range(min(2, GPT)):
        gd[g] = pltpu.async_copy(h_hbm.at[srcv.at[g]], bufs[g % 4],
                                 gsems[g % 4])
    for g in range(GPT):
        gd[g].wait()
        sd[g] = pltpu.async_copy(bufs[g % 4], acc_sh.at[dstv.at[g]],
                                 ssems[g % 4], add=True)
        ng = g + 2
        if ng < GPT:
            if ng >= 4:
                sd[ng - 4].wait()
            gd[ng] = pltpu.async_copy(h_hbm.at[srcv.at[ng]], bufs[ng % 4],
                                      gsems[ng % 4])
    for g in range(max(0, GPT - 4), GPT):
        sd[g].wait()
    plsc.subcore_barrier()
    pltpu.sync_copy(acc_sh.at[pl.ds(s * RPT, RPT)],
                    out_hbm.at[c, pl.ds(s * RPT, RPT)])


def _lin1_body(x_ref, w_ref, o_ref):
    h = jnp.dot(x_ref[...], w_ref[...], preferred_element_type=jnp.float32)
    o_ref[...] = jnp.concatenate(
        [h, jnp.zeros((NP - N, H), jnp.float32)], axis=0)


def _lin2_body(p_ref, dis_ref, b1_ref, w2_ref, o_ref):
    acc = p_ref[0] + p_ref[1]
    out1 = jnp.maximum(acc * dis_ref[...] + b1_ref[...], 0.0)
    w2 = jnp.concatenate(
        [w2_ref[...], jnp.zeros((H, H - OUTC), jnp.float32)], axis=1)
    h2 = jnp.dot(out1, w2, preferred_element_type=jnp.float32)
    o_ref[...] = h2 * dis_ref[...]


def _fin_body(p_ref, dis_ref, b2_ref, o_ref):
    out = (p_ref[0] + p_ref[1]) * dis_ref[...]
    o_ref[...] = out[:N, :OUTC] + b2_ref[...]


_LOOP_NP = np.arange(N, dtype=np.int32)
_PAD_NP = (N + np.arange(EP - 320000 - N, dtype=np.int32) % (NP - N))
_TAIL_NP = np.concatenate([_LOOP_NP, _PAD_NP])
_TAIL_PACKED = (_TAIL_NP | (_TAIL_NP << 16)).astype(np.int32)


def kernel(x, edge_index, W1, b1, W2, b2):
    src = edge_index[0].astype(jnp.int32)
    dst = edge_index[1].astype(jnp.int32)
    edges = jnp.concatenate([src | (dst << 16), _TAIL_PACKED])
    edges = edges.reshape(EP // CH, CH)

    h1 = pl.pallas_call(
        _lin1_body,
        out_shape=jax.ShapeDtypeStruct((NP, H), jnp.float32),
    )(x, W1)

    p1, dis = _sc1(h1, edges)

    h2 = pl.pallas_call(
        _lin2_body,
        out_shape=jax.ShapeDtypeStruct((NP, H), jnp.float32),
    )(p1, dis, b1.reshape(1, H), W2)

    p2 = _agg(h2, edges)

    out = pl.pallas_call(
        _fin_body,
        out_shape=jax.ShapeDtypeStruct((N, OUTC), jnp.float32),
    )(p2, dis, b2.reshape(1, OUTC))

    return out

# --- scband reference (transcript-rebuilt; emitter-appended) ---
"""Pipeline reference for scband-gcn-8349416423609 (READ-ONLY COPY).

The authoritative reference and input builder live on the scoring server;
editing this copy changes nothing except your own understanding.
"""

import jax, jax.numpy as jnp
import numpy as np

N_NODES = 10000


def gcn_conv(x, edge_index, W, b):
    num_nodes = x.shape[0]
    src = edge_index[0]
    dst = edge_index[1]
    # add self-loops (PyG GCNConv default)
    loop = jnp.arange(num_nodes, dtype=edge_index.dtype)
    src = jnp.concatenate([src, loop])
    dst = jnp.concatenate([dst, loop])
    # symmetric normalization D^{-1/2} A D^{-1/2}
    deg = jnp.zeros((num_nodes,), dtype=x.dtype).at[dst].add(1.0)
    deg_inv_sqrt = jnp.where(deg > 0, deg ** -0.5, 0.0)
    norm = deg_inv_sqrt[src] * deg_inv_sqrt[dst]
    # linear transform then gather-scale-scatter
    h = x @ W
    msgs = h[src] * norm[:, None]
    out = jnp.zeros((num_nodes, W.shape[1]), dtype=x.dtype).at[dst].add(msgs)
    return out + b


def setup_inputs(seed: int = 0) -> dict:
    key = jax.random.key(seed)
    k_x, k_e, k_w1, k_w2 = jax.random.split(key, 4)
    x = jax.random.normal(k_x, (N_NODES, 128), dtype=jnp.float32)
    edge_index = jax.random.randint(k_e, (2, 320000), 0, N_NODES, dtype=jnp.int64)
    # conv1: GCNConv(128 -> 16), conv2: GCNConv(16 -> 10)
    W1 = jax.random.normal(k_w1, (128, 16), dtype=jnp.float32) * (1.0 / np.sqrt(128))
    b1 = jnp.zeros((16,), dtype=jnp.float32)
    W2 = jax.random.normal(k_w2, (16, 10), dtype=jnp.float32) * (1.0 / np.sqrt(16))
    b2 = jnp.zeros((10,), dtype=jnp.float32)
    return {"x": x, "edge_index": edge_index, "W1": W1, "b1": b1, "W2": W2, "b2": b2}


def reference(x, edge_index, W1, b1, W2, b2):
    h = gcn_conv(x, edge_index, W1, b1)
    h = jax.nn.relu(h)
    out = gcn_conv(h, edge_index, W2, b2)
    return out

if __name__ == "__main__":
    import jax
    _d = setup_inputs()
    print(jax.jit(kernel)(*tuple(_d.values())))

</pallas_src>

<mosaic_0001>
#map = affine_map<(d0, d1) -> (0, 0)>
#map1 = affine_map<(d0, d1) -> (0, 0, 0)>
module attributes {stable_mosaic.version = 14 : i64} {
  func.func @_sc1(%arg0: i32, %arg1: i32, %arg2: memref<10240x16xf32, #tpu.memory_space<hbm>>, %arg3: memref<256x1296xi32, #tpu.memory_space<hbm>>, %arg4: memref<2x10240x16xf32, #tpu.memory_space<hbm>>, %arg5: memref<10240x16xf32, #tpu.memory_space<hbm>>, %arg6: memref<8x1296xi32, #tpu.memory_space<vmem>>, %arg7: memref<8x1296xi32, #tpu.memory_space<vmem>>, %arg8: memref<16x1296xi32, #tpu.memory_space<vmem>>, %arg9: memref<1296xf32, #tpu.memory_space<vmem>>, %arg10: memref<640xf32, #tpu.memory_space<vmem>>, %arg11: memref<640x16xf32, #tpu.memory_space<vmem>>, %arg12: memref<640x16xf32, #tpu.memory_space<vmem>>, %arg13: memref<1296x16xf32, #tpu.memory_space<vmem>>, %arg14: memref<1296x16xf32, #tpu.memory_space<vmem>>, %arg15: memref<!tpu.dma_semaphore, #tpu.memory_space<semaphore_mem>>, %arg16: memref<!tpu.dma_semaphore, #tpu.memory_space<semaphore_mem>>, %arg17: memref<!tpu.dma_semaphore, #tpu.memory_space<semaphore_mem>>, %arg18: memref<!tpu.dma_semaphore, #tpu.memory_space<semaphore_mem>>, %arg19: memref<!tpu.dma_semaphore, #tpu.memory_space<semaphore_mem>>, %arg20: memref<10240xf32, #tpu.memory_space<vmem_shared>>, %arg21: memref<10240x16xf32, #tpu.memory_space<vmem_shared>>, %arg22: memref<10240x16xf32, #tpu.memory_space<vmem_shared>>) attributes {dimension_semantics = [#tpu.dimension_semantics<core_parallel>, #tpu.dimension_semantics<subcore_parallel>], iteration_bounds = array<i64: 2, 16>, scalar_prefetch = 0 : i64, scratch_operands = 17 : i64, tpu.core_type = #tpu.core_type<sc_vector_subcore>, window_params = [{transform_indices = #map}, {transform_indices = #map}, {transform_indices = #map1}, {transform_indices = #map}]} {
    %mul3A = arith.constant 640 : i32
    %mul3A_0 = arith.muli %arg1, %mul3A : i32
    %scan3A = arith.constant 0 : i32
    %scan3A_1 = arith.constant 0 : i32
    %scan3A_2 = arith.constant 160 : i32
    %scan3A_3 = arith.addi %scan3A_1, %scan3A_2 : i32
    %scan3A_4 = arith.constant 1 : i32
    %scan3A_5 = scf.for %scan3A_621 = %scan3A_1 to %scan3A_3 step %scan3A_4 iter_args(%scan3A_622 = %scan3A) -> (i32)  : i32 {
      %broadcast_in_dim3A = arith.constant 0.000000e+00 : f32
      %broadcast_in_dim3A_623 = vector.broadcast %broadcast_in_dim3A : f32 to vector<16xf32>
      %mul3A_624 = arith.constant 4 : i32
      %mul3A_625 = arith.muli %scan3A_621, %mul3A_624 : i32
      %add3A_626 = arith.constant 0 : i32
      %add3A_627 = arith.addi %mul3A_625, %add3A_626 : i32
      %swap3A = arith.index_cast %add3A_627 : i32 to index
      %swap3A_628 = arith.constant 0 : index
      %swap3A_629 = tpu.vector_load %arg13[%swap3A, %swap3A_628] {strides = array<i32>} : memref<1296x16xf32, #tpu.memory_space<vmem>>, vector<1x16xf32>,
      %swap3A_630 = vector.shape_cast %swap3A_629 : vector<1x16xf32> to vector<16xf32>
      %swap3A_631 = vector.shape_cast %broadcast_in_dim3A_623 : vector<16xf32> to vector<1x16xf32>
      tpu.vector_store %arg13[%swap3A, %swap3A_628], %swap3A_631 {strides = array<i32>} : memref<1296x16xf32, #tpu.memory_space<vmem>>, vector<1x16xf32>,
      %broadcast_in_dim3A_632 = arith.constant 0.000000e+00 : f32
      %broadcast_in_dim3A_633 = vector.broadcast %broadcast_in_dim3A_632 : f32 to vector<16xf32>
      %mul3A_634 = arith.constant 4 : i32
      %mul3A_635 = arith.muli %scan3A_621, %mul3A_634 : i32
      %add3A_636 = arith.constant 1 : i32
      %add3A_637 = arith.addi %mul3A_635, %add3A_636 : i32
      %swap3A_638 = arith.index_cast %add3A_637 : i32 to index
      %swap3A_639 = arith.constant 0 : index
      %swap3A_640 = tpu.vector_load %arg13[%swap3A_638, %swap3A_639] {strides = array<i32>} : memref<1296x16xf32, #tpu.memory_space<vmem>>, vector<1x16xf32>,
      %swap3A_641 = vector.shape_cast %swap3A_640 : vector<1x16xf32> to vector<16xf32>
      %swap3A_642 = vector.shape_cast %broadcast_in_dim3A_633 : vector<16xf32> to vector<1x16xf32>
      tpu.vector_store %arg13[%swap3A_638, %swap3A_639], %swap3A_642 {strides = array<i32>} : memref<1296x16xf32, #tpu.memory_space<vmem>>, vector<1x16xf32>,
      %broadcast_in_dim3A_643 = arith.constant 0.000000e+00 : f32
      %broadcast_in_dim3A_644 = vector.broadcast %broadcast_in_dim3A_643 : f32 to vector<16xf32>
      %mul3A_645 = arith.constant 4 : i32
      %mul3A_646 = arith.muli %scan3A_621, %mul3A_645 : i32
      %add3A_647 = arith.constant 2 : i32
      %add3A_648 = arith.addi %mul3A_646, %add3A_647 : i32
      %swap3A_649 = arith.index_cast %add3A_648 : i32 to index
      %swap3A_650 = arith.constant 0 : index
      %swap3A_651 = tpu.vector_load %arg13[%swap3A_649, %swap3A_650] {strides = array<i32>} : memref<1296x16xf32, #tpu.memory_space<vmem>>, vector<1x16xf32>,
      %swap3A_652 = vector.shape_cast %swap3A_651 : vector<1x16xf32> to vector<16xf32>
      %swap3A_653 = vector.shape_cast %broadcast_in_dim3A_644 : vector<16xf32> to vector<1x16xf32>
      tpu.vector_store %arg13[%swap3A_649, %swap3A_650], %swap3A_653 {strides = array<i32>} : memref<1296x16xf32, #tpu.memory_space<vmem>>, vector<1x16xf32>,
      %broadcast_in_dim3A_654 = arith.constant 0.000000e+00 : f32
      %broadcast_in_dim3A_655 = vector.broadcast %broadcast_in_dim3A_654 : f32 to vector<16xf32>
      %mul3A_656 = arith.constant 4 : i32
      %mul3A_657 = arith.muli %scan3A_621, %mul3A_656 : i32
      %add3A_658 = arith.constant 3 : i32
      %add3A_659 = arith.addi %mul3A_657, %add3A_658 : i32
      %swap3A_660 = arith.index_cast %add3A_659 : i32 to index
      %swap3A_661 = arith.constant 0 : index
      %swap3A_662 = tpu.vector_load %arg13[%swap3A_660, %swap3A_661] {strides = array<i32>} : memref<1296x16xf32, #tpu.memory_space<vmem>>, vector<1x16xf32>,
      %swap3A_663 = vector.shape_cast %swap3A_662 : vector<1x16xf32> to vector<16xf32>
      %swap3A_664 = vector.shape_cast %broadcast_in_dim3A_655 : vector<16xf32> to vector<1x16xf32>
      tpu.vector_store %arg13[%swap3A_660, %swap3A_661], %swap3A_664 {strides = array<i32>} : memref<1296x16xf32, #tpu.memory_space<vmem>>, vector<1x16xf32>,
      %scan3A_665 = arith.constant 0 : i32
      scf.yield %scan3A_665 : i32
    }
    %scan3A_6 = arith.constant 160 : i32
    %scan3A_7 = arith.constant 0 : i32
    %scan3A_8 = arith.constant 0 : i32
    %scan3A_9 = arith.constant 40 : i32
    %scan3A_10 = arith.addi %scan3A_8, %scan3A_9 : i32
    %scan3A_11 = arith.constant 1 : i32
    %scan3A_12 = scf.for %scan3A_621 = %scan3A_8 to %scan3A_10 step %scan3A_11 iter_args(%scan3A_622 = %scan3A_7) -> (i32)  : i32 {
      %broadcast_in_dim3A = arith.constant 0.000000e+00 : f32
      %broadcast_in_dim3A_623 = vector.broadcast %broadcast_in_dim3A : f32 to vector<16xf32>
      %mul3A_624 = arith.constant 16 : i32
      %mul3A_625 = arith.muli %scan3A_621, %mul3A_624 : i32
      %swap3A = arith.index_cast %mul3A_625 : i32 to index
      %swap3A_626 = tpu.vector_load %arg10[%swap3A] {strides = array<i32>} : memref<640xf32, #tpu.memory_space<vmem>>, vector<16xf32>,
      %swap3A_627 = vector.shape_cast %swap3A_626 : vector<16xf32> to vector<16xf32>
      %swap3A_628 = vector.shape_cast %broadcast_in_dim3A_623 : vector<16xf32> to vector<16xf32>
      tpu.vector_store %arg10[%swap3A], %swap3A_628 {strides = array<i32>} : memref<640xf32, #tpu.memory_space<vmem>>, vector<16xf32>,
      %scan3A_629 = arith.constant 0 : i32
      scf.yield %scan3A_629 : i32
    }
    %scan3A_13 = arith.constant 40 : i32
    %scan3A_14 = arith.constant 0 : i32
    %scan3A_15 = arith.constant 0 : i32
    %scan3A_16 = arith.constant 81 : i32
    %scan3A_17 = arith.addi %scan3A_15, %scan3A_16 : i32
    %scan3A_18 = arith.constant 1 : i32
    %scan3A_19 = scf.for %scan3A_621 = %scan3A_15 to %scan3A_17 step %scan3A_18 iter_args(%scan3A_622 = %scan3A_14) -> (i32)  : i32 {
      %broadcast_in_dim3A = arith.constant 1.000000e+00 : f32
      %broadcast_in_dim3A_623 = vector.broadcast %broadcast_in_dim3A : f32 to vector<16xf32>
      %mul3A_624 = arith.constant 16 : i32
      %mul3A_625 = arith.muli %scan3A_621, %mul3A_624 : i32
      %swap3A = arith.index_cast %mul3A_625 : i32 to index
      %swap3A_626 = tpu.vector_load %arg9[%swap3A] {strides = array<i32>} : memref<1296xf32, #tpu.memory_space<vmem>>, vector<16xf32>,
      %swap3A_627 = vector.shape_cast %swap3A_626 : vector<16xf32> to vector<16xf32>
      %swap3A_628 = vector.shape_cast %broadcast_in_dim3A_623 : vector<16xf32> to vector<16xf32>
      tpu.vector_store %arg9[%swap3A], %swap3A_628 {strides = array<i32>} : memref<1296xf32, #tpu.memory_space<vmem>>, vector<16xf32>,
      %scan3A_629 = arith.constant 0 : i32
      scf.yield %scan3A_629 : i32
    }
    %scan3A_20 = arith.constant 81 : i32
    "tpu.region"() ({
      %run_scoped3A = tpu.sem_alloc : memref<!tpu.dma_semaphore, #tpu.memory_space<semaphore_mem>>
      %dma_start3A_621 = arith.constant 0 : i32
      %dma_start3A_622 = arith.constant 0 : i32
      %dma_start3A_623 = tpu.memref_slice %arg13[%dma_start3A_621, %dma_start3A_622] : memref<1296x16xf32, #tpu.memory_space<vmem>> -> memref<640x16xf32, #tpu.memory_space<vmem>>
      %dma_start3A_624 = arith.constant 0 : i32
      %dma_start3A_625 = tpu.memref_slice %arg22[%mul3A_0, %dma_start3A_624] : memref<10240x16xf32, #tpu.memory_space<vmem_shared>> -> memref<640x16xf32, #tpu.memory_space<vmem_shared>>
      %dma_start3A_626 = arith.constant 0 : i32
      %dma_start3A_627 = tpu.memref_slice %arg22[%mul3A_0, %dma_start3A_626] : memref<10240x16xf32, #tpu.memory_space<vmem_shared>> -> memref<640x16xf32, #tpu.memory_space<vmem_shared>>
      %dma_start3A_628 = arith.constant 0 : i32
      %dma_start3A_629 = arith.constant 0 : i32
      %dma_start3A_630 = tpu.memref_slice %arg13[%dma_start3A_628, %dma_start3A_629] : memref<1296x16xf32, #tpu.memory_space<vmem>> -> memref<640x16xf32, #tpu.memory_space<vmem>>
      tpu.enqueue_dma source(%dma_start3A_630 : memref<640x16xf32, #tpu.memory_space<vmem>>) target(%dma_start3A_627 : memref<640x16xf32, #tpu.memory_space<vmem_shared>>) target_semaphore(%run_scoped3A : memref<!tpu.dma_semaphore, #tpu.memory_space<semaphore_mem>>)
      %dma_wait3A_631 = arith.constant 0 : i32
      %dma_wait3A_632 = arith.constant 0 : i32
      %dma_wait3A_633 = tpu.memref_slice %arg13[%dma_wait3A_631, %dma_wait3A_632] : memref<1296x16xf32, #tpu.memory_space<vmem>> -> memref<640x16xf32, #tpu.memory_space<vmem>>
      %dma_wait3A_634 = arith.constant 0 : i32
      %dma_wait3A_635 = tpu.memref_slice %arg22[%mul3A_0, %dma_wait3A_634] : memref<10240x16xf32, #tpu.memory_space<vmem_shared>> -> memref<640x16xf32, #tpu.memory_space<vmem_shared>>
      %dma_wait3A_636 = arith.constant 0 : i32
      %dma_wait3A_637 = tpu.memref_slice %arg22[%mul3A_0, %dma_wait3A_636] : memref<10240x16xf32, #tpu.memory_space<vmem_shared>> -> memref<640x16xf32, #tpu.memory_space<vmem_shared>>
      %dma_wait3A_638 = arith.constant 0 : i32
      %dma_wait3A_639 = arith.constant 0 : i32
      %dma_wait3A_640 = tpu.memref_slice %arg13[%dma_wait3A_638, %dma_wait3A_639] : memref<1296x16xf32, #tpu.memory_space<vmem>> -> memref<640x16xf32, #tpu.memory_space<vmem>>
      tpu.wait_dma2 semaphore(%run_scoped3A : memref<!tpu.dma_semaphore, #tpu.memory_space<semaphore_mem>>) src(%dma_wait3A_640 : memref<640x16xf32, #tpu.memory_space<vmem>>) dst(%dma_wait3A_637 : memref<640x16xf32, #tpu.memory_space<vmem_shared>>)
      tpu.yield
    }) : () -> ()
    "tpu.region"() ({
      %run_scoped3A = tpu.sem_alloc : memref<!tpu.dma_semaphore, #tpu.memory_space<semaphore_mem>>
      %dma_start3A_621 = tpu.memref_slice %arg20[%mul3A_0] : memref<10240xf32, #tpu.memory_space<vmem_shared>> -> memref<640xf32, #tpu.memory_space<vmem_shared>>
      %dma_start3A_622 = tpu.memref_slice %arg20[%mul3A_0] : memref<10240xf32, #tpu.memory_space<vmem_shared>> -> memref<640xf32, #tpu.memory_space<vmem_shared>>
      tpu.enqueue_dma source(%arg10 : memref<640xf32, #tpu.memory_space<vmem>>) target(%dma_start3A_622 : memref<640xf32, #tpu.memory_space<vmem_shared>>) target_semaphore(%run_scoped3A : memref<!tpu.dma_semaphore, #tpu.memory_space<semaphore_mem>>)
      %dma_wait3A_623 = tpu.memref_slice %arg20[%mul3A_0] : memref<10240xf32, #tpu.memory_space<vmem_shared>> -> memref<640xf32, #tpu.memory_space<vmem_shared>>
      %dma_wait3A_624 = tpu.memref_slice %arg20[%mul3A_0] : memref<10240xf32, #tpu.memory_space<vmem_shared>> -> memref<640xf32, #tpu.memory_space<vmem_shared>>
      tpu.wait_dma2 semaphore(%run_scoped3A : memref<!tpu.dma_semaphore, #tpu.memory_space<semaphore_mem>>) src(%arg10 : memref<640xf32, #tpu.memory_space<vmem>>) dst(%dma_wait3A_624 : memref<640xf32, #tpu.memory_space<vmem_shared>>)
      tpu.yield
    }) : () -> ()
    "tpu.region"() ({
      %run_scoped3A = tpu.sem_alloc : memref<!tpu.dma_semaphore, #tpu.memory_space<semaphore_mem>>
      %dma_start3A_621 = arith.constant 0 : i32
      %dma_start3A_622 = tpu.memref_slice %arg2[%mul3A_0, %dma_start3A_621] : memref<10240x16xf32, #tpu.memory_space<hbm>> -> memref<640x16xf32, #tpu.memory_space<hbm>>
      %dma_start3A_623 = arith.constant 0 : i32
      %dma_start3A_624 = tpu.memref_slice %arg2[%mul3A_0, %dma_start3A_623] : memref<10240x16xf32, #tpu.memory_space<hbm>> -> memref<640x16xf32, #tpu.memory_space<hbm>>
      tpu.enqueue_dma source(%dma_start3A_624 : memref<640x16xf32, #tpu.memory_space<hbm>>) target(%arg11 : memref<640x16xf32, #tpu.memory_space<vmem>>) target_semaphore(%run_scoped3A : memref<!tpu.dma_semaphore, #tpu.memory_space<semaphore_mem>>)
      %dma_wait3A_625 = arith.constant 0 : i32
      %dma_wait3A_626 = tpu.memref_slice %arg2[%mul3A_0, %dma_wait3A_625] : memref<10240x16xf32, #tpu.memory_space<hbm>> -> memref<640x16xf32, #tpu.memory_space<hbm>>
      %dma_wait3A_627 = arith.constant 0 : i32
      %dma_wait3A_628 = tpu.memref_slice %arg2[%mul3A_0, %dma_wait3A_627] : memref<10240x16xf32, #tpu.memory_space<hbm>> -> memref<640x16xf32, #tpu.memory_space<hbm>>
      tpu.wait_dma2 semaphore(%run_scoped3A : memref<!tpu.dma_semaphore, #tpu.memory_space<semaphore_mem>>) src(%dma_wait3A_628 : memref<640x16xf32, #tpu.memory_space<hbm>>) dst(%arg11 : memref<640x16xf32, #tpu.memory_space<vmem>>)
      tpu.yield
    }) : () -> ()
    %mul3A_21 = arith.constant 16 : i32
    %mul3A_22 = arith.muli %arg0, %mul3A_21 : i32
    %add3A = arith.addi %mul3A_22, %arg1 : i32
    %mul3A_23 = arith.constant 16 : i32
    %mul3A_24 = arith.muli %arg1, %mul3A_23 : i32
    "tpu.region"() ({
      %run_scoped3A = tpu.sem_alloc : memref<!tpu.dma_semaphore, #tpu.memory_space<semaphore_mem>>
      %dma_start3A_621 = arith.constant 0 : i32
      %dma_start3A_622 = tpu.memref_slice %arg3[%mul3A_24, %dma_start3A_621] : memref<256x1296xi32, #tpu.memory_space<hbm>> -> memref<16x1296xi32, #tpu.memory_space<hbm>>
      %dma_start3A_623 = arith.constant 0 : i32
      %dma_start3A_624 = tpu.memref_slice %arg3[%mul3A_24, %dma_start3A_623] : memref<256x1296xi32, #tpu.memory_space<hbm>> -> memref<16x1296xi32, #tpu.memory_space<hbm>>
      tpu.enqueue_dma source(%dma_start3A_624 : memref<16x1296xi32, #tpu.memory_space<hbm>>) target(%arg8 : memref<16x1296xi32, #tpu.memory_space<vmem>>) target_semaphore(%run_scoped3A : memref<!tpu.dma_semaphore, #tpu.memory_space<semaphore_mem>>)
      %dma_wait3A_625 = arith.constant 0 : i32
      %dma_wait3A_626 = tpu.memref_slice %arg3[%mul3A_24, %dma_wait3A_625] : memref<256x1296xi32, #tpu.memory_space<hbm>> -> memref<16x1296xi32, #tpu.memory_space<hbm>>
      %dma_wait3A_627 = arith.constant 0 : i32
      %dma_wait3A_628 = tpu.memref_slice %arg3[%mul3A_24, %dma_wait3A_627] : memref<256x1296xi32, #tpu.memory_space<hbm>> -> memref<16x1296xi32, #tpu.memory_space<hbm>>
      tpu.wait_dma2 semaphore(%run_scoped3A : memref<!tpu.dma_semaphore, #tpu.memory_space<semaphore_mem>>) src(%dma_wait3A_628 : memref<16x1296xi32, #tpu.memory_space<hbm>>) dst(%arg8 : memref<16x1296xi32, #tpu.memory_space<vmem>>)
      tpu.yield
    }) : () -> ()
    %mul3A_25 = arith.constant 8 : i32
    %mul3A_26 = arith.muli %add3A, %mul3A_25 : i32
    "tpu.region"() ({
      %run_scoped3A = tpu.sem_alloc : memref<!tpu.dma_semaphore, #tpu.memory_space<semaphore_mem>>
      %dma_start3A_621 = arith.constant 0 : i32
      %dma_start3A_622 = tpu.memref_slice %arg3[%mul3A_26, %dma_start3A_621] : memref<256x1296xi32, #tpu.memory_space<hbm>> -> memref<8x1296xi32, #tpu.memory_space<hbm>>
      %dma_start3A_623 = arith.constant 0 : i32
      %dma_start3A_624 = tpu.memref_slice %arg3[%mul3A_26, %dma_start3A_623] : memref<256x1296xi32, #tpu.memory_space<hbm>> -> memref<8x1296xi32, #tpu.memory_space<hbm>>
      tpu.enqueue_dma source(%dma_start3A_624 : memref<8x1296xi32, #tpu.memory_space<hbm>>) target(%arg6 : memref<8x1296xi32, #tpu.memory_space<vmem>>) target_semaphore(%run_scoped3A : memref<!tpu.dma_semaphore, #tpu.memory_space<semaphore_mem>>)
      %dma_wait3A_625 = arith.constant 0 : i32
      %dma_wait3A_626 = tpu.memref_slice %arg3[%mul3A_26, %dma_wait3A_625] : memref<256x1296xi32, #tpu.memory_space<hbm>> -> memref<8x1296xi32, #tpu.memory_space<hbm>>
      %dma_wait3A_627 = arith.constant 0 : i32
      %dma_wait3A_628 = tpu.memref_slice %arg3[%mul3A_26, %dma_wait3A_627] : memref<256x1296xi32, #tpu.memory_space<hbm>> -> memref<8x1296xi32, #tpu.memory_space<hbm>>
      tpu.wait_dma2 semaphore(%run_scoped3A : memref<!tpu.dma_semaphore, #tpu.memory_space<semaphore_mem>>) src(%dma_wait3A_628 : memref<8x1296xi32, #tpu.memory_space<hbm>>) dst(%arg6 : memref<8x1296xi32, #tpu.memory_space<vmem>>)
      tpu.yield
    }) : () -> ()
    %scan3A_27 = arith.constant 0 : i32
    %scan3A_28 = arith.constant 0 : i32
    %scan3A_29 = arith.constant 27 : i32
    %scan3A_30 = arith.addi %scan3A_28, %scan3A_29 : i32
    %scan3A_31 = arith.constant 1 : i32
    %scan3A_32 = scf.for %scan3A_621 = %scan3A_28 to %scan3A_30 step %scan3A_31 iter_args(%scan3A_622 = %scan3A_27) -> (i32)  : i32 {
      %mul3A_623 = arith.constant 3 : i32
      %mul3A_624 = arith.muli %scan3A_621, %mul3A_623 : i32
      %add3A_625 = arith.constant 0 : i32
      %add3A_626 = arith.addi %mul3A_624, %add3A_625 : i32
      %mul3A_627 = arith.constant 16 : i32
      %mul3A_628 = arith.muli %add3A_626, %mul3A_627 : i32
      %get3A = arith.constant 0 : i32
      %get3A_629 = arith.index_cast %get3A : i32 to index
      %get3A_630 = arith.index_cast %mul3A_628 : i32 to index
      %get3A_631 = tpu.vector_load %arg8[%get3A_629, %get3A_630] {strides = array<i32>} : memref<16x1296xi32, #tpu.memory_space<vmem>>, vector<1x16xi32>,
      %get3A_632 = vector.shape_cast %get3A_631 : vector<1x16xi32> to vector<16xi32>
      %shift_right_arithmetic3A = arith.constant 16 : i32
      %shift_right_arithmetic3A_633 = vector.broadcast %shift_right_arithmetic3A : i32 to vector<16xi32>
      %shift_right_arithmetic3A_634 = arith.shrsi %get3A_632, %shift_right_arithmetic3A_633 : vector<16xi32>
      %swap3A = arith.constant 0 : i32
      %swap3A_635 = arith.index_cast %swap3A : i32 to index
      %swap3A_636 = arith.index_cast %mul3A_628 : i32 to index
      %swap3A_637 = tpu.vector_load %arg8[%swap3A_635, %swap3A_636] {strides = array<i32>} : memref<16x1296xi32, #tpu.memory_space<vmem>>, vector<1x16xi32>,
      %swap3A_638 = vector.shape_cast %swap3A_637 : vector<1x16xi32> to vector<16xi32>
      %swap3A_639 = vector.shape_cast %shift_right_arithmetic3A_634 : vector<16xi32> to vector<1x16xi32>
      tpu.vector_store %arg8[%swap3A_635, %swap3A_636], %swap3A_639 {strides = array<i32>} : memref<16x1296xi32, #tpu.memory_space<vmem>>, vector<1x16xi32>,
      %mul3A_640 = arith.constant 3 : i32
      %mul3A_641 = arith.muli %scan3A_621, %mul3A_640 : i32
      %add3A_642 = arith.constant 1 : i32
      %add3A_643 = arith.addi %mul3A_641, %add3A_642 : i32
      %mul3A_644 = arith.constant 16 : i32
      %mul3A_645 = arith.muli %add3A_643, %mul3A_644 : i32
      %get3A_646 = arith.constant 0 : i32
      %get3A_647 = arith.index_cast %get3A_646 : i32 to index
      %get3A_648 = arith.index_cast %mul3A_645 : i32 to index
      %get3A_649 = tpu.vector_load %arg8[%get3A_647, %get3A_648] {strides = array<i32>} : memref<16x1296xi32, #tpu.memory_space<vmem>>, vector<1x16xi32>,
      %get3A_650 = vector.shape_cast %get3A_649 : vector<1x16xi32> to vector<16xi32>
      %shift_right_arithmetic3A_651 = arith.constant 16 : i32
      %shift_right_arithmetic3A_652 = vector.broadcast %shift_right_arithmetic3A_651 : i32 to vector<16xi32>
      %shift_right_arithmetic3A_653 = arith.shrsi %get3A_650, %shift_right_arithmetic3A_652 : vector<16xi32>
      %swap3A_654 = arith.constant 0 : i32
      %swap3A_655 = arith.index_cast %swap3A_654 : i32 to index
      %swap3A_656 = arith.index_cast %mul3A_645 : i32 to index
      %swap3A_657 = tpu.vector_load %arg8[%swap3A_655, %swap3A_656] {strides = array<i32>} : memref<16x1296xi32, #tpu.memory_space<vmem>>, vector<1x16xi32>,
      %swap3A_658 = vector.shape_cast %swap3A_657 : vector<1x16xi32> to vector<16xi32>
      %swap3A_659 = vector.shape_cast %shift_right_arithmetic3A_653 : vector<16xi32> to vector<1x16xi32>
      tpu.vector_store %arg8[%swap3A_655, %swap3A_656], %swap3A_659 {strides = array<i32>} : memref<16x1296xi32, #tpu.memory_space<vmem>>, vector<1x16xi32>,
      %mul3A_660 = arith.constant 3 : i32
      %mul3A_661 = arith.muli %scan3A_621, %mul3A_660 : i32
      %add3A_662 = arith.constant 2 : i32
      %add3A_663 = arith.addi %mul3A_661, %add3A_662 : i32
      %mul3A_664 = arith.constant 16 : i32
      %mul3A_665 = arith.muli %add3A_663, %mul3A_664 : i32
      %get3A_666 = arith.constant 0 : i32
      %get3A_667 = arith.index_cast %get3A_666 : i32 to index
      %get3A_668 = arith.index_cast %mul3A_665 : i32 to index
      %get3A_669 = tpu.vector_load %arg8[%get3A_667, %get3A_668] {strides = array<i32>} : memref<16x1296xi32, #tpu.memory_space<vmem>>, vector<1x16xi32>,
      %get3A_670 = vector.shape_cast %get3A_669 : vector<1x16xi32> to vector<16xi32>
      %shift_right_arithmetic3A_671 = arith.constant 16 : i32
      %shift_right_arithmetic3A_672 = vector.broadcast %shift_right_arithmetic3A_671 : i32 to vector<16xi32>
      %shift_right_arithmetic3A_673 = arith.shrsi %get3A_670, %shift_right_arithmetic3A_672 : vector<16xi32>
      %swap3A_674 = arith.constant 0 : i32
      %swap3A_675 = arith.index_cast %swap3A_674 : i32 to index
      %swap3A_676 = arith.index_cast %mul3A_665 : i32 to index
      %swap3A_677 = tpu.vector_load %arg8[%swap3A_675, %swap3A_676] {strides = array<i32>} : memref<16x1296xi32, #tpu.memory_space<vmem>>, vector<1x16xi32>,
      %swap3A_678 = vector.shape_cast %swap3A_677 : vector<1x16xi32> to vector<16xi32>
      %swap3A_679 = vector.shape_cast %shift_right_arithmetic3A_673 : vector<16xi32> to vector<1x16xi32>
      tpu.vector_store %arg8[%swap3A_675, %swap3A_676], %swap3A_679 {strides = array<i32>} : memref<16x1296xi32, #tpu.memory_space<vmem>>, vector<1x16xi32>,
      %scan3A_680 = arith.constant 0 : i32
      scf.yield %scan3A_680 : i32
    }
    %scan3A_33 = arith.constant 27 : i32
    %scan3A_34 = arith.constant 0 : i32
    %scan3A_35 = arith.constant 0 : i32
    %scan3A_36 = arith.constant 27 : i32
    %scan3A_37 = arith.addi %scan3A_35, %scan3A_36 : i32
    %scan3A_38 = arith.constant 1 : i32
    %scan3A_39 = scf.for %scan3A_621 = %scan3A_35 to %scan3A_37 step %scan3A_38 iter_args(%scan3A_622 = %scan3A_34) -> (i32)  : i32 {
      %mul3A_623 = arith.constant 3 : i32
      %mul3A_624 = arith.muli %scan3A_621, %mul3A_623 : i32
      %add3A_625 = arith.constant 0 : i32
      %add3A_626 = arith.addi %mul3A_624, %add3A_625 : i32
      %mul3A_627 = arith.constant 16 : i32
      %mul3A_628 = arith.muli %add3A_626, %mul3A_627 : i32
      %get3A = arith.constant 1 : i32
      %get3A_629 = arith.index_cast %get3A : i32 to index
      %get3A_630 = arith.index_cast %mul3A_628 : i32 to index
      %get3A_631 = tpu.vector_load %arg8[%get3A_629, %get3A_630] {strides = array<i32>} : memref<16x1296xi32, #tpu.memory_space<vmem>>, vector<1x16xi32>,
      %get3A_632 = vector.shape_cast %get3A_631 : vector<1x16xi32> to vector<16xi32>
      %shift_right_arithmetic3A = arith.constant 16 : i32
      %shift_right_arithmetic3A_633 = vector.broadcast %shift_right_arithmetic3A : i32 to vector<16xi32>
      %shift_right_arithmetic3A_634 = arith.shrsi %get3A_632, %shift_right_arithmetic3A_633 : vector<16xi32>
      %swap3A = arith.constant 1 : i32
      %swap3A_635 = arith.index_cast %swap3A : i32 to index
      %swap3A_636 = arith.index_cast %mul3A_628 : i32 to index
      %swap3A_637 = tpu.vector_load %arg8[%swap3A_635, %swap3A_636] {strides = array<i32>} : memref<16x1296xi32, #tpu.memory_space<vmem>>, vector<1x16xi32>,
      %swap3A_638 = vector.shape_cast %swap3A_637 : vector<1x16xi32> to vector<16xi32>
      %swap3A_639 = vector.shape_cast %shift_right_arithmetic3A_634 : vector<16xi32> to vector<1x16xi32>
      tpu.vector_store %arg8[%swap3A_635, %swap3A_636], %swap3A_639 {strides = array<i32>} : memref<16x1296xi32, #tpu.memory_space<vmem>>, vector<1x16xi32>,
      %mul3A_640 = arith.constant 3 : i32
      %mul3A_641 = arith.muli %scan3A_621, %mul3A_640 : i32
      %add3A_642 = arith.constant 1 : i32
      %add3A_643 = arith.addi %mul3A_641, %add3A_642 : i32
      %mul3A_644 = arith.constant 16 : i32
      %mul3A_645 = arith.muli %add3A_643, %mul3A_644 : i32
      %get3A_646 = arith.constant 1 : i32
      %get3A_647 = arith.index_cast %get3A_646 : i32 to index
      %get3A_648 = arith.index_cast %mul3A_645 : i32 to index
      %get3A_649 = tpu.vector_load %arg8[%get3A_647, %get3A_648] {strides = array<i32>} : memref<16x1296xi32, #tpu.memory_space<vmem>>, vector<1x16xi32>,
      %get3A_650 = vector.shape_cast %get3A_649 : vector<1x16xi32> to vector<16xi32>
      %shift_right_arithmetic3A_651 = arith.constant 16 : i32
      %shift_right_arithmetic3A_652 = vector.broadcast %shift_right_arithmetic3A_651 : i32 to vector<16xi32>
      %shift_right_arithmetic3A_653 = arith.shrsi %get3A_650, %shift_right_arithmetic3A_652 : vector<16xi32>
      %swap3A_654 = arith.constant 1 : i32
      %swap3A_655 = arith.index_cast %swap3A_654 : i32 to index
      %swap3A_656 = arith.index_cast %mul3A_645 : i32 to index
      %swap3A_657 = tpu.vector_load %arg8[%swap3A_655, %swap3A_656] {strides = array<i32>} : memref<16x1296xi32, #tpu.memory_space<vmem>>, vector<1x16xi32>,
      %swap3A_658 = vector.shape_cast %swap3A_657 : vector<1x16xi32> to vector<16xi32>
      %swap3A_659 = vector.shape_cast %shift_right_arithmetic3A_653 : vector<16xi32> to vector<1x16xi32>
      tpu.vector_store %arg8[%swap3A_655, %swap3A_656], %swap3A_659 {strides = array<i32>} : memref<16x1296xi32, #tpu.memory_space<vmem>>, vector<1x16xi32>,
      %mul3A_660 = arith.constant 3 : i32
      %mul3A_661 = arith.muli %scan3A_621, %mul3A_660 : i32
      %add3A_662 = arith.constant 2 : i32
      %add3A_663 = arith.addi %mul3A_661, %add3A_662 : i32
      %mul3A_664 = arith.constant 16 : i32
      %mul3A_665 = arith.muli %add3A_663, %mul3A_664 : i32
      %get3A_666 = arith.constant 1 : i32
      %get3A_667 = arith.index_cast %get3A_666 : i32 to index
      %get3A_668 = arith.index_cast %mul3A_665 : i32 to index
      %get3A_669 = tpu.vector_load %arg8[%get3A_667, %get3A_668] {strides = array<i32>} : memref<16x1296xi32, #tpu.memory_space<vmem>>, vector<1x16xi32>,
      %get3A_670 = vector.shape_cast %get3A_669 : vector<1x16xi32> to vector<16xi32>
      %shift_right_arithmetic3A_671 = arith.constant 16 : i32
      %shift_right_arithmetic3A_672 = vector.broadcast %shift_right_arithmetic3A_671 : i32 to vector<16xi32>
      %shift_right_arithmetic3A_673 = arith.shrsi %get3A_670, %shift_right_arithmetic3A_672 : vector<16xi32>
      %swap3A_674 = arith.constant 1 : i32
      %swap3A_675 = arith.index_cast %swap3A_674 : i32 to index
      %swap3A_676 = arith.index_cast %mul3A_665 : i32 to index
      %swap3A_677 = tpu.vector_load %arg8[%swap3A_675, %swap3A_676] {strides = array<i32>} : memref<16x1296xi32, #tpu.memory_space<vmem>>, vector<1x16xi32>,
      %swap3A_678 = vector.shape_cast %swap3A_677 : vector<1x16xi32> to vector<16xi32>
      %swap3A_679 = vector.shape_cast %shift_right_arithmetic3A_673 : vector<16xi32> to vector<1x16xi32>
      tpu.vector_store %arg8[%swap3A_675, %swap3A_676], %swap3A_679 {strides = array<i32>} : memref<16x1296xi32, #tpu.memory_space<vmem>>, vector<1x16xi32>,
      %scan3A_680 = arith.constant 0 : i32
      scf.yield %scan3A_680 : i32
    }
    %scan3A_40 = arith.constant 27 : i32
    %scan3A_41 = arith.constant 0 : i32
    %scan3A_42 = arith.constant 0 : i32
    %scan3A_43 = arith.constant 27 : i32
    %scan3A_44 = arith.addi %scan3A_42, %scan3A_43 : i32
    %scan3A_45 = arith.constant 1 : i32
    %scan3A_46 = scf.for %scan3A_621 = %scan3A_42 to %scan3A_44 step %scan3A_45 iter_args(%scan3A_622 = %scan3A_41) -> (i32)  : i32 {
      %mul3A_623 = arith.constant 3 : i32
      %mul3A_624 = arith.muli %scan3A_621, %mul3A_623 : i32
      %add3A_625 = arith.constant 0 : i32
      %add3A_626 = arith.addi %mul3A_624, %add3A_625 : i32
      %mul3A_627 = arith.constant 16 : i32
      %mul3A_628 = arith.muli %add3A_626, %mul3A_627 : i32
      %get3A = arith.constant 2 : i32
      %get3A_629 = arith.index_cast %get3A : i32 to index
      %get3A_630 = arith.index_cast %mul3A_628 : i32 to index
      %get3A_631 = tpu.vector_load %arg8[%get3A_629, %get3A_630] {strides = array<i32>} : memref<16x1296xi32, #tpu.memory_space<vmem>>, vector<1x16xi32>,
      %get3A_632 = vector.shape_cast %get3A_631 : vector<1x16xi32> to vector<16xi32>
      %shift_right_arithmetic3A = arith.constant 16 : i32
      %shift_right_arithmetic3A_633 = vector.broadcast %shift_right_arithmetic3A : i32 to vector<16xi32>
      %shift_right_arithmetic3A_634 = arith.shrsi %get3A_632, %shift_right_arithmetic3A_633 : vector<16xi32>
      %swap3A = arith.constant 2 : i32
      %swap3A_635 = arith.index_cast %swap3A : i32 to index
      %swap3A_636 = arith.index_cast %mul3A_628 : i32 to index
      %swap3A_637 = tpu.vector_load %arg8[%swap3A_635, %swap3A_636] {strides = array<i32>} : memref<16x1296xi32, #tpu.memory_space<vmem>>, vector<1x16xi32>,
      %swap3A_638 = vector.shape_cast %swap3A_637 : vector<1x16xi32> to vector<16xi32>
      %swap3A_639 = vector.shape_cast %shift_right_arithmetic3A_634 : vector<16xi32> to vector<1x16xi32>
      tpu.vector_store %arg8[%swap3A_635, %swap3A_636], %swap3A_639 {strides = array<i32>} : memref<16x1296xi32, #tpu.memory_space<vmem>>, vector<1x16xi32>,
      %mul3A_640 = arith.constant 3 : i32
      %mul3A_641 = arith.muli %scan3A_621, %mul3A_640 : i32
      %add3A_642 = arith.constant 1 : i32
      %add3A_643 = arith.addi %mul3A_641, %add3A_642 : i32
      %mul3A_644 = arith.constant 16 : i32
      %mul3A_645 = arith.muli %add3A_643, %mul3A_644 : i32
      %get3A_646 = arith.constant 2 : i32
      %get3A_647 = arith.index_cast %get3A_646 : i32 to index
      %get3A_648 = arith.index_cast %mul3A_645 : i32 to index
      %get3A_649 = tpu.vector_load %arg8[%get3A_647, %get3A_648] {strides = array<i32>} : memref<16x1296xi32, #tpu.memory_space<vmem>>, vector<1x16xi32>,
      %get3A_650 = vector.shape_cast %get3A_649 : vector<1x16xi32> to vector<16xi32>
      %shift_right_arithmetic3A_651 = arith.constant 16 : i32
      %shift_right_arithmetic3A_652 = vector.broadcast %shift_right_arithmetic3A_651 : i32 to vector<16xi32>
      %shift_right_arithmetic3A_653 = arith.shrsi %get3A_650, %shift_right_arithmetic3A_652 : vector<16xi32>
      %swap3A_654 = arith.constant 2 : i32
      %swap3A_655 = arith.index_cast %swap3A_654 : i32 to index
      %swap3A_656 = arith.index_cast %mul3A_645 : i32 to index
      %swap3A_657 = tpu.vector_load %arg8[%swap3A_655, %swap3A_656] {strides = array<i32>} : memref<16x1296xi32, #tpu.memory_space<vmem>>, vector<1x16xi32>,
      %swap3A_658 = vector.shape_cast %swap3A_657 : vector<1x16xi32> to vector<16xi32>
      %swap3A_659 = vector.shape_cast %shift_right_arithmetic3A_653 : vector<16xi32> to vector<1x16xi32>
      tpu.vector_store %arg8[%swap3A_655, %swap3A_656], %swap3A_659 {strides = array<i32>} : memref<16x1296xi32, #tpu.memory_space<vmem>>, vector<1x16xi32>,
      %mul3A_660 = arith.constant 3 : i32
      %mul3A_661 = arith.muli %scan3A_621, %mul3A_660 : i32
      %add3A_662 = arith.constant 2 : i32
      %add3A_663 = arith.addi %mul3A_661, %add3A_662 : i32
      %mul3A_664 = arith.constant 16 : i32
      %mul3A_665 = arith.muli %add3A_663, %mul3A_664 : i32
      %get3A_666 = arith.constant 2 : i32
      %get3A_667 = arith.index_cast %get3A_666 : i32 to index
      %get3A_668 = arith.index_cast %mul3A_665 : i32 to index
      %get3A_669 = tpu.vector_load %arg8[%get3A_667, %get3A_668] {strides = array<i32>} : memref<16x1296xi32, #tpu.memory_space<vmem>>, vector<1x16xi32>,
      %get3A_670 = vector.shape_cast %get3A_669 : vector<1x16xi32> to vector<16xi32>
      %shift_right_arithmetic3A_671 = arith.constant 16 : i32
      %shift_right_arithmetic3A_672 = vector.broadcast %shift_right_arithmetic3A_671 : i32 to vector<16xi32>
      %shift_right_arithmetic3A_673 = arith.shrsi %get3A_670, %shift_right_arithmetic3A_672 : vector<16xi32>
      %swap3A_674 = arith.constant 2 : i32
      %swap3A_675 = arith.index_cast %swap3A_674 : i32 to index
      %swap3A_676 = arith.index_cast %mul3A_665 : i32 to index
      %swap3A_677 = tpu.vector_load %arg8[%swap3A_675, %swap3A_676] {strides = array<i32>} : memref<16x1296xi32, #tpu.memory_space<vmem>>, vector<1x16xi32>,
      %swap3A_678 = vector.shape_cast %swap3A_677 : vector<1x16xi32> to vector<16xi32>
      %swap3A_679 = vector.shape_cast %shift_right_arithmetic3A_673 : vector<16xi32> to vector<1x16xi32>
      tpu.vector_store %arg8[%swap3A_675, %swap3A_676], %swap3A_679 {strides = array<i32>} : memref<16x1296xi32, #tpu.memory_space<vmem>>, vector<1x16xi32>,
      %scan3A_680 = arith.constant 0 : i32
      scf.yield %scan3A_680 : i32
    }
    %scan3A_47 = arith.constant 27 : i32
    %scan3A_48 = arith.constant 0 : i32
    %scan3A_49 = arith.constant 0 : i32
    %scan3A_50 = arith.constant 27 : i32
    %scan3A_51 = arith.addi %scan3A_49, %scan3A_50 : i32
    %scan3A_52 = arith.constant 1 : i32
    %scan3A_53 = scf.for %scan3A_621 = %scan3A_49 to %scan3A_51 step %scan3A_52 iter_args(%scan3A_622 = %scan3A_48) -> (i32)  : i32 {
      %mul3A_623 = arith.constant 3 : i32
      %mul3A_624 = arith.muli %scan3A_621, %mul3A_623 : i32
      %add3A_625 = arith.constant 0 : i32
      %add3A_626 = arith.addi %mul3A_624, %add3A_625 : i32
      %mul3A_627 = arith.constant 16 : i32
      %mul3A_628 = arith.muli %add3A_626, %mul3A_627 : i32
      %get3A = arith.constant 3 : i32
      %get3A_629 = arith.index_cast %get3A : i32 to index
      %get3A_630 = arith.index_cast %mul3A_628 : i32 to index
      %get3A_631 = tpu.vector_load %arg8[%get3A_629, %get3A_630] {strides = array<i32>} : memref<16x1296xi32, #tpu.memory_space<vmem>>, vector<1x16xi32>,
      %get3A_632 = vector.shape_cast %get3A_631 : vector<1x16xi32> to vector<16xi32>
      %shift_right_arithmetic3A = arith.constant 16 : i32
      %shift_right_arithmetic3A_633 = vector.broadcast %shift_right_arithmetic3A : i32 to vector<16xi32>
      %shift_right_arithmetic3A_634 = arith.shrsi %get3A_632, %shift_right_arithmetic3A_633 : vector<16xi32>
      %swap3A = arith.constant 3 : i32
      %swap3A_635 = arith.index_cast %swap3A : i32 to index
      %swap3A_636 = arith.index_cast %mul3A_628 : i32 to index
      %swap3A_637 = tpu.vector_load %arg8[%swap3A_635, %swap3A_636] {strides = array<i32>} : memref<16x1296xi32, #tpu.memory_space<vmem>>, vector<1x16xi32>,
      %swap3A_638 = vector.shape_cast %swap3A_637 : vector<1x16xi32> to vector<16xi32>
      %swap3A_639 = vector.shape_cast %shift_right_arithmetic3A_634 : vector<16xi32> to vector<1x16xi32>
      tpu.vector_store %arg8[%swap3A_635, %swap3A_636], %swap3A_639 {strides = array<i32>} : memref<16x1296xi32, #tpu.memory_space<vmem>>, vector<1x16xi32>,
      %mul3A_640 = arith.constant 3 : i32
      %mul3A_641 = arith.muli %scan3A_621, %mul3A_640 : i32
      %add3A_642 = arith.constant 1 : i32
      %add3A_643 = arith.addi %mul3A_641, %add3A_642 : i32
      %mul3A_644 = arith.constant 16 : i32
      %mul3A_645 = arith.muli %add3A_643, %mul3A_644 : i32
      %get3A_646 = arith.constant 3 : i32
      %get3A_647 = arith.index_cast %get3A_646 : i32 to index
      %get3A_648 = arith.index_cast %mul3A_645 : i32 to index
      %get3A_649 = tpu.vector_load %arg8[%get3A_647, %get3A_648] {strides = array<i32>} : memref<16x1296xi32, #tpu.memory_space<vmem>>, vector<1x16xi32>,
      %get3A_650 = vector.shape_cast %get3A_649 : vector<1x16xi32> to vector<16xi32>
      %shift_right_arithmetic3A_651 = arith.constant 16 : i32
      %shift_right_arithmetic3A_652 = vector.broadcast %shift_right_arithmetic3A_651 : i32 to vector<16xi32>
      %shift_right_arithmetic3A_653 = arith.shrsi %get3A_650, %shift_right_arithmetic3A_652 : vector<16xi32>
      %swap3A_654 = arith.constant 3 : i32
      %swap3A_655 = arith.index_cast %swap3A_654 : i32 to index
      %swap3A_656 = arith.index_cast %mul3A_645 : i32 to index
      %swap3A_657 = tpu.vector_load %arg8[%swap3A_655, %swap3A_656] {strides = array<i32>} : memref<16x1296xi32, #tpu.memory_space<vmem>>, vector<1x16xi32>,
      %swap3A_658 = vector.shape_cast %swap3A_657 : vector<1x16xi32> to vector<16xi32>
      %swap3A_659 = vector.shape_cast %shift_right_arithmetic3A_653 : vector<16xi32> to vector<1x16xi32>
      tpu.vector_store %arg8[%swap3A_655, %swap3A_656], %swap3A_659 {strides = array<i32>} : memref<16x1296xi32, #tpu.memory_space<vmem>>, vector<1x16xi32>,
      %mul3A_660 = arith.constant 3 : i32
      %mul3A_661 = arith.muli %scan3A_621, %mul3A_660 : i32
      %add3A_662 = arith.constant 2 : i32
      %add3A_663 = arith.addi %mul3A_661, %add3A_662 : i32
      %mul3A_664 = arith.constant 16 : i32
      %mul3A_665 = arith.muli %add3A_663, %mul3A_664 : i32
      %get3A_666 = arith.constant 3 : i32
      %get3A_667 = arith.index_cast %get3A_666 : i32 to index
      %get3A_668 = arith.index_cast %mul3A_665 : i32 to index
      %get3A_669 = tpu.vector_load %arg8[%get3A_667, %get3A_668] {strides = array<i32>} : memref<16x1296xi32, #tpu.memory_space<vmem>>, vector<1x16xi32>,
      %get3A_670 = vector.shape_cast %get3A_669 : vector<1x16xi32> to vector<16xi32>
      %shift_right_arithmetic3A_671 = arith.constant 16 : i32
      %shift_right_arithmetic3A_672 = vector.broadcast %shift_right_arithmetic3A_671 : i32 to vector<16xi32>
      %shift_right_arithmetic3A_673 = arith.shrsi %get3A_670, %shift_right_arithmetic3A_672 : vector<16xi32>
      %swap3A_674 = arith.constant 3 : i32
      %swap3A_675 = arith.index_cast %swap3A_674 : i32 to index
      %swap3A_676 = arith.index_cast %mul3A_665 : i32 to index
      %swap3A_677 = tpu.vector_load %arg8[%swap3A_675, %swap3A_676] {strides = array<i32>} : memref<16x1296xi32, #tpu.memory_space<vmem>>, vector<1x16xi32>,
      %swap3A_678 = vector.shape_cast %swap3A_677 : vector<1x16xi32> to vector<16xi32>
      %swap3A_679 = vector.shape_cast %shift_right_arithmetic3A_673 : vector<16xi32> to vector<1x16xi32>
      tpu.vector_store %arg8[%swap3A_675, %swap3A_676], %swap3A_679 {strides = array<i32>} : memref<16x1296xi32, #tpu.memory_space<vmem>>, vector<1x16xi32>,
      %scan3A_680 = arith.constant 0 : i32
      scf.yield %scan3A_680 : i32
    }
    %scan3A_54 = arith.constant 27 : i32
    %scan3A_55 = arith.constant 0 : i32
    %scan3A_56 = arith.constant 0 : i32
    %scan3A_57 = arith.constant 27 : i32
    %scan3A_58 = arith.addi %scan3A_56, %scan3A_57 : i32
    %scan3A_59 = arith.constant 1 : i32
    %scan3A_60 = scf.for %scan3A_621 = %scan3A_56 to %scan3A_58 step %scan3A_59 iter_args(%scan3A_622 = %scan3A_55) -> (i32)  : i32 {
      %mul3A_623 = arith.constant 3 : i32
      %mul3A_624 = arith.muli %scan3A_621, %mul3A_623 : i32
      %add3A_625 = arith.constant 0 : i32
      %add3A_626 = arith.addi %mul3A_624, %add3A_625 : i32
      %mul3A_627 = arith.constant 16 : i32
      %mul3A_628 = arith.muli %add3A_626, %mul3A_627 : i32
      %get3A = arith.constant 4 : i32
      %get3A_629 = arith.index_cast %get3A : i32 to index
      %get3A_630 = arith.index_cast %mul3A_628 : i32 to index
      %get3A_631 = tpu.vector_load %arg8[%get3A_629, %get3A_630] {strides = array<i32>} : memref<16x1296xi32, #tpu.memory_space<vmem>>, vector<1x16xi32>,
      %get3A_632 = vector.shape_cast %get3A_631 : vector<1x16xi32> to vector<16xi32>
      %shift_right_arithmetic3A = arith.constant 16 : i32
      %shift_right_arithmetic3A_633 = vector.broadcast %shift_right_arithmetic3A : i32 to vector<16xi32>
      %shift_right_arithmetic3A_634 = arith.shrsi %get3A_632, %shift_right_arithmetic3A_633 : vector<16xi32>
      %swap3A = arith.constant 4 : i32
      %swap3A_635 = arith.index_cast %swap3A : i32 to index
      %swap3A_636 = arith.index_cast %mul3A_628 : i32 to index
      %swap3A_637 = tpu.vector_load %arg8[%swap3A_635, %swap3A_636] {strides = array<i32>} : memref<16x1296xi32, #tpu.memory_space<vmem>>, vector<1x16xi32>,
      %swap3A_638 = vector.shape_cast %swap3A_637 : vector<1x16xi32> to vector<16xi32>
      %swap3A_639 = vector.shape_cast %shift_right_arithmetic3A_634 : vector<16xi32> to vector<1x16xi32>
      tpu.vector_store %arg8[%swap3A_635, %swap3A_636], %swap3A_639 {strides = array<i32>} : memref<16x1296xi32, #tpu.memory_space<vmem>>, vector<1x16xi32>,
      %mul3A_640 = arith.constant 3 : i32
      %mul3A_641 = arith.muli %scan3A_621, %mul3A_640 : i32
      %add3A_642 = arith.constant 1 : i32
      %add3A_643 = arith.addi %mul3A_641, %add3A_642 : i32
      %mul3A_644 = arith.constant 16 : i32
      %mul3A_645 = arith.muli %add3A_643, %mul3A_644 : i32
      %get3A_646 = arith.constant 4 : i32
      %get3A_647 = arith.index_cast %get3A_646 : i32 to index
      %get3A_648 = arith.index_cast %mul3A_645 : i32 to index
      %get3A_649 = tpu.vector_load %arg8[%get3A_647, %get3A_648] {strides = array<i32>} : memref<16x1296xi32, #tpu.memory_space<vmem>>, vector<1x16xi32>,
      %get3A_650 = vector.shape_cast %get3A_649 : vector<1x16xi32> to vector<16xi32>
      %shift_right_arithmetic3A_651 = arith.constant 16 : i32
      %shift_right_arithmetic3A_652 = vector.broadcast %shift_right_arithmetic3A_651 : i32 to vector<16xi32>
      %shift_right_arithmetic3A_653 = arith.shrsi %get3A_650, %shift_right_arithmetic3A_652 : vector<16xi32>
      %swap3A_654 = arith.constant 4 : i32
      %swap3A_655 = arith.index_cast %swap3A_654 : i32 to index
      %swap3A_656 = arith.index_cast %mul3A_645 : i32 to index
      %swap3A_657 = tpu.vector_load %arg8[%swap3A_655, %swap3A_656] {strides = array<i32>} : memref<16x1296xi32, #tpu.memory_space<vmem>>, vector<1x16xi32>,
      %swap3A_658 = vector.shape_cast %swap3A_657 : vector<1x16xi32> to vector<16xi32>
      %swap3A_659 = vector.shape_cast %shift_right_arithmetic3A_653 : vector<16xi32> to vector<1x16xi32>
      tpu.vector_store %arg8[%swap3A_655, %swap3A_656], %swap3A_659 {strides = array<i32>} : memref<16x1296xi32, #tpu.memory_space<vmem>>, vector<1x16xi32>,
      %mul3A_660 = arith.constant 3 : i32
      %mul3A_661 = arith.muli %scan3A_621, %mul3A_660 : i32
      %add3A_662 = arith.constant 2 : i32
      %add3A_663 = arith.addi %mul3A_661, %add3A_662 : i32
      %mul3A_664 = arith.constant 16 : i32
      %mul3A_665 = arith.muli %add3A_663, %mul3A_664 : i32
      %get3A_666 = arith.constant 4 : i32
      %get3A_667 = arith.index_cast %get3A_666 : i32 to index
      %get3A_668 = arith.index_cast %mul3A_665 : i32 to index
      %get3A_669 = tpu.vector_load %arg8[%get3A_667, %get3A_668] {strides = array<i32>} : memref<16x1296xi32, #tpu.memory_space<vmem>>, vector<1x16xi32>,
      %get3A_670 = vector.shape_cast %get3A_669 : vector<1x16xi32> to vector<16xi32>
      %shift_right_arithmetic3A_671 = arith.constant 16 : i32
      %shift_right_arithmetic3A_672 = vector.broadcast %shift_right_arithmetic3A_671 : i32 to vector<16xi32>
      %shift_right_arithmetic3A_673 = arith.shrsi %get3A_670, %shift_right_arithmetic3A_672 : vector<16xi32>
      %swap3A_674 = arith.constant 4 : i32
      %swap3A_675 = arith.index_cast %swap3A_674 : i32 to index
      %swap3A_676 = arith.index_cast %mul3A_665 : i32 to index
      %swap3A_677 = tpu.vector_load %arg8[%swap3A_675, %swap3A_676] {strides = array<i32>} : memref<16x1296xi32, #tpu.memory_space<vmem>>, vector<1x16xi32>,
      %swap3A_678 = vector.shape_cast %swap3A_677 : vector<1x16xi32> to vector<16xi32>
      %swap3A_679 = vector.shape_cast %shift_right_arithmetic3A_673 : vector<16xi32> to vector<1x16xi32>
      tpu.vector_store %arg8[%swap3A_675, %swap3A_676], %swap3A_679 {strides = array<i32>} : memref<16x1296xi32, #tpu.memory_space<vmem>>, vector<1x16xi32>,
      %scan3A_680 = arith.constant 0 : i32
      scf.yield %scan3A_680 : i32
    }
    %scan3A_61 = arith.constant 27 : i32
    %scan3A_62 = arith.constant 0 : i32
    %scan3A_63 = arith.constant 0 : i32
    %scan3A_64 = arith.constant 27 : i32
    %scan3A_65 = arith.addi %scan3A_63, %scan3A_64 : i32
    %scan3A_66 = arith.constant 1 : i32
    %scan3A_67 = scf.for %scan3A_621 = %scan3A_63 to %scan3A_65 step %scan3A_66 iter_args(%scan3A_622 = %scan3A_62) -> (i32)  : i32 {
      %mul3A_623 = arith.constant 3 : i32
      %mul3A_624 = arith.muli %scan3A_621, %mul3A_623 : i32
      %add3A_625 = arith.constant 0 : i32
      %add3A_626 = arith.addi %mul3A_624, %add3A_625 : i32
      %mul3A_627 = arith.constant 16 : i32
      %mul3A_628 = arith.muli %add3A_626, %mul3A_627 : i32
      %get3A = arith.constant 5 : i32
      %get3A_629 = arith.index_cast %get3A : i32 to index
      %get3A_630 = arith.index_cast %mul3A_628 : i32 to index
      %get3A_631 = tpu.vector_load %arg8[%get3A_629, %get3A_630] {strides = array<i32>} : memref<16x1296xi32, #tpu.memory_space<vmem>>, vector<1x16xi32>,
      %get3A_632 = vector.shape_cast %get3A_631 : vector<1x16xi32> to vector<16xi32>
      %shift_right_arithmetic3A = arith.constant 16 : i32
      %shift_right_arithmetic3A_633 = vector.broadcast %shift_right_arithmetic3A : i32 to vector<16xi32>
      %shift_right_arithmetic3A_634 = arith.shrsi %get3A_632, %shift_right_arithmetic3A_633 : vector<16xi32>
      %swap3A = arith.constant 5 : i32
      %swap3A_635 = arith.index_cast %swap3A : i32 to index
      %swap3A_636 = arith.index_cast %mul3A_628 : i32 to index
      %swap3A_637 = tpu.vector_load %arg8[%swap3A_635, %swap3A_636] {strides = array<i32>} : memref<16x1296xi32, #tpu.memory_space<vmem>>, vector<1x16xi32>,
      %swap3A_638 = vector.shape_cast %swap3A_637 : vector<1x16xi32> to vector<16xi32>
      %swap3A_639 = vector.shape_cast %shift_right_arithmetic3A_634 : vector<16xi32> to vector<1x16xi32>
      tpu.vector_store %arg8[%swap3A_635, %swap3A_636], %swap3A_639 {strides = array<i32>} : memref<16x1296xi32, #tpu.memory_space<vmem>>, vector<1x16xi32>,
      %mul3A_640 = arith.constant 3 : i32
      %mul3A_641 = arith.muli %scan3A_621, %mul3A_640 : i32
      %add3A_642 = arith.constant 1 : i32
      %add3A_643 = arith.addi %mul3A_641, %add3A_642 : i32
      %mul3A_644 = arith.constant 16 : i32
      %mul3A_645 = arith.muli %add3A_643, %mul3A_644 : i32
      %get3A_646 = arith.constant 5 : i32
      %get3A_647 = arith.index_cast %get3A_646 : i32 to index
      %get3A_648 = arith.index_cast %mul3A_645 : i32 to index
      %get3A_649 = tpu.vector_load %arg8[%get3A_647, %get3A_648] {strides = array<i32>} : memref<16x1296xi32, #tpu.memory_space<vmem>>, vector<1x16xi32>,
      %get3A_650 = vector.shape_cast %get3A_649 : vector<1x16xi32> to vector<16xi32>
      %shift_right_arithmetic3A_651 = arith.constant 16 : i32
      %shift_right_arithmetic3A_652 = vector.broadcast %shift_right_arithmetic3A_651 : i32 to vector<16xi32>
      %shift_right_arithmetic3A_653 = arith.shrsi %get3A_650, %shift_right_arithmetic3A_652 : vector<16xi32>
      %swap3A_654 = arith.constant 5 : i32
      %swap3A_655 = arith.index_cast %swap3A_654 : i32 to index
      %swap3A_656 = arith.index_cast %mul3A_645 : i32 to index
      %swap3A_657 = tpu.vector_load %arg8[%swap3A_655, %swap3A_656] {strides = array<i32>} : memref<16x1296xi32, #tpu.memory_space<vmem>>, vector<1x16xi32>,
      %swap3A_658 = vector.shape_cast %swap3A_657 : vector<1x16xi32> to vector<16xi32>
      %swap3A_659 = vector.shape_cast %shift_right_arithmetic3A_653 : vector<16xi32> to vector<1x16xi32>
      tpu.vector_store %arg8[%swap3A_655, %swap3A_656], %swap3A_659 {strides = array<i32>} : memref<16x1296xi32, #tpu.memory_space<vmem>>, vector<1x16xi32>,
      %mul3A_660 = arith.constant 3 : i32
      %mul3A_661 = arith.muli %scan3A_621, %mul3A_660 : i32
      %add3A_662 = arith.constant 2 : i32
      %add3A_663 = arith.addi %mul3A_661, %add3A_662 : i32
      %mul3A_664 = arith.constant 16 : i32
      %mul3A_665 = arith.muli %add3A_663, %mul3A_664 : i32
      %get3A_666 = arith.constant 5 : i32
      %get3A_667 = arith.index_cast %get3A_666 : i32 to index
      %get3A_668 = arith.index_cast %mul3A_665 : i32 to index
      %get3A_669 = tpu.vector_load %arg8[%get3A_667, %get3A_668] {strides = array<i32>} : memref<16x1296xi32, #tpu.memory_space<vmem>>, vector<1x16xi32>,
      %get3A_670 = vector.shape_cast %get3A_669 : vector<1x16xi32> to vector<16xi32>
      %shift_right_arithmetic3A_671 = arith.constant 16 : i32
      %shift_right_arithmetic3A_672 = vector.broadcast %shift_right_arithmetic3A_671 : i32 to vector<16xi32>
      %shift_right_arithmetic3A_673 = arith.shrsi %get3A_670, %shift_right_arithmetic3A_672 : vector<16xi32>
      %swap3A_674 = arith.constant 5 : i32
      %swap3A_675 = arith.index_cast %swap3A_674 : i32 to index
      %swap3A_676 = arith.index_cast %mul3A_665 : i32 to index
      %swap3A_677 = tpu.vector_load %arg8[%swap3A_675, %swap3A_676] {strides = array<i32>} : memref<16x1296xi32, #tpu.memory_space<vmem>>, vector<1x16xi32>,
      %swap3A_678 = vector.shape_cast %swap3A_677 : vector<1x16xi32> to vector<16xi32>
      %swap3A_679 = vector.shape_cast %shift_right_arithmetic3A_673 : vector<16xi32> to vector<1x16xi32>
      tpu.vector_store %arg8[%swap3A_675, %swap3A_676], %swap3A_679 {strides = array<i32>} : memref<16x1296xi32, #tpu.memory_space<vmem>>, vector<1x16xi32>,
      %scan3A_680 = arith.constant 0 : i32
      scf.yield %scan3A_680 : i32
    }
    %scan3A_68 = arith.constant 27 : i32
    %scan3A_69 = arith.constant 0 : i32
    %scan3A_70 = arith.constant 0 : i32
    %scan3A_71 = arith.constant 27 : i32
    %scan3A_72 = arith.addi %scan3A_70, %scan3A_71 : i32
    %scan3A_73 = arith.constant 1 : i32
    %scan3A_74 = scf.for %scan3A_621 = %scan3A_70 to %scan3A_72 step %scan3A_73 iter_args(%scan3A_622 = %scan3A_69) -> (i32)  : i32 {
      %mul3A_623 = arith.constant 3 : i32
      %mul3A_624 = arith.muli %scan3A_621, %mul3A_623 : i32
      %add3A_625 = arith.constant 0 : i32
      %add3A_626 = arith.addi %mul3A_624, %add3A_625 : i32
      %mul3A_627 = arith.constant 16 : i32
      %mul3A_628 = arith.muli %add3A_626, %mul3A_627 : i32
      %get3A = arith.constant 6 : i32
      %get3A_629 = arith.index_cast %get3A : i32 to index
      %get3A_630 = arith.index_cast %mul3A_628 : i32 to index
      %get3A_631 = tpu.vector_load %arg8[%get3A_629, %get3A_630] {strides = array<i32>} : memref<16x1296xi32, #tpu.memory_space<vmem>>, vector<1x16xi32>,
      %get3A_632 = vector.shape_cast %get3A_631 : vector<1x16xi32> to vector<16xi32>
      %shift_right_arithmetic3A = arith.constant 16 : i32
      %shift_right_arithmetic3A_633 = vector.broadcast %shift_right_arithmetic3A : i32 to vector<16xi32>
      %shift_right_arithmetic3A_634 = arith.shrsi %get3A_632, %shift_right_arithmetic3A_633 : vector<16xi32>
      %swap3A = arith.constant 6 : i32
      %swap3A_635 = arith.index_cast %swap3A : i32 to index
      %swap3A_636 = arith.index_cast %mul3A_628 : i32 to index
      %swap3A_637 = tpu.vector_load %arg8[%swap3A_635, %swap3A_636] {strides = array<i32>} : memref<16x1296xi32, #tpu.memory_space<vmem>>, vector<1x16xi32>,
      %swap3A_638 = vector.shape_cast %swap3A_637 : vector<1x16xi32> to vector<16xi32>
      %swap3A_639 = vector.shape_cast %shift_right_arithmetic3A_634 : vector<16xi32> to vector<1x16xi32>
      tpu.vector_store %arg8[%swap3A_635, %swap3A_636], %swap3A_639 {strides = array<i32>} : memref<16x1296xi32, #tpu.memory_space<vmem>>, vector<1x16xi32>,
      %mul3A_640 = arith.constant 3 : i32
      %mul3A_641 = arith.muli %scan3A_621, %mul3A_640 : i32
      %add3A_642 = arith.constant 1 : i32
      %add3A_643 = arith.addi %mul3A_641, %add3A_642 : i32
      %mul3A_644 = arith.constant 16 : i32
      %mul3A_645 = arith.muli %add3A_643, %mul3A_644 : i32
      %get3A_646 = arith.constant 6 : i32
      %get3A_647 = arith.index_cast %get3A_646 : i32 to index
      %get3A_648 = arith.index_cast %mul3A_645 : i32 to index
      %get3A_649 = tpu.vector_load %arg8[%get3A_647, %get3A_648] {strides = array<i32>} : memref<16x1296xi32, #tpu.memory_space<vmem>>, vector<1x16xi32>,
      %get3A_650 = vector.shape_cast %get3A_649 : vector<1x16xi32> to vector<16xi32>
      %shift_right_arithmetic3A_651 = arith.constant 16 : i32
      %shift_right_arithmetic3A_652 = vector.broadcast %shift_right_arithmetic3A_651 : i32 to vector<16xi32>
      %shift_right_arithmetic3A_653 = arith.shrsi %get3A_650, %shift_right_arithmetic3A_652 : vector<16xi32>
      %swap3A_654 = arith.constant 6 : i32
      %swap3A_655 = arith.index_cast %swap3A_654 : i32 to index
      %swap3A_656 = arith.index_cast %mul3A_645 : i32 to index
      %swap3A_657 = tpu.vector_load %arg8[%swap3A_655, %swap3A_656] {strides = array<i32>} : memref<16x1296xi32, #tpu.memory_space<vmem>>, vector<1x16xi32>,
      %swap3A_658 = vector.shape_cast %swap3A_657 : vector<1x16xi32> to vector<16xi32>
      %swap3A_659 = vector.shape_cast %shift_right_arithmetic3A_653 : vector<16xi32> to vector<1x16xi32>
      tpu.vector_store %arg8[%swap3A_655, %swap3A_656], %swap3A_659 {strides = array<i32>} : memref<16x1296xi32, #tpu.memory_space<vmem>>, vector<1x16xi32>,
      %mul3A_660 = arith.constant 3 : i32
      %mul3A_661 = arith.muli %scan3A_621, %mul3A_660 : i32
      %add3A_662 = arith.constant 2 : i32
      %add3A_663 = arith.addi %mul3A_661, %add3A_662 : i32
      %mul3A_664 = arith.constant 16 : i32
      %mul3A_665 = arith.muli %add3A_663, %mul3A_664 : i32
      %get3A_666 = arith.constant 6 : i32
      %get3A_667 = arith.index_cast %get3A_666 : i32 to index
      %get3A_668 = arith.index_cast %mul3A_665 : i32 to index
      %get3A_669 = tpu.vector_load %arg8[%get3A_667, %get3A_668] {strides = array<i32>} : memref<16x1296xi32, #tpu.memory_space<vmem>>, vector<1x16xi32>,
      %get3A_670 = vector.shape_cast %get3A_669 : vector<1x16xi32> to vector<16xi32>
      %shift_right_arithmetic3A_671 = arith.constant 16 : i32
      %shift_right_arithmetic3A_672 = vector.broadcast %shift_right_arithmetic3A_671 : i32 to vector<16xi32>
      %shift_right_arithmetic3A_673 = arith.shrsi %get3A_670, %shift_right_arithmetic3A_672 : vector<16xi32>
      %swap3A_674 = arith.constant 6 : i32
      %swap3A_675 = arith.index_cast %swap3A_674 : i32 to index
      %swap3A_676 = arith.index_cast %mul3A_665 : i32 to index
      %swap3A_677 = tpu.vector_load %arg8[%swap3A_675, %swap3A_676] {strides = array<i32>} : memref<16x1296xi32, #tpu.memory_space<vmem>>, vector<1x16xi32>,
      %swap3A_678 = vector.shape_cast %swap3A_677 : vector<1x16xi32> to vector<16xi32>
      %swap3A_679 = vector.shape_cast %shift_right_arithmetic3A_673 : vector<16xi32> to vector<1x16xi32>
      tpu.vector_store %arg8[%swap3A_675, %swap3A_676], %swap3A_679 {strides = array<i32>} : memref<16x1296xi32, #tpu.memory_space<vmem>>, vector<1x16xi32>,
      %scan3A_680 = arith.constant 0 : i32
      scf.yield %scan3A_680 : i32
    }
    %scan3A_75 = arith.constant 27 : i32
    %scan3A_76 = arith.constant 0 : i32
    %scan3A_77 = arith.constant 0 : i32
    %scan3A_78 = arith.constant 27 : i32
    %scan3A_79 = arith.addi %scan3A_77, %scan3A_78 : i32
    %scan3A_80 = arith.constant 1 : i32
    %scan3A_81 = scf.for %scan3A_621 = %scan3A_77 to %scan3A_79 step %scan3A_80 iter_args(%scan3A_622 = %scan3A_76) -> (i32)  : i32 {
      %mul3A_623 = arith.constant 3 : i32
      %mul3A_624 = arith.muli %scan3A_621, %mul3A_623 : i32
      %add3A_625 = arith.constant 0 : i32
      %add3A_626 = arith.addi %mul3A_624, %add3A_625 : i32
      %mul3A_627 = arith.constant 16 : i32
      %mul3A_628 = arith.muli %add3A_626, %mul3A_627 : i32
      %get3A = arith.constant 7 : i32
      %get3A_629 = arith.index_cast %get3A : i32 to index
      %get3A_630 = arith.index_cast %mul3A_628 : i32 to index
      %get3A_631 = tpu.vector_load %arg8[%get3A_629, %get3A_630] {strides = array<i32>} : memref<16x1296xi32, #tpu.memory_space<vmem>>, vector<1x16xi32>,
      %get3A_632 = vector.shape_cast %get3A_631 : vector<1x16xi32> to vector<16xi32>
      %shift_right_arithmetic3A = arith.constant 16 : i32
      %shift_right_arithmetic3A_633 = vector.broadcast %shift_right_arithmetic3A : i32 to vector<16xi32>
      %shift_right_arithmetic3A_634 = arith.shrsi %get3A_632, %shift_right_arithmetic3A_633 : vector<16xi32>
      %swap3A = arith.constant 7 : i32
      %swap3A_635 = arith.index_cast %swap3A : i32 to index
      %swap3A_636 = arith.index_cast %mul3A_628 : i32 to index
      %swap3A_637 = tpu.vector_load %arg8[%swap3A_635, %swap3A_636] {strides = array<i32>} : memref<16x1296xi32, #tpu.memory_space<vmem>>, vector<1x16xi32>,
      %swap3A_638 = vector.shape_cast %swap3A_637 : vector<1x16xi32> to vector<16xi32>
      %swap3A_639 = vector.shape_cast %shift_right_arithmetic3A_634 : vector<16xi32> to vector<1x16xi32>
      tpu.vector_store %arg8[%swap3A_635, %swap3A_636], %swap3A_639 {strides = array<i32>} : memref<16x1296xi32, #tpu.memory_space<vmem>>, vector<1x16xi32>,
      %mul3A_640 = arith.constant 3 : i32
      %mul3A_641 = arith.muli %scan3A_621, %mul3A_640 : i32
      %add3A_642 = arith.constant 1 : i32
      %add3A_643 = arith.addi %mul3A_641, %add3A_642 : i32
      %mul3A_644 = arith.constant 16 : i32
      %mul3A_645 = arith.muli %add3A_643, %mul3A_644 : i32
      %get3A_646 = arith.constant 7 : i32
      %get3A_647 = arith.index_cast %get3A_646 : i32 to index
      %get3A_648 = arith.index_cast %mul3A_645 : i32 to index
      %get3A_649 = tpu.vector_load %arg8[%get3A_647, %get3A_648] {strides = array<i32>} : memref<16x1296xi32, #tpu.memory_space<vmem>>, vector<1x16xi32>,
      %get3A_650 = vector.shape_cast %get3A_649 : vector<1x16xi32> to vector<16xi32>
      %shift_right_arithmetic3A_651 = arith.constant 16 : i32
      %shift_right_arithmetic3A_652 = vector.broadcast %shift_right_arithmetic3A_651 : i32 to vector<16xi32>
      %shift_right_arithmetic3A_653 = arith.shrsi %get3A_650, %shift_right_arithmetic3A_652 : vector<16xi32>
      %swap3A_654 = arith.constant 7 : i32
      %swap3A_655 = arith.index_cast %swap3A_654 : i32 to index
      %swap3A_656 = arith.index_cast %mul3A_645 : i32 to index
      %swap3A_657 = tpu.vector_load %arg8[%swap3A_655, %swap3A_656] {strides = array<i32>} : memref<16x1296xi32, #tpu.memory_space<vmem>>, vector<1x16xi32>,
      %swap3A_658 = vector.shape_cast %swap3A_657 : vector<1x16xi32> to vector<16xi32>
      %swap3A_659 = vector.shape_cast %shift_right_arithmetic3A_653 : vector<16xi32> to vector<1x16xi32>
      tpu.vector_store %arg8[%swap3A_655, %swap3A_656], %swap3A_659 {strides = array<i32>} : memref<16x1296xi32, #tpu.memory_space<vmem>>, vector<1x16xi32>,
      %mul3A_660 = arith.constant 3 : i32
      %mul3A_661 = arith.muli %scan3A_621, %mul3A_660 : i32
      %add3A_662 = arith.constant 2 : i32
      %add3A_663 = arith.addi %mul3A_661, %add3A_662 : i32
      %mul3A_664 = arith.constant 16 : i32
      %mul3A_665 = arith.muli %add3A_663, %mul3A_664 : i32
      %get3A_666 = arith.constant 7 : i32
      %get3A_667 = arith.index_cast %get3A_666 : i32 to index
      %get3A_668 = arith.index_cast %mul3A_665 : i32 to index
      %get3A_669 = tpu.vector_load %arg8[%get3A_667, %get3A_668] {strides = array<i32>} : memref<16x1296xi32, #tpu.memory_space<vmem>>, vector<1x16xi32>,
      %get3A_670 = vector.shape_cast %get3A_669 : vector<1x16xi32> to vector<16xi32>
      %shift_right_arithmetic3A_671 = arith.constant 16 : i32
      %shift_right_arithmetic3A_672 = vector.broadcast %shift_right_arithmetic3A_671 : i32 to vector<16xi32>
      %shift_right_arithmetic3A_673 = arith.shrsi %get3A_670, %shift_right_arithmetic3A_672 : vector<16xi32>
      %swap3A_674 = arith.constant 7 : i32
      %swap3A_675 = arith.index_cast %swap3A_674 : i32 to index
      %swap3A_676 = arith.index_cast %mul3A_665 : i32 to index
      %swap3A_677 = tpu.vector_load %arg8[%swap3A_675, %swap3A_676] {strides = array<i32>} : memref<16x1296xi32, #tpu.memory_space<vmem>>, vector<1x16xi32>,
      %swap3A_678 = vector.shape_cast %swap3A_677 : vector<1x16xi32> to vector<16xi32>
      %swap3A_679 = vector.shape_cast %shift_right_arithmetic3A_673 : vector<16xi32> to vector<1x16xi32>
      tpu.vector_store %arg8[%swap3A_675, %swap3A_676], %swap3A_679 {strides = array<i32>} : memref<16x1296xi32, #tpu.memory_space<vmem>>, vector<1x16xi32>,
      %scan3A_680 = arith.constant 0 : i32
      scf.yield %scan3A_680 : i32
    }
    %scan3A_82 = arith.constant 27 : i32
    %scan3A_83 = arith.constant 0 : i32
    %scan3A_84 = arith.constant 0 : i32
    %scan3A_85 = arith.constant 27 : i32
    %scan3A_86 = arith.addi %scan3A_84, %scan3A_85 : i32
    %scan3A_87 = arith.constant 1 : i32
    %scan3A_88 = scf.for %scan3A_621 = %scan3A_84 to %scan3A_86 step %scan3A_87 iter_args(%scan3A_622 = %scan3A_83) -> (i32)  : i32 {
      %mul3A_623 = arith.constant 3 : i32
      %mul3A_624 = arith.muli %scan3A_621, %mul3A_623 : i32
      %add3A_625 = arith.constant 0 : i32
      %add3A_626 = arith.addi %mul3A_624, %add3A_625 : i32
      %mul3A_627 = arith.constant 16 : i32
      %mul3A_628 = arith.muli %add3A_626, %mul3A_627 : i32
      %get3A = arith.constant 8 : i32
      %get3A_629 = arith.index_cast %get3A : i32 to index
      %get3A_630 = arith.index_cast %mul3A_628 : i32 to index
      %get3A_631 = tpu.vector_load %arg8[%get3A_629, %get3A_630] {strides = array<i32>} : memref<16x1296xi32, #tpu.memory_space<vmem>>, vector<1x16xi32>,
      %get3A_632 = vector.shape_cast %get3A_631 : vector<1x16xi32> to vector<16xi32>
      %shift_right_arithmetic3A = arith.constant 16 : i32
      %shift_right_arithmetic3A_633 = vector.broadcast %shift_right_arithmetic3A : i32 to vector<16xi32>
      %shift_right_arithmetic3A_634 = arith.shrsi %get3A_632, %shift_right_arithmetic3A_633 : vector<16xi32>
      %swap3A = arith.constant 8 : i32
      %swap3A_635 = arith.index_cast %swap3A : i32 to index
      %swap3A_636 = arith.index_cast %mul3A_628 : i32 to index
      %swap3A_637 = tpu.vector_load %arg8[%swap3A_635, %swap3A_636] {strides = array<i32>} : memref<16x1296xi32, #tpu.memory_space<vmem>>, vector<1x16xi32>,
      %swap3A_638 = vector.shape_cast %swap3A_637 : vector<1x16xi32> to vector<16xi32>
      %swap3A_639 = vector.shape_cast %shift_right_arithmetic3A_634 : vector<16xi32> to vector<1x16xi32>
      tpu.vector_store %arg8[%swap3A_635, %swap3A_636], %swap3A_639 {strides = array<i32>} : memref<16x1296xi32, #tpu.memory_space<vmem>>, vector<1x16xi32>,
      %mul3A_640 = arith.constant 3 : i32
      %mul3A_641 = arith.muli %scan3A_621, %mul3A_640 : i32
      %add3A_642 = arith.constant 1 : i32
      %add3A_643 = arith.addi %mul3A_641, %add3A_642 : i32
      %mul3A_644 = arith.constant 16 : i32
      %mul3A_645 = arith.muli %add3A_643, %mul3A_644 : i32
      %get3A_646 = arith.constant 8 : i32
      %get3A_647 = arith.index_cast %get3A_646 : i32 to index
      %get3A_648 = arith.index_cast %mul3A_645 : i32 to index
      %get3A_649 = tpu.vector_load %arg8[%get3A_647, %get3A_648] {strides = array<i32>} : memref<16x1296xi32, #tpu.memory_space<vmem>>, vector<1x16xi32>,
      %get3A_650 = vector.shape_cast %get3A_649 : vector<1x16xi32> to vector<16xi32>
      %shift_right_arithmetic3A_651 = arith.constant 16 : i32
      %shift_right_arithmetic3A_652 = vector.broadcast %shift_right_arithmetic3A_651 : i32 to vector<16xi32>
      %shift_right_arithmetic3A_653 = arith.shrsi %get3A_650, %shift_right_arithmetic3A_652 : vector<16xi32>
      %swap3A_654 = arith.constant 8 : i32
      %swap3A_655 = arith.index_cast %swap3A_654 : i32 to index
      %swap3A_656 = arith.index_cast %mul3A_645 : i32 to index
      %swap3A_657 = tpu.vector_load %arg8[%swap3A_655, %swap3A_656] {strides = array<i32>} : memref<16x1296xi32, #tpu.memory_space<vmem>>, vector<1x16xi32>,
      %swap3A_658 = vector.shape_cast %swap3A_657 : vector<1x16xi32> to vector<16xi32>
      %swap3A_659 = vector.shape_cast %shift_right_arithmetic3A_653 : vector<16xi32> to vector<1x16xi32>
      tpu.vector_store %arg8[%swap3A_655, %swap3A_656], %swap3A_659 {strides = array<i32>} : memref<16x1296xi32, #tpu.memory_space<vmem>>, vector<1x16xi32>,
      %mul3A_660 = arith.constant 3 : i32
      %mul3A_661 = arith.muli %scan3A_621, %mul3A_660 : i32
      %add3A_662 = arith.constant 2 : i32
      %add3A_663 = arith.addi %mul3A_661, %add3A_662 : i32
      %mul3A_664 = arith.constant 16 : i32
      %mul3A_665 = arith.muli %add3A_663, %mul3A_664 : i32
      %get3A_666 = arith.constant 8 : i32
      %get3A_667 = arith.index_cast %get3A_666 : i32 to index
      %get3A_668 = arith.index_cast %mul3A_665 : i32 to index
      %get3A_669 = tpu.vector_load %arg8[%get3A_667, %get3A_668] {strides = array<i32>} : memref<16x1296xi32, #tpu.memory_space<vmem>>, vector<1x16xi32>,
      %get3A_670 = vector.shape_cast %get3A_669 : vector<1x16xi32> to vector<16xi32>
      %shift_right_arithmetic3A_671 = arith.constant 16 : i32
      %shift_right_arithmetic3A_672 = vector.broadcast %shift_right_arithmetic3A_671 : i32 to vector<16xi32>
      %shift_right_arithmetic3A_673 = arith.shrsi %get3A_670, %shift_right_arithmetic3A_672 : vector<16xi32>
      %swap3A_674 = arith.constant 8 : i32
      %swap3A_675 = arith.index_cast %swap3A_674 : i32 to index
      %swap3A_676 = arith.index_cast %mul3A_665 : i32 to index
      %swap3A_677 = tpu.vector_load %arg8[%swap3A_675, %swap3A_676] {strides = array<i32>} : memref<16x1296xi32, #tpu.memory_space<vmem>>, vector<1x16xi32>,
      %swap3A_678 = vector.shape_cast %swap3A_677 : vector<1x16xi32> to vector<16xi32>
      %swap3A_679 = vector.shape_cast %shift_right_arithmetic3A_673 : vector<16xi32> to vector<1x16xi32>
      tpu.vector_store %arg8[%swap3A_675, %swap3A_676], %swap3A_679 {strides = array<i32>} : memref<16x1296xi32, #tpu.memory_space<vmem>>, vector<1x16xi32>,
      %scan3A_680 = arith.constant 0 : i32
      scf.yield %scan3A_680 : i32
    }
    %scan3A_89 = arith.constant 27 : i32
    %scan3A_90 = arith.constant 0 : i32
    %scan3A_91 = arith.constant 0 : i32
    %scan3A_92 = arith.constant 27 : i32
    %scan3A_93 = arith.addi %scan3A_91, %scan3A_92 : i32
    %scan3A_94 = arith.constant 1 : i32
    %scan3A_95 = scf.for %scan3A_621 = %scan3A_91 to %scan3A_93 step %scan3A_94 iter_args(%scan3A_622 = %scan3A_90) -> (i32)  : i32 {
      %mul3A_623 = arith.constant 3 : i32
      %mul3A_624 = arith.muli %scan3A_621, %mul3A_623 : i32
      %add3A_625 = arith.constant 0 : i32
      %add3A_626 = arith.addi %mul3A_624, %add3A_625 : i32
      %mul3A_627 = arith.constant 16 : i32
      %mul3A_628 = arith.muli %add3A_626, %mul3A_627 : i32
      %get3A = arith.constant 9 : i32
      %get3A_629 = arith.index_cast %get3A : i32 to index
      %get3A_630 = arith.index_cast %mul3A_628 : i32 to index
      %get3A_631 = tpu.vector_load %arg8[%get3A_629, %get3A_630] {strides = array<i32>} : memref<16x1296xi32, #tpu.memory_space<vmem>>, vector<1x16xi32>,
      %get3A_632 = vector.shape_cast %get3A_631 : vector<1x16xi32> to vector<16xi32>
      %shift_right_arithmetic3A = arith.constant 16 : i32
      %shift_right_arithmetic3A_633 = vector.broadcast %shift_right_arithmetic3A : i32 to vector<16xi32>
      %shift_right_arithmetic3A_634 = arith.shrsi %get3A_632, %shift_right_arithmetic3A_633 : vector<16xi32>
      %swap3A = arith.constant 9 : i32
      %swap3A_635 = arith.index_cast %swap3A : i32 to index
      %swap3A_636 = arith.index_cast %mul3A_628 : i32 to index
      %swap3A_637 = tpu.vector_load %arg8[%swap3A_635, %swap3A_636] {strides = array<i32>} : memref<16x1296xi32, #tpu.memory_space<vmem>>, vector<1x16xi32>,
      %swap3A_638 = vector.shape_cast %swap3A_637 : vector<1x16xi32> to vector<16xi32>
      %swap3A_639 = vector.shape_cast %shift_right_arithmetic3A_634 : vector<16xi32> to vector<1x16xi32>
      tpu.vector_store %arg8[%swap3A_635, %swap3A_636], %swap3A_639 {strides = array<i32>} : memref<16x1296xi32, #tpu.memory_space<vmem>>, vector<1x16xi32>,
      %mul3A_640 = arith.constant 3 : i32
      %mul3A_641 = arith.muli %scan3A_621, %mul3A_640 : i32
      %add3A_642 = arith.constant 1 : i32
      %add3A_643 = arith.addi %mul3A_641, %add3A_642 : i32
      %mul3A_644 = arith.constant 16 : i32
      %mul3A_645 = arith.muli %add3A_643, %mul3A_644 : i32
      %get3A_646 = arith.constant 9 : i32
      %get3A_647 = arith.index_cast %get3A_646 : i32 to index
      %get3A_648 = arith.index_cast %mul3A_645 : i32 to index
      %get3A_649 = tpu.vector_load %arg8[%get3A_647, %get3A_648] {strides = array<i32>} : memref<16x1296xi32, #tpu.memory_space<vmem>>, vector<1x16xi32>,
      %get3A_650 = vector.shape_cast %get3A_649 : vector<1x16xi32> to vector<16xi32>
      %shift_right_arithmetic3A_651 = arith.constant 16 : i32
      %shift_right_arithmetic3A_652 = vector.broadcast %shift_right_arithmetic3A_651 : i32 to vector<16xi32>
      %shift_right_arithmetic3A_653 = arith.shrsi %get3A_650, %shift_right_arithmetic3A_652 : vector<16xi32>
      %swap3A_654 = arith.constant 9 : i32
      %swap3A_655 = arith.index_cast %swap3A_654 : i32 to index
      %swap3A_656 = arith.index_cast %mul3A_645 : i32 to index
      %swap3A_657 = tpu.vector_load %arg8[%swap3A_655, %swap3A_656] {strides = array<i32>} : memref<16x1296xi32, #tpu.memory_space<vmem>>, vector<1x16xi32>,
      %swap3A_658 = vector.shape_cast %swap3A_657 : vector<1x16xi32> to vector<16xi32>
      %swap3A_659 = vector.shape_cast %shift_right_arithmetic3A_653 : vector<16xi32> to vector<1x16xi32>
      tpu.vector_store %arg8[%swap3A_655, %swap3A_656], %swap3A_659 {strides = array<i32>} : memref<16x1296xi32, #tpu.memory_space<vmem>>, vector<1x16xi32>,
      %mul3A_660 = arith.constant 3 : i32
      %mul3A_661 = arith.muli %scan3A_621, %mul3A_660 : i32
      %add3A_662 = arith.constant 2 : i32
      %add3A_663 = arith.addi %mul3A_661, %add3A_662 : i32
      %mul3A_664 = arith.constant 16 : i32
      %mul3A_665 = arith.muli %add3A_663, %mul3A_664 : i32
      %get3A_666 = arith.constant 9 : i32
      %get3A_667 = arith.index_cast %get3A_666 : i32 to index
      %get3A_668 = arith.index_cast %mul3A_665 : i32 to index
      %get3A_669 = tpu.vector_load %arg8[%get3A_667, %get3A_668] {strides = array<i32>} : memref<16x1296xi32, #tpu.memory_space<vmem>>, vector<1x16xi32>,
      %get3A_670 = vector.shape_cast %get3A_669 : vector<1x16xi32> to vector<16xi32>
      %shift_right_arithmetic3A_671 = arith.constant 16 : i32
      %shift_right_arithmetic3A_672 = vector.broadcast %shift_right_arithmetic3A_671 : i32 to vector<16xi32>
      %shift_right_arithmetic3A_673 = arith.shrsi %get3A_670, %shift_right_arithmetic3A_672 : vector<16xi32>
      %swap3A_674 = arith.constant 9 : i32
      %swap3A_675 = arith.index_cast %swap3A_674 : i32 to index
      %swap3A_676 = arith.index_cast %mul3A_665 : i32 to index
      %swap3A_677 = tpu.vector_load %arg8[%swap3A_675, %swap3A_676] {strides = array<i32>} : memref<16x1296xi32, #tpu.memory_space<vmem>>, vector<1x16xi32>,
      %swap3A_678 = vector.shape_cast %swap3A_677 : vector<1x16xi32> to vector<16xi32>
      %swap3A_679 = vector.shape_cast %shift_right_arithmetic3A_673 : vector<16xi32> to vector<1x16xi32>
      tpu.vector_store %arg8[%swap3A_675, %swap3A_676], %swap3A_679 {strides = array<i32>} : memref<16x1296xi32, #tpu.memory_space<vmem>>, vector<1x16xi32>,
      %scan3A_680 = arith.constant 0 : i32
      scf.yield %scan3A_680 : i32
    }
    %scan3A_96 = arith.constant 27 : i32
    %scan3A_97 = arith.constant 0 : i32
    %scan3A_98 = arith.constant 0 : i32
    %scan3A_99 = arith.constant 27 : i32
    %scan3A_100 = arith.addi %scan3A_98, %scan3A_99 : i32
    %scan3A_101 = arith.constant 1 : i32
    %scan3A_102 = scf.for %scan3A_621 = %scan3A_98 to %scan3A_100 step %scan3A_101 iter_args(%scan3A_622 = %scan3A_97) -> (i32)  : i32 {
      %mul3A_623 = arith.constant 3 : i32
      %mul3A_624 = arith.muli %scan3A_621, %mul3A_623 : i32
      %add3A_625 = arith.constant 0 : i32
      %add3A_626 = arith.addi %mul3A_624, %add3A_625 : i32
      %mul3A_627 = arith.constant 16 : i32
      %mul3A_628 = arith.muli %add3A_626, %mul3A_627 : i32
      %get3A = arith.constant 10 : i32
      %get3A_629 = arith.index_cast %get3A : i32 to index
      %get3A_630 = arith.index_cast %mul3A_628 : i32 to index
      %get3A_631 = tpu.vector_load %arg8[%get3A_629, %get3A_630] {strides = array<i32>} : memref<16x1296xi32, #tpu.memory_space<vmem>>, vector<1x16xi32>,
      %get3A_632 = vector.shape_cast %get3A_631 : vector<1x16xi32> to vector<16xi32>
      %shift_right_arithmetic3A = arith.constant 16 : i32
      %shift_right_arithmetic3A_633 = vector.broadcast %shift_right_arithmetic3A : i32 to vector<16xi32>
      %shift_right_arithmetic3A_634 = arith.shrsi %get3A_632, %shift_right_arithmetic3A_633 : vector<16xi32>
      %swap3A = arith.constant 10 : i32
      %swap3A_635 = arith.index_cast %swap3A : i32 to index
      %swap3A_636 = arith.index_cast %mul3A_628 : i32 to index
      %swap3A_637 = tpu.vector_load %arg8[%swap3A_635, %swap3A_636] {strides = array<i32>} : memref<16x1296xi32, #tpu.memory_space<vmem>>, vector<1x16xi32>,
      %swap3A_638 = vector.shape_cast %swap3A_637 : vector<1x16xi32> to vector<16xi32>
      %swap3A_639 = vector.shape_cast %shift_right_arithmetic3A_634 : vector<16xi32> to vector<1x16xi32>
      tpu.vector_store %arg8[%swap3A_635, %swap3A_636], %swap3A_639 {strides = array<i32>} : memref<16x1296xi32, #tpu.memory_space<vmem>>, vector<1x16xi32>,
      %mul3A_640 = arith.constant 3 : i32
      %mul3A_641 = arith.muli %scan3A_621, %mul3A_640 : i32
      %add3A_642 = arith.constant 1 : i32
      %add3A_643 = arith.addi %mul3A_641, %add3A_642 : i32
      %mul3A_644 = arith.constant 16 : i32
      %mul3A_645 = arith.muli %add3A_643, %mul3A_644 : i32
      %get3A_646 = arith.constant 10 : i32
      %get3A_647 = arith.index_cast %get3A_646 : i32 to index
      %get3A_648 = arith.index_cast %mul3A_645 : i32 to index
      %get3A_649 = tpu.vector_load %arg8[%get3A_647, %get3A_648] {strides = array<i32>} : memref<16x1296xi32, #tpu.memory_space<vmem>>, vector<1x16xi32>,
      %get3A_650 = vector.shape_cast %get3A_649 : vector<1x16xi32> to vector<16xi32>
      %shift_right_arithmetic3A_651 = arith.constant 16 : i32
      %shift_right_arithmetic3A_652 = vector.broadcast %shift_right_arithmetic3A_651 : i32 to vector<16xi32>
      %shift_right_arithmetic3A_653 = arith.shrsi %get3A_650, %shift_right_arithmetic3A_652 : vector<16xi32>
      %swap3A_654 = arith.constant 10 : i32
      %swap3A_655 = arith.index_cast %swap3A_654 : i32 to index
      %swap3A_656 = arith.index_cast %mul3A_645 : i32 to index
      %swap3A_657 = tpu.vector_load %arg8[%swap3A_655, %swap3A_656] {strides = array<i32>} : memref<16x1296xi32, #tpu.memory_space<vmem>>, vector<1x16xi32>,
      %swap3A_658 = vector.shape_cast %swap3A_657 : vector<1x16xi32> to vector<16xi32>
      %swap3A_659 = vector.shape_cast %shift_right_arithmetic3A_653 : vector<16xi32> to vector<1x16xi32>
      tpu.vector_store %arg8[%swap3A_655, %swap3A_656], %swap3A_659 {strides = array<i32>} : memref<16x1296xi32, #tpu.memory_space<vmem>>, vector<1x16xi32>,
      %mul3A_660 = arith.constant 3 : i32
      %mul3A_661 = arith.muli %scan3A_621, %mul3A_660 : i32
      %add3A_662 = arith.constant 2 : i32
      %add3A_663 = arith.addi %mul3A_661, %add3A_662 : i32
      %mul3A_664 = arith.constant 16 : i32
      %mul3A_665 = arith.muli %add3A_663, %mul3A_664 : i32
      %get3A_666 = arith.constant 10 : i32
      %get3A_667 = arith.index_cast %get3A_666 : i32 to index
      %get3A_668 = arith.index_cast %mul3A_665 : i32 to index
      %get3A_669 = tpu.vector_load %arg8[%get3A_667, %get3A_668] {strides = array<i32>} : memref<16x1296xi32, #tpu.memory_space<vmem>>, vector<1x16xi32>,
      %get3A_670 = vector.shape_cast %get3A_669 : vector<1x16xi32> to vector<16xi32>
      %shift_right_arithmetic3A_671 = arith.constant 16 : i32
      %shift_right_arithmetic3A_672 = vector.broadcast %shift_right_arithmetic3A_671 : i32 to vector<16xi32>
      %shift_right_arithmetic3A_673 = arith.shrsi %get3A_670, %shift_right_arithmetic3A_672 : vector<16xi32>
      %swap3A_674 = arith.constant 10 : i32
      %swap3A_675 = arith.index_cast %swap3A_674 : i32 to index
      %swap3A_676 = arith.index_cast %mul3A_665 : i32 to index
      %swap3A_677 = tpu.vector_load %arg8[%swap3A_675, %swap3A_676] {strides = array<i32>} : memref<16x1296xi32, #tpu.memory_space<vmem>>, vector<1x16xi32>,
      %swap3A_678 = vector.shape_cast %swap3A_677 : vector<1x16xi32> to vector<16xi32>
      %swap3A_679 = vector.shape_cast %shift_right_arithmetic3A_673 : vector<16xi32> to vector<1x16xi32>
      tpu.vector_store %arg8[%swap3A_675, %swap3A_676], %swap3A_679 {strides = array<i32>} : memref<16x1296xi32, #tpu.memory_space<vmem>>, vector<1x16xi32>,
      %scan3A_680 = arith.constant 0 : i32
      scf.yield %scan3A_680 : i32
    }
    %scan3A_103 = arith.constant 27 : i32
    %scan3A_104 = arith.constant 0 : i32
    %scan3A_105 = arith.constant 0 : i32
    %scan3A_106 = arith.constant 27 : i32
    %scan3A_107 = arith.addi %scan3A_105, %scan3A_106 : i32
    %scan3A_108 = arith.constant 1 : i32
    %scan3A_109 = scf.for %scan3A_621 = %scan3A_105 to %scan3A_107 step %scan3A_108 iter_args(%scan3A_622 = %scan3A_104) -> (i32)  : i32 {
      %mul3A_623 = arith.constant 3 : i32
      %mul3A_624 = arith.muli %scan3A_621, %mul3A_623 : i32
      %add3A_625 = arith.constant 0 : i32
      %add3A_626 = arith.addi %mul3A_624, %add3A_625 : i32
      %mul3A_627 = arith.constant 16 : i32
      %mul3A_628 = arith.muli %add3A_626, %mul3A_627 : i32
      %get3A = arith.constant 11 : i32
      %get3A_629 = arith.index_cast %get3A : i32 to index
      %get3A_630 = arith.index_cast %mul3A_628 : i32 to index
      %get3A_631 = tpu.vector_load %arg8[%get3A_629, %get3A_630] {strides = array<i32>} : memref<16x1296xi32, #tpu.memory_space<vmem>>, vector<1x16xi32>,
      %get3A_632 = vector.shape_cast %get3A_631 : vector<1x16xi32> to vector<16xi32>
      %shift_right_arithmetic3A = arith.constant 16 : i32
      %shift_right_arithmetic3A_633 = vector.broadcast %shift_right_arithmetic3A : i32 to vector<16xi32>
      %shift_right_arithmetic3A_634 = arith.shrsi %get3A_632, %shift_right_arithmetic3A_633 : vector<16xi32>
      %swap3A = arith.constant 11 : i32
      %swap3A_635 = arith.index_cast %swap3A : i32 to index
      %swap3A_636 = arith.index_cast %mul3A_628 : i32 to index
      %swap3A_637 = tpu.vector_load %arg8[%swap3A_635, %swap3A_636] {strides = array<i32>} : memref<16x1296xi32, #tpu.memory_space<vmem>>, vector<1x16xi32>,
      %swap3A_638 = vector.shape_cast %swap3A_637 : vector<1x16xi32> to vector<16xi32>
      %swap3A_639 = vector.shape_cast %shift_right_arithmetic3A_634 : vector<16xi32> to vector<1x16xi32>
      tpu.vector_store %arg8[%swap3A_635, %swap3A_636], %swap3A_639 {strides = array<i32>} : memref<16x1296xi32, #tpu.memory_space<vmem>>, vector<1x16xi32>,
      %mul3A_640 = arith.constant 3 : i32
      %mul3A_641 = arith.muli %scan3A_621, %mul3A_640 : i32
      %add3A_642 = arith.constant 1 : i32
      %add3A_643 = arith.addi %mul3A_641, %add3A_642 : i32
      %mul3A_644 = arith.constant 16 : i32
      %mul3A_645 = arith.muli %add3A_643, %mul3A_644 : i32
      %get3A_646 = arith.constant 11 : i32
      %get3A_647 = arith.index_cast %get3A_646 : i32 to index
      %get3A_648 = arith.index_cast %mul3A_645 : i32 to index
      %get3A_649 = tpu.vector_load %arg8[%get3A_647, %get3A_648] {strides = array<i32>} : memref<16x1296xi32, #tpu.memory_space<vmem>>, vector<1x16xi32>,
      %get3A_650 = vector.shape_cast %get3A_649 : vector<1x16xi32> to vector<16xi32>
      %shift_right_arithmetic3A_651 = arith.constant 16 : i32
      %shift_right_arithmetic3A_652 = vector.broadcast %shift_right_arithmetic3A_651 : i32 to vector<16xi32>
      %shift_right_arithmetic3A_653 = arith.shrsi %get3A_650, %shift_right_arithmetic3A_652 : vector<16xi32>
      %swap3A_654 = arith.constant 11 : i32
      %swap3A_655 = arith.index_cast %swap3A_654 : i32 to index
      %swap3A_656 = arith.index_cast %mul3A_645 : i32 to index
      %swap3A_657 = tpu.vector_load %arg8[%swap3A_655, %swap3A_656] {strides = array<i32>} : memref<16x1296xi32, #tpu.memory_space<vmem>>, vector<1x16xi32>,
      %swap3A_658 = vector.shape_cast %swap3A_657 : vector<1x16xi32> to vector<16xi32>
      %swap3A_659 = vector.shape_cast %shift_right_arithmetic3A_653 : vector<16xi32> to vector<1x16xi32>
      tpu.vector_store %arg8[%swap3A_655, %swap3A_656], %swap3A_659 {strides = array<i32>} : memref<16x1296xi32, #tpu.memory_space<vmem>>, vector<1x16xi32>,
      %mul3A_660 = arith.constant 3 : i32
      %mul3A_661 = arith.muli %scan3A_621, %mul3A_660 : i32
      %add3A_662 = arith.constant 2 : i32
      %add3A_663 = arith.addi %mul3A_661, %add3A_662 : i32
      %mul3A_664 = arith.constant 16 : i32
      %mul3A_665 = arith.muli %add3A_663, %mul3A_664 : i32
      %get3A_666 = arith.constant 11 : i32
      %get3A_667 = arith.index_cast %get3A_666 : i32 to index
      %get3A_668 = arith.index_cast %mul3A_665 : i32 to index
      %get3A_669 = tpu.vector_load %arg8[%get3A_667, %get3A_668] {strides = array<i32>} : memref<16x1296xi32, #tpu.memory_space<vmem>>, vector<1x16xi32>,
      %get3A_670 = vector.shape_cast %get3A_669 : vector<1x16xi32> to vector<16xi32>
      %shift_right_arithmetic3A_671 = arith.constant 16 : i32
      %shift_right_arithmetic3A_672 = vector.broadcast %shift_right_arithmetic3A_671 : i32 to vector<16xi32>
      %shift_right_arithmetic3A_673 = arith.shrsi %get3A_670, %shift_right_arithmetic3A_672 : vector<16xi32>
      %swap3A_674 = arith.constant 11 : i32
      %swap3A_675 = arith.index_cast %swap3A_674 : i32 to index
      %swap3A_676 = arith.index_cast %mul3A_665 : i32 to index
      %swap3A_677 = tpu.vector_load %arg8[%swap3A_675, %swap3A_676] {strides = array<i32>} : memref<16x1296xi32, #tpu.memory_space<vmem>>, vector<1x16xi32>,
      %swap3A_678 = vector.shape_cast %swap3A_677 : vector<1x16xi32> to vector<16xi32>
      %swap3A_679 = vector.shape_cast %shift_right_arithmetic3A_673 : vector<16xi32> to vector<1x16xi32>
      tpu.vector_store %arg8[%swap3A_675, %swap3A_676], %swap3A_679 {strides = array<i32>} : memref<16x1296xi32, #tpu.memory_space<vmem>>, vector<1x16xi32>,
      %scan3A_680 = arith.constant 0 : i32
      scf.yield %scan3A_680 : i32
    }
    %scan3A_110 = arith.constant 27 : i32
    %scan3A_111 = arith.constant 0 : i32
    %scan3A_112 = arith.constant 0 : i32
    %scan3A_113 = arith.constant 27 : i32
    %scan3A_114 = arith.addi %scan3A_112, %scan3A_113 : i32
    %scan3A_115 = arith.constant 1 : i32
    %scan3A_116 = scf.for %scan3A_621 = %scan3A_112 to %scan3A_114 step %scan3A_115 iter_args(%scan3A_622 = %scan3A_111) -> (i32)  : i32 {
      %mul3A_623 = arith.constant 3 : i32
      %mul3A_624 = arith.muli %scan3A_621, %mul3A_623 : i32
      %add3A_625 = arith.constant 0 : i32
      %add3A_626 = arith.addi %mul3A_624, %add3A_625 : i32
      %mul3A_627 = arith.constant 16 : i32
      %mul3A_628 = arith.muli %add3A_626, %mul3A_627 : i32
      %get3A = arith.constant 12 : i32
      %get3A_629 = arith.index_cast %get3A : i32 to index
      %get3A_630 = arith.index_cast %mul3A_628 : i32 to index
      %get3A_631 = tpu.vector_load %arg8[%get3A_629, %get3A_630] {strides = array<i32>} : memref<16x1296xi32, #tpu.memory_space<vmem>>, vector<1x16xi32>,
      %get3A_632 = vector.shape_cast %get3A_631 : vector<1x16xi32> to vector<16xi32>
      %shift_right_arithmetic3A = arith.constant 16 : i32
      %shift_right_arithmetic3A_633 = vector.broadcast %shift_right_arithmetic3A : i32 to vector<16xi32>
      %shift_right_arithmetic3A_634 = arith.shrsi %get3A_632, %shift_right_arithmetic3A_633 : vector<16xi32>
      %swap3A = arith.constant 12 : i32
      %swap3A_635 = arith.index_cast %swap3A : i32 to index
      %swap3A_636 = arith.index_cast %mul3A_628 : i32 to index
      %swap3A_637 = tpu.vector_load %arg8[%swap3A_635, %swap3A_636] {strides = array<i32>} : memref<16x1296xi32, #tpu.memory_space<vmem>>, vector<1x16xi32>,
      %swap3A_638 = vector.shape_cast %swap3A_637 : vector<1x16xi32> to vector<16xi32>
      %swap3A_639 = vector.shape_cast %shift_right_arithmetic3A_634 : vector<16xi32> to vector<1x16xi32>
      tpu.vector_store %arg8[%swap3A_635, %swap3A_636], %swap3A_639 {strides = array<i32>} : memref<16x1296xi32, #tpu.memory_space<vmem>>, vector<1x16xi32>,
      %mul3A_640 = arith.constant 3 : i32
      %mul3A_641 = arith.muli %scan3A_621, %mul3A_640 : i32
      %add3A_642 = arith.constant 1 : i32
      %add3A_643 = arith.addi %mul3A_641, %add3A_642 : i32
      %mul3A_644 = arith.constant 16 : i32
      %mul3A_645 = arith.muli %add3A_643, %mul3A_644 : i32
      %get3A_646 = arith.constant 12 : i32
      %get3A_647 = arith.index_cast %get3A_646 : i32 to index
      %get3A_648 = arith.index_cast %mul3A_645 : i32 to index
      %get3A_649 = tpu.vector_load %arg8[%get3A_647, %get3A_648] {strides = array<i32>} : memref<16x1296xi32, #tpu.memory_space<vmem>>, vector<1x16xi32>,
      %get3A_650 = vector.shape_cast %get3A_649 : vector<1x16xi32> to vector<16xi32>
      %shift_right_arithmetic3A_651 = arith.constant 16 : i32
      %shift_right_arithmetic3A_652 = vector.broadcast %shift_right_arithmetic3A_651 : i32 to vector<16xi32>
      %shift_right_arithmetic3A_653 = arith.shrsi %get3A_650, %shift_right_arithmetic3A_652 : vector<16xi32>
      %swap3A_654 = arith.constant 12 : i32
      %swap3A_655 = arith.index_cast %swap3A_654 : i32 to index
      %swap3A_656 = arith.index_cast %mul3A_645 : i32 to index
      %swap3A_657 = tpu.vector_load %arg8[%swap3A_655, %swap3A_656] {strides = array<i32>} : memref<16x1296xi32, #tpu.memory_space<vmem>>, vector<1x16xi32>,
      %swap3A_658 = vector.shape_cast %swap3A_657 : vector<1x16xi32> to vector<16xi32>
      %swap3A_659 = vector.shape_cast %shift_right_arithmetic3A_653 : vector<16xi32> to vector<1x16xi32>
      tpu.vector_store %arg8[%swap3A_655, %swap3A_656], %swap3A_659 {strides = array<i32>} : memref<16x1296xi32, #tpu.memory_space<vmem>>, vector<1x16xi32>,
      %mul3A_660 = arith.constant 3 : i32
      %mul3A_661 = arith.muli %scan3A_621, %mul3A_660 : i32
      %add3A_662 = arith.constant 2 : i32
      %add3A_663 = arith.addi %mul3A_661, %add3A_662 : i32
      %mul3A_664 = arith.constant 16 : i32
      %mul3A_665 = arith.muli %add3A_663, %mul3A_664 : i32
      %get3A_666 = arith.constant 12 : i32
      %get3A_667 = arith.index_cast %get3A_666 : i32 to index
      %get3A_668 = arith.index_cast %mul3A_665 : i32 to index
      %get3A_669 = tpu.vector_load %arg8[%get3A_667, %get3A_668] {strides = array<i32>} : memref<16x1296xi32, #tpu.memory_space<vmem>>, vector<1x16xi32>,
      %get3A_670 = vector.shape_cast %get3A_669 : vector<1x16xi32> to vector<16xi32>
      %shift_right_arithmetic3A_671 = arith.constant 16 : i32
      %shift_right_arithmetic3A_672 = vector.broadcast %shift_right_arithmetic3A_671 : i32 to vector<16xi32>
      %shift_right_arithmetic3A_673 = arith.shrsi %get3A_670, %shift_right_arithmetic3A_672 : vector<16xi32>
      %swap3A_674 = arith.constant 12 : i32
      %swap3A_675 = arith.index_cast %swap3A_674 : i32 to index
      %swap3A_676 = arith.index_cast %mul3A_665 : i32 to index
      %swap3A_677 = tpu.vector_load %arg8[%swap3A_675, %swap3A_676] {strides = array<i32>} : memref<16x1296xi32, #tpu.memory_space<vmem>>, vector<1x16xi32>,
      %swap3A_678 = vector.shape_cast %swap3A_677 : vector<1x16xi32> to vector<16xi32>
      %swap3A_679 = vector.shape_cast %shift_right_arithmetic3A_673 : vector<16xi32> to vector<1x16xi32>
      tpu.vector_store %arg8[%swap3A_675, %swap3A_676], %swap3A_679 {strides = array<i32>} : memref<16x1296xi32, #tpu.memory_space<vmem>>, vector<1x16xi32>,
      %scan3A_680 = arith.constant 0 : i32
      scf.yield %scan3A_680 : i32
    }
    %scan3A_117 = arith.constant 27 : i32
    %scan3A_118 = arith.constant 0 : i32
    %scan3A_119 = arith.constant 0 : i32
    %scan3A_120 = arith.constant 27 : i32
    %scan3A_121 = arith.addi %scan3A_119, %scan3A_120 : i32
    %scan3A_122 = arith.constant 1 : i32
    %scan3A_123 = scf.for %scan3A_621 = %scan3A_119 to %scan3A_121 step %scan3A_122 iter_args(%scan3A_622 = %scan3A_118) -> (i32)  : i32 {
      %mul3A_623 = arith.constant 3 : i32
      %mul3A_624 = arith.muli %scan3A_621, %mul3A_623 : i32
      %add3A_625 = arith.constant 0 : i32
      %add3A_626 = arith.addi %mul3A_624, %add3A_625 : i32
      %mul3A_627 = arith.constant 16 : i32
      %mul3A_628 = arith.muli %add3A_626, %mul3A_627 : i32
      %get3A = arith.constant 13 : i32
      %get3A_629 = arith.index_cast %get3A : i32 to index
      %get3A_630 = arith.index_cast %mul3A_628 : i32 to index
      %get3A_631 = tpu.vector_load %arg8[%get3A_629, %get3A_630] {strides = array<i32>} : memref<16x1296xi32, #tpu.memory_space<vmem>>, vector<1x16xi32>,
      %get3A_632 = vector.shape_cast %get3A_631 : vector<1x16xi32> to vector<16xi32>
      %shift_right_arithmetic3A = arith.constant 16 : i32
      %shift_right_arithmetic3A_633 = vector.broadcast %shift_right_arithmetic3A : i32 to vector<16xi32>
      %shift_right_arithmetic3A_634 = arith.shrsi %get3A_632, %shift_right_arithmetic3A_633 : vector<16xi32>
      %swap3A = arith.constant 13 : i32
      %swap3A_635 = arith.index_cast %swap3A : i32 to index
      %swap3A_636 = arith.index_cast %mul3A_628 : i32 to index
      %swap3A_637 = tpu.vector_load %arg8[%swap3A_635, %swap3A_636] {strides = array<i32>} : memref<16x1296xi32, #tpu.memory_space<vmem>>, vector<1x16xi32>,
      %swap3A_638 = vector.shape_cast %swap3A_637 : vector<1x16xi32> to vector<16xi32>
      %swap3A_639 = vector.shape_cast %shift_right_arithmetic3A_634 : vector<16xi32> to vector<1x16xi32>
      tpu.vector_store %arg8[%swap3A_635, %swap3A_636], %swap3A_639 {strides = array<i32>} : memref<16x1296xi32, #tpu.memory_space<vmem>>, vector<1x16xi32>,
      %mul3A_640 = arith.constant 3 : i32
      %mul3A_641 = arith.muli %scan3A_621, %mul3A_640 : i32
      %add3A_642 = arith.constant 1 : i32
      %add3A_643 = arith.addi %mul3A_641, %add3A_642 : i32
      %mul3A_644 = arith.constant 16 : i32
      %mul3A_645 = arith.muli %add3A_643, %mul3A_644 : i32
      %get3A_646 = arith.constant 13 : i32
      %get3A_647 = arith.index_cast %get3A_646 : i32 to index
      %get3A_648 = arith.index_cast %mul3A_645 : i32 to index
      %get3A_649 = tpu.vector_load %arg8[%get3A_647, %get3A_648] {strides = array<i32>} : memref<16x1296xi32, #tpu.memory_space<vmem>>, vector<1x16xi32>,
      %get3A_650 = vector.shape_cast %get3A_649 : vector<1x16xi32> to vector<16xi32>
      %shift_right_arithmetic3A_651 = arith.constant 16 : i32
      %shift_right_arithmetic3A_652 = vector.broadcast %shift_right_arithmetic3A_651 : i32 to vector<16xi32>
      %shift_right_arithmetic3A_653 = arith.shrsi %get3A_650, %shift_right_arithmetic3A_652 : vector<16xi32>
      %swap3A_654 = arith.constant 13 : i32
      %swap3A_655 = arith.index_cast %swap3A_654 : i32 to index
      %swap3A_656 = arith.index_cast %mul3A_645 : i32 to index
      %swap3A_657 = tpu.vector_load %arg8[%swap3A_655, %swap3A_656] {strides = array<i32>} : memref<16x1296xi32, #tpu.memory_space<vmem>>, vector<1x16xi32>,
      %swap3A_658 = vector.shape_cast %swap3A_657 : vector<1x16xi32> to vector<16xi32>
      %swap3A_659 = vector.shape_cast %shift_right_arithmetic3A_653 : vector<16xi32> to vector<1x16xi32>
      tpu.vector_store %arg8[%swap3A_655, %swap3A_656], %swap3A_659 {strides = array<i32>} : memref<16x1296xi32, #tpu.memory_space<vmem>>, vector<1x16xi32>,
      %mul3A_660 = arith.constant 3 : i32
      %mul3A_661 = arith.muli %scan3A_621, %mul3A_660 : i32
      %add3A_662 = arith.constant 2 : i32
      %add3A_663 = arith.addi %mul3A_661, %add3A_662 : i32
      %mul3A_664 = arith.constant 16 : i32
      %mul3A_665 = arith.muli %add3A_663, %mul3A_664 : i32
      %get3A_666 = arith.constant 13 : i32
      %get3A_667 = arith.index_cast %get3A_666 : i32 to index
      %get3A_668 = arith.index_cast %mul3A_665 : i32 to index
      %get3A_669 = tpu.vector_load %arg8[%get3A_667, %get3A_668] {strides = array<i32>} : memref<16x1296xi32, #tpu.memory_space<vmem>>, vector<1x16xi32>,
      %get3A_670 = vector.shape_cast %get3A_669 : vector<1x16xi32> to vector<16xi32>
      %shift_right_arithmetic3A_671 = arith.constant 16 : i32
      %shift_right_arithmetic3A_672 = vector.broadcast %shift_right_arithmetic3A_671 : i32 to vector<16xi32>
      %shift_right_arithmetic3A_673 = arith.shrsi %get3A_670, %shift_right_arithmetic3A_672 : vector<16xi32>
      %swap3A_674 = arith.constant 13 : i32
      %swap3A_675 = arith.index_cast %swap3A_674 : i32 to index
      %swap3A_676 = arith.index_cast %mul3A_665 : i32 to index
      %swap3A_677 = tpu.vector_load %arg8[%swap3A_675, %swap3A_676] {strides = array<i32>} : memref<16x1296xi32, #tpu.memory_space<vmem>>, vector<1x16xi32>,
      %swap3A_678 = vector.shape_cast %swap3A_677 : vector<1x16xi32> to vector<16xi32>
      %swap3A_679 = vector.shape_cast %shift_right_arithmetic3A_673 : vector<16xi32> to vector<1x16xi32>
      tpu.vector_store %arg8[%swap3A_675, %swap3A_676], %swap3A_679 {strides = array<i32>} : memref<16x1296xi32, #tpu.memory_space<vmem>>, vector<1x16xi32>,
      %scan3A_680 = arith.constant 0 : i32
      scf.yield %scan3A_680 : i32
    }
    %scan3A_124 = arith.constant 27 : i32
    %scan3A_125 = arith.constant 0 : i32
    %scan3A_126 = arith.constant 0 : i32
    %scan3A_127 = arith.constant 27 : i32
    %scan3A_128 = arith.addi %scan3A_126, %scan3A_127 : i32
    %scan3A_129 = arith.constant 1 : i32
    %scan3A_130 = scf.for %scan3A_621 = %scan3A_126 to %scan3A_128 step %scan3A_129 iter_args(%scan3A_622 = %scan3A_125) -> (i32)  : i32 {
      %mul3A_623 = arith.constant 3 : i32
      %mul3A_624 = arith.muli %scan3A_621, %mul3A_623 : i32
      %add3A_625 = arith.constant 0 : i32
      %add3A_626 = arith.addi %mul3A_624, %add3A_625 : i32
      %mul3A_627 = arith.constant 16 : i32
      %mul3A_628 = arith.muli %add3A_626, %mul3A_627 : i32
      %get3A = arith.constant 14 : i32
      %get3A_629 = arith.index_cast %get3A : i32 to index
      %get3A_630 = arith.index_cast %mul3A_628 : i32 to index
      %get3A_631 = tpu.vector_load %arg8[%get3A_629, %get3A_630] {strides = array<i32>} : memref<16x1296xi32, #tpu.memory_space<vmem>>, vector<1x16xi32>,
      %get3A_632 = vector.shape_cast %get3A_631 : vector<1x16xi32> to vector<16xi32>
      %shift_right_arithmetic3A = arith.constant 16 : i32
      %shift_right_arithmetic3A_633 = vector.broadcast %shift_right_arithmetic3A : i32 to vector<16xi32>
      %shift_right_arithmetic3A_634 = arith.shrsi %get3A_632, %shift_right_arithmetic3A_633 : vector<16xi32>
      %swap3A = arith.constant 14 : i32
      %swap3A_635 = arith.index_cast %swap3A : i32 to index
      %swap3A_636 = arith.index_cast %mul3A_628 : i32 to index
      %swap3A_637 = tpu.vector_load %arg8[%swap3A_635, %swap3A_636] {strides = array<i32>} : memref<16x1296xi32, #tpu.memory_space<vmem>>, vector<1x16xi32>,
      %swap3A_638 = vector.shape_cast %swap3A_637 : vector<1x16xi32> to vector<16xi32>
      %swap3A_639 = vector.shape_cast %shift_right_arithmetic3A_634 : vector<16xi32> to vector<1x16xi32>
      tpu.vector_store %arg8[%swap3A_635, %swap3A_636], %swap3A_639 {strides = array<i32>} : memref<16x1296xi32, #tpu.memory_space<vmem>>, vector<1x16xi32>,
      %mul3A_640 = arith.constant 3 : i32
      %mul3A_641 = arith.muli %scan3A_621, %mul3A_640 : i32
      %add3A_642 = arith.constant 1 : i32
      %add3A_643 = arith.addi %mul3A_641, %add3A_642 : i32
      %mul3A_644 = arith.constant 16 : i32
      %mul3A_645 = arith.muli %add3A_643, %mul3A_644 : i32
      %get3A_646 = arith.constant 14 : i32
      %get3A_647 = arith.index_cast %get3A_646 : i32 to index
      %get3A_648 = arith.index_cast %mul3A_645 : i32 to index
      %get3A_649 = tpu.vector_load %arg8[%get3A_647, %get3A_648] {strides = array<i32>} : memref<16x1296xi32, #tpu.memory_space<vmem>>, vector<1x16xi32>,
      %get3A_650 = vector.shape_cast %get3A_649 : vector<1x16xi32> to vector<16xi32>
      %shift_right_arithmetic3A_651 = arith.constant 16 : i32
      %shift_right_arithmetic3A_652 = vector.broadcast %shift_right_arithmetic3A_651 : i32 to vector<16xi32>
      %shift_right_arithmetic3A_653 = arith.shrsi %get3A_650, %shift_right_arithmetic3A_652 : vector<16xi32>
      %swap3A_654 = arith.constant 14 : i32
      %swap3A_655 = arith.index_cast %swap3A_654 : i32 to index
      %swap3A_656 = arith.index_cast %mul3A_645 : i32 to index
      %swap3A_657 = tpu.vector_load %arg8[%swap3A_655, %swap3A_656] {strides = array<i32>} : memref<16x1296xi32, #tpu.memory_space<vmem>>, vector<1x16xi32>,
      %swap3A_658 = vector.shape_cast %swap3A_657 : vector<1x16xi32> to vector<16xi32>
      %swap3A_659 = vector.shape_cast %shift_right_arithmetic3A_653 : vector<16xi32> to vector<1x16xi32>
      tpu.vector_store %arg8[%swap3A_655, %swap3A_656], %swap3A_659 {strides = array<i32>} : memref<16x1296xi32, #tpu.memory_space<vmem>>, vector<1x16xi32>,
      %mul3A_660 = arith.constant 3 : i32
      %mul3A_661 = arith.muli %scan3A_621, %mul3A_660 : i32
      %add3A_662 = arith.constant 2 : i32
      %add3A_663 = arith.addi %mul3A_661, %add3A_662 : i32
      %mul3A_664 = arith.constant 16 : i32
      %mul3A_665 = arith.muli %add3A_663, %mul3A_664 : i32
      %get3A_666 = arith.constant 14 : i32
      %get3A_667 = arith.index_cast %get3A_666 : i32 to index
      %get3A_668 = arith.index_cast %mul3A_665 : i32 to index
      %get3A_669 = tpu.vector_load %arg8[%get3A_667, %get3A_668] {strides = array<i32>} : memref<16x1296xi32, #tpu.memory_space<vmem>>, vector<1x16xi32>,
      %get3A_670 = vector.shape_cast %get3A_669 : vector<1x16xi32> to vector<16xi32>
      %shift_right_arithmetic3A_671 = arith.constant 16 : i32
      %shift_right_arithmetic3A_672 = vector.broadcast %shift_right_arithmetic3A_671 : i32 to vector<16xi32>
      %shift_right_arithmetic3A_673 = arith.shrsi %get3A_670, %shift_right_arithmetic3A_672 : vector<16xi32>
      %swap3A_674 = arith.constant 14 : i32
      %swap3A_675 = arith.index_cast %swap3A_674 : i32 to index
      %swap3A_676 = arith.index_cast %mul3A_665 : i32 to index
      %swap3A_677 = tpu.vector_load %arg8[%swap3A_675, %swap3A_676] {strides = array<i32>} : memref<16x1296xi32, #tpu.memory_space<vmem>>, vector<1x16xi32>,
      %swap3A_678 = vector.shape_cast %swap3A_677 : vector<1x16xi32> to vector<16xi32>
      %swap3A_679 = vector.shape_cast %shift_right_arithmetic3A_673 : vector<16xi32> to vector<1x16xi32>
      tpu.vector_store %arg8[%swap3A_675, %swap3A_676], %swap3A_679 {strides = array<i32>} : memref<16x1296xi32, #tpu.memory_space<vmem>>, vector<1x16xi32>,
      %scan3A_680 = arith.constant 0 : i32
      scf.yield %scan3A_680 : i32
    }
    %scan3A_131 = arith.constant 27 : i32
    %scan3A_132 = arith.constant 0 : i32
    %scan3A_133 = arith.constant 0 : i32
    %scan3A_134 = arith.constant 27 : i32
    %scan3A_135 = arith.addi %scan3A_133, %scan3A_134 : i32
    %scan3A_136 = arith.constant 1 : i32
    %scan3A_137 = scf.for %scan3A_621 = %scan3A_133 to %scan3A_135 step %scan3A_136 iter_args(%scan3A_622 = %scan3A_132) -> (i32)  : i32 {
      %mul3A_623 = arith.constant 3 : i32
      %mul3A_624 = arith.muli %scan3A_621, %mul3A_623 : i32
      %add3A_625 = arith.constant 0 : i32
      %add3A_626 = arith.addi %mul3A_624, %add3A_625 : i32
      %mul3A_627 = arith.constant 16 : i32
      %mul3A_628 = arith.muli %add3A_626, %mul3A_627 : i32
      %get3A = arith.constant 15 : i32
      %get3A_629 = arith.index_cast %get3A : i32 to index
      %get3A_630 = arith.index_cast %mul3A_628 : i32 to index
      %get3A_631 = tpu.vector_load %arg8[%get3A_629, %get3A_630] {strides = array<i32>} : memref<16x1296xi32, #tpu.memory_space<vmem>>, vector<1x16xi32>,
      %get3A_632 = vector.shape_cast %get3A_631 : vector<1x16xi32> to vector<16xi32>
      %shift_right_arithmetic3A = arith.constant 16 : i32
      %shift_right_arithmetic3A_633 = vector.broadcast %shift_right_arithmetic3A : i32 to vector<16xi32>
      %shift_right_arithmetic3A_634 = arith.shrsi %get3A_632, %shift_right_arithmetic3A_633 : vector<16xi32>
      %swap3A = arith.constant 15 : i32
      %swap3A_635 = arith.index_cast %swap3A : i32 to index
      %swap3A_636 = arith.index_cast %mul3A_628 : i32 to index
      %swap3A_637 = tpu.vector_load %arg8[%swap3A_635, %swap3A_636] {strides = array<i32>} : memref<16x1296xi32, #tpu.memory_space<vmem>>, vector<1x16xi32>,
      %swap3A_638 = vector.shape_cast %swap3A_637 : vector<1x16xi32> to vector<16xi32>
      %swap3A_639 = vector.shape_cast %shift_right_arithmetic3A_634 : vector<16xi32> to vector<1x16xi32>
      tpu.vector_store %arg8[%swap3A_635, %swap3A_636], %swap3A_639 {strides = array<i32>} : memref<16x1296xi32, #tpu.memory_space<vmem>>, vector<1x16xi32>,
      %mul3A_640 = arith.constant 3 : i32
      %mul3A_641 = arith.muli %scan3A_621, %mul3A_640 : i32
      %add3A_642 = arith.constant 1 : i32
      %add3A_643 = arith.addi %mul3A_641, %add3A_642 : i32
      %mul3A_644 = arith.constant 16 : i32
      %mul3A_645 = arith.muli %add3A_643, %mul3A_644 : i32
      %get3A_646 = arith.constant 15 : i32
      %get3A_647 = arith.index_cast %get3A_646 : i32 to index
      %get3A_648 = arith.index_cast %mul3A_645 : i32 to index
      %get3A_649 = tpu.vector_load %arg8[%get3A_647, %get3A_648] {strides = array<i32>} : memref<16x1296xi32, #tpu.memory_space<vmem>>, vector<1x16xi32>,
      %get3A_650 = vector.shape_cast %get3A_649 : vector<1x16xi32> to vector<16xi32>
      %shift_right_arithmetic3A_651 = arith.constant 16 : i32
      %shift_right_arithmetic3A_652 = vector.broadcast %shift_right_arithmetic3A_651 : i32 to vector<16xi32>
      %shift_right_arithmetic3A_653 = arith.shrsi %get3A_650, %shift_right_arithmetic3A_652 : vector<16xi32>
      %swap3A_654 = arith.constant 15 : i32
      %swap3A_655 = arith.index_cast %swap3A_654 : i32 to index
      %swap3A_656 = arith.index_cast %mul3A_645 : i32 to index
      %swap3A_657 = tpu.vector_load %arg8[%swap3A_655, %swap3A_656] {strides = array<i32>} : memref<16x1296xi32, #tpu.memory_space<vmem>>, vector<1x16xi32>,
      %swap3A_658 = vector.shape_cast %swap3A_657 : vector<1x16xi32> to vector<16xi32>
      %swap3A_659 = vector.shape_cast %shift_right_arithmetic3A_653 : vector<16xi32> to vector<1x16xi32>
      tpu.vector_store %arg8[%swap3A_655, %swap3A_656], %swap3A_659 {strides = array<i32>} : memref<16x1296xi32, #tpu.memory_space<vmem>>, vector<1x16xi32>,
      %mul3A_660 = arith.constant 3 : i32
      %mul3A_661 = arith.muli %scan3A_621, %mul3A_660 : i32
      %add3A_662 = arith.constant 2 : i32
      %add3A_663 = arith.addi %mul3A_661, %add3A_662 : i32
      %mul3A_664 = arith.constant 16 : i32
      %mul3A_665 = arith.muli %add3A_663, %mul3A_664 : i32
      %get3A_666 = arith.constant 15 : i32
      %get3A_667 = arith.index_cast %get3A_666 : i32 to index
      %get3A_668 = arith.index_cast %mul3A_665 : i32 to index
      %get3A_669 = tpu.vector_load %arg8[%get3A_667, %get3A_668] {strides = array<i32>} : memref<16x1296xi32, #tpu.memory_space<vmem>>, vector<1x16xi32>,
      %get3A_670 = vector.shape_cast %get3A_669 : vector<1x16xi32> to vector<16xi32>
      %shift_right_arithmetic3A_671 = arith.constant 16 : i32
      %shift_right_arithmetic3A_672 = vector.broadcast %shift_right_arithmetic3A_671 : i32 to vector<16xi32>
      %shift_right_arithmetic3A_673 = arith.shrsi %get3A_670, %shift_right_arithmetic3A_672 : vector<16xi32>
      %swap3A_674 = arith.constant 15 : i32
      %swap3A_675 = arith.index_cast %swap3A_674 : i32 to index
      %swap3A_676 = arith.index_cast %mul3A_665 : i32 to index
      %swap3A_677 = tpu.vector_load %arg8[%swap3A_675, %swap3A_676] {strides = array<i32>} : memref<16x1296xi32, #tpu.memory_space<vmem>>, vector<1x16xi32>,
      %swap3A_678 = vector.shape_cast %swap3A_677 : vector<1x16xi32> to vector<16xi32>
      %swap3A_679 = vector.shape_cast %shift_right_arithmetic3A_673 : vector<16xi32> to vector<1x16xi32>
      tpu.vector_store %arg8[%swap3A_675, %swap3A_676], %swap3A_679 {strides = array<i32>} : memref<16x1296xi32, #tpu.memory_space<vmem>>, vector<1x16xi32>,
      %scan3A_680 = arith.constant 0 : i32
      scf.yield %scan3A_680 : i32
    }
    %scan3A_138 = arith.constant 27 : i32
    %scan3A_139 = arith.constant 0 : i32
    %scan3A_140 = arith.constant 0 : i32
    %scan3A_141 = arith.constant 27 : i32
    %scan3A_142 = arith.addi %scan3A_140, %scan3A_141 : i32
    %scan3A_143 = arith.constant 1 : i32
    %scan3A_144 = scf.for %scan3A_621 = %scan3A_140 to %scan3A_142 step %scan3A_143 iter_args(%scan3A_622 = %scan3A_139) -> (i32)  : i32 {
      %mul3A_623 = arith.constant 3 : i32
      %mul3A_624 = arith.muli %scan3A_621, %mul3A_623 : i32
      %add3A_625 = arith.constant 0 : i32
      %add3A_626 = arith.addi %mul3A_624, %add3A_625 : i32
      %mul3A_627 = arith.constant 16 : i32
      %mul3A_628 = arith.muli %add3A_626, %mul3A_627 : i32
      %get3A = arith.constant 0 : i32
      %get3A_629 = arith.index_cast %get3A : i32 to index
      %get3A_630 = arith.index_cast %mul3A_628 : i32 to index
      %get3A_631 = tpu.vector_load %arg6[%get3A_629, %get3A_630] {strides = array<i32>} : memref<8x1296xi32, #tpu.memory_space<vmem>>, vector<1x16xi32>,
      %get3A_632 = vector.shape_cast %get3A_631 : vector<1x16xi32> to vector<16xi32>
      %shift_right_arithmetic3A = arith.constant 16 : i32
      %shift_right_arithmetic3A_633 = vector.broadcast %shift_right_arithmetic3A : i32 to vector<16xi32>
      %shift_right_arithmetic3A_634 = arith.shrsi %get3A_632, %shift_right_arithmetic3A_633 : vector<16xi32>
      %swap3A = arith.constant 0 : i32
      %swap3A_635 = arith.index_cast %swap3A : i32 to index
      %swap3A_636 = arith.index_cast %mul3A_628 : i32 to index
      %swap3A_637 = tpu.vector_load %arg7[%swap3A_635, %swap3A_636] {strides = array<i32>} : memref<8x1296xi32, #tpu.memory_space<vmem>>, vector<1x16xi32>,
      %swap3A_638 = vector.shape_cast %swap3A_637 : vector<1x16xi32> to vector<16xi32>
      %swap3A_639 = vector.shape_cast %shift_right_arithmetic3A_634 : vector<16xi32> to vector<1x16xi32>
      tpu.vector_store %arg7[%swap3A_635, %swap3A_636], %swap3A_639 {strides = array<i32>} : memref<8x1296xi32, #tpu.memory_space<vmem>>, vector<1x16xi32>,
      %and3A = arith.constant 65535 : i32
      %and3A_640 = vector.broadcast %and3A : i32 to vector<16xi32>
      %and3A_641 = arith.andi %get3A_632, %and3A_640 : vector<16xi32>
      %swap3A_642 = arith.constant 0 : i32
      %swap3A_643 = arith.index_cast %swap3A_642 : i32 to index
      %swap3A_644 = arith.index_cast %mul3A_628 : i32 to index
      %swap3A_645 = tpu.vector_load %arg6[%swap3A_643, %swap3A_644] {strides = array<i32>} : memref<8x1296xi32, #tpu.memory_space<vmem>>, vector<1x16xi32>,
      %swap3A_646 = vector.shape_cast %swap3A_645 : vector<1x16xi32> to vector<16xi32>
      %swap3A_647 = vector.shape_cast %and3A_641 : vector<16xi32> to vector<1x16xi32>
      tpu.vector_store %arg6[%swap3A_643, %swap3A_644], %swap3A_647 {strides = array<i32>} : memref<8x1296xi32, #tpu.memory_space<vmem>>, vector<1x16xi32>,
      %mul3A_648 = arith.constant 3 : i32
      %mul3A_649 = arith.muli %scan3A_621, %mul3A_648 : i32
      %add3A_650 = arith.constant 1 : i32
      %add3A_651 = arith.addi %mul3A_649, %add3A_650 : i32
      %mul3A_652 = arith.constant 16 : i32
      %mul3A_653 = arith.muli %add3A_651, %mul3A_652 : i32
      %get3A_654 = arith.constant 0 : i32
      %get3A_655 = arith.index_cast %get3A_654 : i32 to index
      %get3A_656 = arith.index_cast %mul3A_653 : i32 to index
      %get3A_657 = tpu.vector_load %arg6[%get3A_655, %get3A_656] {strides = array<i32>} : memref<8x1296xi32, #tpu.memory_space<vmem>>, vector<1x16xi32>,
      %get3A_658 = vector.shape_cast %get3A_657 : vector<1x16xi32> to vector<16xi32>
      %shift_right_arithmetic3A_659 = arith.constant 16 : i32
      %shift_right_arithmetic3A_660 = vector.broadcast %shift_right_arithmetic3A_659 : i32 to vector<16xi32>
      %shift_right_arithmetic3A_661 = arith.shrsi %get3A_658, %shift_right_arithmetic3A_660 : vector<16xi32>
      %swap3A_662 = arith.constant 0 : i32
      %swap3A_663 = arith.index_cast %swap3A_662 : i32 to index
      %swap3A_664 = arith.index_cast %mul3A_653 : i32 to index
      %swap3A_665 = tpu.vector_load %arg7[%swap3A_663, %swap3A_664] {strides = array<i32>} : memref<8x1296xi32, #tpu.memory_space<vmem>>, vector<1x16xi32>,
      %swap3A_666 = vector.shape_cast %swap3A_665 : vector<1x16xi32> to vector<16xi32>
      %swap3A_667 = vector.shape_cast %shift_right_arithmetic3A_661 : vector<16xi32> to vector<1x16xi32>
      tpu.vector_store %arg7[%swap3A_663, %swap3A_664], %swap3A_667 {strides = array<i32>} : memref<8x1296xi32, #tpu.memory_space<vmem>>, vector<1x16xi32>,
      %and3A_668 = arith.constant 65535 : i32
      %and3A_669 = vector.broadcast %and3A_668 : i32 to vector<16xi32>
      %and3A_670 = arith.andi %get3A_658, %and3A_669 : vector<16xi32>
      %swap3A_671 = arith.constant 0 : i32
      %swap3A_672 = arith.index_cast %swap3A_671 : i32 to index
      %swap3A_673 = arith.index_cast %mul3A_653 : i32 to index
      %swap3A_674 = tpu.vector_load %arg6[%swap3A_672, %swap3A_673] {strides = array<i32>} : memref<8x1296xi32, #tpu.memory_space<vmem>>, vector<1x16xi32>,
      %swap3A_675 = vector.shape_cast %swap3A_674 : vector<1x16xi32> to vector<16xi32>
      %swap3A_676 = vector.shape_cast %and3A_670 : vector<16xi32> to vector<1x16xi32>
      tpu.vector_store %arg6[%swap3A_672, %swap3A_673], %swap3A_676 {strides = array<i32>} : memref<8x1296xi32, #tpu.memory_space<vmem>>, vector<1x16xi32>,
      %mul3A_677 = arith.constant 3 : i32
      %mul3A_678 = arith.muli %scan3A_621, %mul3A_677 : i32
      %add3A_679 = arith.constant 2 : i32
      %add3A_680 = arith.addi %mul3A_678, %add3A_679 : i32
      %mul3A_681 = arith.constant 16 : i32
      %mul3A_682 = arith.muli %add3A_680, %mul3A_681 : i32
      %get3A_683 = arith.constant 0 : i32
      %get3A_684 = arith.index_cast %get3A_683 : i32 to index
      %get3A_685 = arith.index_cast %mul3A_682 : i32 to index
      %get3A_686 = tpu.vector_load %arg6[%get3A_684, %get3A_685] {strides = array<i32>} : memref<8x1296xi32, #tpu.memory_space<vmem>>, vector<1x16xi32>,
      %get3A_687 = vector.shape_cast %get3A_686 : vector<1x16xi32> to vector<16xi32>
      %shift_right_arithmetic3A_688 = arith.constant 16 : i32
      %shift_right_arithmetic3A_689 = vector.broadcast %shift_right_arithmetic3A_688 : i32 to vector<16xi32>
      %shift_right_arithmetic3A_690 = arith.shrsi %get3A_687, %shift_right_arithmetic3A_689 : vector<16xi32>
      %swap3A_691 = arith.constant 0 : i32
      %swap3A_692 = arith.index_cast %swap3A_691 : i32 to index
      %swap3A_693 = arith.index_cast %mul3A_682 : i32 to index
      %swap3A_694 = tpu.vector_load %arg7[%swap3A_692, %swap3A_693] {strides = array<i32>} : memref<8x1296xi32, #tpu.memory_space<vmem>>, vector<1x16xi32>,
      %swap3A_695 = vector.shape_cast %swap3A_694 : vector<1x16xi32> to vector<16xi32>
      %swap3A_696 = vector.shape_cast %shift_right_arithmetic3A_690 : vector<16xi32> to vector<1x16xi32>
      tpu.vector_store %arg7[%swap3A_692, %swap3A_693], %swap3A_696 {strides = array<i32>} : memref<8x1296xi32, #tpu.memory_space<vmem>>, vector<1x16xi32>,
      %and3A_697 = arith.constant 65535 : i32
      %and3A_698 = vector.broadcast %and3A_697 : i32 to vector<16xi32>
      %and3A_699 = arith.andi %get3A_687, %and3A_698 : vector<16xi32>
      %swap3A_700 = arith.constant 0 : i32
      %swap3A_701 = arith.index_cast %swap3A_700 : i32 to index
      %swap3A_702 = arith.index_cast %mul3A_682 : i32 to index
      %swap3A_703 = tpu.vector_load %arg6[%swap3A_701, %swap3A_702] {strides = array<i32>} : memref<8x1296xi32, #tpu.memory_space<vmem>>, vector<1x16xi32>,
      %swap3A_704 = vector.shape_cast %swap3A_703 : vector<1x16xi32> to vector<16xi32>
      %swap3A_705 = vector.shape_cast %and3A_699 : vector<16xi32> to vector<1x16xi32>
      tpu.vector_store %arg6[%swap3A_701, %swap3A_702], %swap3A_705 {strides = array<i32>} : memref<8x1296xi32, #tpu.memory_space<vmem>>, vector<1x16xi32>,
      %scan3A_706 = arith.constant 0 : i32
      scf.yield %scan3A_706 : i32
    }
    %scan3A_145 = arith.constant 27 : i32
    %scan3A_146 = arith.constant 0 : i32
    %scan3A_147 = arith.constant 0 : i32
    %scan3A_148 = arith.constant 27 : i32
    %scan3A_149 = arith.addi %scan3A_147, %scan3A_148 : i32
    %scan3A_150 = arith.constant 1 : i32
    %scan3A_151 = scf.for %scan3A_621 = %scan3A_147 to %scan3A_149 step %scan3A_150 iter_args(%scan3A_622 = %scan3A_146) -> (i32)  : i32 {
      %mul3A_623 = arith.constant 3 : i32
      %mul3A_624 = arith.muli %scan3A_621, %mul3A_623 : i32
      %add3A_625 = arith.constant 0 : i32
      %add3A_626 = arith.addi %mul3A_624, %add3A_625 : i32
      %mul3A_627 = arith.constant 16 : i32
      %mul3A_628 = arith.muli %add3A_626, %mul3A_627 : i32
      %get3A = arith.constant 1 : i32
      %get3A_629 = arith.index_cast %get3A : i32 to index
      %get3A_630 = arith.index_cast %mul3A_628 : i32 to index
      %get3A_631 = tpu.vector_load %arg6[%get3A_629, %get3A_630] {strides = array<i32>} : memref<8x1296xi32, #tpu.memory_space<vmem>>, vector<1x16xi32>,
      %get3A_632 = vector.shape_cast %get3A_631 : vector<1x16xi32> to vector<16xi32>
      %shift_right_arithmetic3A = arith.constant 16 : i32
      %shift_right_arithmetic3A_633 = vector.broadcast %shift_right_arithmetic3A : i32 to vector<16xi32>
      %shift_right_arithmetic3A_634 = arith.shrsi %get3A_632, %shift_right_arithmetic3A_633 : vector<16xi32>
      %swap3A = arith.constant 1 : i32
      %swap3A_635 = arith.index_cast %swap3A : i32 to index
      %swap3A_636 = arith.index_cast %mul3A_628 : i32 to index
      %swap3A_637 = tpu.vector_load %arg7[%swap3A_635, %swap3A_636] {strides = array<i32>} : memref<8x1296xi32, #tpu.memory_space<vmem>>, vector<1x16xi32>,
      %swap3A_638 = vector.shape_cast %swap3A_637 : vector<1x16xi32> to vector<16xi32>
      %swap3A_639 = vector.shape_cast %shift_right_arithmetic3A_634 : vector<16xi32> to vector<1x16xi32>
      tpu.vector_store %arg7[%swap3A_635, %swap3A_636], %swap3A_639 {strides = array<i32>} : memref<8x1296xi32, #tpu.memory_space<vmem>>, vector<1x16xi32>,
      %and3A = arith.constant 65535 : i32
      %and3A_640 = vector.broadcast %and3A : i32 to vector<16xi32>
      %and3A_641 = arith.andi %get3A_632, %and3A_640 : vector<16xi32>
      %swap3A_642 = arith.constant 1 : i32
      %swap3A_643 = arith.index_cast %swap3A_642 : i32 to index
      %swap3A_644 = arith.index_cast %mul3A_628 : i32 to index
      %swap3A_645 = tpu.vector_load %arg6[%swap3A_643, %swap3A_644] {strides = array<i32>} : memref<8x1296xi32, #tpu.memory_space<vmem>>, vector<1x16xi32>,
      %swap3A_646 = vector.shape_cast %swap3A_645 : vector<1x16xi32> to vector<16xi32>
      %swap3A_647 = vector.shape_cast %and3A_641 : vector<16xi32> to vector<1x16xi32>
      tpu.vector_store %arg6[%swap3A_643, %swap3A_644], %swap3A_647 {strides = array<i32>} : memref<8x1296xi32, #tpu.memory_space<vmem>>, vector<1x16xi32>,
      %mul3A_648 = arith.constant 3 : i32
      %mul3A_649 = arith.muli %scan3A_621, %mul3A_648 : i32
      %add3A_650 = arith.constant 1 : i32
      %add3A_651 = arith.addi %mul3A_649, %add3A_650 : i32
      %mul3A_652 = arith.constant 16 : i32
      %mul3A_653 = arith.muli %add3A_651, %mul3A_652 : i32
      %get3A_654 = arith.constant 1 : i32
      %get3A_655 = arith.index_cast %get3A_654 : i32 to index
      %get3A_656 = arith.index_cast %mul3A_653 : i32 to index
      %get3A_657 = tpu.vector_load %arg6[%get3A_655, %get3A_656] {strides = array<i32>} : memref<8x1296xi32, #tpu.memory_space<vmem>>, vector<1x16xi32>,
      %get3A_658 = vector.shape_cast %get3A_657 : vector<1x16xi32> to vector<16xi32>
      %shift_right_arithmetic3A_659 = arith.constant 16 : i32
      %shift_right_arithmetic3A_660 = vector.broadcast %shift_right_arithmetic3A_659 : i32 to vector<16xi32>
      %shift_right_arithmetic3A_661 = arith.shrsi %get3A_658, %shift_right_arithmetic3A_660 : vector<16xi32>
      %swap3A_662 = arith.constant 1 : i32
      %swap3A_663 = arith.index_cast %swap3A_662 : i32 to index
      %swap3A_664 = arith.index_cast %mul3A_653 : i32 to index
      %swap3A_665 = tpu.vector_load %arg7[%swap3A_663, %swap3A_664] {strides = array<i32>} : memref<8x1296xi32, #tpu.memory_space<vmem>>, vector<1x16xi32>,
      %swap3A_666 = vector.shape_cast %swap3A_665 : vector<1x16xi32> to vector<16xi32>
      %swap3A_667 = vector.shape_cast %shift_right_arithmetic3A_661 : vector<16xi32> to vector<1x16xi32>
      tpu.vector_store %arg7[%swap3A_663, %swap3A_664], %swap3A_667 {strides = array<i32>} : memref<8x1296xi32, #tpu.memory_space<vmem>>, vector<1x16xi32>,
      %and3A_668 = arith.constant 65535 : i32
      %and3A_669 = vector.broadcast %and3A_668 : i32 to vector<16xi32>
      %and3A_670 = arith.andi %get3A_658, %and3A_669 : vector<16xi32>
      %swap3A_671 = arith.constant 1 : i32
      %swap3A_672 = arith.index_cast %swap3A_671 : i32 to index
      %swap3A_673 = arith.index_cast %mul3A_653 : i32 to index
      %swap3A_674 = tpu.vector_load %arg6[%swap3A_672, %swap3A_673] {strides = array<i32>} : memref<8x1296xi32, #tpu.memory_space<vmem>>, vector<1x16xi32>,
      %swap3A_675 = vector.shape_cast %swap3A_674 : vector<1x16xi32> to vector<16xi32>
      %swap3A_676 = vector.shape_cast %and3A_670 : vector<16xi32> to vector<1x16xi32>
      tpu.vector_store %arg6[%swap3A_672, %swap3A_673], %swap3A_676 {strides = array<i32>} : memref<8x1296xi32, #tpu.memory_space<vmem>>, vector<1x16xi32>,
      %mul3A_677 = arith.constant 3 : i32
      %mul3A_678 = arith.muli %scan3A_621, %mul3A_677 : i32
      %add3A_679 = arith.constant 2 : i32
      %add3A_680 = arith.addi %mul3A_678, %add3A_679 : i32
      %mul3A_681 = arith.constant 16 : i32
      %mul3A_682 = arith.muli %add3A_680, %mul3A_681 : i32
      %get3A_683 = arith.constant 1 : i32
      %get3A_684 = arith.index_cast %get3A_683 : i32 to index
      %get3A_685 = arith.index_cast %mul3A_682 : i32 to index
      %get3A_686 = tpu.vector_load %arg6[%get3A_684, %get3A_685] {strides = array<i32>} : memref<8x1296xi32, #tpu.memory_space<vmem>>, vector<1x16xi32>,
      %get3A_687 = vector.shape_cast %get3A_686 : vector<1x16xi32> to vector<16xi32>
      %shift_right_arithmetic3A_688 = arith.constant 16 : i32
      %shift_right_arithmetic3A_689 = vector.broadcast %shift_right_arithmetic3A_688 : i32 to vector<16xi32>
      %shift_right_arithmetic3A_690 = arith.shrsi %get3A_687, %shift_right_arithmetic3A_689 : vector<16xi32>
      %swap3A_691 = arith.constant 1 : i32
      %swap3A_692 = arith.index_cast %swap3A_691 : i32 to index
      %swap3A_693 = arith.index_cast %mul3A_682 : i32 to index
      %swap3A_694 = tpu.vector_load %arg7[%swap3A_692, %swap3A_693] {strides = array<i32>} : memref<8x1296xi32, #tpu.memory_space<vmem>>, vector<1x16xi32>,
      %swap3A_695 = vector.shape_cast %swap3A_694 : vector<1x16xi32> to vector<16xi32>
      %swap3A_696 = vector.shape_cast %shift_right_arithmetic3A_690 : vector<16xi32> to vector<1x16xi32>
      tpu.vector_store %arg7[%swap3A_692, %swap3A_693], %swap3A_696 {strides = array<i32>} : memref<8x1296xi32, #tpu.memory_space<vmem>>, vector<1x16xi32>,
      %and3A_697 = arith.constant 65535 : i32
      %and3A_698 = vector.broadcast %and3A_697 : i32 to vector<16xi32>
      %and3A_699 = arith.andi %get3A_687, %and3A_698 : vector<16xi32>
      %swap3A_700 = arith.constant 1 : i32
      %swap3A_701 = arith.index_cast %swap3A_700 : i32 to index
      %swap3A_702 = arith.index_cast %mul3A_682 : i32 to index
      %swap3A_703 = tpu.vector_load %arg6[%swap3A_701, %swap3A_702] {strides = array<i32>} : memref<8x1296xi32, #tpu.memory_space<vmem>>, vector<1x16xi32>,
      %swap3A_704 = vector.shape_cast %swap3A_703 : vector<1x16xi32> to vector<16xi32>
      %swap3A_705 = vector.shape_cast %and3A_699 : vector<16xi32> to vector<1x16xi32>
      tpu.vector_store %arg6[%swap3A_701, %swap3A_702], %swap3A_705 {strides = array<i32>} : memref<8x1296xi32, #tpu.memory_space<vmem>>, vector<1x16xi32>,
      %scan3A_706 = arith.constant 0 : i32
      scf.yield %scan3A_706 : i32
    }
    %scan3A_152 = arith.constant 27 : i32
    %scan3A_153 = arith.constant 0 : i32
    %scan3A_154 = arith.constant 0 : i32
    %scan3A_155 = arith.constant 27 : i32
    %scan3A_156 = arith.addi %scan3A_154, %scan3A_155 : i32
    %scan3A_157 = arith.constant 1 : i32
    %scan3A_158 = scf.for %scan3A_621 = %scan3A_154 to %scan3A_156 step %scan3A_157 iter_args(%scan3A_622 = %scan3A_153) -> (i32)  : i32 {
      %mul3A_623 = arith.constant 3 : i32
      %mul3A_624 = arith.muli %scan3A_621, %mul3A_623 : i32
      %add3A_625 = arith.constant 0 : i32
      %add3A_626 = arith.addi %mul3A_624, %add3A_625 : i32
      %mul3A_627 = arith.constant 16 : i32
      %mul3A_628 = arith.muli %add3A_626, %mul3A_627 : i32
      %get3A = arith.constant 2 : i32
      %get3A_629 = arith.index_cast %get3A : i32 to index
      %get3A_630 = arith.index_cast %mul3A_628 : i32 to index
      %get3A_631 = tpu.vector_load %arg6[%get3A_629, %get3A_630] {strides = array<i32>} : memref<8x1296xi32, #tpu.memory_space<vmem>>, vector<1x16xi32>,
      %get3A_632 = vector.shape_cast %get3A_631 : vector<1x16xi32> to vector<16xi32>
      %shift_right_arithmetic3A = arith.constant 16 : i32
      %shift_right_arithmetic3A_633 = vector.broadcast %shift_right_arithmetic3A : i32 to vector<16xi32>
      %shift_right_arithmetic3A_634 = arith.shrsi %get3A_632, %shift_right_arithmetic3A_633 : vector<16xi32>
      %swap3A = arith.constant 2 : i32
      %swap3A_635 = arith.index_cast %swap3A : i32 to index
      %swap3A_636 = arith.index_cast %mul3A_628 : i32 to index
      %swap3A_637 = tpu.vector_load %arg7[%swap3A_635, %swap3A_636] {strides = array<i32>} : memref<8x1296xi32, #tpu.memory_space<vmem>>, vector<1x16xi32>,
      %swap3A_638 = vector.shape_cast %swap3A_637 : vector<1x16xi32> to vector<16xi32>
      %swap3A_639 = vector.shape_cast %shift_right_arithmetic3A_634 : vector<16xi32> to vector<1x16xi32>
      tpu.vector_store %arg7[%swap3A_635, %swap3A_636], %swap3A_639 {strides = array<i32>} : memref<8x1296xi32, #tpu.memory_space<vmem>>, vector<1x16xi32>,
      %and3A = arith.constant 65535 : i32
      %and3A_640 = vector.broadcast %and3A : i32 to vector<16xi32>
      %and3A_641 = arith.andi %get3A_632, %and3A_640 : vector<16xi32>
      %swap3A_642 = arith.constant 2 : i32
      %swap3A_643 = arith.index_cast %swap3A_642 : i32 to index
      %swap3A_644 = arith.index_cast %mul3A_628 : i32 to index
      %swap3A_645 = tpu.vector_load %arg6[%swap3A_643, %swap3A_644] {strides = array<i32>} : memref<8x1296xi32, #tpu.memory_space<vmem>>, vector<1x16xi32>,
      %swap3A_646 = vector.shape_cast %swap3A_645 : vector<1x16xi32> to vector<16xi32>
      %swap3A_647 = vector.shape_cast %and3A_641 : vector<16xi32> to vector<1x16xi32>
      tpu.vector_store %arg6[%swap3A_643, %swap3A_644], %swap3A_647 {strides = array<i32>} : memref<8x1296xi32, #tpu.memory_space<vmem>>, vector<1x16xi32>,
      %mul3A_648 = arith.constant 3 : i32
      %mul3A_649 = arith.muli %scan3A_621, %mul3A_648 : i32
      %add3A_650 = arith.constant 1 : i32
      %add3A_651 = arith.addi %mul3A_649, %add3A_650 : i32
      %mul3A_652 = arith.constant 16 : i32
      %mul3A_653 = arith.muli %add3A_651, %mul3A_652 : i32
      %get3A_654 = arith.constant 2 : i32
      %get3A_655 = arith.index_cast %get3A_654 : i32 to index
      %get3A_656 = arith.index_cast %mul3A_653 : i32 to index
      %get3A_657 = tpu.vector_load %arg6[%get3A_655, %get3A_656] {strides = array<i32>} : memref<8x1296xi32, #tpu.memory_space<vmem>>, vector<1x16xi32>,
      %get3A_658 = vector.shape_cast %get3A_657 : vector<1x16xi32> to vector<16xi32>
      %shift_right_arithmetic3A_659 = arith.constant 16 : i32
      %shift_right_arithmetic3A_660 = vector.broadcast %shift_right_arithmetic3A_659 : i32 to vector<16xi32>
      %shift_right_arithmetic3A_661 = arith.shrsi %get3A_658, %shift_right_arithmetic3A_660 : vector<16xi32>
      %swap3A_662 = arith.constant 2 : i32
      %swap3A_663 = arith.index_cast %swap3A_662 : i32 to index
      %swap3A_664 = arith.index_cast %mul3A_653 : i32 to index
      %swap3A_665 = tpu.vector_load %arg7[%swap3A_663, %swap3A_664] {strides = array<i32>} : memref<8x1296xi32, #tpu.memory_space<vmem>>, vector<1x16xi32>,
      %swap3A_666 = vector.shape_cast %swap3A_665 : vector<1x16xi32> to vector<16xi32>
      %swap3A_667 = vector.shape_cast %shift_right_arithmetic3A_661 : vector<16xi32> to vector<1x16xi32>
      tpu.vector_store %arg7[%swap3A_663, %swap3A_664], %swap3A_667 {strides = array<i32>} : memref<8x1296xi32, #tpu.memory_space<vmem>>, vector<1x16xi32>,
      %and3A_668 = arith.constant 65535 : i32
      %and3A_669 = vector.broadcast %and3A_668 : i32 to vector<16xi32>
      %and3A_670 = arith.andi %get3A_658, %and3A_669 : vector<16xi32>
      %swap3A_671 = arith.constant 2 : i32
      %swap3A_672 = arith.index_cast %swap3A_671 : i32 to index
      %swap3A_673 = arith.index_cast %mul3A_653 : i32 to index
      %swap3A_674 = tpu.vector_load %arg6[%swap3A_672, %swap3A_673] {strides = array<i32>} : memref<8x1296xi32, #tpu.memory_space<vmem>>, vector<1x16xi32>,
      %swap3A_675 = vector.shape_cast %swap3A_674 : vector<1x16xi32> to vector<16xi32>
      %swap3A_676 = vector.shape_cast %and3A_670 : vector<16xi32> to vector<1x16xi32>
      tpu.vector_store %arg6[%swap3A_672, %swap3A_673], %swap3A_676 {strides = array<i32>} : memref<8x1296xi32, #tpu.memory_space<vmem>>, vector<1x16xi32>,
      %mul3A_677 = arith.constant 3 : i32
      %mul3A_678 = arith.muli %scan3A_621, %mul3A_677 : i32
      %add3A_679 = arith.constant 2 : i32
      %add3A_680 = arith.addi %mul3A_678, %add3A_679 : i32
      %mul3A_681 = arith.constant 16 : i32
      %mul3A_682 = arith.muli %add3A_680, %mul3A_681 : i32
      %get3A_683 = arith.constant 2 : i32
      %get3A_684 = arith.index_cast %get3A_683 : i32 to index
      %get3A_685 = arith.index_cast %mul3A_682 : i32 to index
      %get3A_686 = tpu.vector_load %arg6[%get3A_684, %get3A_685] {strides = array<i32>} : memref<8x1296xi32, #tpu.memory_space<vmem>>, vector<1x16xi32>,
      %get3A_687 = vector.shape_cast %get3A_686 : vector<1x16xi32> to vector<16xi32>
      %shift_right_arithmetic3A_688 = arith.constant 16 : i32
      %shift_right_arithmetic3A_689 = vector.broadcast %shift_right_arithmetic3A_688 : i32 to vector<16xi32>
      %shift_right_arithmetic3A_690 = arith.shrsi %get3A_687, %shift_right_arithmetic3A_689 : vector<16xi32>
      %swap3A_691 = arith.constant 2 : i32
      %swap3A_692 = arith.index_cast %swap3A_691 : i32 to index
      %swap3A_693 = arith.index_cast %mul3A_682 : i32 to index
      %swap3A_694 = tpu.vector_load %arg7[%swap3A_692, %swap3A_693] {strides = array<i32>} : memref<8x1296xi32, #tpu.memory_space<vmem>>, vector<1x16xi32>,
      %swap3A_695 = vector.shape_cast %swap3A_694 : vector<1x16xi32> to vector<16xi32>
      %swap3A_696 = vector.shape_cast %shift_right_arithmetic3A_690 : vector<16xi32> to vector<1x16xi32>
      tpu.vector_store %arg7[%swap3A_692, %swap3A_693], %swap3A_696 {strides = array<i32>} : memref<8x1296xi32, #tpu.memory_space<vmem>>, vector<1x16xi32>,
      %and3A_697 = arith.constant 65535 : i32
      %and3A_698 = vector.broadcast %and3A_697 : i32 to vector<16xi32>
      %and3A_699 = arith.andi %get3A_687, %and3A_698 : vector<16xi32>
      %swap3A_700 = arith.constant 2 : i32
      %swap3A_701 = arith.index_cast %swap3A_700 : i32 to index
      %swap3A_702 = arith.index_cast %mul3A_682 : i32 to index
      %swap3A_703 = tpu.vector_load %arg6[%swap3A_701, %swap3A_702] {strides = array<i32>} : memref<8x1296xi32, #tpu.memory_space<vmem>>, vector<1x16xi32>,
      %swap3A_704 = vector.shape_cast %swap3A_703 : vector<1x16xi32> to vector<16xi32>
      %swap3A_705 = vector.shape_cast %and3A_699 : vector<16xi32> to vector<1x16xi32>
      tpu.vector_store %arg6[%swap3A_701, %swap3A_702], %swap3A_705 {strides = array<i32>} : memref<8x1296xi32, #tpu.memory_space<vmem>>, vector<1x16xi32>,
      %scan3A_706 = arith.constant 0 : i32
      scf.yield %scan3A_706 : i32
    }
    %scan3A_159 = arith.constant 27 : i32
    %scan3A_160 = arith.constant 0 : i32
    %scan3A_161 = arith.constant 0 : i32
    %scan3A_162 = arith.constant 27 : i32
    %scan3A_163 = arith.addi %scan3A_161, %scan3A_162 : i32
    %scan3A_164 = arith.constant 1 : i32
    %scan3A_165 = scf.for %scan3A_621 = %scan3A_161 to %scan3A_163 step %scan3A_164 iter_args(%scan3A_622 = %scan3A_160) -> (i32)  : i32 {
      %mul3A_623 = arith.constant 3 : i32
      %mul3A_624 = arith.muli %scan3A_621, %mul3A_623 : i32
      %add3A_625 = arith.constant 0 : i32
      %add3A_626 = arith.addi %mul3A_624, %add3A_625 : i32
      %mul3A_627 = arith.constant 16 : i32
      %mul3A_628 = arith.muli %add3A_626, %mul3A_627 : i32
      %get3A = arith.constant 3 : i32
      %get3A_629 = arith.index_cast %get3A : i32 to index
      %get3A_630 = arith.index_cast %mul3A_628 : i32 to index
      %get3A_631 = tpu.vector_load %arg6[%get3A_629, %get3A_630] {strides = array<i32>} : memref<8x1296xi32, #tpu.memory_space<vmem>>, vector<1x16xi32>,
      %get3A_632 = vector.shape_cast %get3A_631 : vector<1x16xi32> to vector<16xi32>
      %shift_right_arithmetic3A = arith.constant 16 : i32
      %shift_right_arithmetic3A_633 = vector.broadcast %shift_right_arithmetic3A : i32 to vector<16xi32>
      %shift_right_arithmetic3A_634 = arith.shrsi %get3A_632, %shift_right_arithmetic3A_633 : vector<16xi32>
      %swap3A = arith.constant 3 : i32
      %swap3A_635 = arith.index_cast %swap3A : i32 to index
      %swap3A_636 = arith.index_cast %mul3A_628 : i32 to index
      %swap3A_637 = tpu.vector_load %arg7[%swap3A_635, %swap3A_636] {strides = array<i32>} : memref<8x1296xi32, #tpu.memory_space<vmem>>, vector<1x16xi32>,
      %swap3A_638 = vector.shape_cast %swap3A_637 : vector<1x16xi32> to vector<16xi32>
      %swap3A_639 = vector.shape_cast %shift_right_arithmetic3A_634 : vector<16xi32> to vector<1x16xi32>
      tpu.vector_store %arg7[%swap3A_635, %swap3A_636], %swap3A_639 {strides = array<i32>} : memref<8x1296xi32, #tpu.memory_space<vmem>>, vector<1x16xi32>,
      %and3A = arith.constant 65535 : i32
      %and3A_640 = vector.broadcast %and3A : i32 to vector<16xi32>
      %and3A_641 = arith.andi %get3A_632, %and3A_640 : vector<16xi32>
      %swap3A_642 = arith.constant 3 : i32
      %swap3A_643 = arith.index_cast %swap3A_642 : i32 to index
      %swap3A_644 = arith.index_cast %mul3A_628 : i32 to index
      %swap3A_645 = tpu.vector_load %arg6[%swap3A_643, %swap3A_644] {strides = array<i32>} : memref<8x1296xi32, #tpu.memory_space<vmem>>, vector<1x16xi32>,
      %swap3A_646 = vector.shape_cast %swap3A_645 : vector<1x16xi32> to vector<16xi32>
      %swap3A_647 = vector.shape_cast %and3A_641 : vector<16xi32> to vector<1x16xi32>
      tpu.vector_store %arg6[%swap3A_643, %swap3A_644], %swap3A_647 {strides = array<i32>} : memref<8x1296xi32, #tpu.memory_space<vmem>>, vector<1x16xi32>,
      %mul3A_648 = arith.constant 3 : i32
      %mul3A_649 = arith.muli %scan3A_621, %mul3A_648 : i32
      %add3A_650 = arith.constant 1 : i32
      %add3A_651 = arith.addi %mul3A_649, %add3A_650 : i32
      %mul3A_652 = arith.constant 16 : i32
      %mul3A_653 = arith.muli %add3A_651, %mul3A_652 : i32
      %get3A_654 = arith.constant 3 : i32
      %get3A_655 = arith.index_cast %get3A_654 : i32 to index
      %get3A_656 = arith.index_cast %mul3A_653 : i32 to index
      %get3A_657 = tpu.vector_load %arg6[%get3A_655, %get3A_656] {strides = array<i32>} : memref<8x1296xi32, #tpu.memory_space<vmem>>, vector<1x16xi32>,
      %get3A_658 = vector.shape_cast %get3A_657 : vector<1x16xi32> to vector<16xi32>
      %shift_right_arithmetic3A_659 = arith.constant 16 : i32
      %shift_right_arithmetic3A_660 = vector.broadcast %shift_right_arithmetic3A_659 : i32 to vector<16xi32>
      %shift_right_arithmetic3A_661 = arith.shrsi %get3A_658, %shift_right_arithmetic3A_660 : vector<16xi32>
      %swap3A_662 = arith.constant 3 : i32
      %swap3A_663 = arith.index_cast %swap3A_662 : i32 to index
      %swap3A_664 = arith.index_cast %mul3A_653 : i32 to index
      %swap3A_665 = tpu.vector_load %arg7[%swap3A_663, %swap3A_664] {strides = array<i32>} : memref<8x1296xi32, #tpu.memory_space<vmem>>, vector<1x16xi32>,
      %swap3A_666 = vector.shape_cast %swap3A_665 : vector<1x16xi32> to vector<16xi32>
      %swap3A_667 = vector.shape_cast %shift_right_arithmetic3A_661 : vector<16xi32> to vector<1x16xi32>
      tpu.vector_store %arg7[%swap3A_663, %swap3A_664], %swap3A_667 {strides = array<i32>} : memref<8x1296xi32, #tpu.memory_space<vmem>>, vector<1x16xi32>,
      %and3A_668 = arith.constant 65535 : i32
      %and3A_669 = vector.broadcast %and3A_668 : i32 to vector<16xi32>
      %and3A_670 = arith.andi %get3A_658, %and3A_669 : vector<16xi32>
      %swap3A_671 = arith.constant 3 : i32
      %swap3A_672 = arith.index_cast %swap3A_671 : i32 to index
      %swap3A_673 = arith.index_cast %mul3A_653 : i32 to index
      %swap3A_674 = tpu.vector_load %arg6[%swap3A_672, %swap3A_673] {strides = array<i32>} : memref<8x1296xi32, #tpu.memory_space<vmem>>, vector<1x16xi32>,
      %swap3A_675 = vector.shape_cast %swap3A_674 : vector<1x16xi32> to vector<16xi32>
      %swap3A_676 = vector.shape_cast %and3A_670 : vector<16xi32> to vector<1x16xi32>
      tpu.vector_store %arg6[%swap3A_672, %swap3A_673], %swap3A_676 {strides = array<i32>} : memref<8x1296xi32, #tpu.memory_space<vmem>>, vector<1x16xi32>,
      %mul3A_677 = arith.constant 3 : i32
      %mul3A_678 = arith.muli %scan3A_621, %mul3A_677 : i32
      %add3A_679 = arith.constant 2 : i32
      %add3A_680 = arith.addi %mul3A_678, %add3A_679 : i32
      %mul3A_681 = arith.constant 16 : i32
      %mul3A_682 = arith.muli %add3A_680, %mul3A_681 : i32
      %get3A_683 = arith.constant 3 : i32
      %get3A_684 = arith.index_cast %get3A_683 : i32 to index
      %get3A_685 = arith.index_cast %mul3A_682 : i32 to index
      %get3A_686 = tpu.vector_load %arg6[%get3A_684, %get3A_685] {strides = array<i32>} : memref<8x1296xi32, #tpu.memory_space<vmem>>, vector<1x16xi32>,
      %get3A_687 = vector.shape_cast %get3A_686 : vector<1x16xi32> to vector<16xi32>
      %shift_right_arithmetic3A_688 = arith.constant 16 : i32
      %shift_right_arithmetic3A_689 = vector.broadcast %shift_right_arithmetic3A_688 : i32 to vector<16xi32>
      %shift_right_arithmetic3A_690 = arith.shrsi %get3A_687, %shift_right_arithmetic3A_689 : vector<16xi32>
      %swap3A_691 = arith.constant 3 : i32
      %swap3A_692 = arith.index_cast %swap3A_691 : i32 to index
      %swap3A_693 = arith.index_cast %mul3A_682 : i32 to index
      %swap3A_694 = tpu.vector_load %arg7[%swap3A_692, %swap3A_693] {strides = array<i32>} : memref<8x1296xi32, #tpu.memory_space<vmem>>, vector<1x16xi32>,
      %swap3A_695 = vector.shape_cast %swap3A_694 : vector<1x16xi32> to vector<16xi32>
      %swap3A_696 = vector.shape_cast %shift_right_arithmetic3A_690 : vector<16xi32> to vector<1x16xi32>
      tpu.vector_store %arg7[%swap3A_692, %swap3A_693], %swap3A_696 {strides = array<i32>} : memref<8x1296xi32, #tpu.memory_space<vmem>>, vector<1x16xi32>,
      %and3A_697 = arith.constant 65535 : i32
      %and3A_698 = vector.broadcast %and3A_697 : i32 to vector<16xi32>
      %and3A_699 = arith.andi %get3A_687, %and3A_698 : vector<16xi32>
      %swap3A_700 = arith.constant 3 : i32
      %swap3A_701 = arith.index_cast %swap3A_700 : i32 to index
      %swap3A_702 = arith.index_cast %mul3A_682 : i32 to index
      %swap3A_703 = tpu.vector_load %arg6[%swap3A_701, %swap3A_702] {strides = array<i32>} : memref<8x1296xi32, #tpu.memory_space<vmem>>, vector<1x16xi32>,
      %swap3A_704 = vector.shape_cast %swap3A_703 : vector<1x16xi32> to vector<16xi32>
      %swap3A_705 = vector.shape_cast %and3A_699 : vector<16xi32> to vector<1x16xi32>
      tpu.vector_store %arg6[%swap3A_701, %swap3A_702], %swap3A_705 {strides = array<i32>} : memref<8x1296xi32, #tpu.memory_space<vmem>>, vector<1x16xi32>,
      %scan3A_706 = arith.constant 0 : i32
      scf.yield %scan3A_706 : i32
    }
    %scan3A_166 = arith.constant 27 : i32
    %scan3A_167 = arith.constant 0 : i32
    %scan3A_168 = arith.constant 0 : i32
    %scan3A_169 = arith.constant 27 : i32
    %scan3A_170 = arith.addi %scan3A_168, %scan3A_169 : i32
    %scan3A_171 = arith.constant 1 : i32
    %scan3A_172 = scf.for %scan3A_621 = %scan3A_168 to %scan3A_170 step %scan3A_171 iter_args(%scan3A_622 = %scan3A_167) -> (i32)  : i32 {
      %mul3A_623 = arith.constant 3 : i32
      %mul3A_624 = arith.muli %scan3A_621, %mul3A_623 : i32
      %add3A_625 = arith.constant 0 : i32
      %add3A_626 = arith.addi %mul3A_624, %add3A_625 : i32
      %mul3A_627 = arith.constant 16 : i32
      %mul3A_628 = arith.muli %add3A_626, %mul3A_627 : i32
      %get3A = arith.constant 4 : i32
      %get3A_629 = arith.index_cast %get3A : i32 to index
      %get3A_630 = arith.index_cast %mul3A_628 : i32 to index
      %get3A_631 = tpu.vector_load %arg6[%get3A_629, %get3A_630] {strides = array<i32>} : memref<8x1296xi32, #tpu.memory_space<vmem>>, vector<1x16xi32>,
      %get3A_632 = vector.shape_cast %get3A_631 : vector<1x16xi32> to vector<16xi32>
      %shift_right_arithmetic3A = arith.constant 16 : i32
      %shift_right_arithmetic3A_633 = vector.broadcast %shift_right_arithmetic3A : i32 to vector<16xi32>
      %shift_right_arithmetic3A_634 = arith.shrsi %get3A_632, %shift_right_arithmetic3A_633 : vector<16xi32>
      %swap3A = arith.constant 4 : i32
      %swap3A_635 = arith.index_cast %swap3A : i32 to index
      %swap3A_636 = arith.index_cast %mul3A_628 : i32 to index
      %swap3A_637 = tpu.vector_load %arg7[%swap3A_635, %swap3A_636] {strides = array<i32>} : memref<8x1296xi32, #tpu.memory_space<vmem>>, vector<1x16xi32>,
      %swap3A_638 = vector.shape_cast %swap3A_637 : vector<1x16xi32> to vector<16xi32>
      %swap3A_639 = vector.shape_cast %shift_right_arithmetic3A_634 : vector<16xi32> to vector<1x16xi32>
      tpu.vector_store %arg7[%swap3A_635, %swap3A_636], %swap3A_639 {strides = array<i32>} : memref<8x1296xi32, #tpu.memory_space<vmem>>, vector<1x16xi32>,
      %and3A = arith.constant 65535 : i32
      %and3A_640 = vector.broadcast %and3A : i32 to vector<16xi32>
      %and3A_641 = arith.andi %get3A_632, %and3A_640 : vector<16xi32>
      %swap3A_642 = arith.constant 4 : i32
      %swap3A_643 = arith.index_cast %swap3A_642 : i32 to index
      %swap3A_644 = arith.index_cast %mul3A_628 : i32 to index
      %swap3A_645 = tpu.vector_load %arg6[%swap3A_643, %swap3A_644] {strides = array<i32>} : memref<8x1296xi32, #tpu.memory_space<vmem>>, vector<1x16xi32>,
      %swap3A_646 = vector.shape_cast %swap3A_645 : vector<1x16xi32> to vector<16xi32>
      %swap3A_647 = vector.shape_cast %and3A_641 : vector<16xi32> to vector<1x16xi32>
      tpu.vector_store %arg6[%swap3A_643, %swap3A_644], %swap3A_647 {strides = array<i32>} : memref<8x1296xi32, #tpu.memory_space<vmem>>, vector<1x16xi32>,
      %mul3A_648 = arith.constant 3 : i32
      %mul3A_649 = arith.muli %scan3A_621, %mul3A_648 : i32
      %add3A_650 = arith.constant 1 : i32
      %add3A_651 = arith.addi %mul3A_649, %add3A_650 : i32
      %mul3A_652 = arith.constant 16 : i32
      %mul3A_653 = arith.muli %add3A_651, %mul3A_652 : i32
      %get3A_654 = arith.constant 4 : i32
      %get3A_655 = arith.index_cast %get3A_654 : i32 to index
      %get3A_656 = arith.index_cast %mul3A_653 : i32 to index
      %get3A_657 = tpu.vector_load %arg6[%get3A_655, %get3A_656] {strides = array<i32>} : memref<8x1296xi32, #tpu.memory_space<vmem>>, vector<1x16xi32>,
      %get3A_658 = vector.shape_cast %get3A_657 : vector<1x16xi32> to vector<16xi32>
      %shift_right_arithmetic3A_659 = arith.constant 16 : i32
      %shift_right_arithmetic3A_660 = vector.broadcast %shift_right_arithmetic3A_659 : i32 to vector<16xi32>
      %shift_right_arithmetic3A_661 = arith.shrsi %get3A_658, %shift_right_arithmetic3A_660 : vector<16xi32>
      %swap3A_662 = arith.constant 4 : i32
      %swap3A_663 = arith.index_cast %swap3A_662 : i32 to index
      %swap3A_664 = arith.index_cast %mul3A_653 : i32 to index
      %swap3A_665 = tpu.vector_load %arg7[%swap3A_663, %swap3A_664] {strides = array<i32>} : memref<8x1296xi32, #tpu.memory_space<vmem>>, vector<1x16xi32>,
      %swap3A_666 = vector.shape_cast %swap3A_665 : vector<1x16xi32> to vector<16xi32>
      %swap3A_667 = vector.shape_cast %shift_right_arithmetic3A_661 : vector<16xi32> to vector<1x16xi32>
      tpu.vector_store %arg7[%swap3A_663, %swap3A_664], %swap3A_667 {strides = array<i32>} : memref<8x1296xi32, #tpu.memory_space<vmem>>, vector<1x16xi32>,
      %and3A_668 = arith.constant 65535 : i32
      %and3A_669 = vector.broadcast %and3A_668 : i32 to vector<16xi32>
      %and3A_670 = arith.andi %get3A_658, %and3A_669 : vector<16xi32>
      %swap3A_671 = arith.constant 4 : i32
      %swap3A_672 = arith.index_cast %swap3A_671 : i32 to index
      %swap3A_673 = arith.index_cast %mul3A_653 : i32 to index
      %swap3A_674 = tpu.vector_load %arg6[%swap3A_672, %swap3A_673] {strides = array<i32>} : memref<8x1296xi32, #tpu.memory_space<vmem>>, vector<1x16xi32>,
      %swap3A_675 = vector.shape_cast %swap3A_674 : vector<1x16xi32> to vector<16xi32>
      %swap3A_676 = vector.shape_cast %and3A_670 : vector<16xi32> to vector<1x16xi32>
      tpu.vector_store %arg6[%swap3A_672, %swap3A_673], %swap3A_676 {strides = array<i32>} : memref<8x1296xi32, #tpu.memory_space<vmem>>, vector<1x16xi32>,
      %mul3A_677 = arith.constant 3 : i32
      %mul3A_678 = arith.muli %scan3A_621, %mul3A_677 : i32
      %add3A_679 = arith.constant 2 : i32
      %add3A_680 = arith.addi %mul3A_678, %add3A_679 : i32
      %mul3A_681 = arith.constant 16 : i32
      %mul3A_682 = arith.muli %add3A_680, %mul3A_681 : i32
      %get3A_683 = arith.constant 4 : i32
      %get3A_684 = arith.index_cast %get3A_683 : i32 to index
      %get3A_685 = arith.index_cast %mul3A_682 : i32 to index
      %get3A_686 = tpu.vector_load %arg6[%get3A_684, %get3A_685] {strides = array<i32>} : memref<8x1296xi32, #tpu.memory_space<vmem>>, vector<1x16xi32>,
      %get3A_687 = vector.shape_cast %get3A_686 : vector<1x16xi32> to vector<16xi32>
      %shift_right_arithmetic3A_688 = arith.constant 16 : i32
      %shift_right_arithmetic3A_689 = vector.broadcast %shift_right_arithmetic3A_688 : i32 to vector<16xi32>
      %shift_right_arithmetic3A_690 = arith.shrsi %get3A_687, %shift_right_arithmetic3A_689 : vector<16xi32>
      %swap3A_691 = arith.constant 4 : i32
      %swap3A_692 = arith.index_cast %swap3A_691 : i32 to index
      %swap3A_693 = arith.index_cast %mul3A_682 : i32 to index
      %swap3A_694 = tpu.vector_load %arg7[%swap3A_692, %swap3A_693] {strides = array<i32>} : memref<8x1296xi32, #tpu.memory_space<vmem>>, vector<1x16xi32>,
      %swap3A_695 = vector.shape_cast %swap3A_694 : vector<1x16xi32> to vector<16xi32>
      %swap3A_696 = vector.shape_cast %shift_right_arithmetic3A_690 : vector<16xi32> to vector<1x16xi32>
      tpu.vector_store %arg7[%swap3A_692, %swap3A_693], %swap3A_696 {strides = array<i32>} : memref<8x1296xi32, #tpu.memory_space<vmem>>, vector<1x16xi32>,
      %and3A_697 = arith.constant 65535 : i32
      %and3A_698 = vector.broadcast %and3A_697 : i32 to vector<16xi32>
      %and3A_699 = arith.andi %get3A_687, %and3A_698 : vector<16xi32>
      %swap3A_700 = arith.constant 4 : i32
      %swap3A_701 = arith.index_cast %swap3A_700 : i32 to index
      %swap3A_702 = arith.index_cast %mul3A_682 : i32 to index
      %swap3A_703 = tpu.vector_load %arg6[%swap3A_701, %swap3A_702] {strides = array<i32>} : memref<8x1296xi32, #tpu.memory_space<vmem>>, vector<1x16xi32>,
      %swap3A_704 = vector.shape_cast %swap3A_703 : vector<1x16xi32> to vector<16xi32>
      %swap3A_705 = vector.shape_cast %and3A_699 : vector<16xi32> to vector<1x16xi32>
      tpu.vector_store %arg6[%swap3A_701, %swap3A_702], %swap3A_705 {strides = array<i32>} : memref<8x1296xi32, #tpu.memory_space<vmem>>, vector<1x16xi32>,
      %scan3A_706 = arith.constant 0 : i32
      scf.yield %scan3A_706 : i32
    }
    %scan3A_173 = arith.constant 27 : i32
    %scan3A_174 = arith.constant 0 : i32
    %scan3A_175 = arith.constant 0 : i32
    %scan3A_176 = arith.constant 27 : i32
    %scan3A_177 = arith.addi %scan3A_175, %scan3A_176 : i32
    %scan3A_178 = arith.constant 1 : i32
    %scan3A_179 = scf.for %scan3A_621 = %scan3A_175 to %scan3A_177 step %scan3A_178 iter_args(%scan3A_622 = %scan3A_174) -> (i32)  : i32 {
      %mul3A_623 = arith.constant 3 : i32
      %mul3A_624 = arith.muli %scan3A_621, %mul3A_623 : i32
      %add3A_625 = arith.constant 0 : i32
      %add3A_626 = arith.addi %mul3A_624, %add3A_625 : i32
      %mul3A_627 = arith.constant 16 : i32
      %mul3A_628 = arith.muli %add3A_626, %mul3A_627 : i32
      %get3A = arith.constant 5 : i32
      %get3A_629 = arith.index_cast %get3A : i32 to index
      %get3A_630 = arith.index_cast %mul3A_628 : i32 to index
      %get3A_631 = tpu.vector_load %arg6[%get3A_629, %get3A_630] {strides = array<i32>} : memref<8x1296xi32, #tpu.memory_space<vmem>>, vector<1x16xi32>,
      %get3A_632 = vector.shape_cast %get3A_631 : vector<1x16xi32> to vector<16xi32>
      %shift_right_arithmetic3A = arith.constant 16 : i32
      %shift_right_arithmetic3A_633 = vector.broadcast %shift_right_arithmetic3A : i32 to vector<16xi32>
      %shift_right_arithmetic3A_634 = arith.shrsi %get3A_632, %shift_right_arithmetic3A_633 : vector<16xi32>
      %swap3A = arith.constant 5 : i32
      %swap3A_635 = arith.index_cast %swap3A : i32 to index
      %swap3A_636 = arith.index_cast %mul3A_628 : i32 to index
      %swap3A_637 = tpu.vector_load %arg7[%swap3A_635, %swap3A_636] {strides = array<i32>} : memref<8x1296xi32, #tpu.memory_space<vmem>>, vector<1x16xi32>,
      %swap3A_638 = vector.shape_cast %swap3A_637 : vector<1x16xi32> to vector<16xi32>
      %swap3A_639 = vector.shape_cast %shift_right_arithmetic3A_634 : vector<16xi32> to vector<1x16xi32>
      tpu.vector_store %arg7[%swap3A_635, %swap3A_636], %swap3A_639 {strides = array<i32>} : memref<8x1296xi32, #tpu.memory_space<vmem>>, vector<1x16xi32>,
      %and3A = arith.constant 65535 : i32
      %and3A_640 = vector.broadcast %and3A : i32 to vector<16xi32>
      %and3A_641 = arith.andi %get3A_632, %and3A_640 : vector<16xi32>
      %swap3A_642 = arith.constant 5 : i32
      %swap3A_643 = arith.index_cast %swap3A_642 : i32 to index
      %swap3A_644 = arith.index_cast %mul3A_628 : i32 to index
      %swap3A_645 = tpu.vector_load %arg6[%swap3A_643, %swap3A_644] {strides = array<i32>} : memref<8x1296xi32, #tpu.memory_space<vmem>>, vector<1x16xi32>,
      %swap3A_646 = vector.shape_cast %swap3A_645 : vector<1x16xi32> to vector<16xi32>
      %swap3A_647 = vector.shape_cast %and3A_641 : vector<16xi32> to vector<1x16xi32>
      tpu.vector_store %arg6[%swap3A_643, %swap3A_644], %swap3A_647 {strides = array<i32>} : memref<8x1296xi32, #tpu.memory_space<vmem>>, vector<1x16xi32>,
      %mul3A_648 = arith.constant 3 : i32
      %mul3A_649 = arith.muli %scan3A_621, %mul3A_648 : i32
      %add3A_650 = arith.constant 1 : i32
      %add3A_651 = arith.addi %mul3A_649, %add3A_650 : i32
      %mul3A_652 = arith.constant 16 : i32
      %mul3A_653 = arith.muli %add3A_651, %mul3A_652 : i32
      %get3A_654 = arith.constant 5 : i32
      %get3A_655 = arith.index_cast %get3A_654 : i32 to index
      %get3A_656 = arith.index_cast %mul3A_653 : i32 to index
      %get3A_657 = tpu.vector_load %arg6[%get3A_655, %get3A_656] {strides = array<i32>} : memref<8x1296xi32, #tpu.memory_space<vmem>>, vector<1x16xi32>,
      %get3A_658 = vector.shape_cast %get3A_657 : vector<1x16xi32> to vector<16xi32>
      %shift_right_arithmetic3A_659 = arith.constant 16 : i32
      %shift_right_arithmetic3A_660 = vector.broadcast %shift_right_arithmetic3A_659 : i32 to vector<16xi32>
      %shift_right_arithmetic3A_661 = arith.shrsi %get3A_658, %shift_right_arithmetic3A_660 : vector<16xi32>
      %swap3A_662 = arith.constant 5 : i32
      %swap3A_663 = arith.index_cast %swap3A_662 : i32 to index
      %swap3A_664 = arith.index_cast %mul3A_653 : i32 to index
      %swap3A_665 = tpu.vector_load %arg7[%swap3A_663, %swap3A_664] {strides = array<i32>} : memref<8x1296xi32, #tpu.memory_space<vmem>>, vector<1x16xi32>,
      %swap3A_666 = vector.shape_cast %swap3A_665 : vector<1x16xi32> to vector<16xi32>
      %swap3A_667 = vector.shape_cast %shift_right_arithmetic3A_661 : vector<16xi32> to vector<1x16xi32>
      tpu.vector_store %arg7[%swap3A_663, %swap3A_664], %swap3A_667 {strides = array<i32>} : memref<8x1296xi32, #tpu.memory_space<vmem>>, vector<1x16xi32>,
      %and3A_668 = arith.constant 65535 : i32
      %and3A_669 = vector.broadcast %and3A_668 : i32 to vector<16xi32>
      %and3A_670 = arith.andi %get3A_658, %and3A_669 : vector<16xi32>
      %swap3A_671 = arith.constant 5 : i32
      %swap3A_672 = arith.index_cast %swap3A_671 : i32 to index
      %swap3A_673 = arith.index_cast %mul3A_653 : i32 to index
      %swap3A_674 = tpu.vector_load %arg6[%swap3A_672, %swap3A_673] {strides = array<i32>} : memref<8x1296xi32, #tpu.memory_space<vmem>>, vector<1x16xi32>,
      %swap3A_675 = vector.shape_cast %swap3A_674 : vector<1x16xi32> to vector<16xi32>
      %swap3A_676 = vector.shape_cast %and3A_670 : vector<16xi32> to vector<1x16xi32>
      tpu.vector_store %arg6[%swap3A_672, %swap3A_673], %swap3A_676 {strides = array<i32>} : memref<8x1296xi32, #tpu.memory_space<vmem>>, vector<1x16xi32>,
      %mul3A_677 = arith.constant 3 : i32
      %mul3A_678 = arith.muli %scan3A_621, %mul3A_677 : i32
      %add3A_679 = arith.constant 2 : i32
      %add3A_680 = arith.addi %mul3A_678, %add3A_679 : i32
      %mul3A_681 = arith.constant 16 : i32
      %mul3A_682 = arith.muli %add3A_680, %mul3A_681 : i32
      %get3A_683 = arith.constant 5 : i32
      %get3A_684 = arith.index_cast %get3A_683 : i32 to index
      %get3A_685 = arith.index_cast %mul3A_682 : i32 to index
      %get3A_686 = tpu.vector_load %arg6[%get3A_684, %get3A_685] {strides = array<i32>} : memref<8x1296xi32, #tpu.memory_space<vmem>>, vector<1x16xi32>,
      %get3A_687 = vector.shape_cast %get3A_686 : vector<1x16xi32> to vector<16xi32>
      %shift_right_arithmetic3A_688 = arith.constant 16 : i32
      %shift_right_arithmetic3A_689 = vector.broadcast %shift_right_arithmetic3A_688 : i32 to vector<16xi32>
      %shift_right_arithmetic3A_690 = arith.shrsi %get3A_687, %shift_right_arithmetic3A_689 : vector<16xi32>
      %swap3A_691 = arith.constant 5 : i32
      %swap3A_692 = arith.index_cast %swap3A_691 : i32 to index
      %swap3A_693 = arith.index_cast %mul3A_682 : i32 to index
      %swap3A_694 = tpu.vector_load %arg7[%swap3A_692, %swap3A_693] {strides = array<i32>} : memref<8x1296xi32, #tpu.memory_space<vmem>>, vector<1x16xi32>,
      %swap3A_695 = vector.shape_cast %swap3A_694 : vector<1x16xi32> to vector<16xi32>
      %swap3A_696 = vector.shape_cast %shift_right_arithmetic3A_690 : vector<16xi32> to vector<1x16xi32>
      tpu.vector_store %arg7[%swap3A_692, %swap3A_693], %swap3A_696 {strides = array<i32>} : memref<8x1296xi32, #tpu.memory_space<vmem>>, vector<1x16xi32>,
      %and3A_697 = arith.constant 65535 : i32
      %and3A_698 = vector.broadcast %and3A_697 : i32 to vector<16xi32>
      %and3A_699 = arith.andi %get3A_687, %and3A_698 : vector<16xi32>
      %swap3A_700 = arith.constant 5 : i32
      %swap3A_701 = arith.index_cast %swap3A_700 : i32 to index
      %swap3A_702 = arith.index_cast %mul3A_682 : i32 to index
      %swap3A_703 = tpu.vector_load %arg6[%swap3A_701, %swap3A_702] {strides = array<i32>} : memref<8x1296xi32, #tpu.memory_space<vmem>>, vector<1x16xi32>,
      %swap3A_704 = vector.shape_cast %swap3A_703 : vector<1x16xi32> to vector<16xi32>
      %swap3A_705 = vector.shape_cast %and3A_699 : vector<16xi32> to vector<1x16xi32>
      tpu.vector_store %arg6[%swap3A_701, %swap3A_702], %swap3A_705 {strides = array<i32>} : memref<8x1296xi32, #tpu.memory_space<vmem>>, vector<1x16xi32>,
      %scan3A_706 = arith.constant 0 : i32
      scf.yield %scan3A_706 : i32
    }
    %scan3A_180 = arith.constant 27 : i32
    %scan3A_181 = arith.constant 0 : i32
    %scan3A_182 = arith.constant 0 : i32
    %scan3A_183 = arith.constant 27 : i32
    %scan3A_184 = arith.addi %scan3A_182, %scan3A_183 : i32
    %scan3A_185 = arith.constant 1 : i32
    %scan3A_186 = scf.for %scan3A_621 = %scan3A_182 to %scan3A_184 step %scan3A_185 iter_args(%scan3A_622 = %scan3A_181) -> (i32)  : i32 {
      %mul3A_623 = arith.constant 3 : i32
      %mul3A_624 = arith.muli %scan3A_621, %mul3A_623 : i32
      %add3A_625 = arith.constant 0 : i32
      %add3A_626 = arith.addi %mul3A_624, %add3A_625 : i32
      %mul3A_627 = arith.constant 16 : i32
      %mul3A_628 = arith.muli %add3A_626, %mul3A_627 : i32
      %get3A = arith.constant 6 : i32
      %get3A_629 = arith.index_cast %get3A : i32 to index
      %get3A_630 = arith.index_cast %mul3A_628 : i32 to index
      %get3A_631 = tpu.vector_load %arg6[%get3A_629, %get3A_630] {strides = array<i32>} : memref<8x1296xi32, #tpu.memory_space<vmem>>, vector<1x16xi32>,
      %get3A_632 = vector.shape_cast %get3A_631 : vector<1x16xi32> to vector<16xi32>
      %shift_right_arithmetic3A = arith.constant 16 : i32
      %shift_right_arithmetic3A_633 = vector.broadcast %shift_right_arithmetic3A : i32 to vector<16xi32>
      %shift_right_arithmetic3A_634 = arith.shrsi %get3A_632, %shift_right_arithmetic3A_633 : vector<16xi32>
      %swap3A = arith.constant 6 : i32
      %swap3A_635 = arith.index_cast %swap3A : i32 to index
      %swap3A_636 = arith.index_cast %mul3A_628 : i32 to index
      %swap3A_637 = tpu.vector_load %arg7[%swap3A_635, %swap3A_636] {strides = array<i32>} : memref<8x1296xi32, #tpu.memory_space<vmem>>, vector<1x16xi32>,
      %swap3A_638 = vector.shape_cast %swap3A_637 : vector<1x16xi32> to vector<16xi32>
      %swap3A_639 = vector.shape_cast %shift_right_arithmetic3A_634 : vector<16xi32> to vector<1x16xi32>
      tpu.vector_store %arg7[%swap3A_635, %swap3A_636], %swap3A_639 {strides = array<i32>} : memref<8x1296xi32, #tpu.memory_space<vmem>>, vector<1x16xi32>,
      %and3A = arith.constant 65535 : i32
      %and3A_640 = vector.broadcast %and3A : i32 to vector<16xi32>
      %and3A_641 = arith.andi %get3A_632, %and3A_640 : vector<16xi32>
      %swap3A_642 = arith.constant 6 : i32
      %swap3A_643 = arith.index_cast %swap3A_642 : i32 to index
      %swap3A_644 = arith.index_cast %mul3A_628 : i32 to index
      %swap3A_645 = tpu.vector_load %arg6[%swap3A_643, %swap3A_644] {strides = array<i32>} : memref<8x1296xi32, #tpu.memory_space<vmem>>, vector<1x16xi32>,
      %swap3A_646 = vector.shape_cast %swap3A_645 : vector<1x16xi32> to vector<16xi32>
      %swap3A_647 = vector.shape_cast %and3A_641 : vector<16xi32> to vector<1x16xi32>
      tpu.vector_store %arg6[%swap3A_643, %swap3A_644], %swap3A_647 {strides = array<i32>} : memref<8x1296xi32, #tpu.memory_space<vmem>>, vector<1x16xi32>,
      %mul3A_648 = arith.constant 3 : i32
      %mul3A_649 = arith.muli %scan3A_621, %mul3A_648 : i32
      %add3A_650 = arith.constant 1 : i32
      %add3A_651 = arith.addi %mul3A_649, %add3A_650 : i32
      %mul3A_652 = arith.constant 16 : i32
      %mul3A_653 = arith.muli %add3A_651, %mul3A_652 : i32
      %get3A_654 = arith.constant 6 : i32
      %get3A_655 = arith.index_cast %get3A_654 : i32 to index
      %get3A_656 = arith.index_cast %mul3A_653 : i32 to index
      %get3A_657 = tpu.vector_load %arg6[%get3A_655, %get3A_656] {strides = array<i32>} : memref<8x1296xi32, #tpu.memory_space<vmem>>, vector<1x16xi32>,
      %get3A_658 = vector.shape_cast %get3A_657 : vector<1x16xi32> to vector<16xi32>
      %shift_right_arithmetic3A_659 = arith.constant 16 : i32
      %shift_right_arithmetic3A_660 = vector.broadcast %shift_right_arithmetic3A_659 : i32 to vector<16xi32>
      %shift_right_arithmetic3A_661 = arith.shrsi %get3A_658, %shift_right_arithmetic3A_660 : vector<16xi32>
      %swap3A_662 = arith.constant 6 : i32
      %swap3A_663 = arith.index_cast %swap3A_662 : i32 to index
      %swap3A_664 = arith.index_cast %mul3A_653 : i32 to index
      %swap3A_665 = tpu.vector_load %arg7[%swap3A_663, %swap3A_664] {strides = array<i32>} : memref<8x1296xi32, #tpu.memory_space<vmem>>, vector<1x16xi32>,
      %swap3A_666 = vector.shape_cast %swap3A_665 : vector<1x16xi32> to vector<16xi32>
      %swap3A_667 = vector.shape_cast %shift_right_arithmetic3A_661 : vector<16xi32> to vector<1x16xi32>
      tpu.vector_store %arg7[%swap3A_663, %swap3A_664], %swap3A_667 {strides = array<i32>} : memref<8x1296xi32, #tpu.memory_space<vmem>>, vector<1x16xi32>,
      %and3A_668 = arith.constant 65535 : i32
      %and3A_669 = vector.broadcast %and3A_668 : i32 to vector<16xi32>
      %and3A_670 = arith.andi %get3A_658, %and3A_669 : vector<16xi32>
      %swap3A_671 = arith.constant 6 : i32
      %swap3A_672 = arith.index_cast %swap3A_671 : i32 to index
      %swap3A_673 = arith.index_cast %mul3A_653 : i32 to index
      %swap3A_674 = tpu.vector_load %arg6[%swap3A_672, %swap3A_673] {strides = array<i32>} : memref<8x1296xi32, #tpu.memory_space<vmem>>, vector<1x16xi32>,
      %swap3A_675 = vector.shape_cast %swap3A_674 : vector<1x16xi32> to vector<16xi32>
      %swap3A_676 = vector.shape_cast %and3A_670 : vector<16xi32> to vector<1x16xi32>
      tpu.vector_store %arg6[%swap3A_672, %swap3A_673], %swap3A_676 {strides = array<i32>} : memref<8x1296xi32, #tpu.memory_space<vmem>>, vector<1x16xi32>,
      %mul3A_677 = arith.constant 3 : i32
      %mul3A_678 = arith.muli %scan3A_621, %mul3A_677 : i32
      %add3A_679 = arith.constant 2 : i32
      %add3A_680 = arith.addi %mul3A_678, %add3A_679 : i32
      %mul3A_681 = arith.constant 16 : i32
      %mul3A_682 = arith.muli %add3A_680, %mul3A_681 : i32
      %get3A_683 = arith.constant 6 : i32
      %get3A_684 = arith.index_cast %get3A_683 : i32 to index
      %get3A_685 = arith.index_cast %mul3A_682 : i32 to index
      %get3A_686 = tpu.vector_load %arg6[%get3A_684, %get3A_685] {strides = array<i32>} : memref<8x1296xi32, #tpu.memory_space<vmem>>, vector<1x16xi32>,
      %get3A_687 = vector.shape_cast %get3A_686 : vector<1x16xi32> to vector<16xi32>
      %shift_right_arithmetic3A_688 = arith.constant 16 : i32
      %shift_right_arithmetic3A_689 = vector.broadcast %shift_right_arithmetic3A_688 : i32 to vector<16xi32>
      %shift_right_arithmetic3A_690 = arith.shrsi %get3A_687, %shift_right_arithmetic3A_689 : vector<16xi32>
      %swap3A_691 = arith.constant 6 : i32
      %swap3A_692 = arith.index_cast %swap3A_691 : i32 to index
      %swap3A_693 = arith.index_cast %mul3A_682 : i32 to index
      %swap3A_694 = tpu.vector_load %arg7[%swap3A_692, %swap3A_693] {strides = array<i32>} : memref<8x1296xi32, #tpu.memory_space<vmem>>, vector<1x16xi32>,
      %swap3A_695 = vector.shape_cast %swap3A_694 : vector<1x16xi32> to vector<16xi32>
      %swap3A_696 = vector.shape_cast %shift_right_arithmetic3A_690 : vector<16xi32> to vector<1x16xi32>
      tpu.vector_store %arg7[%swap3A_692, %swap3A_693], %swap3A_696 {strides = array<i32>} : memref<8x1296xi32, #tpu.memory_space<vmem>>, vector<1x16xi32>,
      %and3A_697 = arith.constant 65535 : i32
      %and3A_698 = vector.broadcast %and3A_697 : i32 to vector<16xi32>
      %and3A_699 = arith.andi %get3A_687, %and3A_698 : vector<16xi32>
      %swap3A_700 = arith.constant 6 : i32
      %swap3A_701 = arith.index_cast %swap3A_700 : i32 to index
      %swap3A_702 = arith.index_cast %mul3A_682 : i32 to index
      %swap3A_703 = tpu.vector_load %arg6[%swap3A_701, %swap3A_702] {strides = array<i32>} : memref<8x1296xi32, #tpu.memory_space<vmem>>, vector<1x16xi32>,
      %swap3A_704 = vector.shape_cast %swap3A_703 : vector<1x16xi32> to vector<16xi32>
      %swap3A_705 = vector.shape_cast %and3A_699 : vector<16xi32> to vector<1x16xi32>
      tpu.vector_store %arg6[%swap3A_701, %swap3A_702], %swap3A_705 {strides = array<i32>} : memref<8x1296xi32, #tpu.memory_space<vmem>>, vector<1x16xi32>,
      %scan3A_706 = arith.constant 0 : i32
      scf.yield %scan3A_706 : i32
    }
    %scan3A_187 = arith.constant 27 : i32
    %scan3A_188 = arith.constant 0 : i32
    %scan3A_189 = arith.constant 0 : i32
    %scan3A_190 = arith.constant 27 : i32
    %scan3A_191 = arith.addi %scan3A_189, %scan3A_190 : i32
    %scan3A_192 = arith.constant 1 : i32
    %scan3A_193 = scf.for %scan3A_621 = %scan3A_189 to %scan3A_191 step %scan3A_192 iter_args(%scan3A_622 = %scan3A_188) -> (i32)  : i32 {
      %mul3A_623 = arith.constant 3 : i32
      %mul3A_624 = arith.muli %scan3A_621, %mul3A_623 : i32
      %add3A_625 = arith.constant 0 : i32
      %add3A_626 = arith.addi %mul3A_624, %add3A_625 : i32
      %mul3A_627 = arith.constant 16 : i32
      %mul3A_628 = arith.muli %add3A_626, %mul3A_627 : i32
      %get3A = arith.constant 7 : i32
      %get3A_629 = arith.index_cast %get3A : i32 to index
      %get3A_630 = arith.index_cast %mul3A_628 : i32 to index
      %get3A_631 = tpu.vector_load %arg6[%get3A_629, %get3A_630] {strides = array<i32>} : memref<8x1296xi32, #tpu.memory_space<vmem>>, vector<1x16xi32>,
      %get3A_632 = vector.shape_cast %get3A_631 : vector<1x16xi32> to vector<16xi32>
      %shift_right_arithmetic3A = arith.constant 16 : i32
      %shift_right_arithmetic3A_633 = vector.broadcast %shift_right_arithmetic3A : i32 to vector<16xi32>
      %shift_right_arithmetic3A_634 = arith.shrsi %get3A_632, %shift_right_arithmetic3A_633 : vector<16xi32>
      %swap3A = arith.constant 7 : i32
      %swap3A_635 = arith.index_cast %swap3A : i32 to index
      %swap3A_636 = arith.index_cast %mul3A_628 : i32 to index
      %swap3A_637 = tpu.vector_load %arg7[%swap3A_635, %swap3A_636] {strides = array<i32>} : memref<8x1296xi32, #tpu.memory_space<vmem>>, vector<1x16xi32>,
      %swap3A_638 = vector.shape_cast %swap3A_637 : vector<1x16xi32> to vector<16xi32>
      %swap3A_639 = vector.shape_cast %shift_right_arithmetic3A_634 : vector<16xi32> to vector<1x16xi32>
      tpu.vector_store %arg7[%swap3A_635, %swap3A_636], %swap3A_639 {strides = array<i32>} : memref<8x1296xi32, #tpu.memory_space<vmem>>, vector<1x16xi32>,
      %and3A = arith.constant 65535 : i32
      %and3A_640 = vector.broadcast %and3A : i32 to vector<16xi32>
      %and3A_641 = arith.andi %get3A_632, %and3A_640 : vector<16xi32>
      %swap3A_642 = arith.constant 7 : i32
      %swap3A_643 = arith.index_cast %swap3A_642 : i32 to index
      %swap3A_644 = arith.index_cast %mul3A_628 : i32 to index
      %swap3A_645 = tpu.vector_load %arg6[%swap3A_643, %swap3A_644] {strides = array<i32>} : memref<8x1296xi32, #tpu.memory_space<vmem>>, vector<1x16xi32>,
      %swap3A_646 = vector.shape_cast %swap3A_645 : vector<1x16xi32> to vector<16xi32>
      %swap3A_647 = vector.shape_cast %and3A_641 : vector<16xi32> to vector<1x16xi32>
      tpu.vector_store %arg6[%swap3A_643, %swap3A_644], %swap3A_647 {strides = array<i32>} : memref<8x1296xi32, #tpu.memory_space<vmem>>, vector<1x16xi32>,
      %mul3A_648 = arith.constant 3 : i32
      %mul3A_649 = arith.muli %scan3A_621, %mul3A_648 : i32
      %add3A_650 = arith.constant 1 : i32
      %add3A_651 = arith.addi %mul3A_649, %add3A_650 : i32
      %mul3A_652 = arith.constant 16 : i32
      %mul3A_653 = arith.muli %add3A_651, %mul3A_652 : i32
      %get3A_654 = arith.constant 7 : i32
      %get3A_655 = arith.index_cast %get3A_654 : i32 to index
      %get3A_656 = arith.index_cast %mul3A_653 : i32 to index
      %get3A_657 = tpu.vector_load %arg6[%get3A_655, %get3A_656] {strides = array<i32>} : memref<8x1296xi32, #tpu.memory_space<vmem>>, vector<1x16xi32>,
      %get3A_658 = vector.shape_cast %get3A_657 : vector<1x16xi32> to vector<16xi32>
      %shift_right_arithmetic3A_659 = arith.constant 16 : i32
      %shift_right_arithmetic3A_660 = vector.broadcast %shift_right_arithmetic3A_659 : i32 to vector<16xi32>
      %shift_right_arithmetic3A_661 = arith.shrsi %get3A_658, %shift_right_arithmetic3A_660 : vector<16xi32>
      %swap3A_662 = arith.constant 7 : i32
      %swap3A_663 = arith.index_cast %swap3A_662 : i32 to index
      %swap3A_664 = arith.index_cast %mul3A_653 : i32 to index
      %swap3A_665 = tpu.vector_load %arg7[%swap3A_663, %swap3A_664] {strides = array<i32>} : memref<8x1296xi32, #tpu.memory_space<vmem>>, vector<1x16xi32>,
      %swap3A_666 = vector.shape_cast %swap3A_665 : vector<1x16xi32> to vector<16xi32>
      %swap3A_667 = vector.shape_cast %shift_right_arithmetic3A_661 : vector<16xi32> to vector<1x16xi32>
      tpu.vector_store %arg7[%swap3A_663, %swap3A_664], %swap3A_667 {strides = array<i32>} : memref<8x1296xi32, #tpu.memory_space<vmem>>, vector<1x16xi32>,
      %and3A_668 = arith.constant 65535 : i32
      %and3A_669 = vector.broadcast %and3A_668 : i32 to vector<16xi32>
      %and3A_670 = arith.andi %get3A_658, %and3A_669 : vector<16xi32>
      %swap3A_671 = arith.constant 7 : i32
      %swap3A_672 = arith.index_cast %swap3A_671 : i32 to index
      %swap3A_673 = arith.index_cast %mul3A_653 : i32 to index
      %swap3A_674 = tpu.vector_load %arg6[%swap3A_672, %swap3A_673] {strides = array<i32>} : memref<8x1296xi32, #tpu.memory_space<vmem>>, vector<1x16xi32>,
      %swap3A_675 = vector.shape_cast %swap3A_674 : vector<1x16xi32> to vector<16xi32>
      %swap3A_676 = vector.shape_cast %and3A_670 : vector<16xi32> to vector<1x16xi32>
      tpu.vector_store %arg6[%swap3A_672, %swap3A_673], %swap3A_676 {strides = array<i32>} : memref<8x1296xi32, #tpu.memory_space<vmem>>, vector<1x16xi32>,
      %mul3A_677 = arith.constant 3 : i32
      %mul3A_678 = arith.muli %scan3A_621, %mul3A_677 : i32
      %add3A_679 = arith.constant 2 : i32
      %add3A_680 = arith.addi %mul3A_678, %add3A_679 : i32
      %mul3A_681 = arith.constant 16 : i32
      %mul3A_682 = arith.muli %add3A_680, %mul3A_681 : i32
      %get3A_683 = arith.constant 7 : i32
      %get3A_684 = arith.index_cast %get3A_683 : i32 to index
      %get3A_685 = arith.index_cast %mul3A_682 : i32 to index
      %get3A_686 = tpu.vector_load %arg6[%get3A_684, %get3A_685] {strides = array<i32>} : memref<8x1296xi32, #tpu.memory_space<vmem>>, vector<1x16xi32>,
      %get3A_687 = vector.shape_cast %get3A_686 : vector<1x16xi32> to vector<16xi32>
      %shift_right_arithmetic3A_688 = arith.constant 16 : i32
      %shift_right_arithmetic3A_689 = vector.broadcast %shift_right_arithmetic3A_688 : i32 to vector<16xi32>
      %shift_right_arithmetic3A_690 = arith.shrsi %get3A_687, %shift_right_arithmetic3A_689 : vector<16xi32>
      %swap3A_691 = arith.constant 7 : i32
      %swap3A_692 = arith.index_cast %swap3A_691 : i32 to index
      %swap3A_693 = arith.index_cast %mul3A_682 : i32 to index
      %swap3A_694 = tpu.vector_load %arg7[%swap3A_692, %swap3A_693] {strides = array<i32>} : memref<8x1296xi32, #tpu.memory_space<vmem>>, vector<1x16xi32>,
      %swap3A_695 = vector.shape_cast %swap3A_694 : vector<1x16xi32> to vector<16xi32>
      %swap3A_696 = vector.shape_cast %shift_right_arithmetic3A_690 : vector<16xi32> to vector<1x16xi32>
      tpu.vector_store %arg7[%swap3A_692, %swap3A_693], %swap3A_696 {strides = array<i32>} : memref<8x1296xi32, #tpu.memory_space<vmem>>, vector<1x16xi32>,
      %and3A_697 = arith.constant 65535 : i32
      %and3A_698 = vector.broadcast %and3A_697 : i32 to vector<16xi32>
      %and3A_699 = arith.andi %get3A_687, %and3A_698 : vector<16xi32>
      %swap3A_700 = arith.constant 7 : i32
      %swap3A_701 = arith.index_cast %swap3A_700 : i32 to index
      %swap3A_702 = arith.index_cast %mul3A_682 : i32 to index
      %swap3A_703 = tpu.vector_load %arg6[%swap3A_701, %swap3A_702] {strides = array<i32>} : memref<8x1296xi32, #tpu.memory_space<vmem>>, vector<1x16xi32>,
      %swap3A_704 = vector.shape_cast %swap3A_703 : vector<1x16xi32> to vector<16xi32>
      %swap3A_705 = vector.shape_cast %and3A_699 : vector<16xi32> to vector<1x16xi32>
      tpu.vector_store %arg6[%swap3A_701, %swap3A_702], %swap3A_705 {strides = array<i32>} : memref<8x1296xi32, #tpu.memory_space<vmem>>, vector<1x16xi32>,
      %scan3A_706 = arith.constant 0 : i32
      scf.yield %scan3A_706 : i32
    }
    %scan3A_194 = arith.constant 27 : i32
    %barrier3A = arith.constant 0 : index
    tpu.barrier barrier_id(%barrier3A)
    %dma_start3A = arith.constant 0 : i32
    %dma_start3A_195 = arith.constant 0 : i32
    %dma_start3A_196 = tpu.memref_slice %arg8[%dma_start3A, %dma_start3A_195] : memref<16x1296xi32, #tpu.memory_space<vmem>> -> memref<1x1296xi32, #tpu.memory_space<vmem>>
    %dma_start3A_197 = tpu.memref_squeeze %dma_start3A_196 : memref<1x1296xi32, #tpu.memory_space<vmem>> -> memref<1296xi32, #tpu.memory_space<vmem>>
    %dma_start3A_198 = arith.constant 0 : i32
    %dma_start3A_199 = tpu.memref_slice %arg20[%dma_start3A_198] : memref<10240xf32, #tpu.memory_space<vmem_shared>> -> memref<10240xf32, #tpu.memory_space<vmem_shared>>
    tpu.enqueue_indirect_dma source(%arg9 : memref<1296xf32, #tpu.memory_space<vmem>>) target(%dma_start3A_199 : memref<10240xf32, #tpu.memory_space<vmem_shared>>) offsets(%dma_start3A_197 : memref<1296xi32, #tpu.memory_space<vmem>>) semaphore(%arg19 : memref<!tpu.dma_semaphore, #tpu.memory_space<semaphore_mem>>) {add = true}
    %dma_start3A_200 = arith.constant 1 : i32
    %dma_start3A_201 = arith.constant 0 : i32
    %dma_start3A_202 = tpu.memref_slice %arg8[%dma_start3A_200, %dma_start3A_201] : memref<16x1296xi32, #tpu.memory_space<vmem>> -> memref<1x1296xi32, #tpu.memory_space<vmem>>
    %dma_start3A_203 = tpu.memref_squeeze %dma_start3A_202 : memref<1x1296xi32, #tpu.memory_space<vmem>> -> memref<1296xi32, #tpu.memory_space<vmem>>
    %dma_start3A_204 = arith.constant 0 : i32
    %dma_start3A_205 = tpu.memref_slice %arg20[%dma_start3A_204] : memref<10240xf32, #tpu.memory_space<vmem_shared>> -> memref<10240xf32, #tpu.memory_space<vmem_shared>>
    tpu.enqueue_indirect_dma source(%arg9 : memref<1296xf32, #tpu.memory_space<vmem>>) target(%dma_start3A_205 : memref<10240xf32, #tpu.memory_space<vmem_shared>>) offsets(%dma_start3A_203 : memref<1296xi32, #tpu.memory_space<vmem>>) semaphore(%arg19 : memref<!tpu.dma_semaphore, #tpu.memory_space<semaphore_mem>>) {add = true}
    %dma_start3A_206 = arith.constant 2 : i32
    %dma_start3A_207 = arith.constant 0 : i32
    %dma_start3A_208 = tpu.memref_slice %arg8[%dma_start3A_206, %dma_start3A_207] : memref<16x1296xi32, #tpu.memory_space<vmem>> -> memref<1x1296xi32, #tpu.memory_space<vmem>>
    %dma_start3A_209 = tpu.memref_squeeze %dma_start3A_208 : memref<1x1296xi32, #tpu.memory_space<vmem>> -> memref<1296xi32, #tpu.memory_space<vmem>>
    %dma_start3A_210 = arith.constant 0 : i32
    %dma_start3A_211 = tpu.memref_slice %arg20[%dma_start3A_210] : memref<10240xf32, #tpu.memory_space<vmem_shared>> -> memref<10240xf32, #tpu.memory_space<vmem_shared>>
    tpu.enqueue_indirect_dma source(%arg9 : memref<1296xf32, #tpu.memory_space<vmem>>) target(%dma_start3A_211 : memref<10240xf32, #tpu.memory_space<vmem_shared>>) offsets(%dma_start3A_209 : memref<1296xi32, #tpu.memory_space<vmem>>) semaphore(%arg19 : memref<!tpu.dma_semaphore, #tpu.memory_space<semaphore_mem>>) {add = true}
    %dma_start3A_212 = arith.constant 3 : i32
    %dma_start3A_213 = arith.constant 0 : i32
    %dma_start3A_214 = tpu.memref_slice %arg8[%dma_start3A_212, %dma_start3A_213] : memref<16x1296xi32, #tpu.memory_space<vmem>> -> memref<1x1296xi32, #tpu.memory_space<vmem>>
    %dma_start3A_215 = tpu.memref_squeeze %dma_start3A_214 : memref<1x1296xi32, #tpu.memory_space<vmem>> -> memref<1296xi32, #tpu.memory_space<vmem>>
    %dma_start3A_216 = arith.constant 0 : i32
    %dma_start3A_217 = tpu.memref_slice %arg20[%dma_start3A_216] : memref<10240xf32, #tpu.memory_space<vmem_shared>> -> memref<10240xf32, #tpu.memory_space<vmem_shared>>
    tpu.enqueue_indirect_dma source(%arg9 : memref<1296xf32, #tpu.memory_space<vmem>>) target(%dma_start3A_217 : memref<10240xf32, #tpu.memory_space<vmem_shared>>) offsets(%dma_start3A_215 : memref<1296xi32, #tpu.memory_space<vmem>>) semaphore(%arg19 : memref<!tpu.dma_semaphore, #tpu.memory_space<semaphore_mem>>) {add = true}
    %dma_start3A_218 = arith.constant 4 : i32
    %dma_start3A_219 = arith.constant 0 : i32
    %dma_start3A_220 = tpu.memref_slice %arg8[%dma_start3A_218, %dma_start3A_219] : memref<16x1296xi32, #tpu.memory_space<vmem>> -> memref<1x1296xi32, #tpu.memory_space<vmem>>
    %dma_start3A_221 = tpu.memref_squeeze %dma_start3A_220 : memref<1x1296xi32, #tpu.memory_space<vmem>> -> memref<1296xi32, #tpu.memory_space<vmem>>
    %dma_start3A_222 = arith.constant 0 : i32
    %dma_start3A_223 = tpu.memref_slice %arg20[%dma_start3A_222] : memref<10240xf32, #tpu.memory_space<vmem_shared>> -> memref<10240xf32, #tpu.memory_space<vmem_shared>>
    tpu.enqueue_indirect_dma source(%arg9 : memref<1296xf32, #tpu.memory_space<vmem>>) target(%dma_start3A_223 : memref<10240xf32, #tpu.memory_space<vmem_shared>>) offsets(%dma_start3A_221 : memref<1296xi32, #tpu.memory_space<vmem>>) semaphore(%arg19 : memref<!tpu.dma_semaphore, #tpu.memory_space<semaphore_mem>>) {add = true}
    %dma_start3A_224 = arith.constant 5 : i32
    %dma_start3A_225 = arith.constant 0 : i32
    %dma_start3A_226 = tpu.memref_slice %arg8[%dma_start3A_224, %dma_start3A_225] : memref<16x1296xi32, #tpu.memory_space<vmem>> -> memref<1x1296xi32, #tpu.memory_space<vmem>>
    %dma_start3A_227 = tpu.memref_squeeze %dma_start3A_226 : memref<1x1296xi32, #tpu.memory_space<vmem>> -> memref<1296xi32, #tpu.memory_space<vmem>>
    %dma_start3A_228 = arith.constant 0 : i32
    %dma_start3A_229 = tpu.memref_slice %arg20[%dma_start3A_228] : memref<10240xf32, #tpu.memory_space<vmem_shared>> -> memref<10240xf32, #tpu.memory_space<vmem_shared>>
    tpu.enqueue_indirect_dma source(%arg9 : memref<1296xf32, #tpu.memory_space<vmem>>) target(%dma_start3A_229 : memref<10240xf32, #tpu.memory_space<vmem_shared>>) offsets(%dma_start3A_227 : memref<1296xi32, #tpu.memory_space<vmem>>) semaphore(%arg19 : memref<!tpu.dma_semaphore, #tpu.memory_space<semaphore_mem>>) {add = true}
    %dma_start3A_230 = arith.constant 6 : i32
    %dma_start3A_231 = arith.constant 0 : i32
    %dma_start3A_232 = tpu.memref_slice %arg8[%dma_start3A_230, %dma_start3A_231] : memref<16x1296xi32, #tpu.memory_space<vmem>> -> memref<1x1296xi32, #tpu.memory_space<vmem>>
    %dma_start3A_233 = tpu.memref_squeeze %dma_start3A_232 : memref<1x1296xi32, #tpu.memory_space<vmem>> -> memref<1296xi32, #tpu.memory_space<vmem>>
    %dma_start3A_234 = arith.constant 0 : i32
    %dma_start3A_235 = tpu.memref_slice %arg20[%dma_start3A_234] : memref<10240xf32, #tpu.memory_space<vmem_shared>> -> memref<10240xf32, #tpu.memory_space<vmem_shared>>
    tpu.enqueue_indirect_dma source(%arg9 : memref<1296xf32, #tpu.memory_space<vmem>>) target(%dma_start3A_235 : memref<10240xf32, #tpu.memory_space<vmem_shared>>) offsets(%dma_start3A_233 : memref<1296xi32, #tpu.memory_space<vmem>>) semaphore(%arg19 : memref<!tpu.dma_semaphore, #tpu.memory_space<semaphore_mem>>) {add = true}
    %dma_start3A_236 = arith.constant 7 : i32
    %dma_start3A_237 = arith.constant 0 : i32
    %dma_start3A_238 = tpu.memref_slice %arg8[%dma_start3A_236, %dma_start3A_237] : memref<16x1296xi32, #tpu.memory_space<vmem>> -> memref<1x1296xi32, #tpu.memory_space<vmem>>
    %dma_start3A_239 = tpu.memref_squeeze %dma_start3A_238 : memref<1x1296xi32, #tpu.memory_space<vmem>> -> memref<1296xi32, #tpu.memory_space<vmem>>
    %dma_start3A_240 = arith.constant 0 : i32
    %dma_start3A_241 = tpu.memref_slice %arg20[%dma_start3A_240] : memref<10240xf32, #tpu.memory_space<vmem_shared>> -> memref<10240xf32, #tpu.memory_space<vmem_shared>>
    tpu.enqueue_indirect_dma source(%arg9 : memref<1296xf32, #tpu.memory_space<vmem>>) target(%dma_start3A_241 : memref<10240xf32, #tpu.memory_space<vmem_shared>>) offsets(%dma_start3A_239 : memref<1296xi32, #tpu.memory_space<vmem>>) semaphore(%arg19 : memref<!tpu.dma_semaphore, #tpu.memory_space<semaphore_mem>>) {add = true}
    %dma_start3A_242 = arith.constant 8 : i32
    %dma_start3A_243 = arith.constant 0 : i32
    %dma_start3A_244 = tpu.memref_slice %arg8[%dma_start3A_242, %dma_start3A_243] : memref<16x1296xi32, #tpu.memory_space<vmem>> -> memref<1x1296xi32, #tpu.memory_space<vmem>>
    %dma_start3A_245 = tpu.memref_squeeze %dma_start3A_244 : memref<1x1296xi32, #tpu.memory_space<vmem>> -> memref<1296xi32, #tpu.memory_space<vmem>>
    %dma_start3A_246 = arith.constant 0 : i32
    %dma_start3A_247 = tpu.memref_slice %arg20[%dma_start3A_246] : memref<10240xf32, #tpu.memory_space<vmem_shared>> -> memref<10240xf32, #tpu.memory_space<vmem_shared>>
    tpu.enqueue_indirect_dma source(%arg9 : memref<1296xf32, #tpu.memory_space<vmem>>) target(%dma_start3A_247 : memref<10240xf32, #tpu.memory_space<vmem_shared>>) offsets(%dma_start3A_245 : memref<1296xi32, #tpu.memory_space<vmem>>) semaphore(%arg19 : memref<!tpu.dma_semaphore, #tpu.memory_space<semaphore_mem>>) {add = true}
    %dma_start3A_248 = arith.constant 9 : i32
    %dma_start3A_249 = arith.constant 0 : i32
    %dma_start3A_250 = tpu.memref_slice %arg8[%dma_start3A_248, %dma_start3A_249] : memref<16x1296xi32, #tpu.memory_space<vmem>> -> memref<1x1296xi32, #tpu.memory_space<vmem>>
    %dma_start3A_251 = tpu.memref_squeeze %dma_start3A_250 : memref<1x1296xi32, #tpu.memory_space<vmem>> -> memref<1296xi32, #tpu.memory_space<vmem>>
    %dma_start3A_252 = arith.constant 0 : i32
    %dma_start3A_253 = tpu.memref_slice %arg20[%dma_start3A_252] : memref<10240xf32, #tpu.memory_space<vmem_shared>> -> memref<10240xf32, #tpu.memory_space<vmem_shared>>
    tpu.enqueue_indirect_dma source(%arg9 : memref<1296xf32, #tpu.memory_space<vmem>>) target(%dma_start3A_253 : memref<10240xf32, #tpu.memory_space<vmem_shared>>) offsets(%dma_start3A_251 : memref<1296xi32, #tpu.memory_space<vmem>>) semaphore(%arg19 : memref<!tpu.dma_semaphore, #tpu.memory_space<semaphore_mem>>) {add = true}
    %dma_start3A_254 = arith.constant 10 : i32
    %dma_start3A_255 = arith.constant 0 : i32
    %dma_start3A_256 = tpu.memref_slice %arg8[%dma_start3A_254, %dma_start3A_255] : memref<16x1296xi32, #tpu.memory_space<vmem>> -> memref<1x1296xi32, #tpu.memory_space<vmem>>
    %dma_start3A_257 = tpu.memref_squeeze %dma_start3A_256 : memref<1x1296xi32, #tpu.memory_space<vmem>> -> memref<1296xi32, #tpu.memory_space<vmem>>
    %dma_start3A_258 = arith.constant 0 : i32
    %dma_start3A_259 = tpu.memref_slice %arg20[%dma_start3A_258] : memref<10240xf32, #tpu.memory_space<vmem_shared>> -> memref<10240xf32, #tpu.memory_space<vmem_shared>>
    tpu.enqueue_indirect_dma source(%arg9 : memref<1296xf32, #tpu.memory_space<vmem>>) target(%dma_start3A_259 : memref<10240xf32, #tpu.memory_space<vmem_shared>>) offsets(%dma_start3A_257 : memref<1296xi32, #tpu.memory_space<vmem>>) semaphore(%arg19 : memref<!tpu.dma_semaphore, #tpu.memory_space<semaphore_mem>>) {add = true}
    %dma_start3A_260 = arith.constant 11 : i32
    %dma_start3A_261 = arith.constant 0 : i32
    %dma_start3A_262 = tpu.memref_slice %arg8[%dma_start3A_260, %dma_start3A_261] : memref<16x1296xi32, #tpu.memory_space<vmem>> -> memref<1x1296xi32, #tpu.memory_space<vmem>>
    %dma_start3A_263 = tpu.memref_squeeze %dma_start3A_262 : memref<1x1296xi32, #tpu.memory_space<vmem>> -> memref<1296xi32, #tpu.memory_space<vmem>>
    %dma_start3A_264 = arith.constant 0 : i32
    %dma_start3A_265 = tpu.memref_slice %arg20[%dma_start3A_264] : memref<10240xf32, #tpu.memory_space<vmem_shared>> -> memref<10240xf32, #tpu.memory_space<vmem_shared>>
    tpu.enqueue_indirect_dma source(%arg9 : memref<1296xf32, #tpu.memory_space<vmem>>) target(%dma_start3A_265 : memref<10240xf32, #tpu.memory_space<vmem_shared>>) offsets(%dma_start3A_263 : memref<1296xi32, #tpu.memory_space<vmem>>) semaphore(%arg19 : memref<!tpu.dma_semaphore, #tpu.memory_space<semaphore_mem>>) {add = true}
    %dma_start3A_266 = arith.constant 12 : i32
    %dma_start3A_267 = arith.constant 0 : i32
    %dma_start3A_268 = tpu.memref_slice %arg8[%dma_start3A_266, %dma_start3A_267] : memref<16x1296xi32, #tpu.memory_space<vmem>> -> memref<1x1296xi32, #tpu.memory_space<vmem>>
    %dma_start3A_269 = tpu.memref_squeeze %dma_start3A_268 : memref<1x1296xi32, #tpu.memory_space<vmem>> -> memref<1296xi32, #tpu.memory_space<vmem>>
    %dma_start3A_270 = arith.constant 0 : i32
    %dma_start3A_271 = tpu.memref_slice %arg20[%dma_start3A_270] : memref<10240xf32, #tpu.memory_space<vmem_shared>> -> memref<10240xf32, #tpu.memory_space<vmem_shared>>
    tpu.enqueue_indirect_dma source(%arg9 : memref<1296xf32, #tpu.memory_space<vmem>>) target(%dma_start3A_271 : memref<10240xf32, #tpu.memory_space<vmem_shared>>) offsets(%dma_start3A_269 : memref<1296xi32, #tpu.memory_space<vmem>>) semaphore(%arg19 : memref<!tpu.dma_semaphore, #tpu.memory_space<semaphore_mem>>) {add = true}
    %dma_start3A_272 = arith.constant 13 : i32
    %dma_start3A_273 = arith.constant 0 : i32
    %dma_start3A_274 = tpu.memref_slice %arg8[%dma_start3A_272, %dma_start3A_273] : memref<16x1296xi32, #tpu.memory_space<vmem>> -> memref<1x1296xi32, #tpu.memory_space<vmem>>
    %dma_start3A_275 = tpu.memref_squeeze %dma_start3A_274 : memref<1x1296xi32, #tpu.memory_space<vmem>> -> memref<1296xi32, #tpu.memory_space<vmem>>
    %dma_start3A_276 = arith.constant 0 : i32
    %dma_start3A_277 = tpu.memref_slice %arg20[%dma_start3A_276] : memref<10240xf32, #tpu.memory_space<vmem_shared>> -> memref<10240xf32, #tpu.memory_space<vmem_shared>>
    tpu.enqueue_indirect_dma source(%arg9 : memref<1296xf32, #tpu.memory_space<vmem>>) target(%dma_start3A_277 : memref<10240xf32, #tpu.memory_space<vmem_shared>>) offsets(%dma_start3A_275 : memref<1296xi32, #tpu.memory_space<vmem>>) semaphore(%arg19 : memref<!tpu.dma_semaphore, #tpu.memory_space<semaphore_mem>>) {add = true}
    %dma_start3A_278 = arith.constant 14 : i32
    %dma_start3A_279 = arith.constant 0 : i32
    %dma_start3A_280 = tpu.memref_slice %arg8[%dma_start3A_278, %dma_start3A_279] : memref<16x1296xi32, #tpu.memory_space<vmem>> -> memref<1x1296xi32, #tpu.memory_space<vmem>>
    %dma_start3A_281 = tpu.memref_squeeze %dma_start3A_280 : memref<1x1296xi32, #tpu.memory_space<vmem>> -> memref<1296xi32, #tpu.memory_space<vmem>>
    %dma_start3A_282 = arith.constant 0 : i32
    %dma_start3A_283 = tpu.memref_slice %arg20[%dma_start3A_282] : memref<10240xf32, #tpu.memory_space<vmem_shared>> -> memref<10240xf32, #tpu.memory_space<vmem_shared>>
    tpu.enqueue_indirect_dma source(%arg9 : memref<1296xf32, #tpu.memory_space<vmem>>) target(%dma_start3A_283 : memref<10240xf32, #tpu.memory_space<vmem_shared>>) offsets(%dma_start3A_281 : memref<1296xi32, #tpu.memory_space<vmem>>) semaphore(%arg19 : memref<!tpu.dma_semaphore, #tpu.memory_space<semaphore_mem>>) {add = true}
    %dma_start3A_284 = arith.constant 15 : i32
    %dma_start3A_285 = arith.constant 0 : i32
    %dma_start3A_286 = tpu.memref_slice %arg8[%dma_start3A_284, %dma_start3A_285] : memref<16x1296xi32, #tpu.memory_space<vmem>> -> memref<1x1296xi32, #tpu.memory_space<vmem>>
    %dma_start3A_287 = tpu.memref_squeeze %dma_start3A_286 : memref<1x1296xi32, #tpu.memory_space<vmem>> -> memref<1296xi32, #tpu.memory_space<vmem>>
    %dma_start3A_288 = arith.constant 0 : i32
    %dma_start3A_289 = tpu.memref_slice %arg20[%dma_start3A_288] : memref<10240xf32, #tpu.memory_space<vmem_shared>> -> memref<10240xf32, #tpu.memory_space<vmem_shared>>
    tpu.enqueue_indirect_dma source(%arg9 : memref<1296xf32, #tpu.memory_space<vmem>>) target(%dma_start3A_289 : memref<10240xf32, #tpu.memory_space<vmem_shared>>) offsets(%dma_start3A_287 : memref<1296xi32, #tpu.memory_space<vmem>>) semaphore(%arg19 : memref<!tpu.dma_semaphore, #tpu.memory_space<semaphore_mem>>) {add = true}
    %dma_wait3A = arith.constant 0 : i32
    %dma_wait3A_290 = arith.constant 0 : i32
    %dma_wait3A_291 = tpu.memref_slice %arg8[%dma_wait3A, %dma_wait3A_290] : memref<16x1296xi32, #tpu.memory_space<vmem>> -> memref<1x1296xi32, #tpu.memory_space<vmem>>
    %dma_wait3A_292 = tpu.memref_squeeze %dma_wait3A_291 : memref<1x1296xi32, #tpu.memory_space<vmem>> -> memref<1296xi32, #tpu.memory_space<vmem>>
    %dma_wait3A_293 = arith.constant 0 : i32
    %dma_wait3A_294 = tpu.memref_slice %arg20[%dma_wait3A_293] : memref<10240xf32, #tpu.memory_space<vmem_shared>> -> memref<10240xf32, #tpu.memory_space<vmem_shared>>
    tpu.wait_indirect_dma semaphore(%arg19 : memref<!tpu.dma_semaphore, #tpu.memory_space<semaphore_mem>>) src(%arg9 : memref<1296xf32, #tpu.memory_space<vmem>>) dst(%dma_wait3A_294 : memref<10240xf32, #tpu.memory_space<vmem_shared>>)
    %dma_wait3A_295 = arith.constant 1 : i32
    %dma_wait3A_296 = arith.constant 0 : i32
    %dma_wait3A_297 = tpu.memref_slice %arg8[%dma_wait3A_295, %dma_wait3A_296] : memref<16x1296xi32, #tpu.memory_space<vmem>> -> memref<1x1296xi32, #tpu.memory_space<vmem>>
    %dma_wait3A_298 = tpu.memref_squeeze %dma_wait3A_297 : memref<1x1296xi32, #tpu.memory_space<vmem>> -> memref<1296xi32, #tpu.memory_space<vmem>>
    %dma_wait3A_299 = arith.constant 0 : i32
    %dma_wait3A_300 = tpu.memref_slice %arg20[%dma_wait3A_299] : memref<10240xf32, #tpu.memory_space<vmem_shared>> -> memref<10240xf32, #tpu.memory_space<vmem_shared>>
    tpu.wait_indirect_dma semaphore(%arg19 : memref<!tpu.dma_semaphore, #tpu.memory_space<semaphore_mem>>) src(%arg9 : memref<1296xf32, #tpu.memory_space<vmem>>) dst(%dma_wait3A_300 : memref<10240xf32, #tpu.memory_space<vmem_shared>>)
    %dma_wait3A_301 = arith.constant 2 : i32
    %dma_wait3A_302 = arith.constant 0 : i32
    %dma_wait3A_303 = tpu.memref_slice %arg8[%dma_wait3A_301, %dma_wait3A_302] : memref<16x1296xi32, #tpu.memory_space<vmem>> -> memref<1x1296xi32, #tpu.memory_space<vmem>>
    %dma_wait3A_304 = tpu.memref_squeeze %dma_wait3A_303 : memref<1x1296xi32, #tpu.memory_space<vmem>> -> memref<1296xi32, #tpu.memory_space<vmem>>
    %dma_wait3A_305 = arith.constant 0 : i32
    %dma_wait3A_306 = tpu.memref_slice %arg20[%dma_wait3A_305] : memref<10240xf32, #tpu.memory_space<vmem_shared>> -> memref<10240xf32, #tpu.memory_space<vmem_shared>>
    tpu.wait_indirect_dma semaphore(%arg19 : memref<!tpu.dma_semaphore, #tpu.memory_space<semaphore_mem>>) src(%arg9 : memref<1296xf32, #tpu.memory_space<vmem>>) dst(%dma_wait3A_306 : memref<10240xf32, #tpu.memory_space<vmem_shared>>)
    %dma_wait3A_307 = arith.constant 3 : i32
    %dma_wait3A_308 = arith.constant 0 : i32
    %dma_wait3A_309 = tpu.memref_slice %arg8[%dma_wait3A_307, %dma_wait3A_308] : memref<16x1296xi32, #tpu.memory_space<vmem>> -> memref<1x1296xi32, #tpu.memory_space<vmem>>
    %dma_wait3A_310 = tpu.memref_squeeze %dma_wait3A_309 : memref<1x1296xi32, #tpu.memory_space<vmem>> -> memref<1296xi32, #tpu.memory_space<vmem>>
    %dma_wait3A_311 = arith.constant 0 : i32
    %dma_wait3A_312 = tpu.memref_slice %arg20[%dma_wait3A_311] : memref<10240xf32, #tpu.memory_space<vmem_shared>> -> memref<10240xf32, #tpu.memory_space<vmem_shared>>
    tpu.wait_indirect_dma semaphore(%arg19 : memref<!tpu.dma_semaphore, #tpu.memory_space<semaphore_mem>>) src(%arg9 : memref<1296xf32, #tpu.memory_space<vmem>>) dst(%dma_wait3A_312 : memref<10240xf32, #tpu.memory_space<vmem_shared>>)
    %dma_wait3A_313 = arith.constant 4 : i32
    %dma_wait3A_314 = arith.constant 0 : i32
    %dma_wait3A_315 = tpu.memref_slice %arg8[%dma_wait3A_313, %dma_wait3A_314] : memref<16x1296xi32, #tpu.memory_space<vmem>> -> memref<1x1296xi32, #tpu.memory_space<vmem>>
    %dma_wait3A_316 = tpu.memref_squeeze %dma_wait3A_315 : memref<1x1296xi32, #tpu.memory_space<vmem>> -> memref<1296xi32, #tpu.memory_space<vmem>>
    %dma_wait3A_317 = arith.constant 0 : i32
    %dma_wait3A_318 = tpu.memref_slice %arg20[%dma_wait3A_317] : memref<10240xf32, #tpu.memory_space<vmem_shared>> -> memref<10240xf32, #tpu.memory_space<vmem_shared>>
    tpu.wait_indirect_dma semaphore(%arg19 : memref<!tpu.dma_semaphore, #tpu.memory_space<semaphore_mem>>) src(%arg9 : memref<1296xf32, #tpu.memory_space<vmem>>) dst(%dma_wait3A_318 : memref<10240xf32, #tpu.memory_space<vmem_shared>>)
    %dma_wait3A_319 = arith.constant 5 : i32
    %dma_wait3A_320 = arith.constant 0 : i32
    %dma_wait3A_321 = tpu.memref_slice %arg8[%dma_wait3A_319, %dma_wait3A_320] : memref<16x1296xi32, #tpu.memory_space<vmem>> -> memref<1x1296xi32, #tpu.memory_space<vmem>>
    %dma_wait3A_322 = tpu.memref_squeeze %dma_wait3A_321 : memref<1x1296xi32, #tpu.memory_space<vmem>> -> memref<1296xi32, #tpu.memory_space<vmem>>
    %dma_wait3A_323 = arith.constant 0 : i32
    %dma_wait3A_324 = tpu.memref_slice %arg20[%dma_wait3A_323] : memref<10240xf32, #tpu.memory_space<vmem_shared>> -> memref<10240xf32, #tpu.memory_space<vmem_shared>>
    tpu.wait_indirect_dma semaphore(%arg19 : memref<!tpu.dma_semaphore, #tpu.memory_space<semaphore_mem>>) src(%arg9 : memref<1296xf32, #tpu.memory_space<vmem>>) dst(%dma_wait3A_324 : memref<10240xf32, #tpu.memory_space<vmem_shared>>)
    %dma_wait3A_325 = arith.constant 6 : i32
    %dma_wait3A_326 = arith.constant 0 : i32
    %dma_wait3A_327 = tpu.memref_slice %arg8[%dma_wait3A_325, %dma_wait3A_326] : memref<16x1296xi32, #tpu.memory_space<vmem>> -> memref<1x1296xi32, #tpu.memory_space<vmem>>
    %dma_wait3A_328 = tpu.memref_squeeze %dma_wait3A_327 : memref<1x1296xi32, #tpu.memory_space<vmem>> -> memref<1296xi32, #tpu.memory_space<vmem>>
    %dma_wait3A_329 = arith.constant 0 : i32
    %dma_wait3A_330 = tpu.memref_slice %arg20[%dma_wait3A_329] : memref<10240xf32, #tpu.memory_space<vmem_shared>> -> memref<10240xf32, #tpu.memory_space<vmem_shared>>
    tpu.wait_indirect_dma semaphore(%arg19 : memref<!tpu.dma_semaphore, #tpu.memory_space<semaphore_mem>>) src(%arg9 : memref<1296xf32, #tpu.memory_space<vmem>>) dst(%dma_wait3A_330 : memref<10240xf32, #tpu.memory_space<vmem_shared>>)
    %dma_wait3A_331 = arith.constant 7 : i32
    %dma_wait3A_332 = arith.constant 0 : i32
    %dma_wait3A_333 = tpu.memref_slice %arg8[%dma_wait3A_331, %dma_wait3A_332] : memref<16x1296xi32, #tpu.memory_space<vmem>> -> memref<1x1296xi32, #tpu.memory_space<vmem>>
    %dma_wait3A_334 = tpu.memref_squeeze %dma_wait3A_333 : memref<1x1296xi32, #tpu.memory_space<vmem>> -> memref<1296xi32, #tpu.memory_space<vmem>>
    %dma_wait3A_335 = arith.constant 0 : i32
    %dma_wait3A_336 = tpu.memref_slice %arg20[%dma_wait3A_335] : memref<10240xf32, #tpu.memory_space<vmem_shared>> -> memref<10240xf32, #tpu.memory_space<vmem_shared>>
    tpu.wait_indirect_dma semaphore(%arg19 : memref<!tpu.dma_semaphore, #tpu.memory_space<semaphore_mem>>) src(%arg9 : memref<1296xf32, #tpu.memory_space<vmem>>) dst(%dma_wait3A_336 : memref<10240xf32, #tpu.memory_space<vmem_shared>>)
    %dma_wait3A_337 = arith.constant 8 : i32
    %dma_wait3A_338 = arith.constant 0 : i32
    %dma_wait3A_339 = tpu.memref_slice %arg8[%dma_wait3A_337, %dma_wait3A_338] : memref<16x1296xi32, #tpu.memory_space<vmem>> -> memref<1x1296xi32, #tpu.memory_space<vmem>>
    %dma_wait3A_340 = tpu.memref_squeeze %dma_wait3A_339 : memref<1x1296xi32, #tpu.memory_space<vmem>> -> memref<1296xi32, #tpu.memory_space<vmem>>
    %dma_wait3A_341 = arith.constant 0 : i32
    %dma_wait3A_342 = tpu.memref_slice %arg20[%dma_wait3A_341] : memref<10240xf32, #tpu.memory_space<vmem_shared>> -> memref<10240xf32, #tpu.memory_space<vmem_shared>>
    tpu.wait_indirect_dma semaphore(%arg19 : memref<!tpu.dma_semaphore, #tpu.memory_space<semaphore_mem>>) src(%arg9 : memref<1296xf32, #tpu.memory_space<vmem>>) dst(%dma_wait3A_342 : memref<10240xf32, #tpu.memory_space<vmem_shared>>)
    %dma_wait3A_343 = arith.constant 9 : i32
    %dma_wait3A_344 = arith.constant 0 : i32
    %dma_wait3A_345 = tpu.memref_slice %arg8[%dma_wait3A_343, %dma_wait3A_344] : memref<16x1296xi32, #tpu.memory_space<vmem>> -> memref<1x1296xi32, #tpu.memory_space<vmem>>
    %dma_wait3A_346 = tpu.memref_squeeze %dma_wait3A_345 : memref<1x1296xi32, #tpu.memory_space<vmem>> -> memref<1296xi32, #tpu.memory_space<vmem>>
    %dma_wait3A_347 = arith.constant 0 : i32
    %dma_wait3A_348 = tpu.memref_slice %arg20[%dma_wait3A_347] : memref<10240xf32, #tpu.memory_space<vmem_shared>> -> memref<10240xf32, #tpu.memory_space<vmem_shared>>
    tpu.wait_indirect_dma semaphore(%arg19 : memref<!tpu.dma_semaphore, #tpu.memory_space<semaphore_mem>>) src(%arg9 : memref<1296xf32, #tpu.memory_space<vmem>>) dst(%dma_wait3A_348 : memref<10240xf32, #tpu.memory_space<vmem_shared>>)
    %dma_wait3A_349 = arith.constant 10 : i32
    %dma_wait3A_350 = arith.constant 0 : i32
    %dma_wait3A_351 = tpu.memref_slice %arg8[%dma_wait3A_349, %dma_wait3A_350] : memref<16x1296xi32, #tpu.memory_space<vmem>> -> memref<1x1296xi32, #tpu.memory_space<vmem>>
    %dma_wait3A_352 = tpu.memref_squeeze %dma_wait3A_351 : memref<1x1296xi32, #tpu.memory_space<vmem>> -> memref<1296xi32, #tpu.memory_space<vmem>>
    %dma_wait3A_353 = arith.constant 0 : i32
    %dma_wait3A_354 = tpu.memref_slice %arg20[%dma_wait3A_353] : memref<10240xf32, #tpu.memory_space<vmem_shared>> -> memref<10240xf32, #tpu.memory_space<vmem_shared>>
    tpu.wait_indirect_dma semaphore(%arg19 : memref<!tpu.dma_semaphore, #tpu.memory_space<semaphore_mem>>) src(%arg9 : memref<1296xf32, #tpu.memory_space<vmem>>) dst(%dma_wait3A_354 : memref<10240xf32, #tpu.memory_space<vmem_shared>>)
    %dma_wait3A_355 = arith.constant 11 : i32
    %dma_wait3A_356 = arith.constant 0 : i32
    %dma_wait3A_357 = tpu.memref_slice %arg8[%dma_wait3A_355, %dma_wait3A_356] : memref<16x1296xi32, #tpu.memory_space<vmem>> -> memref<1x1296xi32, #tpu.memory_space<vmem>>
    %dma_wait3A_358 = tpu.memref_squeeze %dma_wait3A_357 : memref<1x1296xi32, #tpu.memory_space<vmem>> -> memref<1296xi32, #tpu.memory_space<vmem>>
    %dma_wait3A_359 = arith.constant 0 : i32
    %dma_wait3A_360 = tpu.memref_slice %arg20[%dma_wait3A_359] : memref<10240xf32, #tpu.memory_space<vmem_shared>> -> memref<10240xf32, #tpu.memory_space<vmem_shared>>
    tpu.wait_indirect_dma semaphore(%arg19 : memref<!tpu.dma_semaphore, #tpu.memory_space<semaphore_mem>>) src(%arg9 : memref<1296xf32, #tpu.memory_space<vmem>>) dst(%dma_wait3A_360 : memref<10240xf32, #tpu.memory_space<vmem_shared>>)
    %dma_wait3A_361 = arith.constant 12 : i32
    %dma_wait3A_362 = arith.constant 0 : i32
    %dma_wait3A_363 = tpu.memref_slice %arg8[%dma_wait3A_361, %dma_wait3A_362] : memref<16x1296xi32, #tpu.memory_space<vmem>> -> memref<1x1296xi32, #tpu.memory_space<vmem>>
    %dma_wait3A_364 = tpu.memref_squeeze %dma_wait3A_363 : memref<1x1296xi32, #tpu.memory_space<vmem>> -> memref<1296xi32, #tpu.memory_space<vmem>>
    %dma_wait3A_365 = arith.constant 0 : i32
    %dma_wait3A_366 = tpu.memref_slice %arg20[%dma_wait3A_365] : memref<10240xf32, #tpu.memory_space<vmem_shared>> -> memref<10240xf32, #tpu.memory_space<vmem_shared>>
    tpu.wait_indirect_dma semaphore(%arg19 : memref<!tpu.dma_semaphore, #tpu.memory_space<semaphore_mem>>) src(%arg9 : memref<1296xf32, #tpu.memory_space<vmem>>) dst(%dma_wait3A_366 : memref<10240xf32, #tpu.memory_space<vmem_shared>>)
    %dma_wait3A_367 = arith.constant 13 : i32
    %dma_wait3A_368 = arith.constant 0 : i32
    %dma_wait3A_369 = tpu.memref_slice %arg8[%dma_wait3A_367, %dma_wait3A_368] : memref<16x1296xi32, #tpu.memory_space<vmem>> -> memref<1x1296xi32, #tpu.memory_space<vmem>>
    %dma_wait3A_370 = tpu.memref_squeeze %dma_wait3A_369 : memref<1x1296xi32, #tpu.memory_space<vmem>> -> memref<1296xi32, #tpu.memory_space<vmem>>
    %dma_wait3A_371 = arith.constant 0 : i32
    %dma_wait3A_372 = tpu.memref_slice %arg20[%dma_wait3A_371] : memref<10240xf32, #tpu.memory_space<vmem_shared>> -> memref<10240xf32, #tpu.memory_space<vmem_shared>>
    tpu.wait_indirect_dma semaphore(%arg19 : memref<!tpu.dma_semaphore, #tpu.memory_space<semaphore_mem>>) src(%arg9 : memref<1296xf32, #tpu.memory_space<vmem>>) dst(%dma_wait3A_372 : memref<10240xf32, #tpu.memory_space<vmem_shared>>)
    %dma_wait3A_373 = arith.constant 14 : i32
    %dma_wait3A_374 = arith.constant 0 : i32
    %dma_wait3A_375 = tpu.memref_slice %arg8[%dma_wait3A_373, %dma_wait3A_374] : memref<16x1296xi32, #tpu.memory_space<vmem>> -> memref<1x1296xi32, #tpu.memory_space<vmem>>
    %dma_wait3A_376 = tpu.memref_squeeze %dma_wait3A_375 : memref<1x1296xi32, #tpu.memory_space<vmem>> -> memref<1296xi32, #tpu.memory_space<vmem>>
    %dma_wait3A_377 = arith.constant 0 : i32
    %dma_wait3A_378 = tpu.memref_slice %arg20[%dma_wait3A_377] : memref<10240xf32, #tpu.memory_space<vmem_shared>> -> memref<10240xf32, #tpu.memory_space<vmem_shared>>
    tpu.wait_indirect_dma semaphore(%arg19 : memref<!tpu.dma_semaphore, #tpu.memory_space<semaphore_mem>>) src(%arg9 : memref<1296xf32, #tpu.memory_space<vmem>>) dst(%dma_wait3A_378 : memref<10240xf32, #tpu.memory_space<vmem_shared>>)
    %dma_wait3A_379 = arith.constant 15 : i32
    %dma_wait3A_380 = arith.constant 0 : i32
    %dma_wait3A_381 = tpu.memref_slice %arg8[%dma_wait3A_379, %dma_wait3A_380] : memref<16x1296xi32, #tpu.memory_space<vmem>> -> memref<1x1296xi32, #tpu.memory_space<vmem>>
    %dma_wait3A_382 = tpu.memref_squeeze %dma_wait3A_381 : memref<1x1296xi32, #tpu.memory_space<vmem>> -> memref<1296xi32, #tpu.memory_space<vmem>>
    %dma_wait3A_383 = arith.constant 0 : i32
    %dma_wait3A_384 = tpu.memref_slice %arg20[%dma_wait3A_383] : memref<10240xf32, #tpu.memory_space<vmem_shared>> -> memref<10240xf32, #tpu.memory_space<vmem_shared>>
    tpu.wait_indirect_dma semaphore(%arg19 : memref<!tpu.dma_semaphore, #tpu.memory_space<semaphore_mem>>) src(%arg9 : memref<1296xf32, #tpu.memory_space<vmem>>) dst(%dma_wait3A_384 : memref<10240xf32, #tpu.memory_space<vmem_shared>>)
    %barrier3A_385 = arith.constant 0 : index
    tpu.barrier barrier_id(%barrier3A_385)
    "tpu.region"() ({
      %run_scoped3A = tpu.sem_alloc : memref<!tpu.dma_semaphore, #tpu.memory_space<semaphore_mem>>
      %dma_start3A_621 = tpu.memref_slice %arg20[%mul3A_0] : memref<10240xf32, #tpu.memory_space<vmem_shared>> -> memref<640xf32, #tpu.memory_space<vmem_shared>>
      %dma_start3A_622 = tpu.memref_slice %arg20[%mul3A_0] : memref<10240xf32, #tpu.memory_space<vmem_shared>> -> memref<640xf32, #tpu.memory_space<vmem_shared>>
      tpu.enqueue_dma source(%dma_start3A_622 : memref<640xf32, #tpu.memory_space<vmem_shared>>) target(%arg10 : memref<640xf32, #tpu.memory_space<vmem>>) target_semaphore(%run_scoped3A : memref<!tpu.dma_semaphore, #tpu.memory_space<semaphore_mem>>)
      %dma_wait3A_623 = tpu.memref_slice %arg20[%mul3A_0] : memref<10240xf32, #tpu.memory_space<vmem_shared>> -> memref<640xf32, #tpu.memory_space<vmem_shared>>
      %dma_wait3A_624 = tpu.memref_slice %arg20[%mul3A_0] : memref<10240xf32, #tpu.memory_space<vmem_shared>> -> memref<640xf32, #tpu.memory_space<vmem_shared>>
      tpu.wait_dma2 semaphore(%run_scoped3A : memref<!tpu.dma_semaphore, #tpu.memory_space<semaphore_mem>>) src(%dma_wait3A_624 : memref<640xf32, #tpu.memory_space<vmem_shared>>) dst(%arg10 : memref<640xf32, #tpu.memory_space<vmem>>)
      tpu.yield
    }) : () -> ()
    %scan3A_386 = arith.constant 0 : i32
    %scan3A_387 = arith.constant 0 : i32
    %scan3A_388 = arith.constant 40 : i32
    %scan3A_389 = arith.addi %scan3A_387, %scan3A_388 : i32
    %scan3A_390 = arith.constant 1 : i32
    %scan3A_391 = scf.for %scan3A_621 = %scan3A_387 to %scan3A_389 step %scan3A_390 iter_args(%scan3A_622 = %scan3A_386) -> (i32)  : i32 {
      %mul3A_623 = arith.constant 16 : i32
      %mul3A_624 = arith.muli %scan3A_621, %mul3A_623 : i32
      %get3A = arith.index_cast %mul3A_624 : i32 to index
      %get3A_625 = tpu.vector_load %arg10[%get3A] {strides = array<i32>} : memref<640xf32, #tpu.memory_space<vmem>>, vector<16xf32>,
      %get3A_626 = vector.shape_cast %get3A_625 : vector<16xf32> to vector<16xf32>
      %max3A = arith.constant 1.000000e+00 : f32
      %max3A_627 = vector.broadcast %max3A : f32 to vector<16xf32>
      %max3A_628 = arith.maximumf %get3A_626, %max3A_627 : vector<16xf32>
      %bitcast_convert_type3A = tpu.bitcast %max3A_628 : vector<16xf32> -> vector<16xi32>
      %shift_right_arithmetic3A = arith.constant 1 : i32
      %shift_right_arithmetic3A_629 = vector.broadcast %shift_right_arithmetic3A : i32 to vector<16xi32>
      %shift_right_arithmetic3A_630 = arith.shrsi %bitcast_convert_type3A, %shift_right_arithmetic3A_629 : vector<16xi32>
      %sub3A = arith.constant 1597463007 : i32
      %sub3A_631 = vector.broadcast %sub3A : i32 to vector<16xi32>
      %sub3A_632 = arith.subi %sub3A_631, %shift_right_arithmetic3A_630 : vector<16xi32>
      %bitcast_convert_type3A_633 = tpu.bitcast %sub3A_632 : vector<16xi32> -> vector<16xf32>
      %mul3A_634 = arith.constant 5.000000e-01 : f32
      %mul3A_635 = vector.broadcast %mul3A_634 : f32 to vector<16xf32>
      %mul3A_636 = arith.mulf %mul3A_635, %max3A_628 : vector<16xf32>
      %mul3A_637 = arith.mulf %mul3A_636, %bitcast_convert_type3A_633 : vector<16xf32>
      %mul3A_638 = arith.mulf %mul3A_637, %bitcast_convert_type3A_633 : vector<16xf32>
      %sub3A_639 = arith.constant 1.500000e+00 : f32
      %sub3A_640 = vector.broadcast %sub3A_639 : f32 to vector<16xf32>
      %sub3A_641 = arith.subf %sub3A_640, %mul3A_638 : vector<16xf32>
      %mul3A_642 = arith.mulf %bitcast_convert_type3A_633, %sub3A_641 : vector<16xf32>
      %mul3A_643 = arith.constant 5.000000e-01 : f32
      %mul3A_644 = vector.broadcast %mul3A_643 : f32 to vector<16xf32>
      %mul3A_645 = arith.mulf %mul3A_644, %max3A_628 : vector<16xf32>
      %mul3A_646 = arith.mulf %mul3A_645, %mul3A_642 : vector<16xf32>
      %mul3A_647 = arith.mulf %mul3A_646, %mul3A_642 : vector<16xf32>
      %sub3A_648 = arith.constant 1.500000e+00 : f32
      %sub3A_649 = vector.broadcast %sub3A_648 : f32 to vector<16xf32>
      %sub3A_650 = arith.subf %sub3A_649, %mul3A_647 : vector<16xf32>
      %mul3A_651 = arith.mulf %mul3A_642, %sub3A_650 : vector<16xf32>
      %mul3A_652 = arith.constant 5.000000e-01 : f32
      %mul3A_653 = vector.broadcast %mul3A_652 : f32 to vector<16xf32>
      %mul3A_654 = arith.mulf %mul3A_653, %max3A_628 : vector<16xf32>
      %mul3A_655 = arith.mulf %mul3A_654, %mul3A_651 : vector<16xf32>
      %mul3A_656 = arith.mulf %mul3A_655, %mul3A_651 : vector<16xf32>
      %sub3A_657 = arith.constant 1.500000e+00 : f32
      %sub3A_658 = vector.broadcast %sub3A_657 : f32 to vector<16xf32>
      %sub3A_659 = arith.subf %sub3A_658, %mul3A_656 : vector<16xf32>
      %mul3A_660 = arith.mulf %mul3A_651, %sub3A_659 : vector<16xf32>
      %mul3A_661 = arith.constant 16 : i32
      %mul3A_662 = arith.muli %scan3A_621, %mul3A_661 : i32
      %add3A_663 = arith.constant 0 : i32
      %add3A_664 = arith.addi %mul3A_662, %add3A_663 : i32
      %slice3A = vector.extract_strided_slice %mul3A_660 {offsets = [0], sizes = [1], strides = [1]} : vector<16xf32> to vector<1xf32>
      %squeeze3A = vector.extract %slice3A[0] : f32 from vector<1xf32>
      %broadcast_in_dim3A = vector.broadcast %squeeze3A : f32 to vector<16xf32>
      %swap3A = arith.index_cast %add3A_664 : i32 to index
      %swap3A_665 = arith.constant 0 : index
      %swap3A_666 = tpu.vector_load %arg12[%swap3A, %swap3A_665] {strides = array<i32>} : memref<640x16xf32, #tpu.memory_space<vmem>>, vector<1x16xf32>,
      %swap3A_667 = vector.shape_cast %swap3A_666 : vector<1x16xf32> to vector<16xf32>
      %swap3A_668 = vector.shape_cast %broadcast_in_dim3A : vector<16xf32> to vector<1x16xf32>
      tpu.vector_store %arg12[%swap3A, %swap3A_665], %swap3A_668 {strides = array<i32>} : memref<640x16xf32, #tpu.memory_space<vmem>>, vector<1x16xf32>,
      %get3A_669 = arith.index_cast %add3A_664 : i32 to index
      %get3A_670 = arith.constant 0 : index
      %get3A_671 = tpu.vector_load %arg11[%get3A_669, %get3A_670] {strides = array<i32>} : memref<640x16xf32, #tpu.memory_space<vmem>>, vector<1x16xf32>,
      %get3A_672 = vector.shape_cast %get3A_671 : vector<1x16xf32> to vector<16xf32>
      %mul3A_673 = arith.mulf %get3A_672, %broadcast_in_dim3A : vector<16xf32>
      %swap3A_674 = arith.index_cast %add3A_664 : i32 to index
      %swap3A_675 = arith.constant 0 : index
      %swap3A_676 = tpu.vector_load %arg11[%swap3A_674, %swap3A_675] {strides = array<i32>} : memref<640x16xf32, #tpu.memory_space<vmem>>, vector<1x16xf32>,
      %swap3A_677 = vector.shape_cast %swap3A_676 : vector<1x16xf32> to vector<16xf32>
      %swap3A_678 = vector.shape_cast %mul3A_673 : vector<16xf32> to vector<1x16xf32>
      tpu.vector_store %arg11[%swap3A_674, %swap3A_675], %swap3A_678 {strides = array<i32>} : memref<640x16xf32, #tpu.memory_space<vmem>>, vector<1x16xf32>,
      %mul3A_679 = arith.constant 16 : i32
      %mul3A_680 = arith.muli %scan3A_621, %mul3A_679 : i32
      %add3A_681 = arith.constant 1 : i32
      %add3A_682 = arith.addi %mul3A_680, %add3A_681 : i32
      %slice3A_683 = vector.extract_strided_slice %mul3A_660 {offsets = [1], sizes = [1], strides = [1]} : vector<16xf32> to vector<1xf32>
      %squeeze3A_684 = vector.extract %slice3A_683[0] : f32 from vector<1xf32>
      %broadcast_in_dim3A_685 = vector.broadcast %squeeze3A_684 : f32 to vector<16xf32>
      %swap3A_686 = arith.index_cast %add3A_682 : i32 to index
      %swap3A_687 = arith.constant 0 : index
      %swap3A_688 = tpu.vector_load %arg12[%swap3A_686, %swap3A_687] {strides = array<i32>} : memref<640x16xf32, #tpu.memory_space<vmem>>, vector<1x16xf32>,
      %swap3A_689 = vector.shape_cast %swap3A_688 : vector<1x16xf32> to vector<16xf32>
      %swap3A_690 = vector.shape_cast %broadcast_in_dim3A_685 : vector<16xf32> to vector<1x16xf32>
      tpu.vector_store %arg12[%swap3A_686, %swap3A_687], %swap3A_690 {strides = array<i32>} : memref<640x16xf32, #tpu.memory_space<vmem>>, vector<1x16xf32>,
      %get3A_691 = arith.index_cast %add3A_682 : i32 to index
      %get3A_692 = arith.constant 0 : index
      %get3A_693 = tpu.vector_load %arg11[%get3A_691, %get3A_692] {strides = array<i32>} : memref<640x16xf32, #tpu.memory_space<vmem>>, vector<1x16xf32>,
      %get3A_694 = vector.shape_cast %get3A_693 : vector<1x16xf32> to vector<16xf32>
      %mul3A_695 = arith.mulf %get3A_694, %broadcast_in_dim3A_685 : vector<16xf32>
      %swap3A_696 = arith.index_cast %add3A_682 : i32 to index
      %swap3A_697 = arith.constant 0 : index
      %swap3A_698 = tpu.vector_load %arg11[%swap3A_696, %swap3A_697] {strides = array<i32>} : memref<640x16xf32, #tpu.memory_space<vmem>>, vector<1x16xf32>,
      %swap3A_699 = vector.shape_cast %swap3A_698 : vector<1x16xf32> to vector<16xf32>
      %swap3A_700 = vector.shape_cast %mul3A_695 : vector<16xf32> to vector<1x16xf32>
      tpu.vector_store %arg11[%swap3A_696, %swap3A_697], %swap3A_700 {strides = array<i32>} : memref<640x16xf32, #tpu.memory_space<vmem>>, vector<1x16xf32>,
      %mul3A_701 = arith.constant 16 : i32
      %mul3A_702 = arith.muli %scan3A_621, %mul3A_701 : i32
      %add3A_703 = arith.constant 2 : i32
      %add3A_704 = arith.addi %mul3A_702, %add3A_703 : i32
      %slice3A_705 = vector.extract_strided_slice %mul3A_660 {offsets = [2], sizes = [1], strides = [1]} : vector<16xf32> to vector<1xf32>
      %squeeze3A_706 = vector.extract %slice3A_705[0] : f32 from vector<1xf32>
      %broadcast_in_dim3A_707 = vector.broadcast %squeeze3A_706 : f32 to vector<16xf32>
      %swap3A_708 = arith.index_cast %add3A_704 : i32 to index
      %swap3A_709 = arith.constant 0 : index
      %swap3A_710 = tpu.vector_load %arg12[%swap3A_708, %swap3A_709] {strides = array<i32>} : memref<640x16xf32, #tpu.memory_space<vmem>>, vector<1x16xf32>,
      %swap3A_711 = vector.shape_cast %swap3A_710 : vector<1x16xf32> to vector<16xf32>
      %swap3A_712 = vector.shape_cast %broadcast_in_dim3A_707 : vector<16xf32> to vector<1x16xf32>
      tpu.vector_store %arg12[%swap3A_708, %swap3A_709], %swap3A_712 {strides = array<i32>} : memref<640x16xf32, #tpu.memory_space<vmem>>, vector<1x16xf32>,
      %get3A_713 = arith.index_cast %add3A_704 : i32 to index
      %get3A_714 = arith.constant 0 : index
      %get3A_715 = tpu.vector_load %arg11[%get3A_713, %get3A_714] {strides = array<i32>} : memref<640x16xf32, #tpu.memory_space<vmem>>, vector<1x16xf32>,
      %get3A_716 = vector.shape_cast %get3A_715 : vector<1x16xf32> to vector<16xf32>
      %mul3A_717 = arith.mulf %get3A_716, %broadcast_in_dim3A_707 : vector<16xf32>
      %swap3A_718 = arith.index_cast %add3A_704 : i32 to index
      %swap3A_719 = arith.constant 0 : index
      %swap3A_720 = tpu.vector_load %arg11[%swap3A_718, %swap3A_719] {strides = array<i32>} : memref<640x16xf32, #tpu.memory_space<vmem>>, vector<1x16xf32>,
      %swap3A_721 = vector.shape_cast %swap3A_720 : vector<1x16xf32> to vector<16xf32>
      %swap3A_722 = vector.shape_cast %mul3A_717 : vector<16xf32> to vector<1x16xf32>
      tpu.vector_store %arg11[%swap3A_718, %swap3A_719], %swap3A_722 {strides = array<i32>} : memref<640x16xf32, #tpu.memory_space<vmem>>, vector<1x16xf32>,
      %mul3A_723 = arith.constant 16 : i32
      %mul3A_724 = arith.muli %scan3A_621, %mul3A_723 : i32
      %add3A_725 = arith.constant 3 : i32
      %add3A_726 = arith.addi %mul3A_724, %add3A_725 : i32
      %slice3A_727 = vector.extract_strided_slice %mul3A_660 {offsets = [3], sizes = [1], strides = [1]} : vector<16xf32> to vector<1xf32>
      %squeeze3A_728 = vector.extract %slice3A_727[0] : f32 from vector<1xf32>
      %broadcast_in_dim3A_729 = vector.broadcast %squeeze3A_728 : f32 to vector<16xf32>
      %swap3A_730 = arith.index_cast %add3A_726 : i32 to index
      %swap3A_731 = arith.constant 0 : index
      %swap3A_732 = tpu.vector_load %arg12[%swap3A_730, %swap3A_731] {strides = array<i32>} : memref<640x16xf32, #tpu.memory_space<vmem>>, vector<1x16xf32>,
      %swap3A_733 = vector.shape_cast %swap3A_732 : vector<1x16xf32> to vector<16xf32>
      %swap3A_734 = vector.shape_cast %broadcast_in_dim3A_729 : vector<16xf32> to vector<1x16xf32>
      tpu.vector_store %arg12[%swap3A_730, %swap3A_731], %swap3A_734 {strides = array<i32>} : memref<640x16xf32, #tpu.memory_space<vmem>>, vector<1x16xf32>,
      %get3A_735 = arith.index_cast %add3A_726 : i32 to index
      %get3A_736 = arith.constant 0 : index
      %get3A_737 = tpu.vector_load %arg11[%get3A_735, %get3A_736] {strides = array<i32>} : memref<640x16xf32, #tpu.memory_space<vmem>>, vector<1x16xf32>,
      %get3A_738 = vector.shape_cast %get3A_737 : vector<1x16xf32> to vector<16xf32>
      %mul3A_739 = arith.mulf %get3A_738, %broadcast_in_dim3A_729 : vector<16xf32>
      %swap3A_740 = arith.index_cast %add3A_726 : i32 to index
      %swap3A_741 = arith.constant 0 : index
      %swap3A_742 = tpu.vector_load %arg11[%swap3A_740, %swap3A_741] {strides = array<i32>} : memref<640x16xf32, #tpu.memory_space<vmem>>, vector<1x16xf32>,
      %swap3A_743 = vector.shape_cast %swap3A_742 : vector<1x16xf32> to vector<16xf32>
      %swap3A_744 = vector.shape_cast %mul3A_739 : vector<16xf32> to vector<1x16xf32>
      tpu.vector_store %arg11[%swap3A_740, %swap3A_741], %swap3A_744 {strides = array<i32>} : memref<640x16xf32, #tpu.memory_space<vmem>>, vector<1x16xf32>,
      %mul3A_745 = arith.constant 16 : i32
      %mul3A_746 = arith.muli %scan3A_621, %mul3A_745 : i32
      %add3A_747 = arith.constant 4 : i32
      %add3A_748 = arith.addi %mul3A_746, %add3A_747 : i32
      %slice3A_749 = vector.extract_strided_slice %mul3A_660 {offsets = [4], sizes = [1], strides = [1]} : vector<16xf32> to vector<1xf32>
      %squeeze3A_750 = vector.extract %slice3A_749[0] : f32 from vector<1xf32>
      %broadcast_in_dim3A_751 = vector.broadcast %squeeze3A_750 : f32 to vector<16xf32>
      %swap3A_752 = arith.index_cast %add3A_748 : i32 to index
      %swap3A_753 = arith.constant 0 : index
      %swap3A_754 = tpu.vector_load %arg12[%swap3A_752, %swap3A_753] {strides = array<i32>} : memref<640x16xf32, #tpu.memory_space<vmem>>, vector<1x16xf32>,
      %swap3A_755 = vector.shape_cast %swap3A_754 : vector<1x16xf32> to vector<16xf32>
      %swap3A_756 = vector.shape_cast %broadcast_in_dim3A_751 : vector<16xf32> to vector<1x16xf32>
      tpu.vector_store %arg12[%swap3A_752, %swap3A_753], %swap3A_756 {strides = array<i32>} : memref<640x16xf32, #tpu.memory_space<vmem>>, vector<1x16xf32>,
      %get3A_757 = arith.index_cast %add3A_748 : i32 to index
      %get3A_758 = arith.constant 0 : index
      %get3A_759 = tpu.vector_load %arg11[%get3A_757, %get3A_758] {strides = array<i32>} : memref<640x16xf32, #tpu.memory_space<vmem>>, vector<1x16xf32>,
      %get3A_760 = vector.shape_cast %get3A_759 : vector<1x16xf32> to vector<16xf32>
      %mul3A_761 = arith.mulf %get3A_760, %broadcast_in_dim3A_751 : vector<16xf32>
      %swap3A_762 = arith.index_cast %add3A_748 : i32 to index
      %swap3A_763 = arith.constant 0 : index
      %swap3A_764 = tpu.vector_load %arg11[%swap3A_762, %swap3A_763] {strides = array<i32>} : memref<640x16xf32, #tpu.memory_space<vmem>>, vector<1x16xf32>,
      %swap3A_765 = vector.shape_cast %swap3A_764 : vector<1x16xf32> to vector<16xf32>
      %swap3A_766 = vector.shape_cast %mul3A_761 : vector<16xf32> to vector<1x16xf32>
      tpu.vector_store %arg11[%swap3A_762, %swap3A_763], %swap3A_766 {strides = array<i32>} : memref<640x16xf32, #tpu.memory_space<vmem>>, vector<1x16xf32>,
      %mul3A_767 = arith.constant 16 : i32
      %mul3A_768 = arith.muli %scan3A_621, %mul3A_767 : i32
      %add3A_769 = arith.constant 5 : i32
      %add3A_770 = arith.addi %mul3A_768, %add3A_769 : i32
      %slice3A_771 = vector.extract_strided_slice %mul3A_660 {offsets = [5], sizes = [1], strides = [1]} : vector<16xf32> to vector<1xf32>
      %squeeze3A_772 = vector.extract %slice3A_771[0] : f32 from vector<1xf32>
      %broadcast_in_dim3A_773 = vector.broadcast %squeeze3A_772 : f32 to vector<16xf32>
      %swap3A_774 = arith.index_cast %add3A_770 : i32 to index
      %swap3A_775 = arith.constant 0 : index
      %swap3A_776 = tpu.vector_load %arg12[%swap3A_774, %swap3A_775] {strides = array<i32>} : memref<640x16xf32, #tpu.memory_space<vmem>>, vector<1x16xf32>,
      %swap3A_777 = vector.shape_cast %swap3A_776 : vector<1x16xf32> to vector<16xf32>
      %swap3A_778 = vector.shape_cast %broadcast_in_dim3A_773 : vector<16xf32> to vector<1x16xf32>
      tpu.vector_store %arg12[%swap3A_774, %swap3A_775], %swap3A_778 {strides = array<i32>} : memref<640x16xf32, #tpu.memory_space<vmem>>, vector<1x16xf32>,
      %get3A_779 = arith.index_cast %add3A_770 : i32 to index
      %get3A_780 = arith.constant 0 : index
      %get3A_781 = tpu.vector_load %arg11[%get3A_779, %get3A_780] {strides = array<i32>} : memref<640x16xf32, #tpu.memory_space<vmem>>, vector<1x16xf32>,
      %get3A_782 = vector.shape_cast %get3A_781 : vector<1x16xf32> to vector<16xf32>
      %mul3A_783 = arith.mulf %get3A_782, %broadcast_in_dim3A_773 : vector<16xf32>
      %swap3A_784 = arith.index_cast %add3A_770 : i32 to index
      %swap3A_785 = arith.constant 0 : index
      %swap3A_786 = tpu.vector_load %arg11[%swap3A_784, %swap3A_785] {strides = array<i32>} : memref<640x16xf32, #tpu.memory_space<vmem>>, vector<1x16xf32>,
      %swap3A_787 = vector.shape_cast %swap3A_786 : vector<1x16xf32> to vector<16xf32>
      %swap3A_788 = vector.shape_cast %mul3A_783 : vector<16xf32> to vector<1x16xf32>
      tpu.vector_store %arg11[%swap3A_784, %swap3A_785], %swap3A_788 {strides = array<i32>} : memref<640x16xf32, #tpu.memory_space<vmem>>, vector<1x16xf32>,
      %mul3A_789 = arith.constant 16 : i32
      %mul3A_790 = arith.muli %scan3A_621, %mul3A_789 : i32
      %add3A_791 = arith.constant 6 : i32
      %add3A_792 = arith.addi %mul3A_790, %add3A_791 : i32
      %slice3A_793 = vector.extract_strided_slice %mul3A_660 {offsets = [6], sizes = [1], strides = [1]} : vector<16xf32> to vector<1xf32>
      %squeeze3A_794 = vector.extract %slice3A_793[0] : f32 from vector<1xf32>
      %broadcast_in_dim3A_795 = vector.broadcast %squeeze3A_794 : f32 to vector<16xf32>
      %swap3A_796 = arith.index_cast %add3A_792 : i32 to index
      %swap3A_797 = arith.constant 0 : index
      %swap3A_798 = tpu.vector_load %arg12[%swap3A_796, %swap3A_797] {strides = array<i32>} : memref<640x16xf32, #tpu.memory_space<vmem>>, vector<1x16xf32>,
      %swap3A_799 = vector.shape_cast %swap3A_798 : vector<1x16xf32> to vector<16xf32>
      %swap3A_800 = vector.shape_cast %broadcast_in_dim3A_795 : vector<16xf32> to vector<1x16xf32>
      tpu.vector_store %arg12[%swap3A_796, %swap3A_797], %swap3A_800 {strides = array<i32>} : memref<640x16xf32, #tpu.memory_space<vmem>>, vector<1x16xf32>,
      %get3A_801 = arith.index_cast %add3A_792 : i32 to index
      %get3A_802 = arith.constant 0 : index
      %get3A_803 = tpu.vector_load %arg11[%get3A_801, %get3A_802] {strides = array<i32>} : memref<640x16xf32, #tpu.memory_space<vmem>>, vector<1x16xf32>,
      %get3A_804 = vector.shape_cast %get3A_803 : vector<1x16xf32> to vector<16xf32>
      %mul3A_805 = arith.mulf %get3A_804, %broadcast_in_dim3A_795 : vector<16xf32>
      %swap3A_806 = arith.index_cast %add3A_792 : i32 to index
      %swap3A_807 = arith.constant 0 : index
      %swap3A_808 = tpu.vector_load %arg11[%swap3A_806, %swap3A_807] {strides = array<i32>} : memref<640x16xf32, #tpu.memory_space<vmem>>, vector<1x16xf32>,
      %swap3A_809 = vector.shape_cast %swap3A_808 : vector<1x16xf32> to vector<16xf32>
      %swap3A_810 = vector.shape_cast %mul3A_805 : vector<16xf32> to vector<1x16xf32>
      tpu.vector_store %arg11[%swap3A_806, %swap3A_807], %swap3A_810 {strides = array<i32>} : memref<640x16xf32, #tpu.memory_space<vmem>>, vector<1x16xf32>,
      %mul3A_811 = arith.constant 16 : i32
      %mul3A_812 = arith.muli %scan3A_621, %mul3A_811 : i32
      %add3A_813 = arith.constant 7 : i32
      %add3A_814 = arith.addi %mul3A_812, %add3A_813 : i32
      %slice3A_815 = vector.extract_strided_slice %mul3A_660 {offsets = [7], sizes = [1], strides = [1]} : vector<16xf32> to vector<1xf32>
      %squeeze3A_816 = vector.extract %slice3A_815[0] : f32 from vector<1xf32>
      %broadcast_in_dim3A_817 = vector.broadcast %squeeze3A_816 : f32 to vector<16xf32>
      %swap3A_818 = arith.index_cast %add3A_814 : i32 to index
      %swap3A_819 = arith.constant 0 : index
      %swap3A_820 = tpu.vector_load %arg12[%swap3A_818, %swap3A_819] {strides = array<i32>} : memref<640x16xf32, #tpu.memory_space<vmem>>, vector<1x16xf32>,
      %swap3A_821 = vector.shape_cast %swap3A_820 : vector<1x16xf32> to vector<16xf32>
      %swap3A_822 = vector.shape_cast %broadcast_in_dim3A_817 : vector<16xf32> to vector<1x16xf32>
      tpu.vector_store %arg12[%swap3A_818, %swap3A_819], %swap3A_822 {strides = array<i32>} : memref<640x16xf32, #tpu.memory_space<vmem>>, vector<1x16xf32>,
      %get3A_823 = arith.index_cast %add3A_814 : i32 to index
      %get3A_824 = arith.constant 0 : index
      %get3A_825 = tpu.vector_load %arg11[%get3A_823, %get3A_824] {strides = array<i32>} : memref<640x16xf32, #tpu.memory_space<vmem>>, vector<1x16xf32>,
      %get3A_826 = vector.shape_cast %get3A_825 : vector<1x16xf32> to vector<16xf32>
      %mul3A_827 = arith.mulf %get3A_826, %broadcast_in_dim3A_817 : vector<16xf32>
      %swap3A_828 = arith.index_cast %add3A_814 : i32 to index
      %swap3A_829 = arith.constant 0 : index
      %swap3A_830 = tpu.vector_load %arg11[%swap3A_828, %swap3A_829] {strides = array<i32>} : memref<640x16xf32, #tpu.memory_space<vmem>>, vector<1x16xf32>,
      %swap3A_831 = vector.shape_cast %swap3A_830 : vector<1x16xf32> to vector<16xf32>
      %swap3A_832 = vector.shape_cast %mul3A_827 : vector<16xf32> to vector<1x16xf32>
      tpu.vector_store %arg11[%swap3A_828, %swap3A_829], %swap3A_832 {strides = array<i32>} : memref<640x16xf32, #tpu.memory_space<vmem>>, vector<1x16xf32>,
      %mul3A_833 = arith.constant 16 : i32
      %mul3A_834 = arith.muli %scan3A_621, %mul3A_833 : i32
      %add3A_835 = arith.constant 8 : i32
      %add3A_836 = arith.addi %mul3A_834, %add3A_835 : i32
      %slice3A_837 = vector.extract_strided_slice %mul3A_660 {offsets = [8], sizes = [1], strides = [1]} : vector<16xf32> to vector<1xf32>
      %squeeze3A_838 = vector.extract %slice3A_837[0] : f32 from vector<1xf32>
      %broadcast_in_dim3A_839 = vector.broadcast %squeeze3A_838 : f32 to vector<16xf32>
      %swap3A_840 = arith.index_cast %add3A_836 : i32 to index
      %swap3A_841 = arith.constant 0 : index
      %swap3A_842 = tpu.vector_load %arg12[%swap3A_840, %swap3A_841] {strides = array<i32>} : memref<640x16xf32, #tpu.memory_space<vmem>>, vector<1x16xf32>,
      %swap3A_843 = vector.shape_cast %swap3A_842 : vector<1x16xf32> to vector<16xf32>
      %swap3A_844 = vector.shape_cast %broadcast_in_dim3A_839 : vector<16xf32> to vector<1x16xf32>
      tpu.vector_store %arg12[%swap3A_840, %swap3A_841], %swap3A_844 {strides = array<i32>} : memref<640x16xf32, #tpu.memory_space<vmem>>, vector<1x16xf32>,
      %get3A_845 = arith.index_cast %add3A_836 : i32 to index
      %get3A_846 = arith.constant 0 : index
      %get3A_847 = tpu.vector_load %arg11[%get3A_845, %get3A_846] {strides = array<i32>} : memref<640x16xf32, #tpu.memory_space<vmem>>, vector<1x16xf32>,
      %get3A_848 = vector.shape_cast %get3A_847 : vector<1x16xf32> to vector<16xf32>
      %mul3A_849 = arith.mulf %get3A_848, %broadcast_in_dim3A_839 : vector<16xf32>
      %swap3A_850 = arith.index_cast %add3A_836 : i32 to index
      %swap3A_851 = arith.constant 0 : index
      %swap3A_852 = tpu.vector_load %arg11[%swap3A_850, %swap3A_851] {strides = array<i32>} : memref<640x16xf32, #tpu.memory_space<vmem>>, vector<1x16xf32>,
      %swap3A_853 = vector.shape_cast %swap3A_852 : vector<1x16xf32> to vector<16xf32>
      %swap3A_854 = vector.shape_cast %mul3A_849 : vector<16xf32> to vector<1x16xf32>
      tpu.vector_store %arg11[%swap3A_850, %swap3A_851], %swap3A_854 {strides = array<i32>} : memref<640x16xf32, #tpu.memory_space<vmem>>, vector<1x16xf32>,
      %mul3A_855 = arith.constant 16 : i32
      %mul3A_856 = arith.muli %scan3A_621, %mul3A_855 : i32
      %add3A_857 = arith.constant 9 : i32
      %add3A_858 = arith.addi %mul3A_856, %add3A_857 : i32
      %slice3A_859 = vector.extract_strided_slice %mul3A_660 {offsets = [9], sizes = [1], strides = [1]} : vector<16xf32> to vector<1xf32>
      %squeeze3A_860 = vector.extract %slice3A_859[0] : f32 from vector<1xf32>
      %broadcast_in_dim3A_861 = vector.broadcast %squeeze3A_860 : f32 to vector<16xf32>
      %swap3A_862 = arith.index_cast %add3A_858 : i32 to index
      %swap3A_863 = arith.constant 0 : index
      %swap3A_864 = tpu.vector_load %arg12[%swap3A_862, %swap3A_863] {strides = array<i32>} : memref<640x16xf32, #tpu.memory_space<vmem>>, vector<1x16xf32>,
      %swap3A_865 = vector.shape_cast %swap3A_864 : vector<1x16xf32> to vector<16xf32>
      %swap3A_866 = vector.shape_cast %broadcast_in_dim3A_861 : vector<16xf32> to vector<1x16xf32>
      tpu.vector_store %arg12[%swap3A_862, %swap3A_863], %swap3A_866 {strides = array<i32>} : memref<640x16xf32, #tpu.memory_space<vmem>>, vector<1x16xf32>,
      %get3A_867 = arith.index_cast %add3A_858 : i32 to index
      %get3A_868 = arith.constant 0 : index
      %get3A_869 = tpu.vector_load %arg11[%get3A_867, %get3A_868] {strides = array<i32>} : memref<640x16xf32, #tpu.memory_space<vmem>>, vector<1x16xf32>,
      %get3A_870 = vector.shape_cast %get3A_869 : vector<1x16xf32> to vector<16xf32>
      %mul3A_871 = arith.mulf %get3A_870, %broadcast_in_dim3A_861 : vector<16xf32>
      %swap3A_872 = arith.index_cast %add3A_858 : i32 to index
      %swap3A_873 = arith.constant 0 : index
      %swap3A_874 = tpu.vector_load %arg11[%swap3A_872, %swap3A_873] {strides = array<i32>} : memref<640x16xf32, #tpu.memory_space<vmem>>, vector<1x16xf32>,
      %swap3A_875 = vector.shape_cast %swap3A_874 : vector<1x16xf32> to vector<16xf32>
      %swap3A_876 = vector.shape_cast %mul3A_871 : vector<16xf32> to vector<1x16xf32>
      tpu.vector_store %arg11[%swap3A_872, %swap3A_873], %swap3A_876 {strides = array<i32>} : memref<640x16xf32, #tpu.memory_space<vmem>>, vector<1x16xf32>,
      %mul3A_877 = arith.constant 16 : i32
      %mul3A_878 = arith.muli %scan3A_621, %mul3A_877 : i32
      %add3A_879 = arith.constant 10 : i32
      %add3A_880 = arith.addi %mul3A_878, %add3A_879 : i32
      %slice3A_881 = vector.extract_strided_slice %mul3A_660 {offsets = [10], sizes = [1], strides = [1]} : vector<16xf32> to vector<1xf32>
      %squeeze3A_882 = vector.extract %slice3A_881[0] : f32 from vector<1xf32>
      %broadcast_in_dim3A_883 = vector.broadcast %squeeze3A_882 : f32 to vector<16xf32>
      %swap3A_884 = arith.index_cast %add3A_880 : i32 to index
      %swap3A_885 = arith.constant 0 : index
      %swap3A_886 = tpu.vector_load %arg12[%swap3A_884, %swap3A_885] {strides = array<i32>} : memref<640x16xf32, #tpu.memory_space<vmem>>, vector<1x16xf32>,
      %swap3A_887 = vector.shape_cast %swap3A_886 : vector<1x16xf32> to vector<16xf32>
      %swap3A_888 = vector.shape_cast %broadcast_in_dim3A_883 : vector<16xf32> to vector<1x16xf32>
      tpu.vector_store %arg12[%swap3A_884, %swap3A_885], %swap3A_888 {strides = array<i32>} : memref<640x16xf32, #tpu.memory_space<vmem>>, vector<1x16xf32>,
      %get3A_889 = arith.index_cast %add3A_880 : i32 to index
      %get3A_890 = arith.constant 0 : index
      %get3A_891 = tpu.vector_load %arg11[%get3A_889, %get3A_890] {strides = array<i32>} : memref<640x16xf32, #tpu.memory_space<vmem>>, vector<1x16xf32>,
      %get3A_892 = vector.shape_cast %get3A_891 : vector<1x16xf32> to vector<16xf32>
      %mul3A_893 = arith.mulf %get3A_892, %broadcast_in_dim3A_883 : vector<16xf32>
      %swap3A_894 = arith.index_cast %add3A_880 : i32 to index
      %swap3A_895 = arith.constant 0 : index
      %swap3A_896 = tpu.vector_load %arg11[%swap3A_894, %swap3A_895] {strides = array<i32>} : memref<640x16xf32, #tpu.memory_space<vmem>>, vector<1x16xf32>,
      %swap3A_897 = vector.shape_cast %swap3A_896 : vector<1x16xf32> to vector<16xf32>
      %swap3A_898 = vector.shape_cast %mul3A_893 : vector<16xf32> to vector<1x16xf32>
      tpu.vector_store %arg11[%swap3A_894, %swap3A_895], %swap3A_898 {strides = array<i32>} : memref<640x16xf32, #tpu.memory_space<vmem>>, vector<1x16xf32>,
      %mul3A_899 = arith.constant 16 : i32
      %mul3A_900 = arith.muli %scan3A_621, %mul3A_899 : i32
      %add3A_901 = arith.constant 11 : i32
      %add3A_902 = arith.addi %mul3A_900, %add3A_901 : i32
      %slice3A_903 = vector.extract_strided_slice %mul3A_660 {offsets = [11], sizes = [1], strides = [1]} : vector<16xf32> to vector<1xf32>
      %squeeze3A_904 = vector.extract %slice3A_903[0] : f32 from vector<1xf32>
      %broadcast_in_dim3A_905 = vector.broadcast %squeeze3A_904 : f32 to vector<16xf32>
      %swap3A_906 = arith.index_cast %add3A_902 : i32 to index
      %swap3A_907 = arith.constant 0 : index
      %swap3A_908 = tpu.vector_load %arg12[%swap3A_906, %swap3A_907] {strides = array<i32>} : memref<640x16xf32, #tpu.memory_space<vmem>>, vector<1x16xf32>,
      %swap3A_909 = vector.shape_cast %swap3A_908 : vector<1x16xf32> to vector<16xf32>
      %swap3A_910 = vector.shape_cast %broadcast_in_dim3A_905 : vector<16xf32> to vector<1x16xf32>
      tpu.vector_store %arg12[%swap3A_906, %swap3A_907], %swap3A_910 {strides = array<i32>} : memref<640x16xf32, #tpu.memory_space<vmem>>, vector<1x16xf32>,
      %get3A_911 = arith.index_cast %add3A_902 : i32 to index
      %get3A_912 = arith.constant 0 : index
      %get3A_913 = tpu.vector_load %arg11[%get3A_911, %get3A_912] {strides = array<i32>} : memref<640x16xf32, #tpu.memory_space<vmem>>, vector<1x16xf32>,
      %get3A_914 = vector.shape_cast %get3A_913 : vector<1x16xf32> to vector<16xf32>
      %mul3A_915 = arith.mulf %get3A_914, %broadcast_in_dim3A_905 : vector<16xf32>
      %swap3A_916 = arith.index_cast %add3A_902 : i32 to index
      %swap3A_917 = arith.constant 0 : index
      %swap3A_918 = tpu.vector_load %arg11[%swap3A_916, %swap3A_917] {strides = array<i32>} : memref<640x16xf32, #tpu.memory_space<vmem>>, vector<1x16xf32>,
      %swap3A_919 = vector.shape_cast %swap3A_918 : vector<1x16xf32> to vector<16xf32>
      %swap3A_920 = vector.shape_cast %mul3A_915 : vector<16xf32> to vector<1x16xf32>
      tpu.vector_store %arg11[%swap3A_916, %swap3A_917], %swap3A_920 {strides = array<i32>} : memref<640x16xf32, #tpu.memory_space<vmem>>, vector<1x16xf32>,
      %mul3A_921 = arith.constant 16 : i32
      %mul3A_922 = arith.muli %scan3A_621, %mul3A_921 : i32
      %add3A_923 = arith.constant 12 : i32
      %add3A_924 = arith.addi %mul3A_922, %add3A_923 : i32
      %slice3A_925 = vector.extract_strided_slice %mul3A_660 {offsets = [12], sizes = [1], strides = [1]} : vector<16xf32> to vector<1xf32>
      %squeeze3A_926 = vector.extract %slice3A_925[0] : f32 from vector<1xf32>
      %broadcast_in_dim3A_927 = vector.broadcast %squeeze3A_926 : f32 to vector<16xf32>
      %swap3A_928 = arith.index_cast %add3A_924 : i32 to index
      %swap3A_929 = arith.constant 0 : index
      %swap3A_930 = tpu.vector_load %arg12[%swap3A_928, %swap3A_929] {strides = array<i32>} : memref<640x16xf32, #tpu.memory_space<vmem>>, vector<1x16xf32>,
      %swap3A_931 = vector.shape_cast %swap3A_930 : vector<1x16xf32> to vector<16xf32>
      %swap3A_932 = vector.shape_cast %broadcast_in_dim3A_927 : vector<16xf32> to vector<1x16xf32>
      tpu.vector_store %arg12[%swap3A_928, %swap3A_929], %swap3A_932 {strides = array<i32>} : memref<640x16xf32, #tpu.memory_space<vmem>>, vector<1x16xf32>,
      %get3A_933 = arith.index_cast %add3A_924 : i32 to index
      %get3A_934 = arith.constant 0 : index
      %get3A_935 = tpu.vector_load %arg11[%get3A_933, %get3A_934] {strides = array<i32>} : memref<640x16xf32, #tpu.memory_space<vmem>>, vector<1x16xf32>,
      %get3A_936 = vector.shape_cast %get3A_935 : vector<1x16xf32> to vector<16xf32>
      %mul3A_937 = arith.mulf %get3A_936, %broadcast_in_dim3A_927 : vector<16xf32>
      %swap3A_938 = arith.index_cast %add3A_924 : i32 to index
      %swap3A_939 = arith.constant 0 : index
      %swap3A_940 = tpu.vector_load %arg11[%swap3A_938, %swap3A_939] {strides = array<i32>} : memref<640x16xf32, #tpu.memory_space<vmem>>, vector<1x16xf32>,
      %swap3A_941 = vector.shape_cast %swap3A_940 : vector<1x16xf32> to vector<16xf32>
      %swap3A_942 = vector.shape_cast %mul3A_937 : vector<16xf32> to vector<1x16xf32>
      tpu.vector_store %arg11[%swap3A_938, %swap3A_939], %swap3A_942 {strides = array<i32>} : memref<640x16xf32, #tpu.memory_space<vmem>>, vector<1x16xf32>,
      %mul3A_943 = arith.constant 16 : i32
      %mul3A_944 = arith.muli %scan3A_621, %mul3A_943 : i32
      %add3A_945 = arith.constant 13 : i32
      %add3A_946 = arith.addi %mul3A_944, %add3A_945 : i32
      %slice3A_947 = vector.extract_strided_slice %mul3A_660 {offsets = [13], sizes = [1], strides = [1]} : vector<16xf32> to vector<1xf32>
      %squeeze3A_948 = vector.extract %slice3A_947[0] : f32 from vector<1xf32>
      %broadcast_in_dim3A_949 = vector.broadcast %squeeze3A_948 : f32 to vector<16xf32>
      %swap3A_950 = arith.index_cast %add3A_946 : i32 to index
      %swap3A_951 = arith.constant 0 : index
      %swap3A_952 = tpu.vector_load %arg12[%swap3A_950, %swap3A_951] {strides = array<i32>} : memref<640x16xf32, #tpu.memory_space<vmem>>, vector<1x16xf32>,
      %swap3A_953 = vector.shape_cast %swap3A_952 : vector<1x16xf32> to vector<16xf32>
      %swap3A_954 = vector.shape_cast %broadcast_in_dim3A_949 : vector<16xf32> to vector<1x16xf32>
      tpu.vector_store %arg12[%swap3A_950, %swap3A_951], %swap3A_954 {strides = array<i32>} : memref<640x16xf32, #tpu.memory_space<vmem>>, vector<1x16xf32>,
      %get3A_955 = arith.index_cast %add3A_946 : i32 to index
      %get3A_956 = arith.constant 0 : index
      %get3A_957 = tpu.vector_load %arg11[%get3A_955, %get3A_956] {strides = array<i32>} : memref<640x16xf32, #tpu.memory_space<vmem>>, vector<1x16xf32>,
      %get3A_958 = vector.shape_cast %get3A_957 : vector<1x16xf32> to vector<16xf32>
      %mul3A_959 = arith.mulf %get3A_958, %broadcast_in_dim3A_949 : vector<16xf32>
      %swap3A_960 = arith.index_cast %add3A_946 : i32 to index
      %swap3A_961 = arith.constant 0 : index
      %swap3A_962 = tpu.vector_load %arg11[%swap3A_960, %swap3A_961] {strides = array<i32>} : memref<640x16xf32, #tpu.memory_space<vmem>>, vector<1x16xf32>,
      %swap3A_963 = vector.shape_cast %swap3A_962 : vector<1x16xf32> to vector<16xf32>
      %swap3A_964 = vector.shape_cast %mul3A_959 : vector<16xf32> to vector<1x16xf32>
      tpu.vector_store %arg11[%swap3A_960, %swap3A_961], %swap3A_964 {strides = array<i32>} : memref<640x16xf32, #tpu.memory_space<vmem>>, vector<1x16xf32>,
      %mul3A_965 = arith.constant 16 : i32
      %mul3A_966 = arith.muli %scan3A_621, %mul3A_965 : i32
      %add3A_967 = arith.constant 14 : i32
      %add3A_968 = arith.addi %mul3A_966, %add3A_967 : i32
      %slice3A_969 = vector.extract_strided_slice %mul3A_660 {offsets = [14], sizes = [1], strides = [1]} : vector<16xf32> to vector<1xf32>
      %squeeze3A_970 = vector.extract %slice3A_969[0] : f32 from vector<1xf32>
      %broadcast_in_dim3A_971 = vector.broadcast %squeeze3A_970 : f32 to vector<16xf32>
      %swap3A_972 = arith.index_cast %add3A_968 : i32 to index
      %swap3A_973 = arith.constant 0 : index
      %swap3A_974 = tpu.vector_load %arg12[%swap3A_972, %swap3A_973] {strides = array<i32>} : memref<640x16xf32, #tpu.memory_space<vmem>>, vector<1x16xf32>,
      %swap3A_975 = vector.shape_cast %swap3A_974 : vector<1x16xf32> to vector<16xf32>
      %swap3A_976 = vector.shape_cast %broadcast_in_dim3A_971 : vector<16xf32> to vector<1x16xf32>
      tpu.vector_store %arg12[%swap3A_972, %swap3A_973], %swap3A_976 {strides = array<i32>} : memref<640x16xf32, #tpu.memory_space<vmem>>, vector<1x16xf32>,
      %get3A_977 = arith.index_cast %add3A_968 : i32 to index
      %get3A_978 = arith.constant 0 : index
      %get3A_979 = tpu.vector_load %arg11[%get3A_977, %get3A_978] {strides = array<i32>} : memref<640x16xf32, #tpu.memory_space<vmem>>, vector<1x16xf32>,
      %get3A_980 = vector.shape_cast %get3A_979 : vector<1x16xf32> to vector<16xf32>
      %mul3A_981 = arith.mulf %get3A_980, %broadcast_in_dim3A_971 : vector<16xf32>
      %swap3A_982 = arith.index_cast %add3A_968 : i32 to index
      %swap3A_983 = arith.constant 0 : index
      %swap3A_984 = tpu.vector_load %arg11[%swap3A_982, %swap3A_983] {strides = array<i32>} : memref<640x16xf32, #tpu.memory_space<vmem>>, vector<1x16xf32>,
      %swap3A_985 = vector.shape_cast %swap3A_984 : vector<1x16xf32> to vector<16xf32>
      %swap3A_986 = vector.shape_cast %mul3A_981 : vector<16xf32> to vector<1x16xf32>
      tpu.vector_store %arg11[%swap3A_982, %swap3A_983], %swap3A_986 {strides = array<i32>} : memref<640x16xf32, #tpu.memory_space<vmem>>, vector<1x16xf32>,
      %mul3A_987 = arith.constant 16 : i32
      %mul3A_988 = arith.muli %scan3A_621, %mul3A_987 : i32
      %add3A_989 = arith.constant 15 : i32
      %add3A_990 = arith.addi %mul3A_988, %add3A_989 : i32
      %slice3A_991 = vector.extract_strided_slice %mul3A_660 {offsets = [15], sizes = [1], strides = [1]} : vector<16xf32> to vector<1xf32>
      %squeeze3A_992 = vector.extract %slice3A_991[0] : f32 from vector<1xf32>
      %broadcast_in_dim3A_993 = vector.broadcast %squeeze3A_992 : f32 to vector<16xf32>
      %swap3A_994 = arith.index_cast %add3A_990 : i32 to index
      %swap3A_995 = arith.constant 0 : index
      %swap3A_996 = tpu.vector_load %arg12[%swap3A_994, %swap3A_995] {strides = array<i32>} : memref<640x16xf32, #tpu.memory_space<vmem>>, vector<1x16xf32>,
      %swap3A_997 = vector.shape_cast %swap3A_996 : vector<1x16xf32> to vector<16xf32>
      %swap3A_998 = vector.shape_cast %broadcast_in_dim3A_993 : vector<16xf32> to vector<1x16xf32>
      tpu.vector_store %arg12[%swap3A_994, %swap3A_995], %swap3A_998 {strides = array<i32>} : memref<640x16xf32, #tpu.memory_space<vmem>>, vector<1x16xf32>,
      %get3A_999 = arith.index_cast %add3A_990 : i32 to index
      %get3A_1000 = arith.constant 0 : index
      %get3A_1001 = tpu.vector_load %arg11[%get3A_999, %get3A_1000] {strides = array<i32>} : memref<640x16xf32, #tpu.memory_space<vmem>>, vector<1x16xf32>,
      %get3A_1002 = vector.shape_cast %get3A_1001 : vector<1x16xf32> to vector<16xf32>
      %mul3A_1003 = arith.mulf %get3A_1002, %broadcast_in_dim3A_993 : vector<16xf32>
      %swap3A_1004 = arith.index_cast %add3A_990 : i32 to index
      %swap3A_1005 = arith.constant 0 : index
      %swap3A_1006 = tpu.vector_load %arg11[%swap3A_1004, %swap3A_1005] {strides = array<i32>} : memref<640x16xf32, #tpu.memory_space<vmem>>, vector<1x16xf32>,
      %swap3A_1007 = vector.shape_cast %swap3A_1006 : vector<1x16xf32> to vector<16xf32>
      %swap3A_1008 = vector.shape_cast %mul3A_1003 : vector<16xf32> to vector<1x16xf32>
      tpu.vector_store %arg11[%swap3A_1004, %swap3A_1005], %swap3A_1008 {strides = array<i32>} : memref<640x16xf32, #tpu.memory_space<vmem>>, vector<1x16xf32>,
      %scan3A_1009 = arith.constant 0 : i32
      scf.yield %scan3A_1009 : i32
    }
    %scan3A_392 = arith.constant 40 : i32
    "tpu.region"() ({
      %run_scoped3A = tpu.sem_alloc : memref<!tpu.dma_semaphore, #tpu.memory_space<semaphore_mem>>
      %dma_start3A_621 = arith.constant 0 : i32
      %dma_start3A_622 = tpu.memref_slice %arg21[%mul3A_0, %dma_start3A_621] : memref<10240x16xf32, #tpu.memory_space<vmem_shared>> -> memref<640x16xf32, #tpu.memory_space<vmem_shared>>
      %dma_start3A_623 = arith.constant 0 : i32
      %dma_start3A_624 = tpu.memref_slice %arg21[%mul3A_0, %dma_start3A_623] : memref<10240x16xf32, #tpu.memory_space<vmem_shared>> -> memref<640x16xf32, #tpu.memory_space<vmem_shared>>
      tpu.enqueue_dma source(%arg11 : memref<640x16xf32, #tpu.memory_space<vmem>>) target(%dma_start3A_624 : memref<640x16xf32, #tpu.memory_space<vmem_shared>>) target_semaphore(%run_scoped3A : memref<!tpu.dma_semaphore, #tpu.memory_space<semaphore_mem>>)
      %dma_wait3A_625 = arith.constant 0 : i32
      %dma_wait3A_626 = tpu.memref_slice %arg21[%mul3A_0, %dma_wait3A_625] : memref<10240x16xf32, #tpu.memory_space<vmem_shared>> -> memref<640x16xf32, #tpu.memory_space<vmem_shared>>
      %dma_wait3A_627 = arith.constant 0 : i32
      %dma_wait3A_628 = tpu.memref_slice %arg21[%mul3A_0, %dma_wait3A_627] : memref<10240x16xf32, #tpu.memory_space<vmem_shared>> -> memref<640x16xf32, #tpu.memory_space<vmem_shared>>
      tpu.wait_dma2 semaphore(%run_scoped3A : memref<!tpu.dma_semaphore, #tpu.memory_space<semaphore_mem>>) src(%arg11 : memref<640x16xf32, #tpu.memory_space<vmem>>) dst(%dma_wait3A_628 : memref<640x16xf32, #tpu.memory_space<vmem_shared>>)
      tpu.yield
    }) : () -> ()
    %eq3A = arith.constant 0 : i32
    %eq3A_393 = arith.cmpi eq, %arg0, %eq3A : i32
    %convert_element_type3A = arith.extui %eq3A_393 : i1 to i32
    %cond3A = arith.constant 0 : i32
    %cond3A_394 = arith.cmpi ne, %convert_element_type3A, %cond3A : i32
    scf.if %cond3A_394 {
      "tpu.region"() ({
        %run_scoped3A = tpu.sem_alloc : memref<!tpu.dma_semaphore, #tpu.memory_space<semaphore_mem>>
        %dma_start3A_621 = arith.constant 0 : i32
        %dma_start3A_622 = tpu.memref_slice %arg5[%mul3A_0, %dma_start3A_621] : memref<10240x16xf32, #tpu.memory_space<hbm>> -> memref<640x16xf32, #tpu.memory_space<hbm>>
        %dma_start3A_623 = arith.constant 0 : i32
        %dma_start3A_624 = tpu.memref_slice %arg5[%mul3A_0, %dma_start3A_623] : memref<10240x16xf32, #tpu.memory_space<hbm>> -> memref<640x16xf32, #tpu.memory_space<hbm>>
        tpu.enqueue_dma source(%arg12 : memref<640x16xf32, #tpu.memory_space<vmem>>) target(%dma_start3A_624 : memref<640x16xf32, #tpu.memory_space<hbm>>) target_semaphore(%run_scoped3A : memref<!tpu.dma_semaphore, #tpu.memory_space<semaphore_mem>>)
        %dma_wait3A_625 = arith.constant 0 : i32
        %dma_wait3A_626 = tpu.memref_slice %arg5[%mul3A_0, %dma_wait3A_625] : memref<10240x16xf32, #tpu.memory_space<hbm>> -> memref<640x16xf32, #tpu.memory_space<hbm>>
        %dma_wait3A_627 = arith.constant 0 : i32
        %dma_wait3A_628 = tpu.memref_slice %arg5[%mul3A_0, %dma_wait3A_627] : memref<10240x16xf32, #tpu.memory_space<hbm>> -> memref<640x16xf32, #tpu.memory_space<hbm>>
        tpu.wait_dma2 semaphore(%run_scoped3A : memref<!tpu.dma_semaphore, #tpu.memory_space<semaphore_mem>>) src(%arg12 : memref<640x16xf32, #tpu.memory_space<vmem>>) dst(%dma_wait3A_628 : memref<640x16xf32, #tpu.memory_space<hbm>>)
        tpu.yield
      }) : () -> ()
    } else {
    }
    %barrier3A_395 = arith.constant 0 : index
    tpu.barrier barrier_id(%barrier3A_395)
    %dma_start3A_396 = arith.constant 0 : i32
    %dma_start3A_397 = arith.constant 0 : i32
    %dma_start3A_398 = tpu.memref_slice %arg6[%dma_start3A_396, %dma_start3A_397] : memref<8x1296xi32, #tpu.memory_space<vmem>> -> memref<1x1296xi32, #tpu.memory_space<vmem>>
    %dma_start3A_399 = tpu.memref_squeeze %dma_start3A_398 : memref<1x1296xi32, #tpu.memory_space<vmem>> -> memref<1296xi32, #tpu.memory_space<vmem>>
    %dma_start3A_400 = arith.constant 0 : i32
    %dma_start3A_401 = arith.constant 0 : i32
    %dma_start3A_402 = tpu.memref_slice %arg21[%dma_start3A_400, %dma_start3A_401] : memref<10240x16xf32, #tpu.memory_space<vmem_shared>> -> memref<10240x16xf32, #tpu.memory_space<vmem_shared>>
    tpu.enqueue_indirect_dma source(%dma_start3A_402 : memref<10240x16xf32, #tpu.memory_space<vmem_shared>>) target(%arg13 : memref<1296x16xf32, #tpu.memory_space<vmem>>) offsets(%dma_start3A_399 : memref<1296xi32, #tpu.memory_space<vmem>>) semaphore(%arg15 : memref<!tpu.dma_semaphore, #tpu.memory_space<semaphore_mem>>)
    %dma_wait3A_403 = arith.constant 0 : i32
    %dma_wait3A_404 = arith.constant 0 : i32
    %dma_wait3A_405 = tpu.memref_slice %arg6[%dma_wait3A_403, %dma_wait3A_404] : memref<8x1296xi32, #tpu.memory_space<vmem>> -> memref<1x1296xi32, #tpu.memory_space<vmem>>
    %dma_wait3A_406 = tpu.memref_squeeze %dma_wait3A_405 : memref<1x1296xi32, #tpu.memory_space<vmem>> -> memref<1296xi32, #tpu.memory_space<vmem>>
    %dma_wait3A_407 = arith.constant 0 : i32
    %dma_wait3A_408 = arith.constant 0 : i32
    %dma_wait3A_409 = tpu.memref_slice %arg21[%dma_wait3A_407, %dma_wait3A_408] : memref<10240x16xf32, #tpu.memory_space<vmem_shared>> -> memref<10240x16xf32, #tpu.memory_space<vmem_shared>>
    tpu.wait_indirect_dma semaphore(%arg15 : memref<!tpu.dma_semaphore, #tpu.memory_space<semaphore_mem>>) src(%dma_wait3A_409 : memref<10240x16xf32, #tpu.memory_space<vmem_shared>>) dst(%arg13 : memref<1296x16xf32, #tpu.memory_space<vmem>>)
    %dma_start3A_410 = arith.constant 0 : i32
    %dma_start3A_411 = arith.constant 0 : i32
    %dma_start3A_412 = tpu.memref_slice %arg7[%dma_start3A_410, %dma_start3A_411] : memref<8x1296xi32, #tpu.memory_space<vmem>> -> memref<1x1296xi32, #tpu.memory_space<vmem>>
    %dma_start3A_413 = tpu.memref_squeeze %dma_start3A_412 : memref<1x1296xi32, #tpu.memory_space<vmem>> -> memref<1296xi32, #tpu.memory_space<vmem>>
    %dma_start3A_414 = arith.constant 0 : i32
    %dma_start3A_415 = arith.constant 0 : i32
    %dma_start3A_416 = tpu.memref_slice %arg22[%dma_start3A_414, %dma_start3A_415] : memref<10240x16xf32, #tpu.memory_space<vmem_shared>> -> memref<10240x16xf32, #tpu.memory_space<vmem_shared>>
    tpu.enqueue_indirect_dma source(%arg13 : memref<1296x16xf32, #tpu.memory_space<vmem>>) target(%dma_start3A_416 : memref<10240x16xf32, #tpu.memory_space<vmem_shared>>) offsets(%dma_start3A_413 : memref<1296xi32, #tpu.memory_space<vmem>>) semaphore(%arg17 : memref<!tpu.dma_semaphore, #tpu.memory_space<semaphore_mem>>) {add = true}
    %dma_start3A_417 = arith.constant 1 : i32
    %dma_start3A_418 = arith.constant 0 : i32
    %dma_start3A_419 = tpu.memref_slice %arg6[%dma_start3A_417, %dma_start3A_418] : memref<8x1296xi32, #tpu.memory_space<vmem>> -> memref<1x1296xi32, #tpu.memory_space<vmem>>
    %dma_start3A_420 = tpu.memref_squeeze %dma_start3A_419 : memref<1x1296xi32, #tpu.memory_space<vmem>> -> memref<1296xi32, #tpu.memory_space<vmem>>
    %dma_start3A_421 = arith.constant 0 : i32
    %dma_start3A_422 = arith.constant 0 : i32
    %dma_start3A_423 = tpu.memref_slice %arg21[%dma_start3A_421, %dma_start3A_422] : memref<10240x16xf32, #tpu.memory_space<vmem_shared>> -> memref<10240x16xf32, #tpu.memory_space<vmem_shared>>
    tpu.enqueue_indirect_dma source(%dma_start3A_423 : memref<10240x16xf32, #tpu.memory_space<vmem_shared>>) target(%arg14 : memref<1296x16xf32, #tpu.memory_space<vmem>>) offsets(%dma_start3A_420 : memref<1296xi32, #tpu.memory_space<vmem>>) semaphore(%arg16 : memref<!tpu.dma_semaphore, #tpu.memory_space<semaphore_mem>>)
    %dma_wait3A_424 = arith.constant 1 : i32
    %dma_wait3A_425 = arith.constant 0 : i32
    %dma_wait3A_426 = tpu.memref_slice %arg6[%dma_wait3A_424, %dma_wait3A_425] : memref<8x1296xi32, #tpu.memory_space<vmem>> -> memref<1x1296xi32, #tpu.memory_space<vmem>>
    %dma_wait3A_427 = tpu.memref_squeeze %dma_wait3A_426 : memref<1x1296xi32, #tpu.memory_space<vmem>> -> memref<1296xi32, #tpu.memory_space<vmem>>
    %dma_wait3A_428 = arith.constant 0 : i32
    %dma_wait3A_429 = arith.constant 0 : i32
    %dma_wait3A_430 = tpu.memref_slice %arg21[%dma_wait3A_428, %dma_wait3A_429] : memref<10240x16xf32, #tpu.memory_space<vmem_shared>> -> memref<10240x16xf32, #tpu.memory_space<vmem_shared>>
    tpu.wait_indirect_dma semaphore(%arg16 : memref<!tpu.dma_semaphore, #tpu.memory_space<semaphore_mem>>) src(%dma_wait3A_430 : memref<10240x16xf32, #tpu.memory_space<vmem_shared>>) dst(%arg14 : memref<1296x16xf32, #tpu.memory_space<vmem>>)
    %dma_start3A_431 = arith.constant 1 : i32
    %dma_start3A_432 = arith.constant 0 : i32
    %dma_start3A_433 = tpu.memref_slice %arg7[%dma_start3A_431, %dma_start3A_432] : memref<8x1296xi32, #tpu.memory_space<vmem>> -> memref<1x1296xi32, #tpu.memory_space<vmem>>
    %dma_start3A_434 = tpu.memref_squeeze %dma_start3A_433 : memref<1x1296xi32, #tpu.memory_space<vmem>> -> memref<1296xi32, #tpu.memory_space<vmem>>
    %dma_start3A_435 = arith.constant 0 : i32
    %dma_start3A_436 = arith.constant 0 : i32
    %dma_start3A_437 = tpu.memref_slice %arg22[%dma_start3A_435, %dma_start3A_436] : memref<10240x16xf32, #tpu.memory_space<vmem_shared>> -> memref<10240x16xf32, #tpu.memory_space<vmem_shared>>
    tpu.enqueue_indirect_dma source(%arg14 : memref<1296x16xf32, #tpu.memory_space<vmem>>) target(%dma_start3A_437 : memref<10240x16xf32, #tpu.memory_space<vmem_shared>>) offsets(%dma_start3A_434 : memref<1296xi32, #tpu.memory_space<vmem>>) semaphore(%arg18 : memref<!tpu.dma_semaphore, #tpu.memory_space<semaphore_mem>>) {add = true}
    %dma_wait3A_438 = arith.constant 0 : i32
    %dma_wait3A_439 = arith.constant 0 : i32
    %dma_wait3A_440 = tpu.memref_slice %arg7[%dma_wait3A_438, %dma_wait3A_439] : memref<8x1296xi32, #tpu.memory_space<vmem>> -> memref<1x1296xi32, #tpu.memory_space<vmem>>
    %dma_wait3A_441 = tpu.memref_squeeze %dma_wait3A_440 : memref<1x1296xi32, #tpu.memory_space<vmem>> -> memref<1296xi32, #tpu.memory_space<vmem>>
    %dma_wait3A_442 = arith.constant 0 : i32
    %dma_wait3A_443 = arith.constant 0 : i32
    %dma_wait3A_444 = tpu.memref_slice %arg22[%dma_wait3A_442, %dma_wait3A_443] : memref<10240x16xf32, #tpu.memory_space<vmem_shared>> -> memref<10240x16xf32, #tpu.memory_space<vmem_shared>>
    tpu.wait_indirect_dma semaphore(%arg17 : memref<!tpu.dma_semaphore, #tpu.memory_space<semaphore_mem>>) src(%arg13 : memref<1296x16xf32, #tpu.memory_space<vmem>>) dst(%dma_wait3A_444 : memref<10240x16xf32, #tpu.memory_space<vmem_shared>>)
    %dma_start3A_445 = arith.constant 2 : i32
    %dma_start3A_446 = arith.constant 0 : i32
    %dma_start3A_447 = tpu.memref_slice %arg6[%dma_start3A_445, %dma_start3A_446] : memref<8x1296xi32, #tpu.memory_space<vmem>> -> memref<1x1296xi32, #tpu.memory_space<vmem>>
    %dma_start3A_448 = tpu.memref_squeeze %dma_start3A_447 : memref<1x1296xi32, #tpu.memory_space<vmem>> -> memref<1296xi32, #tpu.memory_space<vmem>>
    %dma_start3A_449 = arith.constant 0 : i32
    %dma_start3A_450 = arith.constant 0 : i32
    %dma_start3A_451 = tpu.memref_slice %arg21[%dma_start3A_449, %dma_start3A_450] : memref<10240x16xf32, #tpu.memory_space<vmem_shared>> -> memref<10240x16xf32, #tpu.memory_space<vmem_shared>>
    tpu.enqueue_indirect_dma source(%dma_start3A_451 : memref<10240x16xf32, #tpu.memory_space<vmem_shared>>) target(%arg13 : memref<1296x16xf32, #tpu.memory_space<vmem>>) offsets(%dma_start3A_448 : memref<1296xi32, #tpu.memory_space<vmem>>) semaphore(%arg15 : memref<!tpu.dma_semaphore, #tpu.memory_space<semaphore_mem>>)
    %dma_wait3A_452 = arith.constant 2 : i32
    %dma_wait3A_453 = arith.constant 0 : i32
    %dma_wait3A_454 = tpu.memref_slice %arg6[%dma_wait3A_452, %dma_wait3A_453] : memref<8x1296xi32, #tpu.memory_space<vmem>> -> memref<1x1296xi32, #tpu.memory_space<vmem>>
    %dma_wait3A_455 = tpu.memref_squeeze %dma_wait3A_454 : memref<1x1296xi32, #tpu.memory_space<vmem>> -> memref<1296xi32, #tpu.memory_space<vmem>>
    %dma_wait3A_456 = arith.constant 0 : i32
    %dma_wait3A_457 = arith.constant 0 : i32
    %dma_wait3A_458 = tpu.memref_slice %arg21[%dma_wait3A_456, %dma_wait3A_457] : memref<10240x16xf32, #tpu.memory_space<vmem_shared>> -> memref<10240x16xf32, #tpu.memory_space<vmem_shared>>
    tpu.wait_indirect_dma semaphore(%arg15 : memref<!tpu.dma_semaphore, #tpu.memory_space<semaphore_mem>>) src(%dma_wait3A_458 : memref<10240x16xf32, #tpu.memory_space<vmem_shared>>) dst(%arg13 : memref<1296x16xf32, #tpu.memory_space<vmem>>)
    %dma_start3A_459 = arith.constant 2 : i32
    %dma_start3A_460 = arith.constant 0 : i32
    %dma_start3A_461 = tpu.memref_slice %arg7[%dma_start3A_459, %dma_start3A_460] : memref<8x1296xi32, #tpu.memory_space<vmem>> -> memref<1x1296xi32, #tpu.memory_space<vmem>>
    %dma_start3A_462 = tpu.memref_squeeze %dma_start3A_461 : memref<1x1296xi32, #tpu.memory_space<vmem>> -> memref<1296xi32, #tpu.memory_space<vmem>>
    %dma_start3A_463 = arith.constant 0 : i32
    %dma_start3A_464 = arith.constant 0 : i32
    %dma_start3A_465 = tpu.memref_slice %arg22[%dma_start3A_463, %dma_start3A_464] : memref<10240x16xf32, #tpu.memory_space<vmem_shared>> -> memref<10240x16xf32, #tpu.memory_space<vmem_shared>>
    tpu.enqueue_indirect_dma source(%arg13 : memref<1296x16xf32, #tpu.memory_space<vmem>>) target(%dma_start3A_465 : memref<10240x16xf32, #tpu.memory_space<vmem_shared>>) offsets(%dma_start3A_462 : memref<1296xi32, #tpu.memory_space<vmem>>) semaphore(%arg17 : memref<!tpu.dma_semaphore, #tpu.memory_space<semaphore_mem>>) {add = true}
    %dma_wait3A_466 = arith.constant 1 : i32
    %dma_wait3A_467 = arith.constant 0 : i32
    %dma_wait3A_468 = tpu.memref_slice %arg7[%dma_wait3A_466, %dma_wait3A_467] : memref<8x1296xi32, #tpu.memory_space<vmem>> -> memref<1x1296xi32, #tpu.memory_space<vmem>>
    %dma_wait3A_469 = tpu.memref_squeeze %dma_wait3A_468 : memref<1x1296xi32, #tpu.memory_space<vmem>> -> memref<1296xi32, #tpu.memory_space<vmem>>
    %dma_wait3A_470 = arith.constant 0 : i32
    %dma_wait3A_471 = arith.constant 0 : i32
    %dma_wait3A_472 = tpu.memref_slice %arg22[%dma_wait3A_470, %dma_wait3A_471] : memref<10240x16xf32, #tpu.memory_space<vmem_shared>> -> memref<10240x16xf32, #tpu.memory_space<vmem_shared>>
    tpu.wait_indirect_dma semaphore(%arg18 : memref<!tpu.dma_semaphore, #tpu.memory_space<semaphore_mem>>) src(%arg14 : memref<1296x16xf32, #tpu.memory_space<vmem>>) dst(%dma_wait3A_472 : memref<10240x16xf32, #tpu.memory_space<vmem_shared>>)
    %dma_start3A_473 = arith.constant 3 : i32
    %dma_start3A_474 = arith.constant 0 : i32
    %dma_start3A_475 = tpu.memref_slice %arg6[%dma_start3A_473, %dma_start3A_474] : memref<8x1296xi32, #tpu.memory_space<vmem>> -> memref<1x1296xi32, #tpu.memory_space<vmem>>
    %dma_start3A_476 = tpu.memref_squeeze %dma_start3A_475 : memref<1x1296xi32, #tpu.memory_space<vmem>> -> memref<1296xi32, #tpu.memory_space<vmem>>
    %dma_start3A_477 = arith.constant 0 : i32
    %dma_start3A_478 = arith.constant 0 : i32
    %dma_start3A_479 = tpu.memref_slice %arg21[%dma_start3A_477, %dma_start3A_478] : memref<10240x16xf32, #tpu.memory_space<vmem_shared>> -> memref<10240x16xf32, #tpu.memory_space<vmem_shared>>
    tpu.enqueue_indirect_dma source(%dma_start3A_479 : memref<10240x16xf32, #tpu.memory_space<vmem_shared>>) target(%arg14 : memref<1296x16xf32, #tpu.memory_space<vmem>>) offsets(%dma_start3A_476 : memref<1296xi32, #tpu.memory_space<vmem>>) semaphore(%arg16 : memref<!tpu.dma_semaphore, #tpu.memory_space<semaphore_mem>>)
    %dma_wait3A_480 = arith.constant 3 : i32
    %dma_wait3A_481 = arith.constant 0 : i32
    %dma_wait3A_482 = tpu.memref_slice %arg6[%dma_wait3A_480, %dma_wait3A_481] : memref<8x1296xi32, #tpu.memory_space<vmem>> -> memref<1x1296xi32, #tpu.memory_space<vmem>>
    %dma_wait3A_483 = tpu.memref_squeeze %dma_wait3A_482 : memref<1x1296xi32, #tpu.memory_space<vmem>> -> memref<1296xi32, #tpu.memory_space<vmem>>
    %dma_wait3A_484 = arith.constant 0 : i32
    %dma_wait3A_485 = arith.constant 0 : i32
    %dma_wait3A_486 = tpu.memref_slice %arg21[%dma_wait3A_484, %dma_wait3A_485] : memref<10240x16xf32, #tpu.memory_space<vmem_shared>> -> memref<10240x16xf32, #tpu.memory_space<vmem_shared>>
    tpu.wait_indirect_dma semaphore(%arg16 : memref<!tpu.dma_semaphore, #tpu.memory_space<semaphore_mem>>) src(%dma_wait3A_486 : memref<10240x16xf32, #tpu.memory_space<vmem_shared>>) dst(%arg14 : memref<1296x16xf32, #tpu.memory_space<vmem>>)
    %dma_start3A_487 = arith.constant 3 : i32
    %dma_start3A_488 = arith.constant 0 : i32
    %dma_start3A_489 = tpu.memref_slice %arg7[%dma_start3A_487, %dma_start3A_488] : memref<8x1296xi32, #tpu.memory_space<vmem>> -> memref<1x1296xi32, #tpu.memory_space<vmem>>
    %dma_start3A_490 = tpu.memref_squeeze %dma_start3A_489 : memref<1x1296xi32, #tpu.memory_space<vmem>> -> memref<1296xi32, #tpu.memory_space<vmem>>
    %dma_start3A_491 = arith.constant 0 : i32
    %dma_start3A_492 = arith.constant 0 : i32
    %dma_start3A_493 = tpu.memref_slice %arg22[%dma_start3A_491, %dma_start3A_492] : memref<10240x16xf32, #tpu.memory_space<vmem_shared>> -> memref<10240x16xf32, #tpu.memory_space<vmem_shared>>
    tpu.enqueue_indirect_dma source(%arg14 : memref<1296x16xf32, #tpu.memory_space<vmem>>) target(%dma_start3A_493 : memref<10240x16xf32, #tpu.memory_space<vmem_shared>>) offsets(%dma_start3A_490 : memref<1296xi32, #tpu.memory_space<vmem>>) semaphore(%arg18 : memref<!tpu.dma_semaphore, #tpu.memory_space<semaphore_mem>>) {add = true}
    %dma_wait3A_494 = arith.constant 2 : i32
    %dma_wait3A_495 = arith.constant 0 : i32
    %dma_wait3A_496 = tpu.memref_slice %arg7[%dma_wait3A_494, %dma_wait3A_495] : memref<8x1296xi32, #tpu.memory_space<vmem>> -> memref<1x1296xi32, #tpu.memory_space<vmem>>
    %dma_wait3A_497 = tpu.memref_squeeze %dma_wait3A_496 : memref<1x1296xi32, #tpu.memory_space<vmem>> -> memref<1296xi32, #tpu.memory_space<vmem>>
    %dma_wait3A_498 = arith.constant 0 : i32
    %dma_wait3A_499 = arith.constant 0 : i32
    %dma_wait3A_500 = tpu.memref_slice %arg22[%dma_wait3A_498, %dma_wait3A_499] : memref<10240x16xf32, #tpu.memory_space<vmem_shared>> -> memref<10240x16xf32, #tpu.memory_space<vmem_shared>>
    tpu.wait_indirect_dma semaphore(%arg17 : memref<!tpu.dma_semaphore, #tpu.memory_space<semaphore_mem>>) src(%arg13 : memref<1296x16xf32, #tpu.memory_space<vmem>>) dst(%dma_wait3A_500 : memref<10240x16xf32, #tpu.memory_space<vmem_shared>>)
    %dma_start3A_501 = arith.constant 4 : i32
    %dma_start3A_502 = arith.constant 0 : i32
    %dma_start3A_503 = tpu.memref_slice %arg6[%dma_start3A_501, %dma_start3A_502] : memref<8x1296xi32, #tpu.memory_space<vmem>> -> memref<1x1296xi32, #tpu.memory_space<vmem>>
    %dma_start3A_504 = tpu.memref_squeeze %dma_start3A_503 : memref<1x1296xi32, #tpu.memory_space<vmem>> -> memref<1296xi32, #tpu.memory_space<vmem>>
    %dma_start3A_505 = arith.constant 0 : i32
    %dma_start3A_506 = arith.constant 0 : i32
    %dma_start3A_507 = tpu.memref_slice %arg21[%dma_start3A_505, %dma_start3A_506] : memref<10240x16xf32, #tpu.memory_space<vmem_shared>> -> memref<10240x16xf32, #tpu.memory_space<vmem_shared>>
    tpu.enqueue_indirect_dma source(%dma_start3A_507 : memref<10240x16xf32, #tpu.memory_space<vmem_shared>>) target(%arg13 : memref<1296x16xf32, #tpu.memory_space<vmem>>) offsets(%dma_start3A_504 : memref<1296xi32, #tpu.memory_space<vmem>>) semaphore(%arg15 : memref<!tpu.dma_semaphore, #tpu.memory_space<semaphore_mem>>)
    %dma_wait3A_508 = arith.constant 4 : i32
    %dma_wait3A_509 = arith.constant 0 : i32
    %dma_wait3A_510 = tpu.memref_slice %arg6[%dma_wait3A_508, %dma_wait3A_509] : memref<8x1296xi32, #tpu.memory_space<vmem>> -> memref<1x1296xi32, #tpu.memory_space<vmem>>
    %dma_wait3A_511 = tpu.memref_squeeze %dma_wait3A_510 : memref<1x1296xi32, #tpu.memory_space<vmem>> -> memref<1296xi32, #tpu.memory_space<vmem>>
    %dma_wait3A_512 = arith.constant 0 : i32
    %dma_wait3A_513 = arith.constant 0 : i32
    %dma_wait3A_514 = tpu.memref_slice %arg21[%dma_wait3A_512, %dma_wait3A_513] : memref<10240x16xf32, #tpu.memory_space<vmem_shared>> -> memref<10240x16xf32, #tpu.memory_space<vmem_shared>>
    tpu.wait_indirect_dma semaphore(%arg15 : memref<!tpu.dma_semaphore, #tpu.memory_space<semaphore_mem>>) src(%dma_wait3A_514 : memref<10240x16xf32, #tpu.memory_space<vmem_shared>>) dst(%arg13 : memref<1296x16xf32, #tpu.memory_space<vmem>>)
    %dma_start3A_515 = arith.constant 4 : i32
    %dma_start3A_516 = arith.constant 0 : i32
    %dma_start3A_517 = tpu.memref_slice %arg7[%dma_start3A_515, %dma_start3A_516] : memref<8x1296xi32, #tpu.memory_space<vmem>> -> memref<1x1296xi32, #tpu.memory_space<vmem>>
    %dma_start3A_518 = tpu.memref_squeeze %dma_start3A_517 : memref<1x1296xi32, #tpu.memory_space<vmem>> -> memref<1296xi32, #tpu.memory_space<vmem>>
    %dma_start3A_519 = arith.constant 0 : i32
    %dma_start3A_520 = arith.constant 0 : i32
    %dma_start3A_521 = tpu.memref_slice %arg22[%dma_start3A_519, %dma_start3A_520] : memref<10240x16xf32, #tpu.memory_space<vmem_shared>> -> memref<10240x16xf32, #tpu.memory_space<vmem_shared>>
    tpu.enqueue_indirect_dma source(%arg13 : memref<1296x16xf32, #tpu.memory_space<vmem>>) target(%dma_start3A_521 : memref<10240x16xf32, #tpu.memory_space<vmem_shared>>) offsets(%dma_start3A_518 : memref<1296xi32, #tpu.memory_space<vmem>>) semaphore(%arg17 : memref<!tpu.dma_semaphore, #tpu.memory_space<semaphore_mem>>) {add = true}
    %dma_wait3A_522 = arith.constant 3 : i32
    %dma_wait3A_523 = arith.constant 0 : i32
    %dma_wait3A_524 = tpu.memref_slice %arg7[%dma_wait3A_522, %dma_wait3A_523] : memref<8x1296xi32, #tpu.memory_space<vmem>> -> memref<1x1296xi32, #tpu.memory_space<vmem>>
    %dma_wait3A_525 = tpu.memref_squeeze %dma_wait3A_524 : memref<1x1296xi32, #tpu.memory_space<vmem>> -> memref<1296xi32, #tpu.memory_space<vmem>>
    %dma_wait3A_526 = arith.constant 0 : i32
    %dma_wait3A_527 = arith.constant 0 : i32
    %dma_wait3A_528 = tpu.memref_slice %arg22[%dma_wait3A_526, %dma_wait3A_527] : memref<10240x16xf32, #tpu.memory_space<vmem_shared>> -> memref<10240x16xf32, #tpu.memory_space<vmem_shared>>
    tpu.wait_indirect_dma semaphore(%arg18 : memref<!tpu.dma_semaphore, #tpu.memory_space<semaphore_mem>>) src(%arg14 : memref<1296x16xf32, #tpu.memory_space<vmem>>) dst(%dma_wait3A_528 : memref<10240x16xf32, #tpu.memory_space<vmem_shared>>)
    %dma_start3A_529 = arith.constant 5 : i32
    %dma_start3A_530 = arith.constant 0 : i32
    %dma_start3A_531 = tpu.memref_slice %arg6[%dma_start3A_529, %dma_start3A_530] : memref<8x1296xi32, #tpu.memory_space<vmem>> -> memref<1x1296xi32, #tpu.memory_space<vmem>>
    %dma_start3A_532 = tpu.memref_squeeze %dma_start3A_531 : memref<1x1296xi32, #tpu.memory_space<vmem>> -> memref<1296xi32, #tpu.memory_space<vmem>>
    %dma_start3A_533 = arith.constant 0 : i32
    %dma_start3A_534 = arith.constant 0 : i32
    %dma_start3A_535 = tpu.memref_slice %arg21[%dma_start3A_533, %dma_start3A_534] : memref<10240x16xf32, #tpu.memory_space<vmem_shared>> -> memref<10240x16xf32, #tpu.memory_space<vmem_shared>>
    tpu.enqueue_indirect_dma source(%dma_start3A_535 : memref<10240x16xf32, #tpu.memory_space<vmem_shared>>) target(%arg14 : memref<1296x16xf32, #tpu.memory_space<vmem>>) offsets(%dma_start3A_532 : memref<1296xi32, #tpu.memory_space<vmem>>) semaphore(%arg16 : memref<!tpu.dma_semaphore, #tpu.memory_space<semaphore_mem>>)
    %dma_wait3A_536 = arith.constant 5 : i32
    %dma_wait3A_537 = arith.constant 0 : i32
    %dma_wait3A_538 = tpu.memref_slice %arg6[%dma_wait3A_536, %dma_wait3A_537] : memref<8x1296xi32, #tpu.memory_space<vmem>> -> memref<1x1296xi32, #tpu.memory_space<vmem>>
    %dma_wait3A_539 = tpu.memref_squeeze %dma_wait3A_538 : memref<1x1296xi32, #tpu.memory_space<vmem>> -> memref<1296xi32, #tpu.memory_space<vmem>>
    %dma_wait3A_540 = arith.constant 0 : i32
    %dma_wait3A_541 = arith.constant 0 : i32
    %dma_wait3A_542 = tpu.memref_slice %arg21[%dma_wait3A_540, %dma_wait3A_541] : memref<10240x16xf32, #tpu.memory_space<vmem_shared>> -> memref<10240x16xf32, #tpu.memory_space<vmem_shared>>
    tpu.wait_indirect_dma semaphore(%arg16 : memref<!tpu.dma_semaphore, #tpu.memory_space<semaphore_mem>>) src(%dma_wait3A_542 : memref<10240x16xf32, #tpu.memory_space<vmem_shared>>) dst(%arg14 : memref<1296x16xf32, #tpu.memory_space<vmem>>)
    %dma_start3A_543 = arith.constant 5 : i32
    %dma_start3A_544 = arith.constant 0 : i32
    %dma_start3A_545 = tpu.memref_slice %arg7[%dma_start3A_543, %dma_start3A_544] : memref<8x1296xi32, #tpu.memory_space<vmem>> -> memref<1x1296xi32, #tpu.memory_space<vmem>>
    %dma_start3A_546 = tpu.memref_squeeze %dma_start3A_545 : memref<1x1296xi32, #tpu.memory_space<vmem>> -> memref<1296xi32, #tpu.memory_space<vmem>>
    %dma_start3A_547 = arith.constant 0 : i32
    %dma_start3A_548 = arith.constant 0 : i32
    %dma_start3A_549 = tpu.memref_slice %arg22[%dma_start3A_547, %dma_start3A_548] : memref<10240x16xf32, #tpu.memory_space<vmem_shared>> -> memref<10240x16xf32, #tpu.memory_space<vmem_shared>>
    tpu.enqueue_indirect_dma source(%arg14 : memref<1296x16xf32, #tpu.memory_space<vmem>>) target(%dma_start3A_549 : memref<10240x16xf32, #tpu.memory_space<vmem_shared>>) offsets(%dma_start3A_546 : memref<1296xi32, #tpu.memory_space<vmem>>) semaphore(%arg18 : memref<!tpu.dma_semaphore, #tpu.memory_space<semaphore_mem>>) {add = true}
    %dma_wait3A_550 = arith.constant 4 : i32
    %dma_wait3A_551 = arith.constant 0 : i32
    %dma_wait3A_552 = tpu.memref_slice %arg7[%dma_wait3A_550, %dma_wait3A_551] : memref<8x1296xi32, #tpu.memory_space<vmem>> -> memref<1x1296xi32, #tpu.memory_space<vmem>>
    %dma_wait3A_553 = tpu.memref_squeeze %dma_wait3A_552 : memref<1x1296xi32, #tpu.memory_space<vmem>> -> memref<1296xi32, #tpu.memory_space<vmem>>
    %dma_wait3A_554 = arith.constant 0 : i32
    %dma_wait3A_555 = arith.constant 0 : i32
    %dma_wait3A_556 = tpu.memref_slice %arg22[%dma_wait3A_554, %dma_wait3A_555] : memref<10240x16xf32, #tpu.memory_space<vmem_shared>> -> memref<10240x16xf32, #tpu.memory_space<vmem_shared>>
    tpu.wait_indirect_dma semaphore(%arg17 : memref<!tpu.dma_semaphore, #tpu.memory_space<semaphore_mem>>) src(%arg13 : memref<1296x16xf32, #tpu.memory_space<vmem>>) dst(%dma_wait3A_556 : memref<10240x16xf32, #tpu.memory_space<vmem_shared>>)
    %dma_start3A_557 = arith.constant 6 : i32
    %dma_start3A_558 = arith.constant 0 : i32
    %dma_start3A_559 = tpu.memref_slice %arg6[%dma_start3A_557, %dma_start3A_558] : memref<8x1296xi32, #tpu.memory_space<vmem>> -> memref<1x1296xi32, #tpu.memory_space<vmem>>
    %dma_start3A_560 = tpu.memref_squeeze %dma_start3A_559 : memref<1x1296xi32, #tpu.memory_space<vmem>> -> memref<1296xi32, #tpu.memory_space<vmem>>
    %dma_start3A_561 = arith.constant 0 : i32
    %dma_start3A_562 = arith.constant 0 : i32
    %dma_start3A_563 = tpu.memref_slice %arg21[%dma_start3A_561, %dma_start3A_562] : memref<10240x16xf32, #tpu.memory_space<vmem_shared>> -> memref<10240x16xf32, #tpu.memory_space<vmem_shared>>
    tpu.enqueue_indirect_dma source(%dma_start3A_563 : memref<10240x16xf32, #tpu.memory_space<vmem_shared>>) target(%arg13 : memref<1296x16xf32, #tpu.memory_space<vmem>>) offsets(%dma_start3A_560 : memref<1296xi32, #tpu.memory_space<vmem>>) semaphore(%arg15 : memref<!tpu.dma_semaphore, #tpu.memory_space<semaphore_mem>>)
    %dma_wait3A_564 = arith.constant 6 : i32
    %dma_wait3A_565 = arith.constant 0 : i32
    %dma_wait3A_566 = tpu.memref_slice %arg6[%dma_wait3A_564, %dma_wait3A_565] : memref<8x1296xi32, #tpu.memory_space<vmem>> -> memref<1x1296xi32, #tpu.memory_space<vmem>>
    %dma_wait3A_567 = tpu.memref_squeeze %dma_wait3A_566 : memref<1x1296xi32, #tpu.memory_space<vmem>> -> memref<1296xi32, #tpu.memory_space<vmem>>
    %dma_wait3A_568 = arith.constant 0 : i32
    %dma_wait3A_569 = arith.constant 0 : i32
    %dma_wait3A_570 = tpu.memref_slice %arg21[%dma_wait3A_568, %dma_wait3A_569] : memref<10240x16xf32, #tpu.memory_space<vmem_shared>> -> memref<10240x16xf32, #tpu.memory_space<vmem_shared>>
    tpu.wait_indirect_dma semaphore(%arg15 : memref<!tpu.dma_semaphore, #tpu.memory_space<semaphore_mem>>) src(%dma_wait3A_570 : memref<10240x16xf32, #tpu.memory_space<vmem_shared>>) dst(%arg13 : memref<1296x16xf32, #tpu.memory_space<vmem>>)
    %dma_start3A_571 = arith.constant 6 : i32
    %dma_start3A_572 = arith.constant 0 : i32
    %dma_start3A_573 = tpu.memref_slice %arg7[%dma_start3A_571, %dma_start3A_572] : memref<8x1296xi32, #tpu.memory_space<vmem>> -> memref<1x1296xi32, #tpu.memory_space<vmem>>
    %dma_start3A_574 = tpu.memref_squeeze %dma_start3A_573 : memref<1x1296xi32, #tpu.memory_space<vmem>> -> memref<1296xi32, #tpu.memory_space<vmem>>
    %dma_start3A_575 = arith.constant 0 : i32
    %dma_start3A_576 = arith.constant 0 : i32
    %dma_start3A_577 = tpu.memref_slice %arg22[%dma_start3A_575, %dma_start3A_576] : memref<10240x16xf32, #tpu.memory_space<vmem_shared>> -> memref<10240x16xf32, #tpu.memory_space<vmem_shared>>
    tpu.enqueue_indirect_dma source(%arg13 : memref<1296x16xf32, #tpu.memory_space<vmem>>) target(%dma_start3A_577 : memref<10240x16xf32, #tpu.memory_space<vmem_shared>>) offsets(%dma_start3A_574 : memref<1296xi32, #tpu.memory_space<vmem>>) semaphore(%arg17 : memref<!tpu.dma_semaphore, #tpu.memory_space<semaphore_mem>>) {add = true}
    %dma_wait3A_578 = arith.constant 5 : i32
    %dma_wait3A_579 = arith.constant 0 : i32
    %dma_wait3A_580 = tpu.memref_slice %arg7[%dma_wait3A_578, %dma_wait3A_579] : memref<8x1296xi32, #tpu.memory_space<vmem>> -> memref<1x1296xi32, #tpu.memory_space<vmem>>
    %dma_wait3A_581 = tpu.memref_squeeze %dma_wait3A_580 : memref<1x1296xi32, #tpu.memory_space<vmem>> -> memref<1296xi32, #tpu.memory_space<vmem>>
    %dma_wait3A_582 = arith.constant 0 : i32
    %dma_wait3A_583 = arith.constant 0 : i32
    %dma_wait3A_584 = tpu.memref_slice %arg22[%dma_wait3A_582, %dma_wait3A_583] : memref<10240x16xf32, #tpu.memory_space<vmem_shared>> -> memref<10240x16xf32, #tpu.memory_space<vmem_shared>>
    tpu.wait_indirect_dma semaphore(%arg18 : memref<!tpu.dma_semaphore, #tpu.memory_space<semaphore_mem>>) src(%arg14 : memref<1296x16xf32, #tpu.memory_space<vmem>>) dst(%dma_wait3A_584 : memref<10240x16xf32, #tpu.memory_space<vmem_shared>>)
    %dma_start3A_585 = arith.constant 7 : i32
    %dma_start3A_586 = arith.constant 0 : i32
    %dma_start3A_587 = tpu.memref_slice %arg6[%dma_start3A_585, %dma_start3A_586] : memref<8x1296xi32, #tpu.memory_space<vmem>> -> memref<1x1296xi32, #tpu.memory_space<vmem>>
    %dma_start3A_588 = tpu.memref_squeeze %dma_start3A_587 : memref<1x1296xi32, #tpu.memory_space<vmem>> -> memref<1296xi32, #tpu.memory_space<vmem>>
    %dma_start3A_589 = arith.constant 0 : i32
    %dma_start3A_590 = arith.constant 0 : i32
    %dma_start3A_591 = tpu.memref_slice %arg21[%dma_start3A_589, %dma_start3A_590] : memref<10240x16xf32, #tpu.memory_space<vmem_shared>> -> memref<10240x16xf32, #tpu.memory_space<vmem_shared>>
    tpu.enqueue_indirect_dma source(%dma_start3A_591 : memref<10240x16xf32, #tpu.memory_space<vmem_shared>>) target(%arg14 : memref<1296x16xf32, #tpu.memory_space<vmem>>) offsets(%dma_start3A_588 : memref<1296xi32, #tpu.memory_space<vmem>>) semaphore(%arg16 : memref<!tpu.dma_semaphore, #tpu.memory_space<semaphore_mem>>)
    %dma_wait3A_592 = arith.constant 7 : i32
    %dma_wait3A_593 = arith.constant 0 : i32
    %dma_wait3A_594 = tpu.memref_slice %arg6[%dma_wait3A_592, %dma_wait3A_593] : memref<8x1296xi32, #tpu.memory_space<vmem>> -> memref<1x1296xi32, #tpu.memory_space<vmem>>
    %dma_wait3A_595 = tpu.memref_squeeze %dma_wait3A_594 : memref<1x1296xi32, #tpu.memory_space<vmem>> -> memref<1296xi32, #tpu.memory_space<vmem>>
    %dma_wait3A_596 = arith.constant 0 : i32
    %dma_wait3A_597 = arith.constant 0 : i32
    %dma_wait3A_598 = tpu.memref_slice %arg21[%dma_wait3A_596, %dma_wait3A_597] : memref<10240x16xf32, #tpu.memory_space<vmem_shared>> -> memref<10240x16xf32, #tpu.memory_space<vmem_shared>>
    tpu.wait_indirect_dma semaphore(%arg16 : memref<!tpu.dma_semaphore, #tpu.memory_space<semaphore_mem>>) src(%dma_wait3A_598 : memref<10240x16xf32, #tpu.memory_space<vmem_shared>>) dst(%arg14 : memref<1296x16xf32, #tpu.memory_space<vmem>>)
    %dma_start3A_599 = arith.constant 7 : i32
    %dma_start3A_600 = arith.constant 0 : i32
    %dma_start3A_601 = tpu.memref_slice %arg7[%dma_start3A_599, %dma_start3A_600] : memref<8x1296xi32, #tpu.memory_space<vmem>> -> memref<1x1296xi32, #tpu.memory_space<vmem>>
    %dma_start3A_602 = tpu.memref_squeeze %dma_start3A_601 : memref<1x1296xi32, #tpu.memory_space<vmem>> -> memref<1296xi32, #tpu.memory_space<vmem>>
    %dma_start3A_603 = arith.constant 0 : i32
    %dma_start3A_604 = arith.constant 0 : i32
    %dma_start3A_605 = tpu.memref_slice %arg22[%dma_start3A_603, %dma_start3A_604] : memref<10240x16xf32, #tpu.memory_space<vmem_shared>> -> memref<10240x16xf32, #tpu.memory_space<vmem_shared>>
    tpu.enqueue_indirect_dma source(%arg14 : memref<1296x16xf32, #tpu.memory_space<vmem>>) target(%dma_start3A_605 : memref<10240x16xf32, #tpu.memory_space<vmem_shared>>) offsets(%dma_start3A_602 : memref<1296xi32, #tpu.memory_space<vmem>>) semaphore(%arg18 : memref<!tpu.dma_semaphore, #tpu.memory_space<semaphore_mem>>) {add = true}
    %dma_wait3A_606 = arith.constant 6 : i32
    %dma_wait3A_607 = arith.constant 0 : i32
    %dma_wait3A_608 = tpu.memref_slice %arg7[%dma_wait3A_606, %dma_wait3A_607] : memref<8x1296xi32, #tpu.memory_space<vmem>> -> memref<1x1296xi32, #tpu.memory_space<vmem>>
    %dma_wait3A_609 = tpu.memref_squeeze %dma_wait3A_608 : memref<1x1296xi32, #tpu.memory_space<vmem>> -> memref<1296xi32, #tpu.memory_space<vmem>>
    %dma_wait3A_610 = arith.constant 0 : i32
    %dma_wait3A_611 = arith.constant 0 : i32
    %dma_wait3A_612 = tpu.memref_slice %arg22[%dma_wait3A_610, %dma_wait3A_611] : memref<10240x16xf32, #tpu.memory_space<vmem_shared>> -> memref<10240x16xf32, #tpu.memory_space<vmem_shared>>
    tpu.wait_indirect_dma semaphore(%arg17 : memref<!tpu.dma_semaphore, #tpu.memory_space<semaphore_mem>>) src(%arg13 : memref<1296x16xf32, #tpu.memory_space<vmem>>) dst(%dma_wait3A_612 : memref<10240x16xf32, #tpu.memory_space<vmem_shared>>)
    %dma_wait3A_613 = arith.constant 7 : i32
    %dma_wait3A_614 = arith.constant 0 : i32
    %dma_wait3A_615 = tpu.memref_slice %arg7[%dma_wait3A_613, %dma_wait3A_614] : memref<8x1296xi32, #tpu.memory_space<vmem>> -> memref<1x1296xi32, #tpu.memory_space<vmem>>
    %dma_wait3A_616 = tpu.memref_squeeze %dma_wait3A_615 : memref<1x1296xi32, #tpu.memory_space<vmem>> -> memref<1296xi32, #tpu.memory_space<vmem>>
    %dma_wait3A_617 = arith.constant 0 : i32
    %dma_wait3A_618 = arith.constant 0 : i32
    %dma_wait3A_619 = tpu.memref_slice %arg22[%dma_wait3A_617, %dma_wait3A_618] : memref<10240x16xf32, #tpu.memory_space<vmem_shared>> -> memref<10240x16xf32, #tpu.memory_space<vmem_shared>>
    tpu.wait_indirect_dma semaphore(%arg18 : memref<!tpu.dma_semaphore, #tpu.memory_space<semaphore_mem>>) src(%arg14 : memref<1296x16xf32, #tpu.memory_space<vmem>>) dst(%dma_wait3A_619 : memref<10240x16xf32, #tpu.memory_space<vmem_shared>>)
    %barrier3A_620 = arith.constant 0 : index
    tpu.barrier barrier_id(%barrier3A_620)
    "tpu.region"() ({
      %run_scoped3A = tpu.sem_alloc : memref<!tpu.dma_semaphore, #tpu.memory_space<semaphore_mem>>
      %dma_start3A_621 = arith.constant 0 : i32
      %dma_start3A_622 = tpu.memref_slice %arg4[%arg0, %mul3A_0, %dma_start3A_621] : memref<2x10240x16xf32, #tpu.memory_space<hbm>> -> memref<1x640x16xf32, #tpu.memory_space<hbm>>
      %dma_start3A_623 = tpu.memref_squeeze %dma_start3A_622 : memref<1x640x16xf32, #tpu.memory_space<hbm>> -> memref<640x16xf32, #tpu.memory_space<hbm>>
      %dma_start3A_624 = arith.constant 0 : i32
      %dma_start3A_625 = tpu.memref_slice %arg22[%mul3A_0, %dma_start3A_624] : memref<10240x16xf32, #tpu.memory_space<vmem_shared>> -> memref<640x16xf32, #tpu.memory_space<vmem_shared>>
      tpu.enqueue_dma source(%dma_start3A_625 : memref<640x16xf32, #tpu.memory_space<vmem_shared>>) target(%dma_start3A_623 : memref<640x16xf32, #tpu.memory_space<hbm>>) target_semaphore(%run_scoped3A : memref<!tpu.dma_semaphore, #tpu.memory_space<semaphore_mem>>)
      %dma_wait3A_626 = arith.constant 0 : i32
      %dma_wait3A_627 = tpu.memref_slice %arg4[%arg0, %mul3A_0, %dma_wait3A_626] : memref<2x10240x16xf32, #tpu.memory_space<hbm>> -> memref<1x640x16xf32, #tpu.memory_space<hbm>>
      %dma_wait3A_628 = tpu.memref_squeeze %dma_wait3A_627 : memref<1x640x16xf32, #tpu.memory_space<hbm>> -> memref<640x16xf32, #tpu.memory_space<hbm>>
      %dma_wait3A_629 = arith.constant 0 : i32
      %dma_wait3A_630 = tpu.memref_slice %arg22[%mul3A_0, %dma_wait3A_629] : memref<10240x16xf32, #tpu.memory_space<vmem_shared>> -> memref<640x16xf32, #tpu.memory_space<vmem_shared>>
      tpu.wait_dma2 semaphore(%run_scoped3A : memref<!tpu.dma_semaphore, #tpu.memory_space<semaphore_mem>>) src(%dma_wait3A_630 : memref<640x16xf32, #tpu.memory_space<vmem_shared>>) dst(%dma_wait3A_628 : memref<640x16xf32, #tpu.memory_space<hbm>>)
      tpu.yield
    }) : () -> ()
    return
  }
}

#map = affine_map<(d0, d1) -> (0, 0)>
#map1 = affine_map<(d0, d1) -> (0, 0, 0)>
module attributes {stable_mosaic.version = 14 : i64} {
  func.func @_agg(%arg0: i32, %arg1: i32, %arg2: memref<10240x16xf32, #tpu.memory_space<hbm>>, %arg3: memref<256x1296xi32, #tpu.memory_space<hbm>>, %arg4: memref<2x10240x16xf32, #tpu.memory_space<hbm>>, %arg5: memref<8x1296xi32, #tpu.memory_space<vmem>>, %arg6: memref<8x1296xi32, #tpu.memory_space<vmem>>, %arg7: memref<1296x16xf32, #tpu.memory_space<vmem>>, %arg8: memref<1296x16xf32, #tpu.memory_space<vmem>>, %arg9: memref<1296x16xf32, #tpu.memory_space<vmem>>, %arg10: memref<1296x16xf32, #tpu.memory_space<vmem>>, %arg11: memref<!tpu.dma_semaphore, #tpu.memory_space<semaphore_mem>>, %arg12: memref<!tpu.dma_semaphore, #tpu.memory_space<semaphore_mem>>, %arg13: memref<!tpu.dma_semaphore, #tpu.memory_space<semaphore_mem>>, %arg14: memref<!tpu.dma_semaphore, #tpu.memory_space<semaphore_mem>>, %arg15: memref<!tpu.dma_semaphore, #tpu.memory_space<semaphore_mem>>, %arg16: memref<!tpu.dma_semaphore, #tpu.memory_space<semaphore_mem>>, %arg17: memref<!tpu.dma_semaphore, #tpu.memory_space<semaphore_mem>>, %arg18: memref<!tpu.dma_semaphore, #tpu.memory_space<semaphore_mem>>, %arg19: memref<10240x16xf32, #tpu.memory_space<vmem_shared>>) attributes {dimension_semantics = [#tpu.dimension_semantics<core_parallel>, #tpu.dimension_semantics<subcore_parallel>], iteration_bounds = array<i64: 2, 16>, scalar_prefetch = 0 : i64, scratch_operands = 15 : i64, tpu.core_type = #tpu.core_type<sc_vector_subcore>, window_params = [{transform_indices = #map}, {transform_indices = #map}, {transform_indices = #map1}]} {
    %scan3A = arith.constant 0 : i32
    %scan3A_0 = arith.constant 0 : i32
    %scan3A_1 = arith.constant 160 : i32
    %scan3A_2 = arith.addi %scan3A_0, %scan3A_1 : i32
    %scan3A_3 = arith.constant 1 : i32
    %scan3A_4 = scf.for %scan3A_294 = %scan3A_0 to %scan3A_2 step %scan3A_3 iter_args(%scan3A_295 = %scan3A) -> (i32)  : i32 {
      %broadcast_in_dim3A = arith.constant 0.000000e+00 : f32
      %broadcast_in_dim3A_296 = vector.broadcast %broadcast_in_dim3A : f32 to vector<16xf32>
      %mul3A_297 = arith.constant 4 : i32
      %mul3A_298 = arith.muli %scan3A_294, %mul3A_297 : i32
      %add3A_299 = arith.constant 0 : i32
      %add3A_300 = arith.addi %mul3A_298, %add3A_299 : i32
      %swap3A = arith.index_cast %add3A_300 : i32 to index
      %swap3A_301 = arith.constant 0 : index
      %swap3A_302 = tpu.vector_load %arg7[%swap3A, %swap3A_301] {strides = array<i32>} : memref<1296x16xf32, #tpu.memory_space<vmem>>, vector<1x16xf32>,
      %swap3A_303 = vector.shape_cast %swap3A_302 : vector<1x16xf32> to vector<16xf32>
      %swap3A_304 = vector.shape_cast %broadcast_in_dim3A_296 : vector<16xf32> to vector<1x16xf32>
      tpu.vector_store %arg7[%swap3A, %swap3A_301], %swap3A_304 {strides = array<i32>} : memref<1296x16xf32, #tpu.memory_space<vmem>>, vector<1x16xf32>,
      %broadcast_in_dim3A_305 = arith.constant 0.000000e+00 : f32
      %broadcast_in_dim3A_306 = vector.broadcast %broadcast_in_dim3A_305 : f32 to vector<16xf32>
      %mul3A_307 = arith.constant 4 : i32
      %mul3A_308 = arith.muli %scan3A_294, %mul3A_307 : i32
      %add3A_309 = arith.constant 1 : i32
      %add3A_310 = arith.addi %mul3A_308, %add3A_309 : i32
      %swap3A_311 = arith.index_cast %add3A_310 : i32 to index
      %swap3A_312 = arith.constant 0 : index
      %swap3A_313 = tpu.vector_load %arg7[%swap3A_311, %swap3A_312] {strides = array<i32>} : memref<1296x16xf32, #tpu.memory_space<vmem>>, vector<1x16xf32>,
      %swap3A_314 = vector.shape_cast %swap3A_313 : vector<1x16xf32> to vector<16xf32>
      %swap3A_315 = vector.shape_cast %broadcast_in_dim3A_306 : vector<16xf32> to vector<1x16xf32>
      tpu.vector_store %arg7[%swap3A_311, %swap3A_312], %swap3A_315 {strides = array<i32>} : memref<1296x16xf32, #tpu.memory_space<vmem>>, vector<1x16xf32>,
      %broadcast_in_dim3A_316 = arith.constant 0.000000e+00 : f32
      %broadcast_in_dim3A_317 = vector.broadcast %broadcast_in_dim3A_316 : f32 to vector<16xf32>
      %mul3A_318 = arith.constant 4 : i32
      %mul3A_319 = arith.muli %scan3A_294, %mul3A_318 : i32
      %add3A_320 = arith.constant 2 : i32
      %add3A_321 = arith.addi %mul3A_319, %add3A_320 : i32
      %swap3A_322 = arith.index_cast %add3A_321 : i32 to index
      %swap3A_323 = arith.constant 0 : index
      %swap3A_324 = tpu.vector_load %arg7[%swap3A_322, %swap3A_323] {strides = array<i32>} : memref<1296x16xf32, #tpu.memory_space<vmem>>, vector<1x16xf32>,
      %swap3A_325 = vector.shape_cast %swap3A_324 : vector<1x16xf32> to vector<16xf32>
      %swap3A_326 = vector.shape_cast %broadcast_in_dim3A_317 : vector<16xf32> to vector<1x16xf32>
      tpu.vector_store %arg7[%swap3A_322, %swap3A_323], %swap3A_326 {strides = array<i32>} : memref<1296x16xf32, #tpu.memory_space<vmem>>, vector<1x16xf32>,
      %broadcast_in_dim3A_327 = arith.constant 0.000000e+00 : f32
      %broadcast_in_dim3A_328 = vector.broadcast %broadcast_in_dim3A_327 : f32 to vector<16xf32>
      %mul3A_329 = arith.constant 4 : i32
      %mul3A_330 = arith.muli %scan3A_294, %mul3A_329 : i32
      %add3A_331 = arith.constant 3 : i32
      %add3A_332 = arith.addi %mul3A_330, %add3A_331 : i32
      %swap3A_333 = arith.index_cast %add3A_332 : i32 to index
      %swap3A_334 = arith.constant 0 : index
      %swap3A_335 = tpu.vector_load %arg7[%swap3A_333, %swap3A_334] {strides = array<i32>} : memref<1296x16xf32, #tpu.memory_space<vmem>>, vector<1x16xf32>,
      %swap3A_336 = vector.shape_cast %swap3A_335 : vector<1x16xf32> to vector<16xf32>
      %swap3A_337 = vector.shape_cast %broadcast_in_dim3A_328 : vector<16xf32> to vector<1x16xf32>
      tpu.vector_store %arg7[%swap3A_333, %swap3A_334], %swap3A_337 {strides = array<i32>} : memref<1296x16xf32, #tpu.memory_space<vmem>>, vector<1x16xf32>,
      %scan3A_338 = arith.constant 0 : i32
      scf.yield %scan3A_338 : i32
    }
    %scan3A_5 = arith.constant 160 : i32
    %mul3A = arith.constant 640 : i32
    %mul3A_6 = arith.muli %arg1, %mul3A : i32
    "tpu.region"() ({
      %run_scoped3A = tpu.sem_alloc : memref<!tpu.dma_semaphore, #tpu.memory_space<semaphore_mem>>
      %dma_start3A_294 = arith.constant 0 : i32
      %dma_start3A_295 = arith.constant 0 : i32
      %dma_start3A_296 = tpu.memref_slice %arg7[%dma_start3A_294, %dma_start3A_295] : memref<1296x16xf32, #tpu.memory_space<vmem>> -> memref<640x16xf32, #tpu.memory_space<vmem>>
      %dma_start3A_297 = arith.constant 0 : i32
      %dma_start3A_298 = tpu.memref_slice %arg19[%mul3A_6, %dma_start3A_297] : memref<10240x16xf32, #tpu.memory_space<vmem_shared>> -> memref<640x16xf32, #tpu.memory_space<vmem_shared>>
      %dma_start3A_299 = arith.constant 0 : i32
      %dma_start3A_300 = tpu.memref_slice %arg19[%mul3A_6, %dma_start3A_299] : memref<10240x16xf32, #tpu.memory_space<vmem_shared>> -> memref<640x16xf32, #tpu.memory_space<vmem_shared>>
      %dma_start3A_301 = arith.constant 0 : i32
      %dma_start3A_302 = arith.constant 0 : i32
      %dma_start3A_303 = tpu.memref_slice %arg7[%dma_start3A_301, %dma_start3A_302] : memref<1296x16xf32, #tpu.memory_space<vmem>> -> memref<640x16xf32, #tpu.memory_space<vmem>>
      tpu.enqueue_dma source(%dma_start3A_303 : memref<640x16xf32, #tpu.memory_space<vmem>>) target(%dma_start3A_300 : memref<640x16xf32, #tpu.memory_space<vmem_shared>>) target_semaphore(%run_scoped3A : memref<!tpu.dma_semaphore, #tpu.memory_space<semaphore_mem>>)
      %dma_wait3A_304 = arith.constant 0 : i32
      %dma_wait3A_305 = arith.constant 0 : i32
      %dma_wait3A_306 = tpu.memref_slice %arg7[%dma_wait3A_304, %dma_wait3A_305] : memref<1296x16xf32, #tpu.memory_space<vmem>> -> memref<640x16xf32, #tpu.memory_space<vmem>>
      %dma_wait3A_307 = arith.constant 0 : i32
      %dma_wait3A_308 = tpu.memref_slice %arg19[%mul3A_6, %dma_wait3A_307] : memref<10240x16xf32, #tpu.memory_space<vmem_shared>> -> memref<640x16xf32, #tpu.memory_space<vmem_shared>>
      %dma_wait3A_309 = arith.constant 0 : i32
      %dma_wait3A_310 = tpu.memref_slice %arg19[%mul3A_6, %dma_wait3A_309] : memref<10240x16xf32, #tpu.memory_space<vmem_shared>> -> memref<640x16xf32, #tpu.memory_space<vmem_shared>>
      %dma_wait3A_311 = arith.constant 0 : i32
      %dma_wait3A_312 = arith.constant 0 : i32
      %dma_wait3A_313 = tpu.memref_slice %arg7[%dma_wait3A_311, %dma_wait3A_312] : memref<1296x16xf32, #tpu.memory_space<vmem>> -> memref<640x16xf32, #tpu.memory_space<vmem>>
      tpu.wait_dma2 semaphore(%run_scoped3A : memref<!tpu.dma_semaphore, #tpu.memory_space<semaphore_mem>>) src(%dma_wait3A_313 : memref<640x16xf32, #tpu.memory_space<vmem>>) dst(%dma_wait3A_310 : memref<640x16xf32, #tpu.memory_space<vmem_shared>>)
      tpu.yield
    }) : () -> ()
    %barrier3A = arith.constant 0 : index
    tpu.barrier barrier_id(%barrier3A)
    %mul3A_7 = arith.constant 16 : i32
    %mul3A_8 = arith.muli %arg0, %mul3A_7 : i32
    %add3A = arith.addi %mul3A_8, %arg1 : i32
    %mul3A_9 = arith.constant 8 : i32
    %mul3A_10 = arith.muli %add3A, %mul3A_9 : i32
    "tpu.region"() ({
      %run_scoped3A = tpu.sem_alloc : memref<!tpu.dma_semaphore, #tpu.memory_space<semaphore_mem>>
      %dma_start3A_294 = arith.constant 0 : i32
      %dma_start3A_295 = tpu.memref_slice %arg3[%mul3A_10, %dma_start3A_294] : memref<256x1296xi32, #tpu.memory_space<hbm>> -> memref<8x1296xi32, #tpu.memory_space<hbm>>
      %dma_start3A_296 = arith.constant 0 : i32
      %dma_start3A_297 = tpu.memref_slice %arg3[%mul3A_10, %dma_start3A_296] : memref<256x1296xi32, #tpu.memory_space<hbm>> -> memref<8x1296xi32, #tpu.memory_space<hbm>>
      tpu.enqueue_dma source(%dma_start3A_297 : memref<8x1296xi32, #tpu.memory_space<hbm>>) target(%arg5 : memref<8x1296xi32, #tpu.memory_space<vmem>>) target_semaphore(%run_scoped3A : memref<!tpu.dma_semaphore, #tpu.memory_space<semaphore_mem>>)
      %dma_wait3A_298 = arith.constant 0 : i32
      %dma_wait3A_299 = tpu.memref_slice %arg3[%mul3A_10, %dma_wait3A_298] : memref<256x1296xi32, #tpu.memory_space<hbm>> -> memref<8x1296xi32, #tpu.memory_space<hbm>>
      %dma_wait3A_300 = arith.constant 0 : i32
      %dma_wait3A_301 = tpu.memref_slice %arg3[%mul3A_10, %dma_wait3A_300] : memref<256x1296xi32, #tpu.memory_space<hbm>> -> memref<8x1296xi32, #tpu.memory_space<hbm>>
      tpu.wait_dma2 semaphore(%run_scoped3A : memref<!tpu.dma_semaphore, #tpu.memory_space<semaphore_mem>>) src(%dma_wait3A_301 : memref<8x1296xi32, #tpu.memory_space<hbm>>) dst(%arg5 : memref<8x1296xi32, #tpu.memory_space<vmem>>)
      tpu.yield
    }) : () -> ()
    %scan3A_11 = arith.constant 0 : i32
    %scan3A_12 = arith.constant 0 : i32
    %scan3A_13 = arith.constant 27 : i32
    %scan3A_14 = arith.addi %scan3A_12, %scan3A_13 : i32
    %scan3A_15 = arith.constant 1 : i32
    %scan3A_16 = scf.for %scan3A_294 = %scan3A_12 to %scan3A_14 step %scan3A_15 iter_args(%scan3A_295 = %scan3A_11) -> (i32)  : i32 {
      %mul3A_296 = arith.constant 3 : i32
      %mul3A_297 = arith.muli %scan3A_294, %mul3A_296 : i32
      %add3A_298 = arith.constant 0 : i32
      %add3A_299 = arith.addi %mul3A_297, %add3A_298 : i32
      %mul3A_300 = arith.constant 16 : i32
      %mul3A_301 = arith.muli %add3A_299, %mul3A_300 : i32
      %get3A = arith.constant 0 : i32
      %get3A_302 = arith.index_cast %get3A : i32 to index
      %get3A_303 = arith.index_cast %mul3A_301 : i32 to index
      %get3A_304 = tpu.vector_load %arg5[%get3A_302, %get3A_303] {strides = array<i32>} : memref<8x1296xi32, #tpu.memory_space<vmem>>, vector<1x16xi32>,
      %get3A_305 = vector.shape_cast %get3A_304 : vector<1x16xi32> to vector<16xi32>
      %shift_right_arithmetic3A = arith.constant 16 : i32
      %shift_right_arithmetic3A_306 = vector.broadcast %shift_right_arithmetic3A : i32 to vector<16xi32>
      %shift_right_arithmetic3A_307 = arith.shrsi %get3A_305, %shift_right_arithmetic3A_306 : vector<16xi32>
      %swap3A = arith.constant 0 : i32
      %swap3A_308 = arith.index_cast %swap3A : i32 to index
      %swap3A_309 = arith.index_cast %mul3A_301 : i32 to index
      %swap3A_310 = tpu.vector_load %arg6[%swap3A_308, %swap3A_309] {strides = array<i32>} : memref<8x1296xi32, #tpu.memory_space<vmem>>, vector<1x16xi32>,
      %swap3A_311 = vector.shape_cast %swap3A_310 : vector<1x16xi32> to vector<16xi32>
      %swap3A_312 = vector.shape_cast %shift_right_arithmetic3A_307 : vector<16xi32> to vector<1x16xi32>
      tpu.vector_store %arg6[%swap3A_308, %swap3A_309], %swap3A_312 {strides = array<i32>} : memref<8x1296xi32, #tpu.memory_space<vmem>>, vector<1x16xi32>,
      %and3A = arith.constant 65535 : i32
      %and3A_313 = vector.broadcast %and3A : i32 to vector<16xi32>
      %and3A_314 = arith.andi %get3A_305, %and3A_313 : vector<16xi32>
      %swap3A_315 = arith.constant 0 : i32
      %swap3A_316 = arith.index_cast %swap3A_315 : i32 to index
      %swap3A_317 = arith.index_cast %mul3A_301 : i32 to index
      %swap3A_318 = tpu.vector_load %arg5[%swap3A_316, %swap3A_317] {strides = array<i32>} : memref<8x1296xi32, #tpu.memory_space<vmem>>, vector<1x16xi32>,
      %swap3A_319 = vector.shape_cast %swap3A_318 : vector<1x16xi32> to vector<16xi32>
      %swap3A_320 = vector.shape_cast %and3A_314 : vector<16xi32> to vector<1x16xi32>
      tpu.vector_store %arg5[%swap3A_316, %swap3A_317], %swap3A_320 {strides = array<i32>} : memref<8x1296xi32, #tpu.memory_space<vmem>>, vector<1x16xi32>,
      %mul3A_321 = arith.constant 3 : i32
      %mul3A_322 = arith.muli %scan3A_294, %mul3A_321 : i32
      %add3A_323 = arith.constant 1 : i32
      %add3A_324 = arith.addi %mul3A_322, %add3A_323 : i32
      %mul3A_325 = arith.constant 16 : i32
      %mul3A_326 = arith.muli %add3A_324, %mul3A_325 : i32
      %get3A_327 = arith.constant 0 : i32
      %get3A_328 = arith.index_cast %get3A_327 : i32 to index
      %get3A_329 = arith.index_cast %mul3A_326 : i32 to index
      %get3A_330 = tpu.vector_load %arg5[%get3A_328, %get3A_329] {strides = array<i32>} : memref<8x1296xi32, #tpu.memory_space<vmem>>, vector<1x16xi32>,
      %get3A_331 = vector.shape_cast %get3A_330 : vector<1x16xi32> to vector<16xi32>
      %shift_right_arithmetic3A_332 = arith.constant 16 : i32
      %shift_right_arithmetic3A_333 = vector.broadcast %shift_right_arithmetic3A_332 : i32 to vector<16xi32>
      %shift_right_arithmetic3A_334 = arith.shrsi %get3A_331, %shift_right_arithmetic3A_333 : vector<16xi32>
      %swap3A_335 = arith.constant 0 : i32
      %swap3A_336 = arith.index_cast %swap3A_335 : i32 to index
      %swap3A_337 = arith.index_cast %mul3A_326 : i32 to index
      %swap3A_338 = tpu.vector_load %arg6[%swap3A_336, %swap3A_337] {strides = array<i32>} : memref<8x1296xi32, #tpu.memory_space<vmem>>, vector<1x16xi32>,
      %swap3A_339 = vector.shape_cast %swap3A_338 : vector<1x16xi32> to vector<16xi32>
      %swap3A_340 = vector.shape_cast %shift_right_arithmetic3A_334 : vector<16xi32> to vector<1x16xi32>
      tpu.vector_store %arg6[%swap3A_336, %swap3A_337], %swap3A_340 {strides = array<i32>} : memref<8x1296xi32, #tpu.memory_space<vmem>>, vector<1x16xi32>,
      %and3A_341 = arith.constant 65535 : i32
      %and3A_342 = vector.broadcast %and3A_341 : i32 to vector<16xi32>
      %and3A_343 = arith.andi %get3A_331, %and3A_342 : vector<16xi32>
      %swap3A_344 = arith.constant 0 : i32
      %swap3A_345 = arith.index_cast %swap3A_344 : i32 to index
      %swap3A_346 = arith.index_cast %mul3A_326 : i32 to index
      %swap3A_347 = tpu.vector_load %arg5[%swap3A_345, %swap3A_346] {strides = array<i32>} : memref<8x1296xi32, #tpu.memory_space<vmem>>, vector<1x16xi32>,
      %swap3A_348 = vector.shape_cast %swap3A_347 : vector<1x16xi32> to vector<16xi32>
      %swap3A_349 = vector.shape_cast %and3A_343 : vector<16xi32> to vector<1x16xi32>
      tpu.vector_store %arg5[%swap3A_345, %swap3A_346], %swap3A_349 {strides = array<i32>} : memref<8x1296xi32, #tpu.memory_space<vmem>>, vector<1x16xi32>,
      %mul3A_350 = arith.constant 3 : i32
      %mul3A_351 = arith.muli %scan3A_294, %mul3A_350 : i32
      %add3A_352 = arith.constant 2 : i32
      %add3A_353 = arith.addi %mul3A_351, %add3A_352 : i32
      %mul3A_354 = arith.constant 16 : i32
      %mul3A_355 = arith.muli %add3A_353, %mul3A_354 : i32
      %get3A_356 = arith.constant 0 : i32
      %get3A_357 = arith.index_cast %get3A_356 : i32 to index
      %get3A_358 = arith.index_cast %mul3A_355 : i32 to index
      %get3A_359 = tpu.vector_load %arg5[%get3A_357, %get3A_358] {strides = array<i32>} : memref<8x1296xi32, #tpu.memory_space<vmem>>, vector<1x16xi32>,
      %get3A_360 = vector.shape_cast %get3A_359 : vector<1x16xi32> to vector<16xi32>
      %shift_right_arithmetic3A_361 = arith.constant 16 : i32
      %shift_right_arithmetic3A_362 = vector.broadcast %shift_right_arithmetic3A_361 : i32 to vector<16xi32>
      %shift_right_arithmetic3A_363 = arith.shrsi %get3A_360, %shift_right_arithmetic3A_362 : vector<16xi32>
      %swap3A_364 = arith.constant 0 : i32
      %swap3A_365 = arith.index_cast %swap3A_364 : i32 to index
      %swap3A_366 = arith.index_cast %mul3A_355 : i32 to index
      %swap3A_367 = tpu.vector_load %arg6[%swap3A_365, %swap3A_366] {strides = array<i32>} : memref<8x1296xi32, #tpu.memory_space<vmem>>, vector<1x16xi32>,
      %swap3A_368 = vector.shape_cast %swap3A_367 : vector<1x16xi32> to vector<16xi32>
      %swap3A_369 = vector.shape_cast %shift_right_arithmetic3A_363 : vector<16xi32> to vector<1x16xi32>
      tpu.vector_store %arg6[%swap3A_365, %swap3A_366], %swap3A_369 {strides = array<i32>} : memref<8x1296xi32, #tpu.memory_space<vmem>>, vector<1x16xi32>,
      %and3A_370 = arith.constant 65535 : i32
      %and3A_371 = vector.broadcast %and3A_370 : i32 to vector<16xi32>
      %and3A_372 = arith.andi %get3A_360, %and3A_371 : vector<16xi32>
      %swap3A_373 = arith.constant 0 : i32
      %swap3A_374 = arith.index_cast %swap3A_373 : i32 to index
      %swap3A_375 = arith.index_cast %mul3A_355 : i32 to index
      %swap3A_376 = tpu.vector_load %arg5[%swap3A_374, %swap3A_375] {strides = array<i32>} : memref<8x1296xi32, #tpu.memory_space<vmem>>, vector<1x16xi32>,
      %swap3A_377 = vector.shape_cast %swap3A_376 : vector<1x16xi32> to vector<16xi32>
      %swap3A_378 = vector.shape_cast %and3A_372 : vector<16xi32> to vector<1x16xi32>
      tpu.vector_store %arg5[%swap3A_374, %swap3A_375], %swap3A_378 {strides = array<i32>} : memref<8x1296xi32, #tpu.memory_space<vmem>>, vector<1x16xi32>,
      %scan3A_379 = arith.constant 0 : i32
      scf.yield %scan3A_379 : i32
    }
    %scan3A_17 = arith.constant 27 : i32
    %scan3A_18 = arith.constant 0 : i32
    %scan3A_19 = arith.constant 0 : i32
    %scan3A_20 = arith.constant 27 : i32
    %scan3A_21 = arith.addi %scan3A_19, %scan3A_20 : i32
    %scan3A_22 = arith.constant 1 : i32
    %scan3A_23 = scf.for %scan3A_294 = %scan3A_19 to %scan3A_21 step %scan3A_22 iter_args(%scan3A_295 = %scan3A_18) -> (i32)  : i32 {
      %mul3A_296 = arith.constant 3 : i32
      %mul3A_297 = arith.muli %scan3A_294, %mul3A_296 : i32
      %add3A_298 = arith.constant 0 : i32
      %add3A_299 = arith.addi %mul3A_297, %add3A_298 : i32
      %mul3A_300 = arith.constant 16 : i32
      %mul3A_301 = arith.muli %add3A_299, %mul3A_300 : i32
      %get3A = arith.constant 1 : i32
      %get3A_302 = arith.index_cast %get3A : i32 to index
      %get3A_303 = arith.index_cast %mul3A_301 : i32 to index
      %get3A_304 = tpu.vector_load %arg5[%get3A_302, %get3A_303] {strides = array<i32>} : memref<8x1296xi32, #tpu.memory_space<vmem>>, vector<1x16xi32>,
      %get3A_305 = vector.shape_cast %get3A_304 : vector<1x16xi32> to vector<16xi32>
      %shift_right_arithmetic3A = arith.constant 16 : i32
      %shift_right_arithmetic3A_306 = vector.broadcast %shift_right_arithmetic3A : i32 to vector<16xi32>
      %shift_right_arithmetic3A_307 = arith.shrsi %get3A_305, %shift_right_arithmetic3A_306 : vector<16xi32>
      %swap3A = arith.constant 1 : i32
      %swap3A_308 = arith.index_cast %swap3A : i32 to index
      %swap3A_309 = arith.index_cast %mul3A_301 : i32 to index
      %swap3A_310 = tpu.vector_load %arg6[%swap3A_308, %swap3A_309] {strides = array<i32>} : memref<8x1296xi32, #tpu.memory_space<vmem>>, vector<1x16xi32>,
      %swap3A_311 = vector.shape_cast %swap3A_310 : vector<1x16xi32> to vector<16xi32>
      %swap3A_312 = vector.shape_cast %shift_right_arithmetic3A_307 : vector<16xi32> to vector<1x16xi32>
      tpu.vector_store %arg6[%swap3A_308, %swap3A_309], %swap3A_312 {strides = array<i32>} : memref<8x1296xi32, #tpu.memory_space<vmem>>, vector<1x16xi32>,
      %and3A = arith.constant 65535 : i32
      %and3A_313 = vector.broadcast %and3A : i32 to vector<16xi32>
      %and3A_314 = arith.andi %get3A_305, %and3A_313 : vector<16xi32>
      %swap3A_315 = arith.constant 1 : i32
      %swap3A_316 = arith.index_cast %swap3A_315 : i32 to index
      %swap3A_317 = arith.index_cast %mul3A_301 : i32 to index
      %swap3A_318 = tpu.vector_load %arg5[%swap3A_316, %swap3A_317] {strides = array<i32>} : memref<8x1296xi32, #tpu.memory_space<vmem>>, vector<1x16xi32>,
      %swap3A_319 = vector.shape_cast %swap3A_318 : vector<1x16xi32> to vector<16xi32>
      %swap3A_320 = vector.shape_cast %and3A_314 : vector<16xi32> to vector<1x16xi32>
      tpu.vector_store %arg5[%swap3A_316, %swap3A_317], %swap3A_320 {strides = array<i32>} : memref<8x1296xi32, #tpu.memory_space<vmem>>, vector<1x16xi32>,
      %mul3A_321 = arith.constant 3 : i32
      %mul3A_322 = arith.muli %scan3A_294, %mul3A_321 : i32
      %add3A_323 = arith.constant 1 : i32
      %add3A_324 = arith.addi %mul3A_322, %add3A_323 : i32
      %mul3A_325 = arith.constant 16 : i32
      %mul3A_326 = arith.muli %add3A_324, %mul3A_325 : i32
      %get3A_327 = arith.constant 1 : i32
      %get3A_328 = arith.index_cast %get3A_327 : i32 to index
      %get3A_329 = arith.index_cast %mul3A_326 : i32 to index
      %get3A_330 = tpu.vector_load %arg5[%get3A_328, %get3A_329] {strides = array<i32>} : memref<8x1296xi32, #tpu.memory_space<vmem>>, vector<1x16xi32>,
      %get3A_331 = vector.shape_cast %get3A_330 : vector<1x16xi32> to vector<16xi32>
      %shift_right_arithmetic3A_332 = arith.constant 16 : i32
      %shift_right_arithmetic3A_333 = vector.broadcast %shift_right_arithmetic3A_332 : i32 to vector<16xi32>
      %shift_right_arithmetic3A_334 = arith.shrsi %get3A_331, %shift_right_arithmetic3A_333 : vector<16xi32>
      %swap3A_335 = arith.constant 1 : i32
      %swap3A_336 = arith.index_cast %swap3A_335 : i32 to index
      %swap3A_337 = arith.index_cast %mul3A_326 : i32 to index
      %swap3A_338 = tpu.vector_load %arg6[%swap3A_336, %swap3A_337] {strides = array<i32>} : memref<8x1296xi32, #tpu.memory_space<vmem>>, vector<1x16xi32>,
      %swap3A_339 = vector.shape_cast %swap3A_338 : vector<1x16xi32> to vector<16xi32>
      %swap3A_340 = vector.shape_cast %shift_right_arithmetic3A_334 : vector<16xi32> to vector<1x16xi32>
      tpu.vector_store %arg6[%swap3A_336, %swap3A_337], %swap3A_340 {strides = array<i32>} : memref<8x1296xi32, #tpu.memory_space<vmem>>, vector<1x16xi32>,
      %and3A_341 = arith.constant 65535 : i32
      %and3A_342 = vector.broadcast %and3A_341 : i32 to vector<16xi32>
      %and3A_343 = arith.andi %get3A_331, %and3A_342 : vector<16xi32>
      %swap3A_344 = arith.constant 1 : i32
      %swap3A_345 = arith.index_cast %swap3A_344 : i32 to index
      %swap3A_346 = arith.index_cast %mul3A_326 : i32 to index
      %swap3A_347 = tpu.vector_load %arg5[%swap3A_345, %swap3A_346] {strides = array<i32>} : memref<8x1296xi32, #tpu.memory_space<vmem>>, vector<1x16xi32>,
      %swap3A_348 = vector.shape_cast %swap3A_347 : vector<1x16xi32> to vector<16xi32>
      %swap3A_349 = vector.shape_cast %and3A_343 : vector<16xi32> to vector<1x16xi32>
      tpu.vector_store %arg5[%swap3A_345, %swap3A_346], %swap3A_349 {strides = array<i32>} : memref<8x1296xi32, #tpu.memory_space<vmem>>, vector<1x16xi32>,
      %mul3A_350 = arith.constant 3 : i32
      %mul3A_351 = arith.muli %scan3A_294, %mul3A_350 : i32
      %add3A_352 = arith.constant 2 : i32
      %add3A_353 = arith.addi %mul3A_351, %add3A_352 : i32
      %mul3A_354 = arith.constant 16 : i32
      %mul3A_355 = arith.muli %add3A_353, %mul3A_354 : i32
      %get3A_356 = arith.constant 1 : i32
      %get3A_357 = arith.index_cast %get3A_356 : i32 to index
      %get3A_358 = arith.index_cast %mul3A_355 : i32 to index
      %get3A_359 = tpu.vector_load %arg5[%get3A_357, %get3A_358] {strides = array<i32>} : memref<8x1296xi32, #tpu.memory_space<vmem>>, vector<1x16xi32>,
      %get3A_360 = vector.shape_cast %get3A_359 : vector<1x16xi32> to vector<16xi32>
      %shift_right_arithmetic3A_361 = arith.constant 16 : i32
      %shift_right_arithmetic3A_362 = vector.broadcast %shift_right_arithmetic3A_361 : i32 to vector<16xi32>
      %shift_right_arithmetic3A_363 = arith.shrsi %get3A_360, %shift_right_arithmetic3A_362 : vector<16xi32>
      %swap3A_364 = arith.constant 1 : i32
      %swap3A_365 = arith.index_cast %swap3A_364 : i32 to index
      %swap3A_366 = arith.index_cast %mul3A_355 : i32 to index
      %swap3A_367 = tpu.vector_load %arg6[%swap3A_365, %swap3A_366] {strides = array<i32>} : memref<8x1296xi32, #tpu.memory_space<vmem>>, vector<1x16xi32>,
      %swap3A_368 = vector.shape_cast %swap3A_367 : vector<1x16xi32> to vector<16xi32>
      %swap3A_369 = vector.shape_cast %shift_right_arithmetic3A_363 : vector<16xi32> to vector<1x16xi32>
      tpu.vector_store %arg6[%swap3A_365, %swap3A_366], %swap3A_369 {strides = array<i32>} : memref<8x1296xi32, #tpu.memory_space<vmem>>, vector<1x16xi32>,
      %and3A_370 = arith.constant 65535 : i32
      %and3A_371 = vector.broadcast %and3A_370 : i32 to vector<16xi32>
      %and3A_372 = arith.andi %get3A_360, %and3A_371 : vector<16xi32>
      %swap3A_373 = arith.constant 1 : i32
      %swap3A_374 = arith.index_cast %swap3A_373 : i32 to index
      %swap3A_375 = arith.index_cast %mul3A_355 : i32 to index
      %swap3A_376 = tpu.vector_load %arg5[%swap3A_374, %swap3A_375] {strides = array<i32>} : memref<8x1296xi32, #tpu.memory_space<vmem>>, vector<1x16xi32>,
      %swap3A_377 = vector.shape_cast %swap3A_376 : vector<1x16xi32> to vector<16xi32>
      %swap3A_378 = vector.shape_cast %and3A_372 : vector<16xi32> to vector<1x16xi32>
      tpu.vector_store %arg5[%swap3A_374, %swap3A_375], %swap3A_378 {strides = array<i32>} : memref<8x1296xi32, #tpu.memory_space<vmem>>, vector<1x16xi32>,
      %scan3A_379 = arith.constant 0 : i32
      scf.yield %scan3A_379 : i32
    }
    %scan3A_24 = arith.constant 27 : i32
    %scan3A_25 = arith.constant 0 : i32
    %scan3A_26 = arith.constant 0 : i32
    %scan3A_27 = arith.constant 27 : i32
    %scan3A_28 = arith.addi %scan3A_26, %scan3A_27 : i32
    %scan3A_29 = arith.constant 1 : i32
    %scan3A_30 = scf.for %scan3A_294 = %scan3A_26 to %scan3A_28 step %scan3A_29 iter_args(%scan3A_295 = %scan3A_25) -> (i32)  : i32 {
      %mul3A_296 = arith.constant 3 : i32
      %mul3A_297 = arith.muli %scan3A_294, %mul3A_296 : i32
      %add3A_298 = arith.constant 0 : i32
      %add3A_299 = arith.addi %mul3A_297, %add3A_298 : i32
      %mul3A_300 = arith.constant 16 : i32
      %mul3A_301 = arith.muli %add3A_299, %mul3A_300 : i32
      %get3A = arith.constant 2 : i32
      %get3A_302 = arith.index_cast %get3A : i32 to index
      %get3A_303 = arith.index_cast %mul3A_301 : i32 to index
      %get3A_304 = tpu.vector_load %arg5[%get3A_302, %get3A_303] {strides = array<i32>} : memref<8x1296xi32, #tpu.memory_space<vmem>>, vector<1x16xi32>,
      %get3A_305 = vector.shape_cast %get3A_304 : vector<1x16xi32> to vector<16xi32>
      %shift_right_arithmetic3A = arith.constant 16 : i32
      %shift_right_arithmetic3A_306 = vector.broadcast %shift_right_arithmetic3A : i32 to vector<16xi32>
      %shift_right_arithmetic3A_307 = arith.shrsi %get3A_305, %shift_right_arithmetic3A_306 : vector<16xi32>
      %swap3A = arith.constant 2 : i32
      %swap3A_308 = arith.index_cast %swap3A : i32 to index
      %swap3A_309 = arith.index_cast %mul3A_301 : i32 to index
      %swap3A_310 = tpu.vector_load %arg6[%swap3A_308, %swap3A_309] {strides = array<i32>} : memref<8x1296xi32, #tpu.memory_space<vmem>>, vector<1x16xi32>,
      %swap3A_311 = vector.shape_cast %swap3A_310 : vector<1x16xi32> to vector<16xi32>
      %swap3A_312 = vector.shape_cast %shift_right_arithmetic3A_307 : vector<16xi32> to vector<1x16xi32>
      tpu.vector_store %arg6[%swap3A_308, %swap3A_309], %swap3A_312 {strides = array<i32>} : memref<8x1296xi32, #tpu.memory_space<vmem>>, vector<1x16xi32>,
      %and3A = arith.constant 65535 : i32
      %and3A_313 = vector.broadcast %and3A : i32 to vector<16xi32>
      %and3A_314 = arith.andi %get3A_305, %and3A_313 : vector<16xi32>
      %swap3A_315 = arith.constant 2 : i32
      %swap3A_316 = arith.index_cast %swap3A_315 : i32 to index
      %swap3A_317 = arith.index_cast %mul3A_301 : i32 to index
      %swap3A_318 = tpu.vector_load %arg5[%swap3A_316, %swap3A_317] {strides = array<i32>} : memref<8x1296xi32, #tpu.memory_space<vmem>>, vector<1x16xi32>,
      %swap3A_319 = vector.shape_cast %swap3A_318 : vector<1x16xi32> to vector<16xi32>
      %swap3A_320 = vector.shape_cast %and3A_314 : vector<16xi32> to vector<1x16xi32>
      tpu.vector_store %arg5[%swap3A_316, %swap3A_317], %swap3A_320 {strides = array<i32>} : memref<8x1296xi32, #tpu.memory_space<vmem>>, vector<1x16xi32>,
      %mul3A_321 = arith.constant 3 : i32
      %mul3A_322 = arith.muli %scan3A_294, %mul3A_321 : i32
      %add3A_323 = arith.constant 1 : i32
      %add3A_324 = arith.addi %mul3A_322, %add3A_323 : i32
      %mul3A_325 = arith.constant 16 : i32
      %mul3A_326 = arith.muli %add3A_324, %mul3A_325 : i32
      %get3A_327 = arith.constant 2 : i32
      %get3A_328 = arith.index_cast %get3A_327 : i32 to index
      %get3A_329 = arith.index_cast %mul3A_326 : i32 to index
      %get3A_330 = tpu.vector_load %arg5[%get3A_328, %get3A_329] {strides = array<i32>} : memref<8x1296xi32, #tpu.memory_space<vmem>>, vector<1x16xi32>,
      %get3A_331 = vector.shape_cast %get3A_330 : vector<1x16xi32> to vector<16xi32>
      %shift_right_arithmetic3A_332 = arith.constant 16 : i32
      %shift_right_arithmetic3A_333 = vector.broadcast %shift_right_arithmetic3A_332 : i32 to vector<16xi32>
      %shift_right_arithmetic3A_334 = arith.shrsi %get3A_331, %shift_right_arithmetic3A_333 : vector<16xi32>
      %swap3A_335 = arith.constant 2 : i32
      %swap3A_336 = arith.index_cast %swap3A_335 : i32 to index
      %swap3A_337 = arith.index_cast %mul3A_326 : i32 to index
      %swap3A_338 = tpu.vector_load %arg6[%swap3A_336, %swap3A_337] {strides = array<i32>} : memref<8x1296xi32, #tpu.memory_space<vmem>>, vector<1x16xi32>,
      %swap3A_339 = vector.shape_cast %swap3A_338 : vector<1x16xi32> to vector<16xi32>
      %swap3A_340 = vector.shape_cast %shift_right_arithmetic3A_334 : vector<16xi32> to vector<1x16xi32>
      tpu.vector_store %arg6[%swap3A_336, %swap3A_337], %swap3A_340 {strides = array<i32>} : memref<8x1296xi32, #tpu.memory_space<vmem>>, vector<1x16xi32>,
      %and3A_341 = arith.constant 65535 : i32
      %and3A_342 = vector.broadcast %and3A_341 : i32 to vector<16xi32>
      %and3A_343 = arith.andi %get3A_331, %and3A_342 : vector<16xi32>
      %swap3A_344 = arith.constant 2 : i32
      %swap3A_345 = arith.index_cast %swap3A_344 : i32 to index
      %swap3A_346 = arith.index_cast %mul3A_326 : i32 to index
      %swap3A_347 = tpu.vector_load %arg5[%swap3A_345, %swap3A_346] {strides = array<i32>} : memref<8x1296xi32, #tpu.memory_space<vmem>>, vector<1x16xi32>,
      %swap3A_348 = vector.shape_cast %swap3A_347 : vector<1x16xi32> to vector<16xi32>
      %swap3A_349 = vector.shape_cast %and3A_343 : vector<16xi32> to vector<1x16xi32>
      tpu.vector_store %arg5[%swap3A_345, %swap3A_346], %swap3A_349 {strides = array<i32>} : memref<8x1296xi32, #tpu.memory_space<vmem>>, vector<1x16xi32>,
      %mul3A_350 = arith.constant 3 : i32
      %mul3A_351 = arith.muli %scan3A_294, %mul3A_350 : i32
      %add3A_352 = arith.constant 2 : i32
      %add3A_353 = arith.addi %mul3A_351, %add3A_352 : i32
      %mul3A_354 = arith.constant 16 : i32
      %mul3A_355 = arith.muli %add3A_353, %mul3A_354 : i32
      %get3A_356 = arith.constant 2 : i32
      %get3A_357 = arith.index_cast %get3A_356 : i32 to index
      %get3A_358 = arith.index_cast %mul3A_355 : i32 to index
      %get3A_359 = tpu.vector_load %arg5[%get3A_357, %get3A_358] {strides = array<i32>} : memref<8x1296xi32, #tpu.memory_space<vmem>>, vector<1x16xi32>,
      %get3A_360 = vector.shape_cast %get3A_359 : vector<1x16xi32> to vector<16xi32>
      %shift_right_arithmetic3A_361 = arith.constant 16 : i32
      %shift_right_arithmetic3A_362 = vector.broadcast %shift_right_arithmetic3A_361 : i32 to vector<16xi32>
      %shift_right_arithmetic3A_363 = arith.shrsi %get3A_360, %shift_right_arithmetic3A_362 : vector<16xi32>
      %swap3A_364 = arith.constant 2 : i32
      %swap3A_365 = arith.index_cast %swap3A_364 : i32 to index
      %swap3A_366 = arith.index_cast %mul3A_355 : i32 to index
      %swap3A_367 = tpu.vector_load %arg6[%swap3A_365, %swap3A_366] {strides = array<i32>} : memref<8x1296xi32, #tpu.memory_space<vmem>>, vector<1x16xi32>,
      %swap3A_368 = vector.shape_cast %swap3A_367 : vector<1x16xi32> to vector<16xi32>
      %swap3A_369 = vector.shape_cast %shift_right_arithmetic3A_363 : vector<16xi32> to vector<1x16xi32>
      tpu.vector_store %arg6[%swap3A_365, %swap3A_366], %swap3A_369 {strides = array<i32>} : memref<8x1296xi32, #tpu.memory_space<vmem>>, vector<1x16xi32>,
      %and3A_370 = arith.constant 65535 : i32
      %and3A_371 = vector.broadcast %and3A_370 : i32 to vector<16xi32>
      %and3A_372 = arith.andi %get3A_360, %and3A_371 : vector<16xi32>
      %swap3A_373 = arith.constant 2 : i32
      %swap3A_374 = arith.index_cast %swap3A_373 : i32 to index
      %swap3A_375 = arith.index_cast %mul3A_355 : i32 to index
      %swap3A_376 = tpu.vector_load %arg5[%swap3A_374, %swap3A_375] {strides = array<i32>} : memref<8x1296xi32, #tpu.memory_space<vmem>>, vector<1x16xi32>,
      %swap3A_377 = vector.shape_cast %swap3A_376 : vector<1x16xi32> to vector<16xi32>
      %swap3A_378 = vector.shape_cast %and3A_372 : vector<16xi32> to vector<1x16xi32>
      tpu.vector_store %arg5[%swap3A_374, %swap3A_375], %swap3A_378 {strides = array<i32>} : memref<8x1296xi32, #tpu.memory_space<vmem>>, vector<1x16xi32>,
      %scan3A_379 = arith.constant 0 : i32
      scf.yield %scan3A_379 : i32
    }
    %scan3A_31 = arith.constant 27 : i32
    %scan3A_32 = arith.constant 0 : i32
    %scan3A_33 = arith.constant 0 : i32
    %scan3A_34 = arith.constant 27 : i32
    %scan3A_35 = arith.addi %scan3A_33, %scan3A_34 : i32
    %scan3A_36 = arith.constant 1 : i32
    %scan3A_37 = scf.for %scan3A_294 = %scan3A_33 to %scan3A_35 step %scan3A_36 iter_args(%scan3A_295 = %scan3A_32) -> (i32)  : i32 {
      %mul3A_296 = arith.constant 3 : i32
      %mul3A_297 = arith.muli %scan3A_294, %mul3A_296 : i32
      %add3A_298 = arith.constant 0 : i32
      %add3A_299 = arith.addi %mul3A_297, %add3A_298 : i32
      %mul3A_300 = arith.constant 16 : i32
      %mul3A_301 = arith.muli %add3A_299, %mul3A_300 : i32
      %get3A = arith.constant 3 : i32
      %get3A_302 = arith.index_cast %get3A : i32 to index
      %get3A_303 = arith.index_cast %mul3A_301 : i32 to index
      %get3A_304 = tpu.vector_load %arg5[%get3A_302, %get3A_303] {strides = array<i32>} : memref<8x1296xi32, #tpu.memory_space<vmem>>, vector<1x16xi32>,
      %get3A_305 = vector.shape_cast %get3A_304 : vector<1x16xi32> to vector<16xi32>
      %shift_right_arithmetic3A = arith.constant 16 : i32
      %shift_right_arithmetic3A_306 = vector.broadcast %shift_right_arithmetic3A : i32 to vector<16xi32>
      %shift_right_arithmetic3A_307 = arith.shrsi %get3A_305, %shift_right_arithmetic3A_306 : vector<16xi32>
      %swap3A = arith.constant 3 : i32
      %swap3A_308 = arith.index_cast %swap3A : i32 to index
      %swap3A_309 = arith.index_cast %mul3A_301 : i32 to index
      %swap3A_310 = tpu.vector_load %arg6[%swap3A_308, %swap3A_309] {strides = array<i32>} : memref<8x1296xi32, #tpu.memory_space<vmem>>, vector<1x16xi32>,
      %swap3A_311 = vector.shape_cast %swap3A_310 : vector<1x16xi32> to vector<16xi32>
      %swap3A_312 = vector.shape_cast %shift_right_arithmetic3A_307 : vector<16xi32> to vector<1x16xi32>
      tpu.vector_store %arg6[%swap3A_308, %swap3A_309], %swap3A_312 {strides = array<i32>} : memref<8x1296xi32, #tpu.memory_space<vmem>>, vector<1x16xi32>,
      %and3A = arith.constant 65535 : i32
      %and3A_313 = vector.broadcast %and3A : i32 to vector<16xi32>
      %and3A_314 = arith.andi %get3A_305, %and3A_313 : vector<16xi32>
      %swap3A_315 = arith.constant 3 : i32
      %swap3A_316 = arith.index_cast %swap3A_315 : i32 to index
      %swap3A_317 = arith.index_cast %mul3A_301 : i32 to index
      %swap3A_318 = tpu.vector_load %arg5[%swap3A_316, %swap3A_317] {strides = array<i32>} : memref<8x1296xi32, #tpu.memory_space<vmem>>, vector<1x16xi32>,
      %swap3A_319 = vector.shape_cast %swap3A_318 : vector<1x16xi32> to vector<16xi32>
      %swap3A_320 = vector.shape_cast %and3A_314 : vector<16xi32> to vector<1x16xi32>
      tpu.vector_store %arg5[%swap3A_316, %swap3A_317], %swap3A_320 {strides = array<i32>} : memref<8x1296xi32, #tpu.memory_space<vmem>>, vector<1x16xi32>,
      %mul3A_321 = arith.constant 3 : i32
      %mul3A_322 = arith.muli %scan3A_294, %mul3A_321 : i32
      %add3A_323 = arith.constant 1 : i32
      %add3A_324 = arith.addi %mul3A_322, %add3A_323 : i32
      %mul3A_325 = arith.constant 16 : i32
      %mul3A_326 = arith.muli %add3A_324, %mul3A_325 : i32
      %get3A_327 = arith.constant 3 : i32
      %get3A_328 = arith.index_cast %get3A_327 : i32 to index
      %get3A_329 = arith.index_cast %mul3A_326 : i32 to index
      %get3A_330 = tpu.vector_load %arg5[%get3A_328, %get3A_329] {strides = array<i32>} : memref<8x1296xi32, #tpu.memory_space<vmem>>, vector<1x16xi32>,
      %get3A_331 = vector.shape_cast %get3A_330 : vector<1x16xi32> to vector<16xi32>
      %shift_right_arithmetic3A_332 = arith.constant 16 : i32
      %shift_right_arithmetic3A_333 = vector.broadcast %shift_right_arithmetic3A_332 : i32 to vector<16xi32>
      %shift_right_arithmetic3A_334 = arith.shrsi %get3A_331, %shift_right_arithmetic3A_333 : vector<16xi32>
      %swap3A_335 = arith.constant 3 : i32
      %swap3A_336 = arith.index_cast %swap3A_335 : i32 to index
      %swap3A_337 = arith.index_cast %mul3A_326 : i32 to index
      %swap3A_338 = tpu.vector_load %arg6[%swap3A_336, %swap3A_337] {strides = array<i32>} : memref<8x1296xi32, #tpu.memory_space<vmem>>, vector<1x16xi32>,
      %swap3A_339 = vector.shape_cast %swap3A_338 : vector<1x16xi32> to vector<16xi32>
      %swap3A_340 = vector.shape_cast %shift_right_arithmetic3A_334 : vector<16xi32> to vector<1x16xi32>
      tpu.vector_store %arg6[%swap3A_336, %swap3A_337], %swap3A_340 {strides = array<i32>} : memref<8x1296xi32, #tpu.memory_space<vmem>>, vector<1x16xi32>,
      %and3A_341 = arith.constant 65535 : i32
      %and3A_342 = vector.broadcast %and3A_341 : i32 to vector<16xi32>
      %and3A_343 = arith.andi %get3A_331, %and3A_342 : vector<16xi32>
      %swap3A_344 = arith.constant 3 : i32
      %swap3A_345 = arith.index_cast %swap3A_344 : i32 to index
      %swap3A_346 = arith.index_cast %mul3A_326 : i32 to index
      %swap3A_347 = tpu.vector_load %arg5[%swap3A_345, %swap3A_346] {strides = array<i32>} : memref<8x1296xi32, #tpu.memory_space<vmem>>, vector<1x16xi32>,
      %swap3A_348 = vector.shape_cast %swap3A_347 : vector<1x16xi32> to vector<16xi32>
      %swap3A_349 = vector.shape_cast %and3A_343 : vector<16xi32> to vector<1x16xi32>
      tpu.vector_store %arg5[%swap3A_345, %swap3A_346], %swap3A_349 {strides = array<i32>} : memref<8x1296xi32, #tpu.memory_space<vmem>>, vector<1x16xi32>,
      %mul3A_350 = arith.constant 3 : i32
      %mul3A_351 = arith.muli %scan3A_294, %mul3A_350 : i32
      %add3A_352 = arith.constant 2 : i32
      %add3A_353 = arith.addi %mul3A_351, %add3A_352 : i32
      %mul3A_354 = arith.constant 16 : i32
      %mul3A_355 = arith.muli %add3A_353, %mul3A_354 : i32
      %get3A_356 = arith.constant 3 : i32
      %get3A_357 = arith.index_cast %get3A_356 : i32 to index
      %get3A_358 = arith.index_cast %mul3A_355 : i32 to index
      %get3A_359 = tpu.vector_load %arg5[%get3A_357, %get3A_358] {strides = array<i32>} : memref<8x1296xi32, #tpu.memory_space<vmem>>, vector<1x16xi32>,
      %get3A_360 = vector.shape_cast %get3A_359 : vector<1x16xi32> to vector<16xi32>
      %shift_right_arithmetic3A_361 = arith.constant 16 : i32
      %shift_right_arithmetic3A_362 = vector.broadcast %shift_right_arithmetic3A_361 : i32 to vector<16xi32>
      %shift_right_arithmetic3A_363 = arith.shrsi %get3A_360, %shift_right_arithmetic3A_362 : vector<16xi32>
      %swap3A_364 = arith.constant 3 : i32
      %swap3A_365 = arith.index_cast %swap3A_364 : i32 to index
      %swap3A_366 = arith.index_cast %mul3A_355 : i32 to index
      %swap3A_367 = tpu.vector_load %arg6[%swap3A_365, %swap3A_366] {strides = array<i32>} : memref<8x1296xi32, #tpu.memory_space<vmem>>, vector<1x16xi32>,
      %swap3A_368 = vector.shape_cast %swap3A_367 : vector<1x16xi32> to vector<16xi32>
      %swap3A_369 = vector.shape_cast %shift_right_arithmetic3A_363 : vector<16xi32> to vector<1x16xi32>
      tpu.vector_store %arg6[%swap3A_365, %swap3A_366], %swap3A_369 {strides = array<i32>} : memref<8x1296xi32, #tpu.memory_space<vmem>>, vector<1x16xi32>,
      %and3A_370 = arith.constant 65535 : i32
      %and3A_371 = vector.broadcast %and3A_370 : i32 to vector<16xi32>
      %and3A_372 = arith.andi %get3A_360, %and3A_371 : vector<16xi32>
      %swap3A_373 = arith.constant 3 : i32
      %swap3A_374 = arith.index_cast %swap3A_373 : i32 to index
      %swap3A_375 = arith.index_cast %mul3A_355 : i32 to index
      %swap3A_376 = tpu.vector_load %arg5[%swap3A_374, %swap3A_375] {strides = array<i32>} : memref<8x1296xi32, #tpu.memory_space<vmem>>, vector<1x16xi32>,
      %swap3A_377 = vector.shape_cast %swap3A_376 : vector<1x16xi32> to vector<16xi32>
      %swap3A_378 = vector.shape_cast %and3A_372 : vector<16xi32> to vector<1x16xi32>
      tpu.vector_store %arg5[%swap3A_374, %swap3A_375], %swap3A_378 {strides = array<i32>} : memref<8x1296xi32, #tpu.memory_space<vmem>>, vector<1x16xi32>,
      %scan3A_379 = arith.constant 0 : i32
      scf.yield %scan3A_379 : i32
    }
    %scan3A_38 = arith.constant 27 : i32
    %scan3A_39 = arith.constant 0 : i32
    %scan3A_40 = arith.constant 0 : i32
    %scan3A_41 = arith.constant 27 : i32
    %scan3A_42 = arith.addi %scan3A_40, %scan3A_41 : i32
    %scan3A_43 = arith.constant 1 : i32
    %scan3A_44 = scf.for %scan3A_294 = %scan3A_40 to %scan3A_42 step %scan3A_43 iter_args(%scan3A_295 = %scan3A_39) -> (i32)  : i32 {
      %mul3A_296 = arith.constant 3 : i32
      %mul3A_297 = arith.muli %scan3A_294, %mul3A_296 : i32
      %add3A_298 = arith.constant 0 : i32
      %add3A_299 = arith.addi %mul3A_297, %add3A_298 : i32
      %mul3A_300 = arith.constant 16 : i32
      %mul3A_301 = arith.muli %add3A_299, %mul3A_300 : i32
      %get3A = arith.constant 4 : i32
      %get3A_302 = arith.index_cast %get3A : i32 to index
      %get3A_303 = arith.index_cast %mul3A_301 : i32 to index
      %get3A_304 = tpu.vector_load %arg5[%get3A_302, %get3A_303] {strides = array<i32>} : memref<8x1296xi32, #tpu.memory_space<vmem>>, vector<1x16xi32>,
      %get3A_305 = vector.shape_cast %get3A_304 : vector<1x16xi32> to vector<16xi32>
      %shift_right_arithmetic3A = arith.constant 16 : i32
      %shift_right_arithmetic3A_306 = vector.broadcast %shift_right_arithmetic3A : i32 to vector<16xi32>
      %shift_right_arithmetic3A_307 = arith.shrsi %get3A_305, %shift_right_arithmetic3A_306 : vector<16xi32>
      %swap3A = arith.constant 4 : i32
      %swap3A_308 = arith.index_cast %swap3A : i32 to index
      %swap3A_309 = arith.index_cast %mul3A_301 : i32 to index
      %swap3A_310 = tpu.vector_load %arg6[%swap3A_308, %swap3A_309] {strides = array<i32>} : memref<8x1296xi32, #tpu.memory_space<vmem>>, vector<1x16xi32>,
      %swap3A_311 = vector.shape_cast %swap3A_310 : vector<1x16xi32> to vector<16xi32>
      %swap3A_312 = vector.shape_cast %shift_right_arithmetic3A_307 : vector<16xi32> to vector<1x16xi32>
      tpu.vector_store %arg6[%swap3A_308, %swap3A_309], %swap3A_312 {strides = array<i32>} : memref<8x1296xi32, #tpu.memory_space<vmem>>, vector<1x16xi32>,
      %and3A = arith.constant 65535 : i32
      %and3A_313 = vector.broadcast %and3A : i32 to vector<16xi32>
      %and3A_314 = arith.andi %get3A_305, %and3A_313 : vector<16xi32>
      %swap3A_315 = arith.constant 4 : i32
      %swap3A_316 = arith.index_cast %swap3A_315 : i32 to index
      %swap3A_317 = arith.index_cast %mul3A_301 : i32 to index
      %swap3A_318 = tpu.vector_load %arg5[%swap3A_316, %swap3A_317] {strides = array<i32>} : memref<8x1296xi32, #tpu.memory_space<vmem>>, vector<1x16xi32>,
      %swap3A_319 = vector.shape_cast %swap3A_318 : vector<1x16xi32> to vector<16xi32>
      %swap3A_320 = vector.shape_cast %and3A_314 : vector<16xi32> to vector<1x16xi32>
      tpu.vector_store %arg5[%swap3A_316, %swap3A_317], %swap3A_320 {strides = array<i32>} : memref<8x1296xi32, #tpu.memory_space<vmem>>, vector<1x16xi32>,
      %mul3A_321 = arith.constant 3 : i32
      %mul3A_322 = arith.muli %scan3A_294, %mul3A_321 : i32
      %add3A_323 = arith.constant 1 : i32
      %add3A_324 = arith.addi %mul3A_322, %add3A_323 : i32
      %mul3A_325 = arith.constant 16 : i32
      %mul3A_326 = arith.muli %add3A_324, %mul3A_325 : i32
      %get3A_327 = arith.constant 4 : i32
      %get3A_328 = arith.index_cast %get3A_327 : i32 to index
      %get3A_329 = arith.index_cast %mul3A_326 : i32 to index
      %get3A_330 = tpu.vector_load %arg5[%get3A_328, %get3A_329] {strides = array<i32>} : memref<8x1296xi32, #tpu.memory_space<vmem>>, vector<1x16xi32>,
      %get3A_331 = vector.shape_cast %get3A_330 : vector<1x16xi32> to vector<16xi32>
      %shift_right_arithmetic3A_332 = arith.constant 16 : i32
      %shift_right_arithmetic3A_333 = vector.broadcast %shift_right_arithmetic3A_332 : i32 to vector<16xi32>
      %shift_right_arithmetic3A_334 = arith.shrsi %get3A_331, %shift_right_arithmetic3A_333 : vector<16xi32>
      %swap3A_335 = arith.constant 4 : i32
      %swap3A_336 = arith.index_cast %swap3A_335 : i32 to index
      %swap3A_337 = arith.index_cast %mul3A_326 : i32 to index
      %swap3A_338 = tpu.vector_load %arg6[%swap3A_336, %swap3A_337] {strides = array<i32>} : memref<8x1296xi32, #tpu.memory_space<vmem>>, vector<1x16xi32>,
      %swap3A_339 = vector.shape_cast %swap3A_338 : vector<1x16xi32> to vector<16xi32>
      %swap3A_340 = vector.shape_cast %shift_right_arithmetic3A_334 : vector<16xi32> to vector<1x16xi32>
      tpu.vector_store %arg6[%swap3A_336, %swap3A_337], %swap3A_340 {strides = array<i32>} : memref<8x1296xi32, #tpu.memory_space<vmem>>, vector<1x16xi32>,
      %and3A_341 = arith.constant 65535 : i32
      %and3A_342 = vector.broadcast %and3A_341 : i32 to vector<16xi32>
      %and3A_343 = arith.andi %get3A_331, %and3A_342 : vector<16xi32>
      %swap3A_344 = arith.constant 4 : i32
      %swap3A_345 = arith.index_cast %swap3A_344 : i32 to index
      %swap3A_346 = arith.index_cast %mul3A_326 : i32 to index
      %swap3A_347 = tpu.vector_load %arg5[%swap3A_345, %swap3A_346] {strides = array<i32>} : memref<8x1296xi32, #tpu.memory_space<vmem>>, vector<1x16xi32>,
      %swap3A_348 = vector.shape_cast %swap3A_347 : vector<1x16xi32> to vector<16xi32>
      %swap3A_349 = vector.shape_cast %and3A_343 : vector<16xi32> to vector<1x16xi32>
      tpu.vector_store %arg5[%swap3A_345, %swap3A_346], %swap3A_349 {strides = array<i32>} : memref<8x1296xi32, #tpu.memory_space<vmem>>, vector<1x16xi32>,
      %mul3A_350 = arith.constant 3 : i32
      %mul3A_351 = arith.muli %scan3A_294, %mul3A_350 : i32
      %add3A_352 = arith.constant 2 : i32
      %add3A_353 = arith.addi %mul3A_351, %add3A_352 : i32
      %mul3A_354 = arith.constant 16 : i32
      %mul3A_355 = arith.muli %add3A_353, %mul3A_354 : i32
      %get3A_356 = arith.constant 4 : i32
      %get3A_357 = arith.index_cast %get3A_356 : i32 to index
      %get3A_358 = arith.index_cast %mul3A_355 : i32 to index
      %get3A_359 = tpu.vector_load %arg5[%get3A_357, %get3A_358] {strides = array<i32>} : memref<8x1296xi32, #tpu.memory_space<vmem>>, vector<1x16xi32>,
      %get3A_360 = vector.shape_cast %get3A_359 : vector<1x16xi32> to vector<16xi32>
      %shift_right_arithmetic3A_361 = arith.constant 16 : i32
      %shift_right_arithmetic3A_362 = vector.broadcast %shift_right_arithmetic3A_361 : i32 to vector<16xi32>
      %shift_right_arithmetic3A_363 = arith.shrsi %get3A_360, %shift_right_arithmetic3A_362 : vector<16xi32>
      %swap3A_364 = arith.constant 4 : i32
      %swap3A_365 = arith.index_cast %swap3A_364 : i32 to index
      %swap3A_366 = arith.index_cast %mul3A_355 : i32 to index
      %swap3A_367 = tpu.vector_load %arg6[%swap3A_365, %swap3A_366] {strides = array<i32>} : memref<8x1296xi32, #tpu.memory_space<vmem>>, vector<1x16xi32>,
      %swap3A_368 = vector.shape_cast %swap3A_367 : vector<1x16xi32> to vector<16xi32>
      %swap3A_369 = vector.shape_cast %shift_right_arithmetic3A_363 : vector<16xi32> to vector<1x16xi32>
      tpu.vector_store %arg6[%swap3A_365, %swap3A_366], %swap3A_369 {strides = array<i32>} : memref<8x1296xi32, #tpu.memory_space<vmem>>, vector<1x16xi32>,
      %and3A_370 = arith.constant 65535 : i32
      %and3A_371 = vector.broadcast %and3A_370 : i32 to vector<16xi32>
      %and3A_372 = arith.andi %get3A_360, %and3A_371 : vector<16xi32>
      %swap3A_373 = arith.constant 4 : i32
      %swap3A_374 = arith.index_cast %swap3A_373 : i32 to index
      %swap3A_375 = arith.index_cast %mul3A_355 : i32 to index
      %swap3A_376 = tpu.vector_load %arg5[%swap3A_374, %swap3A_375] {strides = array<i32>} : memref<8x1296xi32, #tpu.memory_space<vmem>>, vector<1x16xi32>,
      %swap3A_377 = vector.shape_cast %swap3A_376 : vector<1x16xi32> to vector<16xi32>
      %swap3A_378 = vector.shape_cast %and3A_372 : vector<16xi32> to vector<1x16xi32>
      tpu.vector_store %arg5[%swap3A_374, %swap3A_375], %swap3A_378 {strides = array<i32>} : memref<8x1296xi32, #tpu.memory_space<vmem>>, vector<1x16xi32>,
      %scan3A_379 = arith.constant 0 : i32
      scf.yield %scan3A_379 : i32
    }
    %scan3A_45 = arith.constant 27 : i32
    %scan3A_46 = arith.constant 0 : i32
    %scan3A_47 = arith.constant 0 : i32
    %scan3A_48 = arith.constant 27 : i32
    %scan3A_49 = arith.addi %scan3A_47, %scan3A_48 : i32
    %scan3A_50 = arith.constant 1 : i32
    %scan3A_51 = scf.for %scan3A_294 = %scan3A_47 to %scan3A_49 step %scan3A_50 iter_args(%scan3A_295 = %scan3A_46) -> (i32)  : i32 {
      %mul3A_296 = arith.constant 3 : i32
      %mul3A_297 = arith.muli %scan3A_294, %mul3A_296 : i32
      %add3A_298 = arith.constant 0 : i32
      %add3A_299 = arith.addi %mul3A_297, %add3A_298 : i32
      %mul3A_300 = arith.constant 16 : i32
      %mul3A_301 = arith.muli %add3A_299, %mul3A_300 : i32
      %get3A = arith.constant 5 : i32
      %get3A_302 = arith.index_cast %get3A : i32 to index
      %get3A_303 = arith.index_cast %mul3A_301 : i32 to index
      %get3A_304 = tpu.vector_load %arg5[%get3A_302, %get3A_303] {strides = array<i32>} : memref<8x1296xi32, #tpu.memory_space<vmem>>, vector<1x16xi32>,
      %get3A_305 = vector.shape_cast %get3A_304 : vector<1x16xi32> to vector<16xi32>
      %shift_right_arithmetic3A = arith.constant 16 : i32
      %shift_right_arithmetic3A_306 = vector.broadcast %shift_right_arithmetic3A : i32 to vector<16xi32>
      %shift_right_arithmetic3A_307 = arith.shrsi %get3A_305, %shift_right_arithmetic3A_306 : vector<16xi32>
      %swap3A = arith.constant 5 : i32
      %swap3A_308 = arith.index_cast %swap3A : i32 to index
      %swap3A_309 = arith.index_cast %mul3A_301 : i32 to index
      %swap3A_310 = tpu.vector_load %arg6[%swap3A_308, %swap3A_309] {strides = array<i32>} : memref<8x1296xi32, #tpu.memory_space<vmem>>, vector<1x16xi32>,
      %swap3A_311 = vector.shape_cast %swap3A_310 : vector<1x16xi32> to vector<16xi32>
      %swap3A_312 = vector.shape_cast %shift_right_arithmetic3A_307 : vector<16xi32> to vector<1x16xi32>
      tpu.vector_store %arg6[%swap3A_308, %swap3A_309], %swap3A_312 {strides = array<i32>} : memref<8x1296xi32, #tpu.memory_space<vmem>>, vector<1x16xi32>,
      %and3A = arith.constant 65535 : i32
      %and3A_313 = vector.broadcast %and3A : i32 to vector<16xi32>
      %and3A_314 = arith.andi %get3A_305, %and3A_313 : vector<16xi32>
      %swap3A_315 = arith.constant 5 : i32
      %swap3A_316 = arith.index_cast %swap3A_315 : i32 to index
      %swap3A_317 = arith.index_cast %mul3A_301 : i32 to index
      %swap3A_318 = tpu.vector_load %arg5[%swap3A_316, %swap3A_317] {strides = array<i32>} : memref<8x1296xi32, #tpu.memory_space<vmem>>, vector<1x16xi32>,
      %swap3A_319 = vector.shape_cast %swap3A_318 : vector<1x16xi32> to vector<16xi32>
      %swap3A_320 = vector.shape_cast %and3A_314 : vector<16xi32> to vector<1x16xi32>
      tpu.vector_store %arg5[%swap3A_316, %swap3A_317], %swap3A_320 {strides = array<i32>} : memref<8x1296xi32, #tpu.memory_space<vmem>>, vector<1x16xi32>,
      %mul3A_321 = arith.constant 3 : i32
      %mul3A_322 = arith.muli %scan3A_294, %mul3A_321 : i32
      %add3A_323 = arith.constant 1 : i32
      %add3A_324 = arith.addi %mul3A_322, %add3A_323 : i32
      %mul3A_325 = arith.constant 16 : i32
      %mul3A_326 = arith.muli %add3A_324, %mul3A_325 : i32
      %get3A_327 = arith.constant 5 : i32
      %get3A_328 = arith.index_cast %get3A_327 : i32 to index
      %get3A_329 = arith.index_cast %mul3A_326 : i32 to index
      %get3A_330 = tpu.vector_load %arg5[%get3A_328, %get3A_329] {strides = array<i32>} : memref<8x1296xi32, #tpu.memory_space<vmem>>, vector<1x16xi32>,
      %get3A_331 = vector.shape_cast %get3A_330 : vector<1x16xi32> to vector<16xi32>
      %shift_right_arithmetic3A_332 = arith.constant 16 : i32
      %shift_right_arithmetic3A_333 = vector.broadcast %shift_right_arithmetic3A_332 : i32 to vector<16xi32>
      %shift_right_arithmetic3A_334 = arith.shrsi %get3A_331, %shift_right_arithmetic3A_333 : vector<16xi32>
      %swap3A_335 = arith.constant 5 : i32
      %swap3A_336 = arith.index_cast %swap3A_335 : i32 to index
      %swap3A_337 = arith.index_cast %mul3A_326 : i32 to index
      %swap3A_338 = tpu.vector_load %arg6[%swap3A_336, %swap3A_337] {strides = array<i32>} : memref<8x1296xi32, #tpu.memory_space<vmem>>, vector<1x16xi32>,
      %swap3A_339 = vector.shape_cast %swap3A_338 : vector<1x16xi32> to vector<16xi32>
      %swap3A_340 = vector.shape_cast %shift_right_arithmetic3A_334 : vector<16xi32> to vector<1x16xi32>
      tpu.vector_store %arg6[%swap3A_336, %swap3A_337], %swap3A_340 {strides = array<i32>} : memref<8x1296xi32, #tpu.memory_space<vmem>>, vector<1x16xi32>,
      %and3A_341 = arith.constant 65535 : i32
      %and3A_342 = vector.broadcast %and3A_341 : i32 to vector<16xi32>
      %and3A_343 = arith.andi %get3A_331, %and3A_342 : vector<16xi32>
      %swap3A_344 = arith.constant 5 : i32
      %swap3A_345 = arith.index_cast %swap3A_344 : i32 to index
      %swap3A_346 = arith.index_cast %mul3A_326 : i32 to index
      %swap3A_347 = tpu.vector_load %arg5[%swap3A_345, %swap3A_346] {strides = array<i32>} : memref<8x1296xi32, #tpu.memory_space<vmem>>, vector<1x16xi32>,
      %swap3A_348 = vector.shape_cast %swap3A_347 : vector<1x16xi32> to vector<16xi32>
      %swap3A_349 = vector.shape_cast %and3A_343 : vector<16xi32> to vector<1x16xi32>
      tpu.vector_store %arg5[%swap3A_345, %swap3A_346], %swap3A_349 {strides = array<i32>} : memref<8x1296xi32, #tpu.memory_space<vmem>>, vector<1x16xi32>,
      %mul3A_350 = arith.constant 3 : i32
      %mul3A_351 = arith.muli %scan3A_294, %mul3A_350 : i32
      %add3A_352 = arith.constant 2 : i32
      %add3A_353 = arith.addi %mul3A_351, %add3A_352 : i32
      %mul3A_354 = arith.constant 16 : i32
      %mul3A_355 = arith.muli %add3A_353, %mul3A_354 : i32
      %get3A_356 = arith.constant 5 : i32
      %get3A_357 = arith.index_cast %get3A_356 : i32 to index
      %get3A_358 = arith.index_cast %mul3A_355 : i32 to index
      %get3A_359 = tpu.vector_load %arg5[%get3A_357, %get3A_358] {strides = array<i32>} : memref<8x1296xi32, #tpu.memory_space<vmem>>, vector<1x16xi32>,
      %get3A_360 = vector.shape_cast %get3A_359 : vector<1x16xi32> to vector<16xi32>
      %shift_right_arithmetic3A_361 = arith.constant 16 : i32
      %shift_right_arithmetic3A_362 = vector.broadcast %shift_right_arithmetic3A_361 : i32 to vector<16xi32>
      %shift_right_arithmetic3A_363 = arith.shrsi %get3A_360, %shift_right_arithmetic3A_362 : vector<16xi32>
      %swap3A_364 = arith.constant 5 : i32
      %swap3A_365 = arith.index_cast %swap3A_364 : i32 to index
      %swap3A_366 = arith.index_cast %mul3A_355 : i32 to index
      %swap3A_367 = tpu.vector_load %arg6[%swap3A_365, %swap3A_366] {strides = array<i32>} : memref<8x1296xi32, #tpu.memory_space<vmem>>, vector<1x16xi32>,
      %swap3A_368 = vector.shape_cast %swap3A_367 : vector<1x16xi32> to vector<16xi32>
      %swap3A_369 = vector.shape_cast %shift_right_arithmetic3A_363 : vector<16xi32> to vector<1x16xi32>
      tpu.vector_store %arg6[%swap3A_365, %swap3A_366], %swap3A_369 {strides = array<i32>} : memref<8x1296xi32, #tpu.memory_space<vmem>>, vector<1x16xi32>,
      %and3A_370 = arith.constant 65535 : i32
      %and3A_371 = vector.broadcast %and3A_370 : i32 to vector<16xi32>
      %and3A_372 = arith.andi %get3A_360, %and3A_371 : vector<16xi32>
      %swap3A_373 = arith.constant 5 : i32
      %swap3A_374 = arith.index_cast %swap3A_373 : i32 to index
      %swap3A_375 = arith.index_cast %mul3A_355 : i32 to index
      %swap3A_376 = tpu.vector_load %arg5[%swap3A_374, %swap3A_375] {strides = array<i32>} : memref<8x1296xi32, #tpu.memory_space<vmem>>, vector<1x16xi32>,
      %swap3A_377 = vector.shape_cast %swap3A_376 : vector<1x16xi32> to vector<16xi32>
      %swap3A_378 = vector.shape_cast %and3A_372 : vector<16xi32> to vector<1x16xi32>
      tpu.vector_store %arg5[%swap3A_374, %swap3A_375], %swap3A_378 {strides = array<i32>} : memref<8x1296xi32, #tpu.memory_space<vmem>>, vector<1x16xi32>,
      %scan3A_379 = arith.constant 0 : i32
      scf.yield %scan3A_379 : i32
    }
    %scan3A_52 = arith.constant 27 : i32
    %scan3A_53 = arith.constant 0 : i32
    %scan3A_54 = arith.constant 0 : i32
    %scan3A_55 = arith.constant 27 : i32
    %scan3A_56 = arith.addi %scan3A_54, %scan3A_55 : i32
    %scan3A_57 = arith.constant 1 : i32
    %scan3A_58 = scf.for %scan3A_294 = %scan3A_54 to %scan3A_56 step %scan3A_57 iter_args(%scan3A_295 = %scan3A_53) -> (i32)  : i32 {
      %mul3A_296 = arith.constant 3 : i32
      %mul3A_297 = arith.muli %scan3A_294, %mul3A_296 : i32
      %add3A_298 = arith.constant 0 : i32
      %add3A_299 = arith.addi %mul3A_297, %add3A_298 : i32
      %mul3A_300 = arith.constant 16 : i32
      %mul3A_301 = arith.muli %add3A_299, %mul3A_300 : i32
      %get3A = arith.constant 6 : i32
      %get3A_302 = arith.index_cast %get3A : i32 to index
      %get3A_303 = arith.index_cast %mul3A_301 : i32 to index
      %get3A_304 = tpu.vector_load %arg5[%get3A_302, %get3A_303] {strides = array<i32>} : memref<8x1296xi32, #tpu.memory_space<vmem>>, vector<1x16xi32>,
      %get3A_305 = vector.shape_cast %get3A_304 : vector<1x16xi32> to vector<16xi32>
      %shift_right_arithmetic3A = arith.constant 16 : i32
      %shift_right_arithmetic3A_306 = vector.broadcast %shift_right_arithmetic3A : i32 to vector<16xi32>
      %shift_right_arithmetic3A_307 = arith.shrsi %get3A_305, %shift_right_arithmetic3A_306 : vector<16xi32>
      %swap3A = arith.constant 6 : i32
      %swap3A_308 = arith.index_cast %swap3A : i32 to index
      %swap3A_309 = arith.index_cast %mul3A_301 : i32 to index
      %swap3A_310 = tpu.vector_load %arg6[%swap3A_308, %swap3A_309] {strides = array<i32>} : memref<8x1296xi32, #tpu.memory_space<vmem>>, vector<1x16xi32>,
      %swap3A_311 = vector.shape_cast %swap3A_310 : vector<1x16xi32> to vector<16xi32>
      %swap3A_312 = vector.shape_cast %shift_right_arithmetic3A_307 : vector<16xi32> to vector<1x16xi32>
      tpu.vector_store %arg6[%swap3A_308, %swap3A_309], %swap3A_312 {strides = array<i32>} : memref<8x1296xi32, #tpu.memory_space<vmem>>, vector<1x16xi32>,
      %and3A = arith.constant 65535 : i32
      %and3A_313 = vector.broadcast %and3A : i32 to vector<16xi32>
      %and3A_314 = arith.andi %get3A_305, %and3A_313 : vector<16xi32>
      %swap3A_315 = arith.constant 6 : i32
      %swap3A_316 = arith.index_cast %swap3A_315 : i32 to index
      %swap3A_317 = arith.index_cast %mul3A_301 : i32 to index
      %swap3A_318 = tpu.vector_load %arg5[%swap3A_316, %swap3A_317] {strides = array<i32>} : memref<8x1296xi32, #tpu.memory_space<vmem>>, vector<1x16xi32>,
      %swap3A_319 = vector.shape_cast %swap3A_318 : vector<1x16xi32> to vector<16xi32>
      %swap3A_320 = vector.shape_cast %and3A_314 : vector<16xi32> to vector<1x16xi32>
      tpu.vector_store %arg5[%swap3A_316, %swap3A_317], %swap3A_320 {strides = array<i32>} : memref<8x1296xi32, #tpu.memory_space<vmem>>, vector<1x16xi32>,
      %mul3A_321 = arith.constant 3 : i32
      %mul3A_322 = arith.muli %scan3A_294, %mul3A_321 : i32
      %add3A_323 = arith.constant 1 : i32
      %add3A_324 = arith.addi %mul3A_322, %add3A_323 : i32
      %mul3A_325 = arith.constant 16 : i32
      %mul3A_326 = arith.muli %add3A_324, %mul3A_325 : i32
      %get3A_327 = arith.constant 6 : i32
      %get3A_328 = arith.index_cast %get3A_327 : i32 to index
      %get3A_329 = arith.index_cast %mul3A_326 : i32 to index
      %get3A_330 = tpu.vector_load %arg5[%get3A_328, %get3A_329] {strides = array<i32>} : memref<8x1296xi32, #tpu.memory_space<vmem>>, vector<1x16xi32>,
      %get3A_331 = vector.shape_cast %get3A_330 : vector<1x16xi32> to vector<16xi32>
      %shift_right_arithmetic3A_332 = arith.constant 16 : i32
      %shift_right_arithmetic3A_333 = vector.broadcast %shift_right_arithmetic3A_332 : i32 to vector<16xi32>
      %shift_right_arithmetic3A_334 = arith.shrsi %get3A_331, %shift_right_arithmetic3A_333 : vector<16xi32>
      %swap3A_335 = arith.constant 6 : i32
      %swap3A_336 = arith.index_cast %swap3A_335 : i32 to index
      %swap3A_337 = arith.index_cast %mul3A_326 : i32 to index
      %swap3A_338 = tpu.vector_load %arg6[%swap3A_336, %swap3A_337] {strides = array<i32>} : memref<8x1296xi32, #tpu.memory_space<vmem>>, vector<1x16xi32>,
      %swap3A_339 = vector.shape_cast %swap3A_338 : vector<1x16xi32> to vector<16xi32>
      %swap3A_340 = vector.shape_cast %shift_right_arithmetic3A_334 : vector<16xi32> to vector<1x16xi32>
      tpu.vector_store %arg6[%swap3A_336, %swap3A_337], %swap3A_340 {strides = array<i32>} : memref<8x1296xi32, #tpu.memory_space<vmem>>, vector<1x16xi32>,
      %and3A_341 = arith.constant 65535 : i32
      %and3A_342 = vector.broadcast %and3A_341 : i32 to vector<16xi32>
      %and3A_343 = arith.andi %get3A_331, %and3A_342 : vector<16xi32>
      %swap3A_344 = arith.constant 6 : i32
      %swap3A_345 = arith.index_cast %swap3A_344 : i32 to index
      %swap3A_346 = arith.index_cast %mul3A_326 : i32 to index
      %swap3A_347 = tpu.vector_load %arg5[%swap3A_345, %swap3A_346] {strides = array<i32>} : memref<8x1296xi32, #tpu.memory_space<vmem>>, vector<1x16xi32>,
      %swap3A_348 = vector.shape_cast %swap3A_347 : vector<1x16xi32> to vector<16xi32>
      %swap3A_349 = vector.shape_cast %and3A_343 : vector<16xi32> to vector<1x16xi32>
      tpu.vector_store %arg5[%swap3A_345, %swap3A_346], %swap3A_349 {strides = array<i32>} : memref<8x1296xi32, #tpu.memory_space<vmem>>, vector<1x16xi32>,
      %mul3A_350 = arith.constant 3 : i32
      %mul3A_351 = arith.muli %scan3A_294, %mul3A_350 : i32
      %add3A_352 = arith.constant 2 : i32
      %add3A_353 = arith.addi %mul3A_351, %add3A_352 : i32
      %mul3A_354 = arith.constant 16 : i32
      %mul3A_355 = arith.muli %add3A_353, %mul3A_354 : i32
      %get3A_356 = arith.constant 6 : i32
      %get3A_357 = arith.index_cast %get3A_356 : i32 to index
      %get3A_358 = arith.index_cast %mul3A_355 : i32 to index
      %get3A_359 = tpu.vector_load %arg5[%get3A_357, %get3A_358] {strides = array<i32>} : memref<8x1296xi32, #tpu.memory_space<vmem>>, vector<1x16xi32>,
      %get3A_360 = vector.shape_cast %get3A_359 : vector<1x16xi32> to vector<16xi32>
      %shift_right_arithmetic3A_361 = arith.constant 16 : i32
      %shift_right_arithmetic3A_362 = vector.broadcast %shift_right_arithmetic3A_361 : i32 to vector<16xi32>
      %shift_right_arithmetic3A_363 = arith.shrsi %get3A_360, %shift_right_arithmetic3A_362 : vector<16xi32>
      %swap3A_364 = arith.constant 6 : i32
      %swap3A_365 = arith.index_cast %swap3A_364 : i32 to index
      %swap3A_366 = arith.index_cast %mul3A_355 : i32 to index
      %swap3A_367 = tpu.vector_load %arg6[%swap3A_365, %swap3A_366] {strides = array<i32>} : memref<8x1296xi32, #tpu.memory_space<vmem>>, vector<1x16xi32>,
      %swap3A_368 = vector.shape_cast %swap3A_367 : vector<1x16xi32> to vector<16xi32>
      %swap3A_369 = vector.shape_cast %shift_right_arithmetic3A_363 : vector<16xi32> to vector<1x16xi32>
      tpu.vector_store %arg6[%swap3A_365, %swap3A_366], %swap3A_369 {strides = array<i32>} : memref<8x1296xi32, #tpu.memory_space<vmem>>, vector<1x16xi32>,
      %and3A_370 = arith.constant 65535 : i32
      %and3A_371 = vector.broadcast %and3A_370 : i32 to vector<16xi32>
      %and3A_372 = arith.andi %get3A_360, %and3A_371 : vector<16xi32>
      %swap3A_373 = arith.constant 6 : i32
      %swap3A_374 = arith.index_cast %swap3A_373 : i32 to index
      %swap3A_375 = arith.index_cast %mul3A_355 : i32 to index
      %swap3A_376 = tpu.vector_load %arg5[%swap3A_374, %swap3A_375] {strides = array<i32>} : memref<8x1296xi32, #tpu.memory_space<vmem>>, vector<1x16xi32>,
      %swap3A_377 = vector.shape_cast %swap3A_376 : vector<1x16xi32> to vector<16xi32>
      %swap3A_378 = vector.shape_cast %and3A_372 : vector<16xi32> to vector<1x16xi32>
      tpu.vector_store %arg5[%swap3A_374, %swap3A_375], %swap3A_378 {strides = array<i32>} : memref<8x1296xi32, #tpu.memory_space<vmem>>, vector<1x16xi32>,
      %scan3A_379 = arith.constant 0 : i32
      scf.yield %scan3A_379 : i32
    }
    %scan3A_59 = arith.constant 27 : i32
    %scan3A_60 = arith.constant 0 : i32
    %scan3A_61 = arith.constant 0 : i32
    %scan3A_62 = arith.constant 27 : i32
    %scan3A_63 = arith.addi %scan3A_61, %scan3A_62 : i32
    %scan3A_64 = arith.constant 1 : i32
    %scan3A_65 = scf.for %scan3A_294 = %scan3A_61 to %scan3A_63 step %scan3A_64 iter_args(%scan3A_295 = %scan3A_60) -> (i32)  : i32 {
      %mul3A_296 = arith.constant 3 : i32
      %mul3A_297 = arith.muli %scan3A_294, %mul3A_296 : i32
      %add3A_298 = arith.constant 0 : i32
      %add3A_299 = arith.addi %mul3A_297, %add3A_298 : i32
      %mul3A_300 = arith.constant 16 : i32
      %mul3A_301 = arith.muli %add3A_299, %mul3A_300 : i32
      %get3A = arith.constant 7 : i32
      %get3A_302 = arith.index_cast %get3A : i32 to index
      %get3A_303 = arith.index_cast %mul3A_301 : i32 to index
      %get3A_304 = tpu.vector_load %arg5[%get3A_302, %get3A_303] {strides = array<i32>} : memref<8x1296xi32, #tpu.memory_space<vmem>>, vector<1x16xi32>,
      %get3A_305 = vector.shape_cast %get3A_304 : vector<1x16xi32> to vector<16xi32>
      %shift_right_arithmetic3A = arith.constant 16 : i32
      %shift_right_arithmetic3A_306 = vector.broadcast %shift_right_arithmetic3A : i32 to vector<16xi32>
      %shift_right_arithmetic3A_307 = arith.shrsi %get3A_305, %shift_right_arithmetic3A_306 : vector<16xi32>
      %swap3A = arith.constant 7 : i32
      %swap3A_308 = arith.index_cast %swap3A : i32 to index
      %swap3A_309 = arith.index_cast %mul3A_301 : i32 to index
      %swap3A_310 = tpu.vector_load %arg6[%swap3A_308, %swap3A_309] {strides = array<i32>} : memref<8x1296xi32, #tpu.memory_space<vmem>>, vector<1x16xi32>,
      %swap3A_311 = vector.shape_cast %swap3A_310 : vector<1x16xi32> to vector<16xi32>
      %swap3A_312 = vector.shape_cast %shift_right_arithmetic3A_307 : vector<16xi32> to vector<1x16xi32>
      tpu.vector_store %arg6[%swap3A_308, %swap3A_309], %swap3A_312 {strides = array<i32>} : memref<8x1296xi32, #tpu.memory_space<vmem>>, vector<1x16xi32>,
      %and3A = arith.constant 65535 : i32
      %and3A_313 = vector.broadcast %and3A : i32 to vector<16xi32>
      %and3A_314 = arith.andi %get3A_305, %and3A_313 : vector<16xi32>
      %swap3A_315 = arith.constant 7 : i32
      %swap3A_316 = arith.index_cast %swap3A_315 : i32 to index
      %swap3A_317 = arith.index_cast %mul3A_301 : i32 to index
      %swap3A_318 = tpu.vector_load %arg5[%swap3A_316, %swap3A_317] {strides = array<i32>} : memref<8x1296xi32, #tpu.memory_space<vmem>>, vector<1x16xi32>,
      %swap3A_319 = vector.shape_cast %swap3A_318 : vector<1x16xi32> to vector<16xi32>
      %swap3A_320 = vector.shape_cast %and3A_314 : vector<16xi32> to vector<1x16xi32>
      tpu.vector_store %arg5[%swap3A_316, %swap3A_317], %swap3A_320 {strides = array<i32>} : memref<8x1296xi32, #tpu.memory_space<vmem>>, vector<1x16xi32>,
      %mul3A_321 = arith.constant 3 : i32
      %mul3A_322 = arith.muli %scan3A_294, %mul3A_321 : i32
      %add3A_323 = arith.constant 1 : i32
      %add3A_324 = arith.addi %mul3A_322, %add3A_323 : i32
      %mul3A_325 = arith.constant 16 : i32
      %mul3A_326 = arith.muli %add3A_324, %mul3A_325 : i32
      %get3A_327 = arith.constant 7 : i32
      %get3A_328 = arith.index_cast %get3A_327 : i32 to index
      %get3A_329 = arith.index_cast %mul3A_326 : i32 to index
      %get3A_330 = tpu.vector_load %arg5[%get3A_328, %get3A_329] {strides = array<i32>} : memref<8x1296xi32, #tpu.memory_space<vmem>>, vector<1x16xi32>,
      %get3A_331 = vector.shape_cast %get3A_330 : vector<1x16xi32> to vector<16xi32>
      %shift_right_arithmetic3A_332 = arith.constant 16 : i32
      %shift_right_arithmetic3A_333 = vector.broadcast %shift_right_arithmetic3A_332 : i32 to vector<16xi32>
      %shift_right_arithmetic3A_334 = arith.shrsi %get3A_331, %shift_right_arithmetic3A_333 : vector<16xi32>
      %swap3A_335 = arith.constant 7 : i32
      %swap3A_336 = arith.index_cast %swap3A_335 : i32 to index
      %swap3A_337 = arith.index_cast %mul3A_326 : i32 to index
      %swap3A_338 = tpu.vector_load %arg6[%swap3A_336, %swap3A_337] {strides = array<i32>} : memref<8x1296xi32, #tpu.memory_space<vmem>>, vector<1x16xi32>,
      %swap3A_339 = vector.shape_cast %swap3A_338 : vector<1x16xi32> to vector<16xi32>
      %swap3A_340 = vector.shape_cast %shift_right_arithmetic3A_334 : vector<16xi32> to vector<1x16xi32>
      tpu.vector_store %arg6[%swap3A_336, %swap3A_337], %swap3A_340 {strides = array<i32>} : memref<8x1296xi32, #tpu.memory_space<vmem>>, vector<1x16xi32>,
      %and3A_341 = arith.constant 65535 : i32
      %and3A_342 = vector.broadcast %and3A_341 : i32 to vector<16xi32>
      %and3A_343 = arith.andi %get3A_331, %and3A_342 : vector<16xi32>
      %swap3A_344 = arith.constant 7 : i32
      %swap3A_345 = arith.index_cast %swap3A_344 : i32 to index
      %swap3A_346 = arith.index_cast %mul3A_326 : i32 to index
      %swap3A_347 = tpu.vector_load %arg5[%swap3A_345, %swap3A_346] {strides = array<i32>} : memref<8x1296xi32, #tpu.memory_space<vmem>>, vector<1x16xi32>,
      %swap3A_348 = vector.shape_cast %swap3A_347 : vector<1x16xi32> to vector<16xi32>
      %swap3A_349 = vector.shape_cast %and3A_343 : vector<16xi32> to vector<1x16xi32>
      tpu.vector_store %arg5[%swap3A_345, %swap3A_346], %swap3A_349 {strides = array<i32>} : memref<8x1296xi32, #tpu.memory_space<vmem>>, vector<1x16xi32>,
      %mul3A_350 = arith.constant 3 : i32
      %mul3A_351 = arith.muli %scan3A_294, %mul3A_350 : i32
      %add3A_352 = arith.constant 2 : i32
      %add3A_353 = arith.addi %mul3A_351, %add3A_352 : i32
      %mul3A_354 = arith.constant 16 : i32
      %mul3A_355 = arith.muli %add3A_353, %mul3A_354 : i32
      %get3A_356 = arith.constant 7 : i32
      %get3A_357 = arith.index_cast %get3A_356 : i32 to index
      %get3A_358 = arith.index_cast %mul3A_355 : i32 to index
      %get3A_359 = tpu.vector_load %arg5[%get3A_357, %get3A_358] {strides = array<i32>} : memref<8x1296xi32, #tpu.memory_space<vmem>>, vector<1x16xi32>,
      %get3A_360 = vector.shape_cast %get3A_359 : vector<1x16xi32> to vector<16xi32>
      %shift_right_arithmetic3A_361 = arith.constant 16 : i32
      %shift_right_arithmetic3A_362 = vector.broadcast %shift_right_arithmetic3A_361 : i32 to vector<16xi32>
      %shift_right_arithmetic3A_363 = arith.shrsi %get3A_360, %shift_right_arithmetic3A_362 : vector<16xi32>
      %swap3A_364 = arith.constant 7 : i32
      %swap3A_365 = arith.index_cast %swap3A_364 : i32 to index
      %swap3A_366 = arith.index_cast %mul3A_355 : i32 to index
      %swap3A_367 = tpu.vector_load %arg6[%swap3A_365, %swap3A_366] {strides = array<i32>} : memref<8x1296xi32, #tpu.memory_space<vmem>>, vector<1x16xi32>,
      %swap3A_368 = vector.shape_cast %swap3A_367 : vector<1x16xi32> to vector<16xi32>
      %swap3A_369 = vector.shape_cast %shift_right_arithmetic3A_363 : vector<16xi32> to vector<1x16xi32>
      tpu.vector_store %arg6[%swap3A_365, %swap3A_366], %swap3A_369 {strides = array<i32>} : memref<8x1296xi32, #tpu.memory_space<vmem>>, vector<1x16xi32>,
      %and3A_370 = arith.constant 65535 : i32
      %and3A_371 = vector.broadcast %and3A_370 : i32 to vector<16xi32>
      %and3A_372 = arith.andi %get3A_360, %and3A_371 : vector<16xi32>
      %swap3A_373 = arith.constant 7 : i32
      %swap3A_374 = arith.index_cast %swap3A_373 : i32 to index
      %swap3A_375 = arith.index_cast %mul3A_355 : i32 to index
      %swap3A_376 = tpu.vector_load %arg5[%swap3A_374, %swap3A_375] {strides = array<i32>} : memref<8x1296xi32, #tpu.memory_space<vmem>>, vector<1x16xi32>,
      %swap3A_377 = vector.shape_cast %swap3A_376 : vector<1x16xi32> to vector<16xi32>
      %swap3A_378 = vector.shape_cast %and3A_372 : vector<16xi32> to vector<1x16xi32>
      tpu.vector_store %arg5[%swap3A_374, %swap3A_375], %swap3A_378 {strides = array<i32>} : memref<8x1296xi32, #tpu.memory_space<vmem>>, vector<1x16xi32>,
      %scan3A_379 = arith.constant 0 : i32
      scf.yield %scan3A_379 : i32
    }
    %scan3A_66 = arith.constant 27 : i32
    %dma_start3A = arith.constant 0 : i32
    %dma_start3A_67 = arith.constant 0 : i32
    %dma_start3A_68 = tpu.memref_slice %arg5[%dma_start3A, %dma_start3A_67] : memref<8x1296xi32, #tpu.memory_space<vmem>> -> memref<1x1296xi32, #tpu.memory_space<vmem>>
    %dma_start3A_69 = tpu.memref_squeeze %dma_start3A_68 : memref<1x1296xi32, #tpu.memory_space<vmem>> -> memref<1296xi32, #tpu.memory_space<vmem>>
    %dma_start3A_70 = arith.constant 0 : i32
    %dma_start3A_71 = arith.constant 0 : i32
    %dma_start3A_72 = tpu.memref_slice %arg2[%dma_start3A_70, %dma_start3A_71] : memref<10240x16xf32, #tpu.memory_space<hbm>> -> memref<10240x16xf32, #tpu.memory_space<hbm>>
    tpu.enqueue_indirect_dma source(%dma_start3A_72 : memref<10240x16xf32, #tpu.memory_space<hbm>>) target(%arg7 : memref<1296x16xf32, #tpu.memory_space<vmem>>) offsets(%dma_start3A_69 : memref<1296xi32, #tpu.memory_space<vmem>>) semaphore(%arg11 : memref<!tpu.dma_semaphore, #tpu.memory_space<semaphore_mem>>)
    %dma_start3A_73 = arith.constant 1 : i32
    %dma_start3A_74 = arith.constant 0 : i32
    %dma_start3A_75 = tpu.memref_slice %arg5[%dma_start3A_73, %dma_start3A_74] : memref<8x1296xi32, #tpu.memory_space<vmem>> -> memref<1x1296xi32, #tpu.memory_space<vmem>>
    %dma_start3A_76 = tpu.memref_squeeze %dma_start3A_75 : memref<1x1296xi32, #tpu.memory_space<vmem>> -> memref<1296xi32, #tpu.memory_space<vmem>>
    %dma_start3A_77 = arith.constant 0 : i32
    %dma_start3A_78 = arith.constant 0 : i32
    %dma_start3A_79 = tpu.memref_slice %arg2[%dma_start3A_77, %dma_start3A_78] : memref<10240x16xf32, #tpu.memory_space<hbm>> -> memref<10240x16xf32, #tpu.memory_space<hbm>>
    tpu.enqueue_indirect_dma source(%dma_start3A_79 : memref<10240x16xf32, #tpu.memory_space<hbm>>) target(%arg8 : memref<1296x16xf32, #tpu.memory_space<vmem>>) offsets(%dma_start3A_76 : memref<1296xi32, #tpu.memory_space<vmem>>) semaphore(%arg12 : memref<!tpu.dma_semaphore, #tpu.memory_space<semaphore_mem>>)
    %dma_wait3A = arith.constant 0 : i32
    %dma_wait3A_80 = arith.constant 0 : i32
    %dma_wait3A_81 = tpu.memref_slice %arg5[%dma_wait3A, %dma_wait3A_80] : memref<8x1296xi32, #tpu.memory_space<vmem>> -> memref<1x1296xi32, #tpu.memory_space<vmem>>
    %dma_wait3A_82 = tpu.memref_squeeze %dma_wait3A_81 : memref<1x1296xi32, #tpu.memory_space<vmem>> -> memref<1296xi32, #tpu.memory_space<vmem>>
    %dma_wait3A_83 = arith.constant 0 : i32
    %dma_wait3A_84 = arith.constant 0 : i32
    %dma_wait3A_85 = tpu.memref_slice %arg2[%dma_wait3A_83, %dma_wait3A_84] : memref<10240x16xf32, #tpu.memory_space<hbm>> -> memref<10240x16xf32, #tpu.memory_space<hbm>>
    tpu.wait_indirect_dma semaphore(%arg11 : memref<!tpu.dma_semaphore, #tpu.memory_space<semaphore_mem>>) src(%dma_wait3A_85 : memref<10240x16xf32, #tpu.memory_space<hbm>>) dst(%arg7 : memref<1296x16xf32, #tpu.memory_space<vmem>>)
    %dma_start3A_86 = arith.constant 0 : i32
    %dma_start3A_87 = arith.constant 0 : i32
    %dma_start3A_88 = tpu.memref_slice %arg6[%dma_start3A_86, %dma_start3A_87] : memref<8x1296xi32, #tpu.memory_space<vmem>> -> memref<1x1296xi32, #tpu.memory_space<vmem>>
    %dma_start3A_89 = tpu.memref_squeeze %dma_start3A_88 : memref<1x1296xi32, #tpu.memory_space<vmem>> -> memref<1296xi32, #tpu.memory_space<vmem>>
    %dma_start3A_90 = arith.constant 0 : i32
    %dma_start3A_91 = arith.constant 0 : i32
    %dma_start3A_92 = tpu.memref_slice %arg19[%dma_start3A_90, %dma_start3A_91] : memref<10240x16xf32, #tpu.memory_space<vmem_shared>> -> memref<10240x16xf32, #tpu.memory_space<vmem_shared>>
    tpu.enqueue_indirect_dma source(%arg7 : memref<1296x16xf32, #tpu.memory_space<vmem>>) target(%dma_start3A_92 : memref<10240x16xf32, #tpu.memory_space<vmem_shared>>) offsets(%dma_start3A_89 : memref<1296xi32, #tpu.memory_space<vmem>>) semaphore(%arg15 : memref<!tpu.dma_semaphore, #tpu.memory_space<semaphore_mem>>) {add = true}
    %dma_start3A_93 = arith.constant 2 : i32
    %dma_start3A_94 = arith.constant 0 : i32
    %dma_start3A_95 = tpu.memref_slice %arg5[%dma_start3A_93, %dma_start3A_94] : memref<8x1296xi32, #tpu.memory_space<vmem>> -> memref<1x1296xi32, #tpu.memory_space<vmem>>
    %dma_start3A_96 = tpu.memref_squeeze %dma_start3A_95 : memref<1x1296xi32, #tpu.memory_space<vmem>> -> memref<1296xi32, #tpu.memory_space<vmem>>
    %dma_start3A_97 = arith.constant 0 : i32
    %dma_start3A_98 = arith.constant 0 : i32
    %dma_start3A_99 = tpu.memref_slice %arg2[%dma_start3A_97, %dma_start3A_98] : memref<10240x16xf32, #tpu.memory_space<hbm>> -> memref<10240x16xf32, #tpu.memory_space<hbm>>
    tpu.enqueue_indirect_dma source(%dma_start3A_99 : memref<10240x16xf32, #tpu.memory_space<hbm>>) target(%arg9 : memref<1296x16xf32, #tpu.memory_space<vmem>>) offsets(%dma_start3A_96 : memref<1296xi32, #tpu.memory_space<vmem>>) semaphore(%arg13 : memref<!tpu.dma_semaphore, #tpu.memory_space<semaphore_mem>>)
    %dma_wait3A_100 = arith.constant 1 : i32
    %dma_wait3A_101 = arith.constant 0 : i32
    %dma_wait3A_102 = tpu.memref_slice %arg5[%dma_wait3A_100, %dma_wait3A_101] : memref<8x1296xi32, #tpu.memory_space<vmem>> -> memref<1x1296xi32, #tpu.memory_space<vmem>>
    %dma_wait3A_103 = tpu.memref_squeeze %dma_wait3A_102 : memref<1x1296xi32, #tpu.memory_space<vmem>> -> memref<1296xi32, #tpu.memory_space<vmem>>
    %dma_wait3A_104 = arith.constant 0 : i32
    %dma_wait3A_105 = arith.constant 0 : i32
    %dma_wait3A_106 = tpu.memref_slice %arg2[%dma_wait3A_104, %dma_wait3A_105] : memref<10240x16xf32, #tpu.memory_space<hbm>> -> memref<10240x16xf32, #tpu.memory_space<hbm>>
    tpu.wait_indirect_dma semaphore(%arg12 : memref<!tpu.dma_semaphore, #tpu.memory_space<semaphore_mem>>) src(%dma_wait3A_106 : memref<10240x16xf32, #tpu.memory_space<hbm>>) dst(%arg8 : memref<1296x16xf32, #tpu.memory_space<vmem>>)
    %dma_start3A_107 = arith.constant 1 : i32
    %dma_start3A_108 = arith.constant 0 : i32
    %dma_start3A_109 = tpu.memref_slice %arg6[%dma_start3A_107, %dma_start3A_108] : memref<8x1296xi32, #tpu.memory_space<vmem>> -> memref<1x1296xi32, #tpu.memory_space<vmem>>
    %dma_start3A_110 = tpu.memref_squeeze %dma_start3A_109 : memref<1x1296xi32, #tpu.memory_space<vmem>> -> memref<1296xi32, #tpu.memory_space<vmem>>
    %dma_start3A_111 = arith.constant 0 : i32
    %dma_start3A_112 = arith.constant 0 : i32
    %dma_start3A_113 = tpu.memref_slice %arg19[%dma_start3A_111, %dma_start3A_112] : memref<10240x16xf32, #tpu.memory_space<vmem_shared>> -> memref<10240x16xf32, #tpu.memory_space<vmem_shared>>
    tpu.enqueue_indirect_dma source(%arg8 : memref<1296x16xf32, #tpu.memory_space<vmem>>) target(%dma_start3A_113 : memref<10240x16xf32, #tpu.memory_space<vmem_shared>>) offsets(%dma_start3A_110 : memref<1296xi32, #tpu.memory_space<vmem>>) semaphore(%arg16 : memref<!tpu.dma_semaphore, #tpu.memory_space<semaphore_mem>>) {add = true}
    %dma_start3A_114 = arith.constant 3 : i32
    %dma_start3A_115 = arith.constant 0 : i32
    %dma_start3A_116 = tpu.memref_slice %arg5[%dma_start3A_114, %dma_start3A_115] : memref<8x1296xi32, #tpu.memory_space<vmem>> -> memref<1x1296xi32, #tpu.memory_space<vmem>>
    %dma_start3A_117 = tpu.memref_squeeze %dma_start3A_116 : memref<1x1296xi32, #tpu.memory_space<vmem>> -> memref<1296xi32, #tpu.memory_space<vmem>>
    %dma_start3A_118 = arith.constant 0 : i32
    %dma_start3A_119 = arith.constant 0 : i32
    %dma_start3A_120 = tpu.memref_slice %arg2[%dma_start3A_118, %dma_start3A_119] : memref<10240x16xf32, #tpu.memory_space<hbm>> -> memref<10240x16xf32, #tpu.memory_space<hbm>>
    tpu.enqueue_indirect_dma source(%dma_start3A_120 : memref<10240x16xf32, #tpu.memory_space<hbm>>) target(%arg10 : memref<1296x16xf32, #tpu.memory_space<vmem>>) offsets(%dma_start3A_117 : memref<1296xi32, #tpu.memory_space<vmem>>) semaphore(%arg14 : memref<!tpu.dma_semaphore, #tpu.memory_space<semaphore_mem>>)
    %dma_wait3A_121 = arith.constant 2 : i32
    %dma_wait3A_122 = arith.constant 0 : i32
    %dma_wait3A_123 = tpu.memref_slice %arg5[%dma_wait3A_121, %dma_wait3A_122] : memref<8x1296xi32, #tpu.memory_space<vmem>> -> memref<1x1296xi32, #tpu.memory_space<vmem>>
    %dma_wait3A_124 = tpu.memref_squeeze %dma_wait3A_123 : memref<1x1296xi32, #tpu.memory_space<vmem>> -> memref<1296xi32, #tpu.memory_space<vmem>>
    %dma_wait3A_125 = arith.constant 0 : i32
    %dma_wait3A_126 = arith.constant 0 : i32
    %dma_wait3A_127 = tpu.memref_slice %arg2[%dma_wait3A_125, %dma_wait3A_126] : memref<10240x16xf32, #tpu.memory_space<hbm>> -> memref<10240x16xf32, #tpu.memory_space<hbm>>
    tpu.wait_indirect_dma semaphore(%arg13 : memref<!tpu.dma_semaphore, #tpu.memory_space<semaphore_mem>>) src(%dma_wait3A_127 : memref<10240x16xf32, #tpu.memory_space<hbm>>) dst(%arg9 : memref<1296x16xf32, #tpu.memory_space<vmem>>)
    %dma_start3A_128 = arith.constant 2 : i32
    %dma_start3A_129 = arith.constant 0 : i32
    %dma_start3A_130 = tpu.memref_slice %arg6[%dma_start3A_128, %dma_start3A_129] : memref<8x1296xi32, #tpu.memory_space<vmem>> -> memref<1x1296xi32, #tpu.memory_space<vmem>>
    %dma_start3A_131 = tpu.memref_squeeze %dma_start3A_130 : memref<1x1296xi32, #tpu.memory_space<vmem>> -> memref<1296xi32, #tpu.memory_space<vmem>>
    %dma_start3A_132 = arith.constant 0 : i32
    %dma_start3A_133 = arith.constant 0 : i32
    %dma_start3A_134 = tpu.memref_slice %arg19[%dma_start3A_132, %dma_start3A_133] : memref<10240x16xf32, #tpu.memory_space<vmem_shared>> -> memref<10240x16xf32, #tpu.memory_space<vmem_shared>>
    tpu.enqueue_indirect_dma source(%arg9 : memref<1296x16xf32, #tpu.memory_space<vmem>>) target(%dma_start3A_134 : memref<10240x16xf32, #tpu.memory_space<vmem_shared>>) offsets(%dma_start3A_131 : memref<1296xi32, #tpu.memory_space<vmem>>) semaphore(%arg17 : memref<!tpu.dma_semaphore, #tpu.memory_space<semaphore_mem>>) {add = true}
    %dma_wait3A_135 = arith.constant 0 : i32
    %dma_wait3A_136 = arith.constant 0 : i32
    %dma_wait3A_137 = tpu.memref_slice %arg6[%dma_wait3A_135, %dma_wait3A_136] : memref<8x1296xi32, #tpu.memory_space<vmem>> -> memref<1x1296xi32, #tpu.memory_space<vmem>>
    %dma_wait3A_138 = tpu.memref_squeeze %dma_wait3A_137 : memref<1x1296xi32, #tpu.memory_space<vmem>> -> memref<1296xi32, #tpu.memory_space<vmem>>
    %dma_wait3A_139 = arith.constant 0 : i32
    %dma_wait3A_140 = arith.constant 0 : i32
    %dma_wait3A_141 = tpu.memref_slice %arg19[%dma_wait3A_139, %dma_wait3A_140] : memref<10240x16xf32, #tpu.memory_space<vmem_shared>> -> memref<10240x16xf32, #tpu.memory_space<vmem_shared>>
    tpu.wait_indirect_dma semaphore(%arg15 : memref<!tpu.dma_semaphore, #tpu.memory_space<semaphore_mem>>) src(%arg7 : memref<1296x16xf32, #tpu.memory_space<vmem>>) dst(%dma_wait3A_141 : memref<10240x16xf32, #tpu.memory_space<vmem_shared>>)
    %dma_start3A_142 = arith.constant 4 : i32
    %dma_start3A_143 = arith.constant 0 : i32
    %dma_start3A_144 = tpu.memref_slice %arg5[%dma_start3A_142, %dma_start3A_143] : memref<8x1296xi32, #tpu.memory_space<vmem>> -> memref<1x1296xi32, #tpu.memory_space<vmem>>
    %dma_start3A_145 = tpu.memref_squeeze %dma_start3A_144 : memref<1x1296xi32, #tpu.memory_space<vmem>> -> memref<1296xi32, #tpu.memory_space<vmem>>
    %dma_start3A_146 = arith.constant 0 : i32
    %dma_start3A_147 = arith.constant 0 : i32
    %dma_start3A_148 = tpu.memref_slice %arg2[%dma_start3A_146, %dma_start3A_147] : memref<10240x16xf32, #tpu.memory_space<hbm>> -> memref<10240x16xf32, #tpu.memory_space<hbm>>
    tpu.enqueue_indirect_dma source(%dma_start3A_148 : memref<10240x16xf32, #tpu.memory_space<hbm>>) target(%arg7 : memref<1296x16xf32, #tpu.memory_space<vmem>>) offsets(%dma_start3A_145 : memref<1296xi32, #tpu.memory_space<vmem>>) semaphore(%arg11 : memref<!tpu.dma_semaphore, #tpu.memory_space<semaphore_mem>>)
    %dma_wait3A_149 = arith.constant 3 : i32
    %dma_wait3A_150 = arith.constant 0 : i32
    %dma_wait3A_151 = tpu.memref_slice %arg5[%dma_wait3A_149, %dma_wait3A_150] : memref<8x1296xi32, #tpu.memory_space<vmem>> -> memref<1x1296xi32, #tpu.memory_space<vmem>>
    %dma_wait3A_152 = tpu.memref_squeeze %dma_wait3A_151 : memref<1x1296xi32, #tpu.memory_space<vmem>> -> memref<1296xi32, #tpu.memory_space<vmem>>
    %dma_wait3A_153 = arith.constant 0 : i32
    %dma_wait3A_154 = arith.constant 0 : i32
    %dma_wait3A_155 = tpu.memref_slice %arg2[%dma_wait3A_153, %dma_wait3A_154] : memref<10240x16xf32, #tpu.memory_space<hbm>> -> memref<10240x16xf32, #tpu.memory_space<hbm>>
    tpu.wait_indirect_dma semaphore(%arg14 : memref<!tpu.dma_semaphore, #tpu.memory_space<semaphore_mem>>) src(%dma_wait3A_155 : memref<10240x16xf32, #tpu.memory_space<hbm>>) dst(%arg10 : memref<1296x16xf32, #tpu.memory_space<vmem>>)
    %dma_start3A_156 = arith.constant 3 : i32
    %dma_start3A_157 = arith.constant 0 : i32
    %dma_start3A_158 = tpu.memref_slice %arg6[%dma_start3A_156, %dma_start3A_157] : memref<8x1296xi32, #tpu.memory_space<vmem>> -> memref<1x1296xi32, #tpu.memory_space<vmem>>
    %dma_start3A_159 = tpu.memref_squeeze %dma_start3A_158 : memref<1x1296xi32, #tpu.memory_space<vmem>> -> memref<1296xi32, #tpu.memory_space<vmem>>
    %dma_start3A_160 = arith.constant 0 : i32
    %dma_start3A_161 = arith.constant 0 : i32
    %dma_start3A_162 = tpu.memref_slice %arg19[%dma_start3A_160, %dma_start3A_161] : memref<10240x16xf32, #tpu.memory_space<vmem_shared>> -> memref<10240x16xf32, #tpu.memory_space<vmem_shared>>
    tpu.enqueue_indirect_dma source(%arg10 : memref<1296x16xf32, #tpu.memory_space<vmem>>) target(%dma_start3A_162 : memref<10240x16xf32, #tpu.memory_space<vmem_shared>>) offsets(%dma_start3A_159 : memref<1296xi32, #tpu.memory_space<vmem>>) semaphore(%arg18 : memref<!tpu.dma_semaphore, #tpu.memory_space<semaphore_mem>>) {add = true}
    %dma_wait3A_163 = arith.constant 1 : i32
    %dma_wait3A_164 = arith.constant 0 : i32
    %dma_wait3A_165 = tpu.memref_slice %arg6[%dma_wait3A_163, %dma_wait3A_164] : memref<8x1296xi32, #tpu.memory_space<vmem>> -> memref<1x1296xi32, #tpu.memory_space<vmem>>
    %dma_wait3A_166 = tpu.memref_squeeze %dma_wait3A_165 : memref<1x1296xi32, #tpu.memory_space<vmem>> -> memref<1296xi32, #tpu.memory_space<vmem>>
    %dma_wait3A_167 = arith.constant 0 : i32
    %dma_wait3A_168 = arith.constant 0 : i32
    %dma_wait3A_169 = tpu.memref_slice %arg19[%dma_wait3A_167, %dma_wait3A_168] : memref<10240x16xf32, #tpu.memory_space<vmem_shared>> -> memref<10240x16xf32, #tpu.memory_space<vmem_shared>>
    tpu.wait_indirect_dma semaphore(%arg16 : memref<!tpu.dma_semaphore, #tpu.memory_space<semaphore_mem>>) src(%arg8 : memref<1296x16xf32, #tpu.memory_space<vmem>>) dst(%dma_wait3A_169 : memref<10240x16xf32, #tpu.memory_space<vmem_shared>>)
    %dma_start3A_170 = arith.constant 5 : i32
    %dma_start3A_171 = arith.constant 0 : i32
    %dma_start3A_172 = tpu.memref_slice %arg5[%dma_start3A_170, %dma_start3A_171] : memref<8x1296xi32, #tpu.memory_space<vmem>> -> memref<1x1296xi32, #tpu.memory_space<vmem>>
    %dma_start3A_173 = tpu.memref_squeeze %dma_start3A_172 : memref<1x1296xi32, #tpu.memory_space<vmem>> -> memref<1296xi32, #tpu.memory_space<vmem>>
    %dma_start3A_174 = arith.constant 0 : i32
    %dma_start3A_175 = arith.constant 0 : i32
    %dma_start3A_176 = tpu.memref_slice %arg2[%dma_start3A_174, %dma_start3A_175] : memref<10240x16xf32, #tpu.memory_space<hbm>> -> memref<10240x16xf32, #tpu.memory_space<hbm>>
    tpu.enqueue_indirect_dma source(%dma_start3A_176 : memref<10240x16xf32, #tpu.memory_space<hbm>>) target(%arg8 : memref<1296x16xf32, #tpu.memory_space<vmem>>) offsets(%dma_start3A_173 : memref<1296xi32, #tpu.memory_space<vmem>>) semaphore(%arg12 : memref<!tpu.dma_semaphore, #tpu.memory_space<semaphore_mem>>)
    %dma_wait3A_177 = arith.constant 4 : i32
    %dma_wait3A_178 = arith.constant 0 : i32
    %dma_wait3A_179 = tpu.memref_slice %arg5[%dma_wait3A_177, %dma_wait3A_178] : memref<8x1296xi32, #tpu.memory_space<vmem>> -> memref<1x1296xi32, #tpu.memory_space<vmem>>
    %dma_wait3A_180 = tpu.memref_squeeze %dma_wait3A_179 : memref<1x1296xi32, #tpu.memory_space<vmem>> -> memref<1296xi32, #tpu.memory_space<vmem>>
    %dma_wait3A_181 = arith.constant 0 : i32
    %dma_wait3A_182 = arith.constant 0 : i32
    %dma_wait3A_183 = tpu.memref_slice %arg2[%dma_wait3A_181, %dma_wait3A_182] : memref<10240x16xf32, #tpu.memory_space<hbm>> -> memref<10240x16xf32, #tpu.memory_space<hbm>>
    tpu.wait_indirect_dma semaphore(%arg11 : memref<!tpu.dma_semaphore, #tpu.memory_space<semaphore_mem>>) src(%dma_wait3A_183 : memref<10240x16xf32, #tpu.memory_space<hbm>>) dst(%arg7 : memref<1296x16xf32, #tpu.memory_space<vmem>>)
    %dma_start3A_184 = arith.constant 4 : i32
    %dma_start3A_185 = arith.constant 0 : i32
    %dma_start3A_186 = tpu.memref_slice %arg6[%dma_start3A_184, %dma_start3A_185] : memref<8x1296xi32, #tpu.memory_space<vmem>> -> memref<1x1296xi32, #tpu.memory_space<vmem>>
    %dma_start3A_187 = tpu.memref_squeeze %dma_start3A_186 : memref<1x1296xi32, #tpu.memory_space<vmem>> -> memref<1296xi32, #tpu.memory_space<vmem>>
    %dma_start3A_188 = arith.constant 0 : i32
    %dma_start3A_189 = arith.constant 0 : i32
    %dma_start3A_190 = tpu.memref_slice %arg19[%dma_start3A_188, %dma_start3A_189] : memref<10240x16xf32, #tpu.memory_space<vmem_shared>> -> memref<10240x16xf32, #tpu.memory_space<vmem_shared>>
    tpu.enqueue_indirect_dma source(%arg7 : memref<1296x16xf32, #tpu.memory_space<vmem>>) target(%dma_start3A_190 : memref<10240x16xf32, #tpu.memory_space<vmem_shared>>) offsets(%dma_start3A_187 : memref<1296xi32, #tpu.memory_space<vmem>>) semaphore(%arg15 : memref<!tpu.dma_semaphore, #tpu.memory_space<semaphore_mem>>) {add = true}
    %dma_wait3A_191 = arith.constant 2 : i32
    %dma_wait3A_192 = arith.constant 0 : i32
    %dma_wait3A_193 = tpu.memref_slice %arg6[%dma_wait3A_191, %dma_wait3A_192] : memref<8x1296xi32, #tpu.memory_space<vmem>> -> memref<1x1296xi32, #tpu.memory_space<vmem>>
    %dma_wait3A_194 = tpu.memref_squeeze %dma_wait3A_193 : memref<1x1296xi32, #tpu.memory_space<vmem>> -> memref<1296xi32, #tpu.memory_space<vmem>>
    %dma_wait3A_195 = arith.constant 0 : i32
    %dma_wait3A_196 = arith.constant 0 : i32
    %dma_wait3A_197 = tpu.memref_slice %arg19[%dma_wait3A_195, %dma_wait3A_196] : memref<10240x16xf32, #tpu.memory_space<vmem_shared>> -> memref<10240x16xf32, #tpu.memory_space<vmem_shared>>
    tpu.wait_indirect_dma semaphore(%arg17 : memref<!tpu.dma_semaphore, #tpu.memory_space<semaphore_mem>>) src(%arg9 : memref<1296x16xf32, #tpu.memory_space<vmem>>) dst(%dma_wait3A_197 : memref<10240x16xf32, #tpu.memory_space<vmem_shared>>)
    %dma_start3A_198 = arith.constant 6 : i32
    %dma_start3A_199 = arith.constant 0 : i32
    %dma_start3A_200 = tpu.memref_slice %arg5[%dma_start3A_198, %dma_start3A_199] : memref<8x1296xi32, #tpu.memory_space<vmem>> -> memref<1x1296xi32, #tpu.memory_space<vmem>>
    %dma_start3A_201 = tpu.memref_squeeze %dma_start3A_200 : memref<1x1296xi32, #tpu.memory_space<vmem>> -> memref<1296xi32, #tpu.memory_space<vmem>>
    %dma_start3A_202 = arith.constant 0 : i32
    %dma_start3A_203 = arith.constant 0 : i32
    %dma_start3A_204 = tpu.memref_slice %arg2[%dma_start3A_202, %dma_start3A_203] : memref<10240x16xf32, #tpu.memory_space<hbm>> -> memref<10240x16xf32, #tpu.memory_space<hbm>>
    tpu.enqueue_indirect_dma source(%dma_start3A_204 : memref<10240x16xf32, #tpu.memory_space<hbm>>) target(%arg9 : memref<1296x16xf32, #tpu.memory_space<vmem>>) offsets(%dma_start3A_201 : memref<1296xi32, #tpu.memory_space<vmem>>) semaphore(%arg13 : memref<!tpu.dma_semaphore, #tpu.memory_space<semaphore_mem>>)
    %dma_wait3A_205 = arith.constant 5 : i32
    %dma_wait3A_206 = arith.constant 0 : i32
    %dma_wait3A_207 = tpu.memref_slice %arg5[%dma_wait3A_205, %dma_wait3A_206] : memref<8x1296xi32, #tpu.memory_space<vmem>> -> memref<1x1296xi32, #tpu.memory_space<vmem>>
    %dma_wait3A_208 = tpu.memref_squeeze %dma_wait3A_207 : memref<1x1296xi32, #tpu.memory_space<vmem>> -> memref<1296xi32, #tpu.memory_space<vmem>>
    %dma_wait3A_209 = arith.constant 0 : i32
    %dma_wait3A_210 = arith.constant 0 : i32
    %dma_wait3A_211 = tpu.memref_slice %arg2[%dma_wait3A_209, %dma_wait3A_210] : memref<10240x16xf32, #tpu.memory_space<hbm>> -> memref<10240x16xf32, #tpu.memory_space<hbm>>
    tpu.wait_indirect_dma semaphore(%arg12 : memref<!tpu.dma_semaphore, #tpu.memory_space<semaphore_mem>>) src(%dma_wait3A_211 : memref<10240x16xf32, #tpu.memory_space<hbm>>) dst(%arg8 : memref<1296x16xf32, #tpu.memory_space<vmem>>)
    %dma_start3A_212 = arith.constant 5 : i32
    %dma_start3A_213 = arith.constant 0 : i32
    %dma_start3A_214 = tpu.memref_slice %arg6[%dma_start3A_212, %dma_start3A_213] : memref<8x1296xi32, #tpu.memory_space<vmem>> -> memref<1x1296xi32, #tpu.memory_space<vmem>>
    %dma_start3A_215 = tpu.memref_squeeze %dma_start3A_214 : memref<1x1296xi32, #tpu.memory_space<vmem>> -> memref<1296xi32, #tpu.memory_space<vmem>>
    %dma_start3A_216 = arith.constant 0 : i32
    %dma_start3A_217 = arith.constant 0 : i32
    %dma_start3A_218 = tpu.memref_slice %arg19[%dma_start3A_216, %dma_start3A_217] : memref<10240x16xf32, #tpu.memory_space<vmem_shared>> -> memref<10240x16xf32, #tpu.memory_space<vmem_shared>>
    tpu.enqueue_indirect_dma source(%arg8 : memref<1296x16xf32, #tpu.memory_space<vmem>>) target(%dma_start3A_218 : memref<10240x16xf32, #tpu.memory_space<vmem_shared>>) offsets(%dma_start3A_215 : memref<1296xi32, #tpu.memory_space<vmem>>) semaphore(%arg16 : memref<!tpu.dma_semaphore, #tpu.memory_space<semaphore_mem>>) {add = true}
    %dma_wait3A_219 = arith.constant 3 : i32
    %dma_wait3A_220 = arith.constant 0 : i32
    %dma_wait3A_221 = tpu.memref_slice %arg6[%dma_wait3A_219, %dma_wait3A_220] : memref<8x1296xi32, #tpu.memory_space<vmem>> -> memref<1x1296xi32, #tpu.memory_space<vmem>>
    %dma_wait3A_222 = tpu.memref_squeeze %dma_wait3A_221 : memref<1x1296xi32, #tpu.memory_space<vmem>> -> memref<1296xi32, #tpu.memory_space<vmem>>
    %dma_wait3A_223 = arith.constant 0 : i32
    %dma_wait3A_224 = arith.constant 0 : i32
    %dma_wait3A_225 = tpu.memref_slice %arg19[%dma_wait3A_223, %dma_wait3A_224] : memref<10240x16xf32, #tpu.memory_space<vmem_shared>> -> memref<10240x16xf32, #tpu.memory_space<vmem_shared>>
    tpu.wait_indirect_dma semaphore(%arg18 : memref<!tpu.dma_semaphore, #tpu.memory_space<semaphore_mem>>) src(%arg10 : memref<1296x16xf32, #tpu.memory_space<vmem>>) dst(%dma_wait3A_225 : memref<10240x16xf32, #tpu.memory_space<vmem_shared>>)
    %dma_start3A_226 = arith.constant 7 : i32
    %dma_start3A_227 = arith.constant 0 : i32
    %dma_start3A_228 = tpu.memref_slice %arg5[%dma_start3A_226, %dma_start3A_227] : memref<8x1296xi32, #tpu.memory_space<vmem>> -> memref<1x1296xi32, #tpu.memory_space<vmem>>
    %dma_start3A_229 = tpu.memref_squeeze %dma_start3A_228 : memref<1x1296xi32, #tpu.memory_space<vmem>> -> memref<1296xi32, #tpu.memory_space<vmem>>
    %dma_start3A_230 = arith.constant 0 : i32
    %dma_start3A_231 = arith.constant 0 : i32
    %dma_start3A_232 = tpu.memref_slice %arg2[%dma_start3A_230, %dma_start3A_231] : memref<10240x16xf32, #tpu.memory_space<hbm>> -> memref<10240x16xf32, #tpu.memory_space<hbm>>
    tpu.enqueue_indirect_dma source(%dma_start3A_232 : memref<10240x16xf32, #tpu.memory_space<hbm>>) target(%arg10 : memref<1296x16xf32, #tpu.memory_space<vmem>>) offsets(%dma_start3A_229 : memref<1296xi32, #tpu.memory_space<vmem>>) semaphore(%arg14 : memref<!tpu.dma_semaphore, #tpu.memory_space<semaphore_mem>>)
    %dma_wait3A_233 = arith.constant 6 : i32
    %dma_wait3A_234 = arith.constant 0 : i32
    %dma_wait3A_235 = tpu.memref_slice %arg5[%dma_wait3A_233, %dma_wait3A_234] : memref<8x1296xi32, #tpu.memory_space<vmem>> -> memref<1x1296xi32, #tpu.memory_space<vmem>>
    %dma_wait3A_236 = tpu.memref_squeeze %dma_wait3A_235 : memref<1x1296xi32, #tpu.memory_space<vmem>> -> memref<1296xi32, #tpu.memory_space<vmem>>
    %dma_wait3A_237 = arith.constant 0 : i32
    %dma_wait3A_238 = arith.constant 0 : i32
    %dma_wait3A_239 = tpu.memref_slice %arg2[%dma_wait3A_237, %dma_wait3A_238] : memref<10240x16xf32, #tpu.memory_space<hbm>> -> memref<10240x16xf32, #tpu.memory_space<hbm>>
    tpu.wait_indirect_dma semaphore(%arg13 : memref<!tpu.dma_semaphore, #tpu.memory_space<semaphore_mem>>) src(%dma_wait3A_239 : memref<10240x16xf32, #tpu.memory_space<hbm>>) dst(%arg9 : memref<1296x16xf32, #tpu.memory_space<vmem>>)
    %dma_start3A_240 = arith.constant 6 : i32
    %dma_start3A_241 = arith.constant 0 : i32
    %dma_start3A_242 = tpu.memref_slice %arg6[%dma_start3A_240, %dma_start3A_241] : memref<8x1296xi32, #tpu.memory_space<vmem>> -> memref<1x1296xi32, #tpu.memory_space<vmem>>
    %dma_start3A_243 = tpu.memref_squeeze %dma_start3A_242 : memref<1x1296xi32, #tpu.memory_space<vmem>> -> memref<1296xi32, #tpu.memory_space<vmem>>
    %dma_start3A_244 = arith.constant 0 : i32
    %dma_start3A_245 = arith.constant 0 : i32
    %dma_start3A_246 = tpu.memref_slice %arg19[%dma_start3A_244, %dma_start3A_245] : memref<10240x16xf32, #tpu.memory_space<vmem_shared>> -> memref<10240x16xf32, #tpu.memory_space<vmem_shared>>
    tpu.enqueue_indirect_dma source(%arg9 : memref<1296x16xf32, #tpu.memory_space<vmem>>) target(%dma_start3A_246 : memref<10240x16xf32, #tpu.memory_space<vmem_shared>>) offsets(%dma_start3A_243 : memref<1296xi32, #tpu.memory_space<vmem>>) semaphore(%arg17 : memref<!tpu.dma_semaphore, #tpu.memory_space<semaphore_mem>>) {add = true}
    %dma_wait3A_247 = arith.constant 7 : i32
    %dma_wait3A_248 = arith.constant 0 : i32
    %dma_wait3A_249 = tpu.memref_slice %arg5[%dma_wait3A_247, %dma_wait3A_248] : memref<8x1296xi32, #tpu.memory_space<vmem>> -> memref<1x1296xi32, #tpu.memory_space<vmem>>
    %dma_wait3A_250 = tpu.memref_squeeze %dma_wait3A_249 : memref<1x1296xi32, #tpu.memory_space<vmem>> -> memref<1296xi32, #tpu.memory_space<vmem>>
    %dma_wait3A_251 = arith.constant 0 : i32
    %dma_wait3A_252 = arith.constant 0 : i32
    %dma_wait3A_253 = tpu.memref_slice %arg2[%dma_wait3A_251, %dma_wait3A_252] : memref<10240x16xf32, #tpu.memory_space<hbm>> -> memref<10240x16xf32, #tpu.memory_space<hbm>>
    tpu.wait_indirect_dma semaphore(%arg14 : memref<!tpu.dma_semaphore, #tpu.memory_space<semaphore_mem>>) src(%dma_wait3A_253 : memref<10240x16xf32, #tpu.memory_space<hbm>>) dst(%arg10 : memref<1296x16xf32, #tpu.memory_space<vmem>>)
    %dma_start3A_254 = arith.constant 7 : i32
    %dma_start3A_255 = arith.constant 0 : i32
    %dma_start3A_256 = tpu.memref_slice %arg6[%dma_start3A_254, %dma_start3A_255] : memref<8x1296xi32, #tpu.memory_space<vmem>> -> memref<1x1296xi32, #tpu.memory_space<vmem>>
    %dma_start3A_257 = tpu.memref_squeeze %dma_start3A_256 : memref<1x1296xi32, #tpu.memory_space<vmem>> -> memref<1296xi32, #tpu.memory_space<vmem>>
    %dma_start3A_258 = arith.constant 0 : i32
    %dma_start3A_259 = arith.constant 0 : i32
    %dma_start3A_260 = tpu.memref_slice %arg19[%dma_start3A_258, %dma_start3A_259] : memref<10240x16xf32, #tpu.memory_space<vmem_shared>> -> memref<10240x16xf32, #tpu.memory_space<vmem_shared>>
    tpu.enqueue_indirect_dma source(%arg10 : memref<1296x16xf32, #tpu.memory_space<vmem>>) target(%dma_start3A_260 : memref<10240x16xf32, #tpu.memory_space<vmem_shared>>) offsets(%dma_start3A_257 : memref<1296xi32, #tpu.memory_space<vmem>>) semaphore(%arg18 : memref<!tpu.dma_semaphore, #tpu.memory_space<semaphore_mem>>) {add = true}
    %dma_wait3A_261 = arith.constant 4 : i32
    %dma_wait3A_262 = arith.constant 0 : i32
    %dma_wait3A_263 = tpu.memref_slice %arg6[%dma_wait3A_261, %dma_wait3A_262] : memref<8x1296xi32, #tpu.memory_space<vmem>> -> memref<1x1296xi32, #tpu.memory_space<vmem>>
    %dma_wait3A_264 = tpu.memref_squeeze %dma_wait3A_263 : memref<1x1296xi32, #tpu.memory_space<vmem>> -> memref<1296xi32, #tpu.memory_space<vmem>>
    %dma_wait3A_265 = arith.constant 0 : i32
    %dma_wait3A_266 = arith.constant 0 : i32
    %dma_wait3A_267 = tpu.memref_slice %arg19[%dma_wait3A_265, %dma_wait3A_266] : memref<10240x16xf32, #tpu.memory_space<vmem_shared>> -> memref<10240x16xf32, #tpu.memory_space<vmem_shared>>
    tpu.wait_indirect_dma semaphore(%arg15 : memref<!tpu.dma_semaphore, #tpu.memory_space<semaphore_mem>>) src(%arg7 : memref<1296x16xf32, #tpu.memory_space<vmem>>) dst(%dma_wait3A_267 : memref<10240x16xf32, #tpu.memory_space<vmem_shared>>)
    %dma_wait3A_268 = arith.constant 5 : i32
    %dma_wait3A_269 = arith.constant 0 : i32
    %dma_wait3A_270 = tpu.memref_slice %arg6[%dma_wait3A_268, %dma_wait3A_269] : memref<8x1296xi32, #tpu.memory_space<vmem>> -> memref<1x1296xi32, #tpu.memory_space<vmem>>
    %dma_wait3A_271 = tpu.memref_squeeze %dma_wait3A_270 : memref<1x1296xi32, #tpu.memory_space<vmem>> -> memref<1296xi32, #tpu.memory_space<vmem>>
    %dma_wait3A_272 = arith.constant 0 : i32
    %dma_wait3A_273 = arith.constant 0 : i32
    %dma_wait3A_274 = tpu.memref_slice %arg19[%dma_wait3A_272, %dma_wait3A_273] : memref<10240x16xf32, #tpu.memory_space<vmem_shared>> -> memref<10240x16xf32, #tpu.memory_space<vmem_shared>>
    tpu.wait_indirect_dma semaphore(%arg16 : memref<!tpu.dma_semaphore, #tpu.memory_space<semaphore_mem>>) src(%arg8 : memref<1296x16xf32, #tpu.memory_space<vmem>>) dst(%dma_wait3A_274 : memref<10240x16xf32, #tpu.memory_space<vmem_shared>>)
    %dma_wait3A_275 = arith.constant 6 : i32
    %dma_wait3A_276 = arith.constant 0 : i32
    %dma_wait3A_277 = tpu.memref_slice %arg6[%dma_wait3A_275, %dma_wait3A_276] : memref<8x1296xi32, #tpu.memory_space<vmem>> -> memref<1x1296xi32, #tpu.memory_space<vmem>>
    %dma_wait3A_278 = tpu.memref_squeeze %dma_wait3A_277 : memref<1x1296xi32, #tpu.memory_space<vmem>> -> memref<1296xi32, #tpu.memory_space<vmem>>
    %dma_wait3A_279 = arith.constant 0 : i32
    %dma_wait3A_280 = arith.constant 0 : i32
    %dma_wait3A_281 = tpu.memref_slice %arg19[%dma_wait3A_279, %dma_wait3A_280] : memref<10240x16xf32, #tpu.memory_space<vmem_shared>> -> memref<10240x16xf32, #tpu.memory_space<vmem_shared>>
    tpu.wait_indirect_dma semaphore(%arg17 : memref<!tpu.dma_semaphore, #tpu.memory_space<semaphore_mem>>) src(%arg9 : memref<1296x16xf32, #tpu.memory_space<vmem>>) dst(%dma_wait3A_281 : memref<10240x16xf32, #tpu.memory_space<vmem_shared>>)
    %dma_wait3A_282 = arith.constant 7 : i32
    %dma_wait3A_283 = arith.constant 0 : i32
    %dma_wait3A_284 = tpu.memref_slice %arg6[%dma_wait3A_282, %dma_wait3A_283] : memref<8x1296xi32, #tpu.memory_space<vmem>> -> memref<1x1296xi32, #tpu.memory_space<vmem>>
    %dma_wait3A_285 = tpu.memref_squeeze %dma_wait3A_284 : memref<1x1296xi32, #tpu.memory_space<vmem>> -> memref<1296xi32, #tpu.memory_space<vmem>>
    %dma_wait3A_286 = arith.constant 0 : i32
    %dma_wait3A_287 = arith.constant 0 : i32
    %dma_wait3A_288 = tpu.memref_slice %arg19[%dma_wait3A_286, %dma_wait3A_287] : memref<10240x16xf32, #tpu.memory_space<vmem_shared>> -> memref<10240x16xf32, #tpu.memory_space<vmem_shared>>
    tpu.wait_indirect_dma semaphore(%arg18 : memref<!tpu.dma_semaphore, #tpu.memory_space<semaphore_mem>>) src(%arg10 : memref<1296x16xf32, #tpu.memory_space<vmem>>) dst(%dma_wait3A_288 : memref<10240x16xf32, #tpu.memory_space<vmem_shared>>)
    %barrier3A_289 = arith.constant 0 : index
    tpu.barrier barrier_id(%barrier3A_289)
    %mul3A_290 = arith.constant 640 : i32
    %mul3A_291 = arith.muli %arg1, %mul3A_290 : i32
    %mul3A_292 = arith.constant 640 : i32
    %mul3A_293 = arith.muli %arg1, %mul3A_292 : i32
    "tpu.region"() ({
      %run_scoped3A = tpu.sem_alloc : memref<!tpu.dma_semaphore, #tpu.memory_space<semaphore_mem>>
      %dma_start3A_294 = arith.constant 0 : i32
      %dma_start3A_295 = tpu.memref_slice %arg4[%arg0, %mul3A_293, %dma_start3A_294] : memref<2x10240x16xf32, #tpu.memory_space<hbm>> -> memref<1x640x16xf32, #tpu.memory_space<hbm>>
      %dma_start3A_296 = tpu.memref_squeeze %dma_start3A_295 : memref<1x640x16xf32, #tpu.memory_space<hbm>> -> memref<640x16xf32, #tpu.memory_space<hbm>>
      %dma_start3A_297 = arith.constant 0 : i32
      %dma_start3A_298 = tpu.memref_slice %arg19[%mul3A_291, %dma_start3A_297] : memref<10240x16xf32, #tpu.memory_space<vmem_shared>> -> memref<640x16xf32, #tpu.memory_space<vmem_shared>>
      tpu.enqueue_dma source(%dma_start3A_298 : memref<640x16xf32, #tpu.memory_space<vmem_shared>>) target(%dma_start3A_296 : memref<640x16xf32, #tpu.memory_space<hbm>>) target_semaphore(%run_scoped3A : memref<!tpu.dma_semaphore, #tpu.memory_space<semaphore_mem>>)
      %dma_wait3A_299 = arith.constant 0 : i32
      %dma_wait3A_300 = tpu.memref_slice %arg4[%arg0, %mul3A_293, %dma_wait3A_299] : memref<2x10240x16xf32, #tpu.memory_space<hbm>> -> memref<1x640x16xf32, #tpu.memory_space<hbm>>
      %dma_wait3A_301 = tpu.memref_squeeze %dma_wait3A_300 : memref<1x640x16xf32, #tpu.memory_space<hbm>> -> memref<640x16xf32, #tpu.memory_space<hbm>>
      %dma_wait3A_302 = arith.constant 0 : i32
      %dma_wait3A_303 = tpu.memref_slice %arg19[%mul3A_291, %dma_wait3A_302] : memref<10240x16xf32, #tpu.memory_space<vmem_shared>> -> memref<640x16xf32, #tpu.memory_space<vmem_shared>>
      tpu.wait_dma2 semaphore(%run_scoped3A : memref<!tpu.dma_semaphore, #tpu.memory_space<semaphore_mem>>) src(%dma_wait3A_303 : memref<640x16xf32, #tpu.memory_space<vmem_shared>>) dst(%dma_wait3A_301 : memref<640x16xf32, #tpu.memory_space<hbm>>)
      tpu.yield
    }) : () -> ()
    return
  }
}

module attributes {stable_mosaic.version = 14 : i64} {
  func.func @_lin1_body(%arg0: memref<10000x128xf32, #tpu.memory_space<vmem>>, %arg1: memref<128x16xf32, #tpu.memory_space<vmem>>, %arg2: memref<10240x16xf32, #tpu.memory_space<vmem>>) attributes {dimension_semantics = [], scalar_prefetch = 0 : i64, scratch_operands = 0 : i64, tpu.core_type = #tpu.core_type<tc>} {
    %get3A = arith.constant 0 : index
    %get3A_0 = arith.constant 0 : index
    %get3A_1 = vector.load %arg0[%get3A, %get3A_0] : memref<10000x128xf32, #tpu.memory_space<vmem>>, vector<10000x128xf32>
    %get3A_2 = arith.constant 0 : index
    %get3A_3 = arith.constant 0 : index
    %get3A_4 = vector.load %arg1[%get3A_2, %get3A_3] : memref<128x16xf32, #tpu.memory_space<vmem>>, vector<128x16xf32>
    %dot_general3A = arith.constant dense<0.000000e+00> : vector<10000x16xf32>
    %dot_general3A_5 = tpu.matmul %get3A_1, %get3A_4, %dot_general3A {dimension_numbers = #tpu.dot_dimension_numbers<[1], [0], [0], [1], [0, 0, 1, 1], [], []>, transpose_lhs_hint = false} : vector<10000x128xf32>, vector<128x16xf32>, vector<10000x16xf32> -> vector<10000x16xf32>
    %broadcast_in_dim3A = arith.constant 0.000000e+00 : f32
    %broadcast_in_dim3A_6 = vector.broadcast %broadcast_in_dim3A : f32 to vector<240x16xf32>
    %concatenate3A = tpu.concatenate %dot_general3A_5, %broadcast_in_dim3A_6 in 0 : vector<10000x16xf32>, vector<240x16xf32> -> vector<10240x16xf32>
    %swap3A = arith.constant 0 : index
    %swap3A_7 = arith.constant 0 : index
    %swap3A_8 = vector.load %arg2[%swap3A, %swap3A_7] : memref<10240x16xf32, #tpu.memory_space<vmem>>, vector<10240x16xf32>
    tpu.vector_store %arg2[%swap3A, %swap3A_7], %concatenate3A {strides = array<i32>} : memref<10240x16xf32, #tpu.memory_space<vmem>>, vector<10240x16xf32>,
    return
  }
}

module attributes {stable_mosaic.version = 14 : i64} {
  func.func @_lin2_body(%arg0: memref<2x10240x16xf32, #tpu.memory_space<vmem>>, %arg1: memref<10240x16xf32, #tpu.memory_space<vmem>>, %arg2: memref<1x16xf32, #tpu.memory_space<vmem>>, %arg3: memref<16x10xf32, #tpu.memory_space<vmem>>, %arg4: memref<10240x16xf32, #tpu.memory_space<vmem>>) attributes {dimension_semantics = [], scalar_prefetch = 0 : i64, scratch_operands = 0 : i64, tpu.core_type = #tpu.core_type<tc>} {
    %get3A = arith.constant 0 : index
    %get3A_0 = arith.constant 0 : index
    %get3A_1 = arith.constant 0 : index
    %get3A_2 = vector.load %arg0[%get3A, %get3A_0, %get3A_1] : memref<2x10240x16xf32, #tpu.memory_space<vmem>>, vector<1x10240x16xf32>
    %get3A_3 = vector.shape_cast %get3A_2 : vector<1x10240x16xf32> to vector<10240x16xf32>
    %get3A_4 = arith.constant 1 : index
    %get3A_5 = arith.constant 0 : index
    %get3A_6 = arith.constant 0 : index
    %get3A_7 = vector.load %arg0[%get3A_4, %get3A_5, %get3A_6] : memref<2x10240x16xf32, #tpu.memory_space<vmem>>, vector<1x10240x16xf32>
    %get3A_8 = vector.shape_cast %get3A_7 : vector<1x10240x16xf32> to vector<10240x16xf32>
    %add3A = arith.addf %get3A_3, %get3A_8 : vector<10240x16xf32>
    %get3A_9 = arith.constant 0 : index
    %get3A_10 = arith.constant 0 : index
    %get3A_11 = vector.load %arg1[%get3A_9, %get3A_10] : memref<10240x16xf32, #tpu.memory_space<vmem>>, vector<10240x16xf32>
    %mul3A = arith.mulf %add3A, %get3A_11 : vector<10240x16xf32>
    %get3A_12 = arith.constant 0 : index
    %get3A_13 = arith.constant 0 : index
    %get3A_14 = vector.load %arg2[%get3A_12, %get3A_13] : memref<1x16xf32, #tpu.memory_space<vmem>>, vector<1x16xf32>
    %add3A_15 = vector.broadcast %get3A_14 : vector<1x16xf32> to vector<10240x16xf32>
    %add3A_16 = arith.addf %mul3A, %add3A_15 : vector<10240x16xf32>
    %max3A = arith.constant 0.000000e+00 : f32
    %max3A_17 = vector.broadcast %max3A : f32 to vector<10240x16xf32>
    %max3A_18 = arith.maximumf %add3A_16, %max3A_17 : vector<10240x16xf32>
    %get3A_19 = arith.constant 0 : index
    %get3A_20 = arith.constant 0 : index
    %get3A_21 = vector.load %arg3[%get3A_19, %get3A_20] : memref<16x10xf32, #tpu.memory_space<vmem>>, vector<16x10xf32>
    %broadcast_in_dim3A = arith.constant 0.000000e+00 : f32
    %broadcast_in_dim3A_22 = vector.broadcast %broadcast_in_dim3A : f32 to vector<16x6xf32>
    %concatenate3A = tpu.concatenate %get3A_21, %broadcast_in_dim3A_22 in 1 : vector<16x10xf32>, vector<16x6xf32> -> vector<16x16xf32>
    %dot_general3A = arith.constant dense<0.000000e+00> : vector<10240x16xf32>
    %dot_general3A_23 = tpu.matmul %max3A_18, %concatenate3A, %dot_general3A {dimension_numbers = #tpu.dot_dimension_numbers<[1], [0], [0], [1], [0, 0, 1, 1], [], []>, transpose_lhs_hint = false} : vector<10240x16xf32>, vector<16x16xf32>, vector<10240x16xf32> -> vector<10240x16xf32>
    %get3A_24 = arith.constant 0 : index
    %get3A_25 = arith.constant 0 : index
    %get3A_26 = vector.load %arg1[%get3A_24, %get3A_25] : memref<10240x16xf32, #tpu.memory_space<vmem>>, vector<10240x16xf32>
    %mul3A_27 = arith.mulf %dot_general3A_23, %get3A_26 : vector<10240x16xf32>
    %swap3A = arith.constant 0 : index
    %swap3A_28 = arith.constant 0 : index
    %swap3A_29 = vector.load %arg4[%swap3A, %swap3A_28] : memref<10240x16xf32, #tpu.memory_space<vmem>>, vector<10240x16xf32>
    tpu.vector_store %arg4[%swap3A, %swap3A_28], %mul3A_27 {strides = array<i32>} : memref<10240x16xf32, #tpu.memory_space<vmem>>, vector<10240x16xf32>,
    return
  }
}

module attributes {stable_mosaic.version = 14 : i64} {
  func.func @_fin_body(%arg0: memref<2x10240x16xf32, #tpu.memory_space<vmem>>, %arg1: memref<10240x16xf32, #tpu.memory_space<vmem>>, %arg2: memref<1x10xf32, #tpu.memory_space<vmem>>, %arg3: memref<10000x10xf32, #tpu.memory_space<vmem>>) attributes {dimension_semantics = [], scalar_prefetch = 0 : i64, scratch_operands = 0 : i64, tpu.core_type = #tpu.core_type<tc>} {
    %get3A = arith.constant 0 : index
    %get3A_0 = arith.constant 0 : index
    %get3A_1 = arith.constant 0 : index
    %get3A_2 = vector.load %arg0[%get3A, %get3A_0, %get3A_1] : memref<2x10240x16xf32, #tpu.memory_space<vmem>>, vector<1x10240x16xf32>
    %get3A_3 = vector.shape_cast %get3A_2 : vector<1x10240x16xf32> to vector<10240x16xf32>
    %get3A_4 = arith.constant 1 : index
    %get3A_5 = arith.constant 0 : index
    %get3A_6 = arith.constant 0 : index
    %get3A_7 = vector.load %arg0[%get3A_4, %get3A_5, %get3A_6] : memref<2x10240x16xf32, #tpu.memory_space<vmem>>, vector<1x10240x16xf32>
    %get3A_8 = vector.shape_cast %get3A_7 : vector<1x10240x16xf32> to vector<10240x16xf32>
    %add3A = arith.addf %get3A_3, %get3A_8 : vector<10240x16xf32>
    %get3A_9 = arith.constant 0 : index
    %get3A_10 = arith.constant 0 : index
    %get3A_11 = vector.load %arg1[%get3A_9, %get3A_10] : memref<10240x16xf32, #tpu.memory_space<vmem>>, vector<10240x16xf32>
    %mul3A = arith.mulf %add3A, %get3A_11 : vector<10240x16xf32>
    %slice3A = vector.extract_strided_slice %mul3A {offsets = [0, 0], sizes = [10000, 10], strides = [1, 1]} : vector<10240x16xf32> to vector<10000x10xf32>
    %get3A_12 = arith.constant 0 : index
    %get3A_13 = arith.constant 0 : index
    %get3A_14 = vector.load %arg2[%get3A_12, %get3A_13] : memref<1x10xf32, #tpu.memory_space<vmem>>, vector<1x10xf32>
    %add3A_15 = vector.broadcast %get3A_14 : vector<1x10xf32> to vector<10000x10xf32>
    %add3A_16 = arith.addf %slice3A, %add3A_15 : vector<10000x10xf32>
    %swap3A = arith.constant 0 : index
    %swap3A_17 = arith.constant 0 : index
    %swap3A_18 = vector.load %arg3[%swap3A, %swap3A_17] : memref<10000x10xf32, #tpu.memory_space<vmem>>, vector<10000x10xf32>
    tpu.vector_store %arg3[%swap3A, %swap3A_17], %add3A_16 {strides = array<i32>} : memref<10000x10xf32, #tpu.memory_space<vmem>>, vector<10000x10xf32>,
    return
  }
}

</mosaic_0001>

<sc_bundles>
// kernel: kernel.10.cloned.1.call-start
scs
__scs_entry_jumppad:
0x0: {  	(pc) =	sbr.rel $0x88, $3  }
0x1: {  	(tag) =	ssettag $0x0;
	lr =	simm.s32 $0x1  }
0x2: {  	[smem:$0x3F9B] =	sst lr;
	_ =	strace $0xD0000000  }
0x3: {  	_ = 	snop  }
0x4: {  	_ = 	snop  }
0x5: {  	_ = 	snop  }
0x6: {  	_ = 	snop  }
0x7: {  	_ = 	snop  }
__scs_overlays_trampoline_lowered:
0x8: {  	[smem:$0x3FAA] =	sst s0  }
0x9: {  	[smem:$0x3FAB] =	sst s1  }
0xa: {  	[smem:$0x3FAC] =	sst s2  }
0xb: {  	[smem:$0x3FAD] =	sst s3  }
0xc: {  	[smem:$0x3FAE] =	sst s4  }
0xd: {  	[smem:$0x3FAF] =	sst s5  }
0xe: {  	[smem:$0x3FB0] =	sst s6  }
0xf: {  	[smem:$0x3FB1] =	sst s7  }
0x10: {  	[smem:$0x3FB2] =	sst s8  }
0x11: {  	[smem:$0x3FB3] =	sst s9;
	s0 =	simm.s32 @!p0 $0x0  }
0x12: {  	s1 =	sld [smem:$0x3F99];
	s0 =	simm.s32 @p0 $0x1  }
0x13: {  	[smem:$0x3FB4] =	sst s0;
	s0 =	simm.s32 @!p1 $0x0  }
0x14: {  	s2 =	sld [smem:$0x3F98];
	s0 =	simm.s32 @p1 $0x1  }
0x15: {  	[smem:$0x3FB5] =	sst s0;
	s0 =	simm.s32 @!p2 $0x0  }
0x16: {  	s3 =	sld [smem:$0x3FDB];
	s0 =	simm.s32 @p2 $0x1  }
0x17: {  	s4 =	simm.s32 $0x1BF5;
	[smem:$0x3FB7] =	sst s0  }
0x18: {  	s0 =	sld [smem:$0x3F9A];
	_ =	swait.ge [sflag:s4], $0x0  }
0x19: {  	s7 =	sld [smem:$0x3F9B]  }
0x1a: {  	s8 =	sadd.s32 $0xFFFFE003, lr  }
0x1b: {  	s9 =	sadd.s32 $0xFFFFFEF7, lr;
	s5 =	simm.s32 $0xFFFFFFFF;
	p2 =	slt.u32 s8, $0xFFFFF086  }
0x1c: {  	p1 =	slt.u32 s9, $0xF7A;
	s5 =	simm.s32 @!p2 $0x0  }
0x1d: {  	s5 =	simm.s32 @p1 $0x1;
	p0 =	seq.s32 s7, s2  }
0x1e: {  	s7 =	smul.u32 @!p0 $0xF7A, s2;
	p2 =	seq.s32 @!p0 s5, $0x0  }
0x1f: {  	s9 =	smul.u32 $0xF7A, s1;
	s8 =	simm.s32 @!p0 $0x1BF5;
	p2 =	por !p2, p0  }
0x20: {  	[sflag:s8] =	ssyncset.s32 @!p0 $0xFFFFF086;
	s6 =	sadd.s32 @!p0 s3, s7;
	s7 =	simm.s32 @!p0 $0x108  }
0x21: {  	s3 =	sadd.s32 s3, s9;
	s6 =	sadd.s32 @!p0 $0x88, s6;
	s7 =	simm.s32 @p2 $0x1082  }
0x22: {  	[simem:s7], [sflag:s8] =	dma.local @!p0 [hbm:s6], $0xF7A  }
0x23: {  	s9 =	sor.u32 $0xD0000000, s2;
	s6 =	simm.s32 $0x108;
	_ =	swait.ge @!p0 [sflag:s8], $0x0  }
0x24: {  	s3 =	sadd.s32 $0x88, s3;
	s6 =	simm.s32 @!p1 $0x1082;
	[sflag:s4] =	ssyncset.s32 $0xFFFFF086  }
0x25: {  	[simem:s6], [sflag:s4] =	dma.local [hbm:s3], $0xF7A  }
0x26: {  	[smem:$0x3F9B] =	sst s1;
	(tag) =	ssettag s2;
	_ =	strace s9  }
0x27: {  	s1 =	sld [smem:$0x3FAB]  }
0x28: {  	s2 =	sld [smem:$0x3FAC]  }
0x29: {  	s4 =	sld [smem:$0x3FAE]  }
0x2a: {  	p0 =	seq.s32 s5, $0x0;
	s5 =	sld [smem:$0x3FAF]  }
0x2b: {  	s6 =	sld [smem:$0x3FB0]  }
0x2c: {  	s7 =	sld [smem:$0x3FB1]  }
0x2d: {  	s3 =	simm.s32 $0x108;
	s8 =	sld [smem:$0x3FB2]  }
0x2e: {  	s3 =	simm.s32 @!p0 $0x1082;
	s9 =	sld [smem:$0x3FB3]  }
0x2f: {  	lr =	sadd.s32 s0, s3;
	s0 =	sld [smem:$0x3FAA]  }
0x30: {  	s3 =	sld [smem:$0x3FAD]  }
0x31: {  	[smem:$0x3FB6] =	sst s10  }
0x32: {  	s10 =	sld [smem:$0x3FB4];
	_ =	sdelay $0x3  }
0x33: {  	p0 =	seq.s32 s10, $0x1;
	s10 =	sld [smem:$0x3FB6];
	_ =	sdelay $0x3  }
0x34: {  	[smem:$0x3FB6] =	sst s10  }
0x35: {  	s10 =	sld [smem:$0x3FB5];
	_ =	sdelay $0x3  }
0x36: {  	p1 =	seq.s32 s10, $0x1;
	s10 =	sld [smem:$0x3FB6];
	_ =	sdelay $0x3  }
0x37: {  	[smem:$0x3FB6] =	sst s10  }
0x38: {  	s10 =	sld [smem:$0x3FB7]  }
0x39: {  	_ = 	snop;
	(pc) =	sbr.ind lr, $3  }
0x3a: {  	_ = 	snop  }
0x3b: {  	_ = 	snop  }
0x3c: {  	p2 =	seq.s32 s10, $0x1;
	s10 =	sld [smem:$0x3FB6]  }
0x3d: {  	_ =	shalt  }
0x3e: {  	_ =	shalt  }
0x3f: {  	_ =	shalt  }
0x40: {  	_ =	shalt  }
0x41: {  	_ =	shalt  }
0x42: {  	_ =	shalt  }
0x43: {  	_ =	shalt  }
0x44: {  	_ =	shalt  }
0x45: {  	_ =	shalt  }
0x46: {  	_ =	shalt  }
0x47: {  	_ =	shalt  }
0x48: {  	_ =	shalt  }
0x49: {  	_ =	shalt  }
0x4a: {  	_ =	shalt  }
0x4b: {  	_ =	shalt  }
0x4c: {  	_ =	shalt  }
0x4d: {  	_ =	shalt  }
0x4e: {  	_ =	shalt  }
0x4f: {  	_ =	shalt  }
0x50: {  	_ =	shalt  }
0x51: {  	_ =	shalt  }
0x52: {  	_ =	shalt  }
0x53: {  	_ =	shalt  }
0x54: {  	_ =	shalt  }
0x55: {  	_ =	shalt  }
0x56: {  	_ =	shalt  }
0x57: {  	_ =	shalt  }
0x58: {  	_ =	shalt  }
0x59: {  	_ =	shalt  }
0x5a: {  	_ =	shalt  }
0x5b: {  	_ =	shalt  }
0x5c: {  	_ =	shalt  }
0x5d: {  	_ =	shalt  }
0x5e: {  	_ =	shalt  }
0x5f: {  	_ =	shalt  }
0x60: {  	_ =	shalt  }
0x61: {  	_ =	shalt  }
0x62: {  	_ =	shalt  }
0x63: {  	_ =	shalt  }
0x64: {  	_ =	shalt  }
0x65: {  	_ =	shalt  }
0x66: {  	_ =	shalt  }
0x67: {  	_ =	shalt  }
0x68: {  	_ =	shalt  }
0x69: {  	_ =	shalt  }
0x6a: {  	_ =	shalt  }
0x6b: {  	_ =	shalt  }
0x6c: {  	_ =	shalt  }
0x6d: {  	_ =	shalt  }
0x6e: {  	_ =	shalt  }
0x6f: {  	_ =	shalt  }
0x70: {  	_ =	shalt  }
0x71: {  	_ =	shalt  }
0x72: {  	_ =	shalt  }
0x73: {  	_ =	shalt  }
0x74: {  	_ =	shalt  }
0x75: {  	_ =	shalt  }
0x76: {  	_ =	shalt  }
0x77: {  	_ =	shalt  }
0x78: {  	_ =	shalt  }
0x79: {  	_ =	shalt  }
0x7a: {  	_ =	shalt  }
0x7b: {  	_ =	shalt  }
0x7c: {  	_ =	shalt  }
0x7d: {  	_ =	shalt  }
0x7e: {  	_ =	shalt  }
0x7f: {  	_ =	shalt  }
0x80: {  	_ =	shalt  }
0x81: {  	_ =	shalt  }
0x82: {  	_ =	shalt  }
0x83: {  	_ =	shalt  }
0x84: {  	_ =	shalt  }
0x85: {  	_ =	shalt  }
0x86: {  	_ =	shalt  }
0x87: {  	_ =	shalt  }
.Lfunc_end0:
.L_simem_size_0:
called_computation.1_lowered:
.L_overlay_start_0:
0x88: {  	s2 =	sld [smem:$0x3FD9]  }
0x89: {  	s3 =	sld [smem:$0x3FFE];
	_ =	sdelay $0x1  }
0x8a: {  	s1 =	srdreg.scid  }
0x8b: {  	s0 =	sand.u32 $0x1, s1  }
0x8c: {  	s16 =	sshll.u32 s0, $0xA;
	s2 =	sadd.s32 s3, s2  }
0x8d: {  	s2 =	sadd.s32 s2, s16  }
0x8e: {  	[smem:$0x3FC2] =	sst s2  }
0x8f: {  	_ = 	snop  }
0x90: {  	(tm) =	ssettm $0x1  }
0x91: {  	s17 =	sld [smem:$0x3FFB];
	_ =	sdelay $0x3  }
0x92: {  	_ =	strace s17  }
0x93: {  	s2 =	sld [smem:$0x3FFC];
	_ =	sdelay $0x3  }
0x94: {  	_ =	strace s2  }
0x95: {  	s2 =	sld [smem:$0x3FFD];
	_ =	sdelay $0x3  }
0x96: {  	_ =	strace s2  }
0x97: {  	_ =	strace $0x8FFFFFFF  }
0x98: {  	s18 =	sld [smem:$0x3FDB];
	_ =	sdelay $0x1  }
0x99: {  	s19 =	simm.s32 $_scs_section_size  }
0x9a: {  	s4 =	simm.s32 $_size__tile_overlayer_lowered;
	s5 =	simm.s32 $_tile_overlayer_lowered  }
0x9b: {  	s22 =	simm.s32 $0x1BFF;
	s21 =	sshll.u32 s5, $0x1;
	s2 =	sadd.s32 s19, s18  }
0x9c: {  	s6 =	simm.s32 $0x0;
	s20 =	sshll.u32 s4, $0x1;
	s4 =	sadd.s32 s21, s2  }
0x9d: {  	[timem:s6], [sflag:s22] =	dma.local [hbm:s4], s20  }
0x9e: {  	_ =	swait.ge [sflag:s22], s20  }
0x9f: {  	s3 =	ssub.s32 $0x0, s20;
	[sflag:s22] =	ssyncset.done $0x0  }
0xa0: {  	[sflag:s22] =	ssyncadd.s32 s3;
	_ =	sdelay $0x1  }
0xa1: {  	s23 =	simm.s32 $0x1B8B  }
0xa2: {  	_ =	swait.ge [sflag:s23], $0x1  }
0xa3: {  	[sflag:s23] =	ssyncset.done $0x0  }
0xa4: {  	s25 =	simm.s32 $0x1B8E;
	s24 =	sld [smem:$0x3FFE];
	[sflag:s23] =	ssyncadd.s32 $0xFFFFFFFF  }
0xa5: {  	s26 =	simm.s32 $execute0_lowered;
	[smem:$0x3FD2] =	sst s25  }
0xa6: {  	s4 =	sshll.u32 s26, $0x1;
	_ =	strace $0x80000049;
	[dreg:$0x1] =	wrdreg $0xFFFFFFFF  }
0xa7: {  	s28 =	simm.s32 $_size_execute0_lowered;
	s2 =	sadd.s32 s2, s4;
	[dreg:$0x0] =	wrdreg $0x0  }
0xa8: {  	s4 =	sshll.u32 s28, $0x1;
	[dreg:$0x2] =	wrdreg s2  }
0xa9: {  	[dreg:$0x3] =	wrdreg s4  }
0xaa: {  	[dreg:$0x4] =	wrdreg $0xC0  }
0xab: {  	_ =	task [dreg:s6], $0x5FFFF  }
0xac: {  	[dreg:$0x1] =	wrdreg $0xFFFFFFFF  }
0xad: {  	[dreg:$0x0] =	wrdreg $0x60  }
0xae: {  	[dreg:$0x2] =	wrdreg s24  }
0xaf: {  	[dreg:$0x3] =	wrdreg $0x195000  }
0xb0: {  	[dreg:$0x4] =	wrdreg $0x9  }
0xb1: {  	_ =	task.clear_ibuf [dreg:s6], $0x5FFFF;
	_ =	strace $0x90000049  }
0xb2: {  	s29 =	simm.s32 $0x9;
	_ =	strace $0x8000004B  }
0xb3: {  	_ =	swait.ge [sflag:s29], $0x1  }
0xb4: {  	[sflag:s29] =	ssyncadd.s32 $0xFFFFFFFF  }
0xb5: {  	_ =	strace $0x9000004B  }
0xb6: {  	_ =	sfence  }
0xb7: {  	s30 =	sld [smem:$0x0];
	_ =	sdelay $0x2  }
0xb8: {  	s31 =	sshll.u32 s1, $0xD;
	s1 =	sshrl.u32 s1, $0x2  }
0xb9: {  	s3 =	sand.u32 $0x4000, s31;
	s1 =	sadd.s32 s1, s30  }
0xba: {  	s0 =	sor.u32 s3, s0;
	s1 =	sshll.u32 s1, $0x11  }
0xbb: {  	s0 =	sor.u32 s1, s0  }
0xbc: {  	s0 =	sadd.s32 $0x8F2B, s0  }
0xbd: {  	[sflag:s0] =	ssyncadd.remote.s32 $0x1  }
0xbe: {  	_ =	sfence.sel $0xFFFF  }
0xbf: {  	[dreg:$0x0] =	wrdreg $0xFFFFFFFF;
	(pc) =	sbr.abs _section_cstart, $3  }
0xc0: {  	[dreg:$0x1] =	wrdreg $0xFFFFFFFF  }
0xc1: {  	_ =	task.clear_ibuf [dreg:s6], $0x2FFFF;
	_ =	strace $0x9FFFFFFF  }
0xc2: {  	(tm) =	ssettm $0x7FFFFFFF  }
0xc3: {  	_ =	shalt  }
tec
execute0_lowered:
.L_overlay_start_1:
0x0: {  	(tag) =	ssettag $0x1  }
0x1: {  	s0 =	rddreg [dreg:$0x0]  }
0x2: {  	s2 =	rddreg [dreg:$0x1];
	s4 =	simm.s32 $0x0;
	s3 =	srdreg.scid  }
0x3: {  	s1 =	stileid.u32;
	s9 =	simm.s32 $0x5100;
	s10 =	simm.s32 $0x9  }
0x4: {  	s11 =	simm.s32 $0x510;
	s12 =	simm.s32 $0xA200;
	s13 =	simm.s32 $0x1  }
0x5: {  	s16 =	simm.s32 $0xF300;
	s17 =	simm.s32 $0x2;
	s20 =	simm.s32 $0x14400  }
0x6: {  	s21 =	simm.s32 $0x3;
	s23 =	simm.s32 $0x5;
	s25 =	simm.s32 $0x4  }
0x7: {  	s28 =	simm.s32 $0x6;
	s31 =	simm.s32 $0x7;
	s14 =	simm.s32 $0x8  }
0x8: {  	s15 =	simm.s32 $0x2370;
	s18 =	simm.s32 $0x46E0;
	s19 =	simm.s32 $0x4BF0  }
0x9: {  	s22 =	simm.s32 $0x0;
	[smem:$0x7FF] =	sst s4;
	s3 =	sand.u32 $0x1, s3  }
0xa: {  	s5 =	smul.u32 $0x2800, s1;
	s6 =	sshll.u32 s1, $0x3;
	s30 =	sshll.u32 s3, $0x7  }
0xb: {  	s7 =	smul.u32 $0x28000, s3;
	s3 =	ssub.s32 $0x2, s3;
	s4 =	sor.u32 s6, s30  }
0xc: {  	_ =	strace $0x8000004A;
	s8 =	sshrl.u32 s3, $0x1;
	s6 =	smul.u32 $0xA2, s4  }
0xd: {  	s7 =	sadd.s32 s5, s7;
	s4 =	sadd.s32 $0x1400, s0;
	s3 =	ssub.s32 s3, s8  }
0xe: {  	s5 =	sadd.s32 s5, s2;
	s7 =	sshrl.u32 s7, $0x3;
	s8 =	smax.u32 s3, $0x1  }
0xf: {  	s3 =	simm.s32 $0x41D0;
	s6 =	sadd.s32 s6, s0;
	s0 =	sadd.s32 s7, s0  }
0x10: {  	v0 =	vimm.f32 $0.0e+00;
	s6 =	sadd.s32 $0x6400, s6;
	s7 =	sadd.s32 $0x10600, s0;
	s0 =	simm.s32 $0x1E60  }
.LBB2_1:
0x11: {  	s26 =	simm.s32 $0x100;
	s24 =	simm.s32 $0x0  }
.LBB2_2:
0x12: {  	p0 =	sne.s32 s26, $0x9F00;
	[tilespmem:s24+$0x5130] =	vst v0;
	s29 =	smov.u32 s26;
	s26 =	sadd.s32 $0x100, s26  }
.Ltmp0:
0x13: {  	[tilespmem:s24+$0x5120] =	vst v0;
	(pc) =	sbr.rel @p0 .LBB2_2-.Ltmp0, $3  }
0x14: {  	[tilespmem:s24+$0x5100] =	vst v0  }
0x15: {  	[tilespmem:s24+$0x5110] =	vst v0;
	_ =	sdelay $0x1  }
0x16: {  	s24 =	sshra.s32 s29, $0x2  }
0x17: {  	[tilespmem:s24+$0x5130] =	vst v0  }
0x18: {  	[tilespmem:s24+$0x5120] =	vst v0  }
0x19: {  	[tilespmem:s24+$0x5100] =	vst v0  }
0x1a: {  	[tilespmem:s24+$0x5110] =	vst v0  }
0x1b: {  	[spmem:s5] =	stream.linear.scatter [tilespmem:s9], [sflag:$0x9], $0x2800, $0x38;
	[tilespmem:$0x1BD00] =	vst v63  }
0x1c: {  	_ =	swait.ge [sflag:s10], $0x2800  }
0x1d: {  	[sflag:s10] =	ssyncset.done $0x0  }
0x1e: {  	[sflag:s10] =	ssyncadd.s32 $0xFFFFD800  }
0x1f: {  	s26 =	simm.s32 $0x0;
	[bflag:$0x0] =	sbarrier.arrive $0xFFFF  }
0x20: {  	[tilespmem:s26], [sflag:$0x9] =	stream.linear.gather [hbm4b:s6+s26], $0x2880, $0x38;
	[tilespmem:$0x1BD00] =	vst v63  }
0x21: {  	_ =	swait.ge [sflag:s10], $0x2880  }
0x22: {  	[sflag:s10] =	ssyncset.done $0x0  }
0x23: {  	s24 =	simm.s32 $0x0;
	[sflag:s10] =	ssyncadd.s32 $0xFFFFD780  }
0x24: {  	v3 =	vld [tilespmem:s24+$0x0]  }
0x25: {  	v4 =	vld [tilespmem:s24+$0x10]  }
0x26: {  	v5 =	vld [tilespmem:s24+$0x20];
	_ =	sdelay $0x2  }
0x27: {  	v1 =	vand.u32 $0xFFFF, v3  }
0x28: {  	s26 =	simm.s32 $0x30;
	v2 =	vand.u32 $0xFFFF, v4;
	[tilespmem:s24+$0x0] =	vst v1  }
0x29: {  	v6 =	vand.u32 $0xFFFF, v5;
	v1 =	vld [tilespmem:s26+$0x0];
	[tilespmem:s24+$0x10] =	vst v2  }
0x2a: {  	s30 =	simm.s32 $0x180;
	s29 =	simm.s32 $0x0;
	v3 =	vshra.s32 v3, $0x10;
	v4 =	vshra.s32 v4, $0x10;
	v5 =	vshra.s32 v5, $0x10;
	v2 =	vld [tilespmem:s26+$0x10];
	[tilespmem:s24+$0x20] =	vst v6  }
.LBB2_4:
0x2b: {  	p0 =	sne.s32 s30, $0x1380;
	v6 =	vld [tilespmem:s26+$0x20];
	[tilespmem:s29+$0x2880] =	vst v3  }
0x2c: {  	[tilespmem:s29+$0x2890] =	vst v4  }
.Ltmp1:
0x2d: {  	[tilespmem:s29+$0x28A0] =	vst v5;
	s29 =	smov.u32 s26;
	(pc) =	sbr.rel @p0 .LBB2_4-.Ltmp1, $4  }
0x2e: {  	v3 =	vshra.s32 v1, $0x10;
	v1 =	vand.u32 $0xFFFF, v1  }
0x2f: {  	s26 =	sshra.s32 s30, $0x2;
	[tilespmem:s29+$0x0] =	vst v1;
	v4 =	vshra.s32 v2, $0x10;
	v2 =	vand.u32 $0xFFFF, v2  }
0x30: {  	v1 =	vld [tilespmem:s26+$0x0];
	[tilespmem:s29+$0x10] =	vst v2;
	v5 =	vshra.s32 v6, $0x10;
	v6 =	vand.u32 $0xFFFF, v6  }
0x31: {  	s30 =	sadd.s32 $0xC0, s30;
	v2 =	vld [tilespmem:s26+$0x10];
	[tilespmem:s29+$0x20] =	vst v6  }
0x32: {  	_ = 	snop  }
0x33: {  	v6 =	vld [tilespmem:s26+$0x20];
	[tilespmem:s29+$0x2880] =	vst v3  }
0x34: {  	[tilespmem:s29+$0x2890] =	vst v4  }
0x35: {  	[tilespmem:s29+$0x28A0] =	vst v5;
	v3 =	vand.u32 $0xFFFF, v1  }
0x36: {  	v1 =	vshra.s32 v1, $0x10;
	[tilespmem:s26+$0x0] =	vst v3  }
0x37: {  	v3 =	vand.u32 $0xFFFF, v2;
	[tilespmem:s26+$0x2880] =	vst v1  }
0x38: {  	v2 =	vshra.s32 v2, $0x10;
	[tilespmem:s26+$0x10] =	vst v3  }
0x39: {  	v3 =	vand.u32 $0xFFFF, v6;
	[tilespmem:s26+$0x2890] =	vst v2  }
0x3a: {  	v1 =	vshra.s32 v6, $0x10;
	[tilespmem:s26+$0x20] =	vst v3  }
0x3b: {  	[tilespmem:s26+$0x28A0] =	vst v1  }
0x3c: {  	v3 =	vld [tilespmem:s24+$0x510]  }
0x3d: {  	v4 =	vld [tilespmem:s24+$0x520]  }
0x3e: {  	v5 =	vld [tilespmem:s24+$0x530];
	_ =	sdelay $0x2  }
0x3f: {  	v1 =	vand.u32 $0xFFFF, v3  }
0x40: {  	s26 =	simm.s32 $0x30;
	v2 =	vand.u32 $0xFFFF, v4;
	[tilespmem:s24+$0x510] =	vst v1  }
0x41: {  	v6 =	vand.u32 $0xFFFF, v5;
	v1 =	vld [tilespmem:s26+$0x510];
	[tilespmem:s24+$0x520] =	vst v2  }
0x42: {  	s29 =	simm.s32 $0x180;
	v3 =	vshra.s32 v3, $0x10;
	v4 =	vshra.s32 v4, $0x10;
	v5 =	vshra.s32 v5, $0x10;
	v2 =	vld [tilespmem:s26+$0x520];
	[tilespmem:s24+$0x530] =	vst v6  }
.LBB2_6:
0x43: {  	p0 =	sne.s32 s29, $0x1380;
	v6 =	vld [tilespmem:s26+$0x530];
	[tilespmem:s24+$0x2D90] =	vst v3  }
0x44: {  	[tilespmem:s24+$0x2DA0] =	vst v4  }
.Ltmp2:
0x45: {  	[tilespmem:s24+$0x2DB0] =	vst v5;
	s24 =	smov.u32 s26;
	(pc) =	sbr.rel @p0 .LBB2_6-.Ltmp2, $4  }
0x46: {  	v3 =	vshra.s32 v1, $0x10;
	v1 =	vand.u32 $0xFFFF, v1  }
0x47: {  	s26 =	sshra.s32 s29, $0x2;
	[tilespmem:s24+$0x510] =	vst v1;
	v4 =	vshra.s32 v2, $0x10;
	v2 =	vand.u32 $0xFFFF, v2  }
0x48: {  	v1 =	vld [tilespmem:s26+$0x510];
	[tilespmem:s24+$0x520] =	vst v2;
	v5 =	vshra.s32 v6, $0x10;
	v6 =	vand.u32 $0xFFFF, v6  }
0x49: {  	s29 =	sadd.s32 $0xC0, s29;
	v2 =	vld [tilespmem:s26+$0x520];
	[tilespmem:s24+$0x530] =	vst v6  }
0x4a: {  	_ = 	snop  }
0x4b: {  	v6 =	vld [tilespmem:s26+$0x530];
	[tilespmem:s24+$0x2D90] =	vst v3  }
0x4c: {  	[tilespmem:s24+$0x2DA0] =	vst v4  }
0x4d: {  	[tilespmem:s24+$0x2DB0] =	vst v5;
	v3 =	vand.u32 $0xFFFF, v1  }
0x4e: {  	v1 =	vshra.s32 v1, $0x10;
	[tilespmem:s26+$0x510] =	vst v3  }
0x4f: {  	v3 =	vand.u32 $0xFFFF, v2;
	[tilespmem:s26+$0x2D90] =	vst v1  }
0x50: {  	p1 =	por $0x1, $0x1;
	v2 =	vshra.s32 v2, $0x10;
	[tilespmem:s26+$0x520] =	vst v3  }
.Ltmp3:
0x51: {  	v3 =	vand.u32 $0xFFFF, v6;
	[tilespmem:s26+$0x2DA0] =	vst v2;
	(pc) =	sbr.rel @!p1 .LBB2_8-.Ltmp3, $4  }
0x52: {  	v1 =	vshra.s32 v6, $0x10;
	[tilespmem:s26+$0x530] =	vst v3  }
0x53: {  	s24 =	simm.s32 $0x0;
	[tilespmem:s26+$0x2DB0] =	vst v1  }
0x54: {  	v2 =	vld [tilespmem:s24+$0xA20]  }
0x55: {  	p0 =	por $0x0, $0x0;
	v1 =	vld [tilespmem:s24+$0xA30]  }
0x56: {  	v5 =	vld [tilespmem:s24+$0xA40]  }
0x57: {  	p3 =	por $0x1, $0x1  }
.Ltmp4:
0x58: {  	_ = 	snop;
	(pc) =	sbr.rel @!p3 .LBB2_10-.Ltmp4, $4  }
0x59: {  	v4 =	vand.u32 $0xFFFF, v2  }
0x5a: {  	s26 =	simm.s32 $0x30;
	[tilespmem:s24+$0xA20] =	vst v4;
	v6 =	vand.u32 $0xFFFF, v1  }
0x5b: {  	v3 =	vshra.s32 v2, $0x10;
	v2 =	vld [tilespmem:s26+$0xA20];
	[tilespmem:s24+$0xA30] =	vst v6;
	v6 =	vand.u32 $0xFFFF, v5  }
0x5c: {  	s30 =	simm.s32 $0x180;
	p2 =	por $0x1, $0x1;
	s29 =	simm.s32 $0x0;
	v4 =	vshra.s32 v1, $0x10;
	v5 =	vshra.s32 v5, $0x10;
	v1 =	vld [tilespmem:s26+$0xA30];
	[tilespmem:s24+$0xA40] =	vst v6  }
.LBB2_11:
0x5d: {  	p3 =	sne.s32 s30, $0x1380;
	v6 =	vld [tilespmem:s26+$0xA40];
	[tilespmem:s29+$0x32A0] =	vst v3  }
0x5e: {  	[tilespmem:s29+$0x32B0] =	vst v4  }
.Ltmp5:
0x5f: {  	[tilespmem:s29+$0x32C0] =	vst v5;
	s29 =	smov.u32 s26;
	(pc) =	sbr.rel @p3 .LBB2_11-.Ltmp5, $4  }
0x60: {  	v3 =	vshra.s32 v2, $0x10;
	v2 =	vand.u32 $0xFFFF, v2  }
0x61: {  	s26 =	sshra.s32 s30, $0x2;
	[tilespmem:s29+$0xA20] =	vst v2;
	v4 =	vshra.s32 v1, $0x10;
	v1 =	vand.u32 $0xFFFF, v1  }
0x62: {  	v2 =	vld [tilespmem:s26+$0xA20];
	[tilespmem:s29+$0xA30] =	vst v1;
	v5 =	vshra.s32 v6, $0x10;
	v6 =	vand.u32 $0xFFFF, v6  }
0x63: {  	s30 =	sadd.s32 $0xC0, s30;
	v1 =	vld [tilespmem:s26+$0xA30];
	[tilespmem:s29+$0xA40] =	vst v6  }
.LBB2_12:
0x64: {  	_ = 	snop  }
0x65: {  	v6 =	vld [tilespmem:s26+$0xA40];
	[tilespmem:s29+$0x32A0] =	vst @p2 v3  }
0x66: {  	[tilespmem:s29+$0x32B0] =	vst @p2 v4  }
0x67: {  	[tilespmem:s29+$0x32C0] =	vst @p2 v5;
	v3 =	vand.u32 $0xFFFF, v2  }
0x68: {  	v2 =	vshra.s32 v2, $0x10;
	[tilespmem:s26+$0xA20] =	vst v3  }
0x69: {  	v3 =	vand.u32 $0xFFFF, v1;
	[tilespmem:s26+$0x32A0] =	vst v2  }
0x6a: {  	v1 =	vshra.s32 v1, $0x10;
	[tilespmem:s26+$0xA30] =	vst v3  }
.Ltmp6:
0x6b: {  	v3 =	vand.u32 $0xFFFF, v6;
	[tilespmem:s26+$0x32B0] =	vst v1;
	(pc) =	sbr.rel @!p1 .LBB2_13-.Ltmp6, $4  }
0x6c: {  	v2 =	vshra.s32 v6, $0x10;
	[tilespmem:s26+$0xA40] =	vst v3  }
0x6d: {  	[tilespmem:s26+$0x32C0] =	vst v2  }
0x6e: {  	v2 =	vld [tilespmem:s24+$0xF30]  }
0x6f: {  	v1 =	vld [tilespmem:s24+$0xF40]  }
0x70: {  	v5 =	vld [tilespmem:s24+$0xF50]  }
0x71: {  	p1 =	por $0x1, $0x1  }
.Ltmp7:
0x72: {  	_ = 	snop;
	(pc) =	sbr.rel @!p1 .LBB2_16-.Ltmp7, $4  }
0x73: {  	v4 =	vand.u32 $0xFFFF, v2  }
0x74: {  	s26 =	simm.s32 $0x30;
	[tilespmem:s24+$0xF30] =	vst v4;
	v6 =	vand.u32 $0xFFFF, v1  }
0x75: {  	v3 =	vshra.s32 v2, $0x10;
	v2 =	vld [tilespmem:s26+$0xF30];
	[tilespmem:s24+$0xF40] =	vst v6;
	v6 =	vand.u32 $0xFFFF, v5  }
0x76: {  	s29 =	simm.s32 $0x180;
	p0 =	por $0x1, $0x1;
	v4 =	vshra.s32 v1, $0x10;
	v5 =	vshra.s32 v5, $0x10;
	v1 =	vld [tilespmem:s26+$0xF40];
	[tilespmem:s24+$0xF50] =	vst v6  }
.LBB2_15:
0x77: {  	p1 =	sne.s32 s29, $0x1380;
	v6 =	vld [tilespmem:s26+$0xF50];
	[tilespmem:s24+$0x37B0] =	vst v3  }
0x78: {  	[tilespmem:s24+$0x37C0] =	vst v4  }
.Ltmp8:
0x79: {  	[tilespmem:s24+$0x37D0] =	vst v5;
	s24 =	smov.u32 s26;
	(pc) =	sbr.rel @p1 .LBB2_15-.Ltmp8, $4  }
0x7a: {  	v3 =	vshra.s32 v2, $0x10;
	v2 =	vand.u32 $0xFFFF, v2  }
0x7b: {  	s26 =	sshra.s32 s29, $0x2;
	[tilespmem:s24+$0xF30] =	vst v2;
	v4 =	vshra.s32 v1, $0x10;
	v1 =	vand.u32 $0xFFFF, v1  }
0x7c: {  	v2 =	vld [tilespmem:s26+$0xF30];
	[tilespmem:s24+$0xF40] =	vst v1;
	v5 =	vshra.s32 v6, $0x10;
	v6 =	vand.u32 $0xFFFF, v6  }
0x7d: {  	s29 =	sadd.s32 $0xC0, s29;
	v1 =	vld [tilespmem:s26+$0xF40];
	[tilespmem:s24+$0xF50] =	vst v6  }
.LBB2_16:
0x7e: {  	_ = 	snop  }
0x7f: {  	v6 =	vld [tilespmem:s26+$0xF50];
	[tilespmem:s24+$0x37B0] =	vst @p0 v3  }
0x80: {  	[tilespmem:s24+$0x37C0] =	vst @p0 v4  }
0x81: {  	[tilespmem:s24+$0x37D0] =	vst @p0 v5;
	v3 =	vand.u32 $0xFFFF, v2  }
0x82: {  	v2 =	vshra.s32 v2, $0x10;
	[tilespmem:s26+$0xF30] =	vst v3  }
0x83: {  	v3 =	vand.u32 $0xFFFF, v1;
	[tilespmem:s26+$0x37B0] =	vst v2  }
0x84: {  	p1 =	por $0x1, $0x1;
	v1 =	vshra.s32 v1, $0x10;
	[tilespmem:s26+$0xF40] =	vst v3  }
.Ltmp9:
0x85: {  	v3 =	vand.u32 $0xFFFF, v6;
	[tilespmem:s26+$0x37C0] =	vst v1;
	(pc) =	sbr.rel @!p1 .LBB2_17-.Ltmp9, $4  }
0x86: {  	v2 =	vshra.s32 v6, $0x10;
	[tilespmem:s26+$0xF50] =	vst v3  }
0x87: {  	s24 =	simm.s32 $0x0;
	[tilespmem:s26+$0x37D0] =	vst v2  }
0x88: {  	v2 =	vld [tilespmem:s24+$0x1440]  }
0x89: {  	p0 =	por $0x0, $0x0;
	v1 =	vld [tilespmem:s24+$0x1450]  }
0x8a: {  	v5 =	vld [tilespmem:s24+$0x1460]  }
0x8b: {  	p3 =	por $0x1, $0x1  }
.Ltmp10:
0x8c: {  	_ = 	snop;
	(pc) =	sbr.rel @!p3 .LBB2_19-.Ltmp10, $4  }
0x8d: {  	v4 =	vand.u32 $0xFFFF, v2  }
0x8e: {  	s26 =	simm.s32 $0x30;
	[tilespmem:s24+$0x1440] =	vst v4;
	v6 =	vand.u32 $0xFFFF, v1  }
0x8f: {  	v3 =	vshra.s32 v2, $0x10;
	v2 =	vld [tilespmem:s26+$0x1440];
	[tilespmem:s24+$0x1450] =	vst v6;
	v6 =	vand.u32 $0xFFFF, v5  }
0x90: {  	s30 =	simm.s32 $0x180;
	p2 =	por $0x1, $0x1;
	s29 =	simm.s32 $0x0;
	v4 =	vshra.s32 v1, $0x10;
	v5 =	vshra.s32 v5, $0x10;
	v1 =	vld [tilespmem:s26+$0x1450];
	[tilespmem:s24+$0x1460] =	vst v6  }
.LBB2_20:
0x91: {  	p3 =	sne.s32 s30, $0x1380;
	v6 =	vld [tilespmem:s26+$0x1460];
	[tilespmem:s29+$0x3CC0] =	vst v3  }
0x92: {  	[tilespmem:s29+$0x3CD0] =	vst v4  }
.Ltmp11:
0x93: {  	[tilespmem:s29+$0x3CE0] =	vst v5;
	s29 =	smov.u32 s26;
	(pc) =	sbr.rel @p3 .LBB2_20-.Ltmp11, $4  }
0x94: {  	v3 =	vshra.s32 v2, $0x10;
	v2 =	vand.u32 $0xFFFF, v2  }
0x95: {  	s26 =	sshra.s32 s30, $0x2;
	[tilespmem:s29+$0x1440] =	vst v2;
	v4 =	vshra.s32 v1, $0x10;
	v1 =	vand.u32 $0xFFFF, v1  }
0x96: {  	v2 =	vld [tilespmem:s26+$0x1440];
	[tilespmem:s29+$0x1450] =	vst v1;
	v5 =	vshra.s32 v6, $0x10;
	v6 =	vand.u32 $0xFFFF, v6  }
0x97: {  	s30 =	sadd.s32 $0xC0, s30;
	v1 =	vld [tilespmem:s26+$0x1450];
	[tilespmem:s29+$0x1460] =	vst v6  }
.LBB2_21:
0x98: {  	_ = 	snop  }
0x99: {  	v6 =	vld [tilespmem:s26+$0x1460];
	[tilespmem:s29+$0x3CC0] =	vst @p2 v3  }
0x9a: {  	[tilespmem:s29+$0x3CD0] =	vst @p2 v4  }
0x9b: {  	[tilespmem:s29+$0x3CE0] =	vst @p2 v5;
	v3 =	vand.u32 $0xFFFF, v2  }
0x9c: {  	v2 =	vshra.s32 v2, $0x10;
	[tilespmem:s26+$0x1440] =	vst v3  }
0x9d: {  	v3 =	vand.u32 $0xFFFF, v1;
	[tilespmem:s26+$0x3CC0] =	vst v2  }
0x9e: {  	v1 =	vshra.s32 v1, $0x10;
	[tilespmem:s26+$0x1450] =	vst v3  }
.Ltmp12:
0x9f: {  	v3 =	vand.u32 $0xFFFF, v6;
	[tilespmem:s26+$0x3CD0] =	vst v1;
	(pc) =	sbr.rel @!p1 .LBB2_22-.Ltmp12, $4  }
0xa0: {  	v2 =	vshra.s32 v6, $0x10;
	[tilespmem:s26+$0x1460] =	vst v3  }
0xa1: {  	[tilespmem:s26+$0x3CE0] =	vst v2  }
0xa2: {  	v2 =	vld [tilespmem:s24+$0x1950]  }
0xa3: {  	v1 =	vld [tilespmem:s24+$0x1960]  }
0xa4: {  	v5 =	vld [tilespmem:s24+$0x1970]  }
0xa5: {  	p1 =	por $0x1, $0x1  }
.Ltmp13:
0xa6: {  	_ = 	snop;
	(pc) =	sbr.rel @!p1 .LBB2_25-.Ltmp13, $4  }
0xa7: {  	v4 =	vand.u32 $0xFFFF, v2  }
0xa8: {  	s26 =	simm.s32 $0x30;
	[tilespmem:s24+$0x1950] =	vst v4;
	v6 =	vand.u32 $0xFFFF, v1  }
0xa9: {  	v3 =	vshra.s32 v2, $0x10;
	v2 =	vld [tilespmem:s26+$0x1950];
	[tilespmem:s24+$0x1960] =	vst v6;
	v6 =	vand.u32 $0xFFFF, v5  }
0xaa: {  	s29 =	simm.s32 $0x180;
	p0 =	por $0x1, $0x1;
	v4 =	vshra.s32 v1, $0x10;
	v5 =	vshra.s32 v5, $0x10;
	v1 =	vld [tilespmem:s26+$0x1960];
	[tilespmem:s24+$0x1970] =	vst v6  }
.LBB2_24:
0xab: {  	p1 =	sne.s32 s29, $0x1380;
	v6 =	vld [tilespmem:s26+$0x1970];
	[tilespmem:s24+$0x41D0] =	vst v3  }
0xac: {  	[tilespmem:s24+$0x41E0] =	vst v4  }
.Ltmp14:
0xad: {  	[tilespmem:s24+$0x41F0] =	vst v5;
	s24 =	smov.u32 s26;
	(pc) =	sbr.rel @p1 .LBB2_24-.Ltmp14, $4  }
0xae: {  	v3 =	vshra.s32 v2, $0x10;
	v2 =	vand.u32 $0xFFFF, v2  }
0xaf: {  	s26 =	sshra.s32 s29, $0x2;
	[tilespmem:s24+$0x1950] =	vst v2;
	v4 =	vshra.s32 v1, $0x10;
	v1 =	vand.u32 $0xFFFF, v1  }
0xb0: {  	v2 =	vld [tilespmem:s26+$0x1950];
	[tilespmem:s24+$0x1960] =	vst v1;
	v5 =	vshra.s32 v6, $0x10;
	v6 =	vand.u32 $0xFFFF, v6  }
0xb1: {  	s29 =	sadd.s32 $0xC0, s29;
	v1 =	vld [tilespmem:s26+$0x1960];
	[tilespmem:s24+$0x1970] =	vst v6  }
.LBB2_25:
0xb2: {  	_ = 	snop  }
0xb3: {  	v6 =	vld [tilespmem:s26+$0x1970];
	[tilespmem:s24+$0x41D0] =	vst @p0 v3  }
0xb4: {  	[tilespmem:s24+$0x41E0] =	vst @p0 v4  }
0xb5: {  	[tilespmem:s24+$0x41F0] =	vst @p0 v5;
	v3 =	vand.u32 $0xFFFF, v2  }
0xb6: {  	v2 =	vshra.s32 v2, $0x10;
	[tilespmem:s26+$0x1950] =	vst v3  }
0xb7: {  	v3 =	vand.u32 $0xFFFF, v1;
	[tilespmem:s26+$0x41D0] =	vst v2  }
0xb8: {  	p1 =	por $0x1, $0x1;
	v1 =	vshra.s32 v1, $0x10;
	[tilespmem:s26+$0x1960] =	vst v3  }
.Ltmp15:
0xb9: {  	v3 =	vand.u32 $0xFFFF, v6;
	[tilespmem:s26+$0x41E0] =	vst v1;
	(pc) =	sbr.rel @!p1 .LBB2_26-.Ltmp15, $4  }
0xba: {  	v2 =	vshra.s32 v6, $0x10;
	[tilespmem:s26+$0x1970] =	vst v3  }
0xbb: {  	s24 =	simm.s32 $0x0;
	[tilespmem:s26+$0x41F0] =	vst v2  }
0xbc: {  	v2 =	vld [tilespmem:s24+$0x1E60]  }
0xbd: {  	p0 =	por $0x0, $0x0;
	v1 =	vld [tilespmem:s24+$0x1E70]  }
0xbe: {  	v5 =	vld [tilespmem:s24+$0x1E80]  }
0xbf: {  	p3 =	por $0x1, $0x1  }
.Ltmp16:
0xc0: {  	_ = 	snop;
	(pc) =	sbr.rel @!p3 .LBB2_28-.Ltmp16, $4  }
0xc1: {  	v4 =	vand.u32 $0xFFFF, v2  }
0xc2: {  	s26 =	simm.s32 $0x30;
	[tilespmem:s24+$0x1E60] =	vst v4;
	v6 =	vand.u32 $0xFFFF, v1  }
0xc3: {  	v3 =	vshra.s32 v2, $0x10;
	v2 =	vld [tilespmem:s26+$0x1E60];
	[tilespmem:s24+$0x1E70] =	vst v6;
	v6 =	vand.u32 $0xFFFF, v5  }
0xc4: {  	s30 =	simm.s32 $0x180;
	p2 =	por $0x1, $0x1;
	s29 =	simm.s32 $0x0;
	v4 =	vshra.s32 v1, $0x10;
	v5 =	vshra.s32 v5, $0x10;
	v1 =	vld [tilespmem:s26+$0x1E70];
	[tilespmem:s24+$0x1E80] =	vst v6  }
.LBB2_29:
0xc5: {  	p3 =	sne.s32 s30, $0x1380;
	v6 =	vld [tilespmem:s26+$0x1E80];
	[tilespmem:s29+$0x46E0] =	vst v3  }
0xc6: {  	[tilespmem:s29+$0x46F0] =	vst v4  }
.Ltmp17:
0xc7: {  	[tilespmem:s29+$0x4700] =	vst v5;
	s29 =	smov.u32 s26;
	(pc) =	sbr.rel @p3 .LBB2_29-.Ltmp17, $4  }
0xc8: {  	v3 =	vshra.s32 v2, $0x10;
	v2 =	vand.u32 $0xFFFF, v2  }
0xc9: {  	s26 =	sshra.s32 s30, $0x2;
	[tilespmem:s29+$0x1E60] =	vst v2;
	v4 =	vshra.s32 v1, $0x10;
	v1 =	vand.u32 $0xFFFF, v1  }
0xca: {  	v2 =	vld [tilespmem:s26+$0x1E60];
	[tilespmem:s29+$0x1E70] =	vst v1;
	v5 =	vshra.s32 v6, $0x10;
	v6 =	vand.u32 $0xFFFF, v6  }
0xcb: {  	s30 =	sadd.s32 $0xC0, s30;
	v1 =	vld [tilespmem:s26+$0x1E70];
	[tilespmem:s29+$0x1E80] =	vst v6  }
.LBB2_30:
0xcc: {  	_ = 	snop  }
0xcd: {  	v6 =	vld [tilespmem:s26+$0x1E80];
	[tilespmem:s29+$0x46E0] =	vst @p2 v3  }
0xce: {  	[tilespmem:s29+$0x46F0] =	vst @p2 v4  }
0xcf: {  	[tilespmem:s29+$0x4700] =	vst @p2 v5;
	v3 =	vand.u32 $0xFFFF, v2  }
0xd0: {  	v2 =	vshra.s32 v2, $0x10;
	[tilespmem:s26+$0x1E60] =	vst v3  }
0xd1: {  	v3 =	vand.u32 $0xFFFF, v1;
	[tilespmem:s26+$0x46E0] =	vst v2  }
0xd2: {  	v1 =	vshra.s32 v1, $0x10;
	[tilespmem:s26+$0x1E70] =	vst v3  }
.Ltmp18:
0xd3: {  	v3 =	vand.u32 $0xFFFF, v6;
	[tilespmem:s26+$0x46F0] =	vst v1;
	(pc) =	sbr.rel @!p1 .LBB2_31-.Ltmp18, $4  }
0xd4: {  	v2 =	vshra.s32 v6, $0x10;
	[tilespmem:s26+$0x1E80] =	vst v3  }
0xd5: {  	[tilespmem:s26+$0x4700] =	vst v2  }
0xd6: {  	v2 =	vld [tilespmem:s24+$0x2370]  }
0xd7: {  	v1 =	vld [tilespmem:s24+$0x2380]  }
0xd8: {  	v5 =	vld [tilespmem:s24+$0x2390]  }
0xd9: {  	p1 =	por $0x1, $0x1  }
.Ltmp19:
0xda: {  	_ = 	snop;
	(pc) =	sbr.rel @!p1 .LBB2_34-.Ltmp19, $4  }
0xdb: {  	v4 =	vand.u32 $0xFFFF, v2  }
0xdc: {  	s26 =	simm.s32 $0x30;
	[tilespmem:s24+$0x2370] =	vst v4;
	v6 =	vand.u32 $0xFFFF, v1  }
0xdd: {  	v3 =	vshra.s32 v2, $0x10;
	v2 =	vld [tilespmem:s26+$0x2370];
	[tilespmem:s24+$0x2380] =	vst v6;
	v6 =	vand.u32 $0xFFFF, v5  }
0xde: {  	s29 =	simm.s32 $0x180;
	p0 =	por $0x1, $0x1;
	v4 =	vshra.s32 v1, $0x10;
	v5 =	vshra.s32 v5, $0x10;
	v1 =	vld [tilespmem:s26+$0x2380];
	[tilespmem:s24+$0x2390] =	vst v6  }
.LBB2_33:
0xdf: {  	p1 =	sne.s32 s29, $0x1380;
	v6 =	vld [tilespmem:s26+$0x2390];
	[tilespmem:s24+$0x4BF0] =	vst v3  }
0xe0: {  	[tilespmem:s24+$0x4C00] =	vst v4  }
.Ltmp20:
0xe1: {  	[tilespmem:s24+$0x4C10] =	vst v5;
	s24 =	smov.u32 s26;
	(pc) =	sbr.rel @p1 .LBB2_33-.Ltmp20, $4  }
0xe2: {  	v3 =	vshra.s32 v2, $0x10;
	v2 =	vand.u32 $0xFFFF, v2  }
0xe3: {  	s26 =	sshra.s32 s29, $0x2;
	[tilespmem:s24+$0x2370] =	vst v2;
	v4 =	vshra.s32 v1, $0x10;
	v1 =	vand.u32 $0xFFFF, v1  }
0xe4: {  	v2 =	vld [tilespmem:s26+$0x2370];
	[tilespmem:s24+$0x2380] =	vst v1;
	v5 =	vshra.s32 v6, $0x10;
	v6 =	vand.u32 $0xFFFF, v6  }
0xe5: {  	s29 =	sadd.s32 $0xC0, s29;
	v1 =	vld [tilespmem:s26+$0x2380];
	[tilespmem:s24+$0x2390] =	vst v6  }
.LBB2_34:
0xe6: {  	_ = 	snop  }
0xe7: {  	v6 =	vld [tilespmem:s26+$0x2390];
	[tilespmem:s24+$0x4BF0] =	vst @p0 v3  }
0xe8: {  	[tilespmem:s24+$0x4C00] =	vst @p0 v4  }
0xe9: {  	[tilespmem:s24+$0x4C10] =	vst @p0 v5;
	v3 =	vand.u32 $0xFFFF, v2  }
0xea: {  	v2 =	vshra.s32 v2, $0x10;
	[tilespmem:s26+$0x2370] =	vst v3  }
0xeb: {  	v3 =	vand.u32 $0xFFFF, v1;
	[tilespmem:s26+$0x4BF0] =	vst v2  }
0xec: {  	v1 =	vshra.s32 v1, $0x10;
	[tilespmem:s26+$0x2380] =	vst v3  }
0xed: {  	v3 =	vand.u32 $0xFFFF, v6;
	[tilespmem:s26+$0x4C00] =	vst v1  }
0xee: {  	v2 =	vshra.s32 v6, $0x10;
	[tilespmem:s26+$0x2390] =	vst v3  }
0xef: {  	[tilespmem:s26+$0x4C10] =	vst v2;
	s26 =	simm.s32 $0x0  }
0xf0: {  	[tilespmem:s9], [sflag:$0x1] =	stream.indirect.gather [hbm4b:s4+s11], $0x10, s26, s11, $0xb8;
	[tilespmem:$0x1BD00] =	vst v63  }
0xf1: {  	_ = 	snop  }
0xf2: {  	[tilespmem:s12], [sflag:$0x2] =	stream.indirect.gather [hbm4b:s4+s11], $0x10, s11, s11, $0xb8;
	[tilespmem:$0x1BD00] =	vst v63  }
0xf3: {  	_ =	swait.ge [sflag:s13], $0x5100  }
0xf4: {  	[sflag:s13] =	ssyncset.done $0x0  }
0xf5: {  	s29 =	simm.s32 $0x2880;
	[sflag:s13] =	ssyncadd.s32 $0xFFFFAF00  }
0xf6: {  	[spmem:s2] =	stream.indirect.scatter.add.f32 [tilespmem:s9], [sflag:$0x5], $0x10, s29, s11, $0xb8;
	[tilespmem:$0x1BD00] =	vst v63  }
0xf7: {  	s30 =	simm.s32 $0xA20  }
0xf8: {  	[tilespmem:s16], [sflag:$0x3] =	stream.indirect.gather [hbm4b:s4+s11], $0x10, s30, s11, $0xb8;
	[tilespmem:$0x1BD00] =	vst v63  }
0xf9: {  	_ =	swait.ge [sflag:s17], $0x5100  }
0xfa: {  	[sflag:s17] =	ssyncset.done $0x0  }
0xfb: {  	s26 =	simm.s32 $0x2D90;
	[sflag:s17] =	ssyncadd.s32 $0xFFFFAF00  }
0xfc: {  	[spmem:s2] =	stream.indirect.scatter.add.f32 [tilespmem:s12], [sflag:$0x6], $0x10, s26, s11, $0xb8;
	[tilespmem:$0x1BD00] =	vst v63  }
0xfd: {  	s29 =	simm.s32 $0xF30  }
0xfe: {  	[tilespmem:s20], [sflag:$0x4] =	stream.indirect.gather [hbm4b:s4+s11], $0x10, s29, s11, $0xb8;
	[tilespmem:$0x1BD00] =	vst v63  }
0xff: {  	_ =	swait.ge [sflag:s21], $0x5100  }
0x100: {  	[sflag:s21] =	ssyncset.done $0x0  }
0x101: {  	s30 =	simm.s32 $0x32A0;
	[sflag:s21] =	ssyncadd.s32 $0xFFFFAF00  }
0x102: {  	[spmem:s2] =	stream.indirect.scatter.add.f32 [tilespmem:s16], [sflag:$0x7], $0x10, s30, s11, $0xb8;
	[tilespmem:$0x1BD00] =	vst v63  }
0x103: {  	_ =	swait.ge [sflag:s23], $0x5100  }
0x104: {  	[sflag:s23] =	ssyncset.done $0x0  }
0x105: {  	s26 =	simm.s32 $0x1440;
	[sflag:s23] =	ssyncadd.s32 $0xFFFFAF00  }
0x106: {  	[tilespmem:s9], [sflag:$0x1] =	stream.indirect.gather [hbm4b:s4+s11], $0x10, s26, s11, $0xb8;
	[tilespmem:$0x1BD00] =	vst v63  }
0x107: {  	_ =	swait.ge [sflag:s25], $0x5100  }
0x108: {  	[sflag:s25] =	ssyncset.done $0x0  }
0x109: {  	s29 =	simm.s32 $0x37B0;
	[sflag:s25] =	ssyncadd.s32 $0xFFFFAF00  }
0x10a: {  	[spmem:s2] =	stream.indirect.scatter.add.f32 [tilespmem:s20], [sflag:$0x8], $0x10, s29, s11, $0xb8;
	[tilespmem:$0x1BD00] =	vst v63  }
0x10b: {  	_ =	swait.ge [sflag:s28], $0x5100  }
0x10c: {  	[sflag:s28] =	ssyncset.done $0x0  }
0x10d: {  	s30 =	simm.s32 $0x1950;
	[sflag:s28] =	ssyncadd.s32 $0xFFFFAF00  }
0x10e: {  	[tilespmem:s12], [sflag:$0x2] =	stream.indirect.gather [hbm4b:s4+s11], $0x10, s30, s11, $0xb8;
	[tilespmem:$0x1BD00] =	vst v63  }
0x10f: {  	_ =	swait.ge [sflag:s13], $0x5100  }
0x110: {  	[sflag:s13] =	ssyncset.done $0x0  }
0x111: {  	s26 =	simm.s32 $0x3CC0;
	[sflag:s13] =	ssyncadd.s32 $0xFFFFAF00  }
0x112: {  	[spmem:s2] =	stream.indirect.scatter.add.f32 [tilespmem:s9], [sflag:$0x5], $0x10, s26, s11, $0xb8;
	[tilespmem:$0x1BD00] =	vst v63  }
0x113: {  	_ =	swait.ge [sflag:s31], $0x5100  }
0x114: {  	[sflag:s31] =	ssyncset.done $0x0  }
0x115: {  	[sflag:s31] =	ssyncadd.s32 $0xFFFFAF00  }
0x116: {  	[tilespmem:s16], [sflag:$0x3] =	stream.indirect.gather [hbm4b:s4+s11], $0x10, s0, s11, $0xb8;
	[tilespmem:$0x1BD00] =	vst v63  }
0x117: {  	_ =	swait.ge [sflag:s17], $0x5100  }
0x118: {  	[sflag:s17] =	ssyncset.done $0x0  }
0x119: {  	[sflag:s17] =	ssyncadd.s32 $0xFFFFAF00  }
0x11a: {  	[spmem:s2] =	stream.indirect.scatter.add.f32 [tilespmem:s12], [sflag:$0x6], $0x10, s3, s11, $0xb8;
	[tilespmem:$0x1BD00] =	vst v63  }
0x11b: {  	_ =	swait.ge [sflag:s14], $0x5100  }
0x11c: {  	[sflag:s14] =	ssyncset.done $0x0  }
0x11d: {  	[sflag:s14] =	ssyncadd.s32 $0xFFFFAF00  }
0x11e: {  	[tilespmem:s20], [sflag:$0x4] =	stream.indirect.gather [hbm4b:s4+s11], $0x10, s15, s11, $0xb8;
	[tilespmem:$0x1BD00] =	vst v63  }
0x11f: {  	_ =	swait.ge [sflag:s21], $0x5100  }
0x120: {  	[sflag:s21] =	ssyncset.done $0x0  }
0x121: {  	[sflag:s21] =	ssyncadd.s32 $0xFFFFAF00  }
0x122: {  	[spmem:s2] =	stream.indirect.scatter.add.f32 [tilespmem:s16], [sflag:$0x7], $0x10, s18, s11, $0xb8;
	[tilespmem:$0x1BD00] =	vst v63  }
0x123: {  	_ =	swait.ge [sflag:s25], $0x5100  }
0x124: {  	[sflag:s25] =	ssyncset.done $0x0  }
0x125: {  	[sflag:s25] =	ssyncadd.s32 $0xFFFFAF00  }
0x126: {  	[spmem:s2] =	stream.indirect.scatter.add.f32 [tilespmem:s20], [sflag:$0x8], $0x10, s19, s11, $0xb8;
	[tilespmem:$0x1BD00] =	vst v63  }
0x127: {  	_ =	swait.ge [sflag:s23], $0x5100  }
0x128: {  	[sflag:s23] =	ssyncset.done $0x0  }
0x129: {  	[sflag:s23] =	ssyncadd.s32 $0xFFFFAF00  }
0x12a: {  	_ =	swait.ge [sflag:s28], $0x5100  }
0x12b: {  	[sflag:s28] =	ssyncset.done $0x0  }
0x12c: {  	[sflag:s28] =	ssyncadd.s32 $0xFFFFAF00  }
0x12d: {  	_ =	swait.ge [sflag:s31], $0x5100  }
0x12e: {  	[sflag:s31] =	ssyncset.done $0x0  }
0x12f: {  	[sflag:s31] =	ssyncadd.s32 $0xFFFFAF00  }
0x130: {  	_ =	swait.ge [sflag:s14], $0x5100  }
0x131: {  	s22 =	sadd.s32 $0x1, s22;
	[sflag:s14] =	ssyncset.done $0x0  }
0x132: {  	p0 =	sne.s32 s22, s8;
	s29 =	sshll.u32 s1, $0x6;
	[sflag:s14] =	ssyncadd.s32 $0xFFFFAF00  }
0x133: {  	s24 =	sor.u32 $0x1C09, s29;
	s30 =	sshrl.u32 s5, $0x3;
	[bflag:$0x0] =	sbarrier.arrive $0xFFFF  }
0x134: {  	[hbm:s7], [sflag:s24] =	dma.local [spmem:s30], $0x500  }
.Ltmp21:
0x135: {  	_ = 	snop;
	(pc) =	sbr.rel @p0 .LBB2_1-.Ltmp21, $4  }
.Ltmp22:
0x136: {  	_ = 	snop;
	(pc) =	sbr.rel @!p0 .LBB2_35-.Ltmp22, $4  }
0x137: {  	_ =	swait.ge [sflag:s10], $0x500  }
0x138: {  	[sflag:s10] =	ssyncset.done $0x0  }
0x139: {  	[sflag:s10] =	ssyncadd.s32 $0xFFFFFB00  }
0x13a: {  	_ = 	snop  }
.LBB2_8:
.Ltmp23:
0x13b: {  	(pc) =	sbr.rel .LBB2_12-.Ltmp23, $2  }
0x13c: {  	_ =	sdelay $0x2  }
0x13d: {  	s26 =	simm.s32 $0x0;
	p2 =	por $0x0, $0x0  }
.LBB2_13:
.Ltmp24:
0x13e: {  	(pc) =	sbr.rel .LBB2_16-.Ltmp24, $2  }
0x13f: {  	_ =	sdelay $0x2  }
0x140: {  	s26 =	simm.s32 $0x0  }
.LBB2_17:
.Ltmp25:
0x141: {  	(pc) =	sbr.rel .LBB2_21-.Ltmp25, $2  }
0x142: {  	_ =	sdelay $0x2  }
0x143: {  	s26 =	simm.s32 $0x0;
	p2 =	por $0x0, $0x0  }
.LBB2_22:
.Ltmp26:
0x144: {  	(pc) =	sbr.rel .LBB2_25-.Ltmp26, $2  }
0x145: {  	_ =	sdelay $0x2  }
0x146: {  	s26 =	simm.s32 $0x0  }
.LBB2_26:
.Ltmp27:
0x147: {  	(pc) =	sbr.rel .LBB2_30-.Ltmp27, $2  }
0x148: {  	_ =	sdelay $0x2  }
0x149: {  	s26 =	simm.s32 $0x0;
	p2 =	por $0x0, $0x0  }
.LBB2_31:
.Ltmp28:
0x14a: {  	(pc) =	sbr.rel .LBB2_34-.Ltmp28, $2  }
0x14b: {  	_ =	sdelay $0x2  }
0x14c: {  	s26 =	simm.s32 $0x0  }
.LBB2_10:
.Ltmp29:
0x14d: {  	(pc) =	sbr.rel .LBB2_12-.Ltmp29, $2  }
0x14e: {  	_ =	sdelay $0x2  }
0x14f: {  	s29 =	simm.s32 $0x0  }
.LBB2_19:
.Ltmp30:
0x150: {  	(pc) =	sbr.rel .LBB2_21-.Ltmp30, $2  }
0x151: {  	_ =	sdelay $0x2  }
0x152: {  	s29 =	simm.s32 $0x0  }
.LBB2_28:
.Ltmp31:
0x153: {  	(pc) =	sbr.rel .LBB2_30-.Ltmp31, $2  }
0x154: {  	_ =	sdelay $0x2  }
0x155: {  	s29 =	simm.s32 $0x0  }
.LBB2_35:
0x156: {  	_ =	sfence.sel $0x180000  }
0x157: {  	[bflag:$0x0] =	sbarrier.arrive $0xFFFF  }
0x158: {  	_ =	strace $0x9000004A  }
0x159: {  	[bflag:$0x2] =	sbarrier.arrive $0xFFFF  }
0x15a: {  	p0 =	sne.s32 s1, $0x0;
	s0 =	rddreg [dreg:$0x2]  }
0x15b: {  	s0 =	sadd.s32 @!p0 $0x100000, s0  }
0x15c: {  	[sflag:s0] =	ssyncadd.tile.s32 @!p0 $0x1;
	_ =	shalt  }
.Lfunc_end2:
_tile_overlayer_lowered:
.L_overlay_start_2:
0x15d: {  	(tag) =	ssettag $0x2  }
0x15e: {  	s0 =	rddreg [dreg:$0x0];
	s2 =	stileid.u32  }
0x15f: {  	s1 =	rddreg [dreg:$0x1];
	p0 =	sne.s32 s2, $0x0  }
0x160: {  	s3 =	rddreg [dreg:$0x2];
	[bflag:$0x3] =	sbarrier.arrive $0xFFFF;
	s2 =	simm.s32 @!p0 $0x1C09  }
0x161: {  	[timem:s3], [sflag:s2] =	dma.local @!p0 [hbm:s0], s1  }
0x162: {  	s0 =	simm.s32 @!p0 $0x9  }
0x163: {  	_ =	swait.ge @!p0 [sflag:s0], s1  }
0x164: {  	s1 =	ssub.s32 @!p0 $0x0, s1;
	[sflag:s0] =	ssyncset.done @!p0 $0x0  }
0x165: {  	[sflag:s0] =	ssyncadd.s32 @!p0 s1  }
0x166: {  	[bflag:$0x3] =	sbarrier.arrive $0xFFFF  }
0x167: {  	_ =	shalt  }

// kernel: kernel.7.cloned.1.call-start
scs
__scs_entry_jumppad:
0x0: {  	(pc) =	sbr.rel $0x88, $3  }
0x1: {  	(tag) =	ssettag $0x0;
	lr =	simm.s32 $0x1  }
0x2: {  	[smem:$0x3F9B] =	sst lr;
	_ =	strace $0xD0000000  }
0x3: {  	_ = 	snop  }
0x4: {  	_ = 	snop  }
0x5: {  	_ = 	snop  }
0x6: {  	_ = 	snop  }
0x7: {  	_ = 	snop  }
__scs_overlays_trampoline_lowered:
0x8: {  	[smem:$0x3FAA] =	sst s0  }
0x9: {  	[smem:$0x3FAB] =	sst s1  }
0xa: {  	[smem:$0x3FAC] =	sst s2  }
0xb: {  	[smem:$0x3FAD] =	sst s3  }
0xc: {  	[smem:$0x3FAE] =	sst s4  }
0xd: {  	[smem:$0x3FAF] =	sst s5  }
0xe: {  	[smem:$0x3FB0] =	sst s6  }
0xf: {  	[smem:$0x3FB1] =	sst s7  }
0x10: {  	[smem:$0x3FB2] =	sst s8  }
0x11: {  	[smem:$0x3FB3] =	sst s9;
	s0 =	simm.s32 @!p0 $0x0  }
0x12: {  	s1 =	sld [smem:$0x3F99];
	s0 =	simm.s32 @p0 $0x1  }
0x13: {  	[smem:$0x3FB4] =	sst s0;
	s0 =	simm.s32 @!p1 $0x0  }
0x14: {  	s2 =	sld [smem:$0x3F98];
	s0 =	simm.s32 @p1 $0x1  }
0x15: {  	[smem:$0x3FB5] =	sst s0;
	s0 =	simm.s32 @!p2 $0x0  }
0x16: {  	s3 =	sld [smem:$0x3FDB];
	s0 =	simm.s32 @p2 $0x1  }
0x17: {  	s4 =	simm.s32 $0x1BF5;
	[smem:$0x3FB7] =	sst s0  }
0x18: {  	s0 =	sld [smem:$0x3F9A];
	_ =	swait.ge [sflag:s4], $0x0  }
0x19: {  	s7 =	sld [smem:$0x3F9B]  }
0x1a: {  	s8 =	sadd.s32 $0xFFFFE003, lr  }
0x1b: {  	s9 =	sadd.s32 $0xFFFFFEF7, lr;
	s5 =	simm.s32 $0xFFFFFFFF;
	p2 =	slt.u32 s8, $0xFFFFF086  }
0x1c: {  	p1 =	slt.u32 s9, $0xF7A;
	s5 =	simm.s32 @!p2 $0x0  }
0x1d: {  	s5 =	simm.s32 @p1 $0x1;
	p0 =	seq.s32 s7, s2  }
0x1e: {  	s7 =	smul.u32 @!p0 $0xF7A, s2;
	p2 =	seq.s32 @!p0 s5, $0x0  }
0x1f: {  	s9 =	smul.u32 $0xF7A, s1;
	s8 =	simm.s32 @!p0 $0x1BF5;
	p2 =	por !p2, p0  }
0x20: {  	[sflag:s8] =	ssyncset.s32 @!p0 $0xFFFFF086;
	s6 =	sadd.s32 @!p0 s3, s7;
	s7 =	simm.s32 @!p0 $0x108  }
0x21: {  	s3 =	sadd.s32 s3, s9;
	s6 =	sadd.s32 @!p0 $0x88, s6;
	s7 =	simm.s32 @p2 $0x1082  }
0x22: {  	[simem:s7], [sflag:s8] =	dma.local @!p0 [hbm:s6], $0xF7A  }
0x23: {  	s9 =	sor.u32 $0xD0000000, s2;
	s6 =	simm.s32 $0x108;
	_ =	swait.ge @!p0 [sflag:s8], $0x0  }
0x24: {  	s3 =	sadd.s32 $0x88, s3;
	s6 =	simm.s32 @!p1 $0x1082;
	[sflag:s4] =	ssyncset.s32 $0xFFFFF086  }
0x25: {  	[simem:s6], [sflag:s4] =	dma.local [hbm:s3], $0xF7A  }
0x26: {  	[smem:$0x3F9B] =	sst s1;
	(tag) =	ssettag s2;
	_ =	strace s9  }
0x27: {  	s1 =	sld [smem:$0x3FAB]  }
0x28: {  	s2 =	sld [smem:$0x3FAC]  }
0x29: {  	s4 =	sld [smem:$0x3FAE]  }
0x2a: {  	p0 =	seq.s32 s5, $0x0;
	s5 =	sld [smem:$0x3FAF]  }
0x2b: {  	s6 =	sld [smem:$0x3FB0]  }
0x2c: {  	s7 =	sld [smem:$0x3FB1]  }
0x2d: {  	s3 =	simm.s32 $0x108;
	s8 =	sld [smem:$0x3FB2]  }
0x2e: {  	s3 =	simm.s32 @!p0 $0x1082;
	s9 =	sld [smem:$0x3FB3]  }
0x2f: {  	lr =	sadd.s32 s0, s3;
	s0 =	sld [smem:$0x3FAA]  }
0x30: {  	s3 =	sld [smem:$0x3FAD]  }
0x31: {  	[smem:$0x3FB6] =	sst s10  }
0x32: {  	s10 =	sld [smem:$0x3FB4];
	_ =	sdelay $0x3  }
0x33: {  	p0 =	seq.s32 s10, $0x1;
	s10 =	sld [smem:$0x3FB6];
	_ =	sdelay $0x3  }
0x34: {  	[smem:$0x3FB6] =	sst s10  }
0x35: {  	s10 =	sld [smem:$0x3FB5];
	_ =	sdelay $0x3  }
0x36: {  	p1 =	seq.s32 s10, $0x1;
	s10 =	sld [smem:$0x3FB6];
	_ =	sdelay $0x3  }
0x37: {  	[smem:$0x3FB6] =	sst s10  }
0x38: {  	s10 =	sld [smem:$0x3FB7]  }
0x39: {  	_ = 	snop;
	(pc) =	sbr.ind lr, $3  }
0x3a: {  	_ = 	snop  }
0x3b: {  	_ = 	snop  }
0x3c: {  	p2 =	seq.s32 s10, $0x1;
	s10 =	sld [smem:$0x3FB6]  }
0x3d: {  	_ =	shalt  }
0x3e: {  	_ =	shalt  }
0x3f: {  	_ =	shalt  }
0x40: {  	_ =	shalt  }
0x41: {  	_ =	shalt  }
0x42: {  	_ =	shalt  }
0x43: {  	_ =	shalt  }
0x44: {  	_ =	shalt  }
0x45: {  	_ =	shalt  }
0x46: {  	_ =	shalt  }
0x47: {  	_ =	shalt  }
0x48: {  	_ =	shalt  }
0x49: {  	_ =	shalt  }
0x4a: {  	_ =	shalt  }
0x4b: {  	_ =	shalt  }
0x4c: {  	_ =	shalt  }
0x4d: {  	_ =	shalt  }
0x4e: {  	_ =	shalt  }
0x4f: {  	_ =	shalt  }
0x50: {  	_ =	shalt  }
0x51: {  	_ =	shalt  }
0x52: {  	_ =	shalt  }
0x53: {  	_ =	shalt  }
0x54: {  	_ =	shalt  }
0x55: {  	_ =	shalt  }
0x56: {  	_ =	shalt  }
0x57: {  	_ =	shalt  }
0x58: {  	_ =	shalt  }
0x59: {  	_ =	shalt  }
0x5a: {  	_ =	shalt  }
0x5b: {  	_ =	shalt  }
0x5c: {  	_ =	shalt  }
0x5d: {  	_ =	shalt  }
0x5e: {  	_ =	shalt  }
0x5f: {  	_ =	shalt  }
0x60: {  	_ =	shalt  }
0x61: {  	_ =	shalt  }
0x62: {  	_ =	shalt  }
0x63: {  	_ =	shalt  }
0x64: {  	_ =	shalt  }
0x65: {  	_ =	shalt  }
0x66: {  	_ =	shalt  }
0x67: {  	_ =	shalt  }
0x68: {  	_ =	shalt  }
0x69: {  	_ =	shalt  }
0x6a: {  	_ =	shalt  }
0x6b: {  	_ =	shalt  }
0x6c: {  	_ =	shalt  }
0x6d: {  	_ =	shalt  }
0x6e: {  	_ =	shalt  }
0x6f: {  	_ =	shalt  }
0x70: {  	_ =	shalt  }
0x71: {  	_ =	shalt  }
0x72: {  	_ =	shalt  }
0x73: {  	_ =	shalt  }
0x74: {  	_ =	shalt  }
0x75: {  	_ =	shalt  }
0x76: {  	_ =	shalt  }
0x77: {  	_ =	shalt  }
0x78: {  	_ =	shalt  }
0x79: {  	_ =	shalt  }
0x7a: {  	_ =	shalt  }
0x7b: {  	_ =	shalt  }
0x7c: {  	_ =	shalt  }
0x7d: {  	_ =	shalt  }
0x7e: {  	_ =	shalt  }
0x7f: {  	_ =	shalt  }
0x80: {  	_ =	shalt  }
0x81: {  	_ =	shalt  }
0x82: {  	_ =	shalt  }
0x83: {  	_ =	shalt  }
0x84: {  	_ =	shalt  }
0x85: {  	_ =	shalt  }
0x86: {  	_ =	shalt  }
0x87: {  	_ =	shalt  }
.Lfunc_end0:
.L_simem_size_0:
called_computation_lowered:
.L_overlay_start_0:
0x88: {  	s2 =	sld [smem:$0x3FD9]  }
0x89: {  	s3 =	sld [smem:$0x3FFE];
	_ =	sdelay $0x1  }
0x8a: {  	s1 =	srdreg.scid  }
0x8b: {  	s0 =	sand.u32 $0x1, s1  }
0x8c: {  	s16 =	sshll.u32 s0, $0xA;
	s2 =	sadd.s32 s3, s2  }
0x8d: {  	s2 =	sadd.s32 s2, s16  }
0x8e: {  	[smem:$0x3FC2] =	sst s2  }
0x8f: {  	_ = 	snop  }
0x90: {  	(tm) =	ssettm $0x1  }
0x91: {  	s17 =	sld [smem:$0x3FFB];
	_ =	sdelay $0x3  }
0x92: {  	_ =	strace s17  }
0x93: {  	s2 =	sld [smem:$0x3FFC];
	_ =	sdelay $0x3  }
0x94: {  	_ =	strace s2  }
0x95: {  	s2 =	sld [smem:$0x3FFD];
	_ =	sdelay $0x3  }
0x96: {  	_ =	strace s2  }
0x97: {  	_ =	strace $0x8FFFFFFF  }
0x98: {  	s18 =	sld [smem:$0x3FDB];
	_ =	sdelay $0x1  }
0x99: {  	s19 =	simm.s32 $_scs_section_size  }
0x9a: {  	s4 =	simm.s32 $_size__tile_overlayer_lowered;
	s5 =	simm.s32 $_tile_overlayer_lowered  }
0x9b: {  	s22 =	simm.s32 $0x1BFF;
	s21 =	sshll.u32 s5, $0x1;
	s2 =	sadd.s32 s19, s18  }
0x9c: {  	s6 =	simm.s32 $0x0;
	s20 =	sshll.u32 s4, $0x1;
	s4 =	sadd.s32 s21, s2  }
0x9d: {  	[timem:s6], [sflag:s22] =	dma.local [hbm:s4], s20  }
0x9e: {  	_ =	swait.ge [sflag:s22], s20  }
0x9f: {  	s3 =	ssub.s32 $0x0, s20;
	[sflag:s22] =	ssyncset.done $0x0  }
0xa0: {  	[sflag:s22] =	ssyncadd.s32 s3;
	_ =	sdelay $0x1  }
0xa1: {  	s23 =	simm.s32 $0x1B8B  }
0xa2: {  	_ =	swait.ge [sflag:s23], $0x1  }
0xa3: {  	[sflag:s23] =	ssyncset.done $0x0  }
0xa4: {  	s25 =	simm.s32 $0x1B8E;
	s24 =	sld [smem:$0x3FFE];
	[sflag:s23] =	ssyncadd.s32 $0xFFFFFFFF  }
0xa5: {  	s26 =	simm.s32 $execute0_lowered;
	[smem:$0x3FD2] =	sst s25  }
0xa6: {  	s4 =	sshll.u32 s26, $0x1;
	_ =	strace $0x80000046;
	[dreg:$0x1] =	wrdreg $0xFFFFFFFF  }
0xa7: {  	s28 =	simm.s32 $_size_execute0_lowered;
	s2 =	sadd.s32 s2, s4;
	[dreg:$0x0] =	wrdreg $0x0  }
0xa8: {  	s4 =	sshll.u32 s28, $0x1;
	[dreg:$0x2] =	wrdreg s2  }
0xa9: {  	[dreg:$0x3] =	wrdreg s4  }
0xaa: {  	[dreg:$0x4] =	wrdreg $0xC0  }
0xab: {  	_ =	task [dreg:s6], $0x5FFFF  }
0xac: {  	[dreg:$0x1] =	wrdreg $0xFFFFFFFF  }
0xad: {  	[dreg:$0x0] =	wrdreg $0x60  }
0xae: {  	[dreg:$0x2] =	wrdreg s24  }
0xaf: {  	[dreg:$0x3] =	wrdreg $0x1C6100  }
0xb0: {  	[dreg:$0x4] =	wrdreg $0x19B900  }
0xb1: {  	[dreg:$0x5] =	wrdreg $0x19E100  }
0xb2: {  	[dreg:$0x6] =	wrdreg $0x9  }
0xb3: {  	_ =	task.clear_ibuf [dreg:s6], $0x7FFFF;
	_ =	strace $0x90000046  }
0xb4: {  	s29 =	simm.s32 $0x9;
	_ =	strace $0x80000048  }
0xb5: {  	_ =	swait.ge [sflag:s29], $0x1  }
0xb6: {  	[sflag:s29] =	ssyncadd.s32 $0xFFFFFFFF  }
0xb7: {  	_ =	strace $0x90000048  }
0xb8: {  	_ =	sfence  }
0xb9: {  	s30 =	sld [smem:$0x0];
	_ =	sdelay $0x2  }
0xba: {  	s31 =	sshll.u32 s1, $0xD;
	s1 =	sshrl.u32 s1, $0x2  }
0xbb: {  	s3 =	sand.u32 $0x4000, s31;
	s1 =	sadd.s32 s1, s30  }
0xbc: {  	s0 =	sor.u32 s3, s0;
	s1 =	sshll.u32 s1, $0x11  }
0xbd: {  	s0 =	sor.u32 s1, s0  }
0xbe: {  	s0 =	sadd.s32 $0x8F2B, s0  }
0xbf: {  	[sflag:s0] =	ssyncadd.remote.s32 $0x1  }
0xc0: {  	_ =	sfence.sel $0xFFFF  }
0xc1: {  	[dreg:$0x0] =	wrdreg $0xFFFFFFFF;
	(pc) =	sbr.abs _section_cstart, $3  }
0xc2: {  	[dreg:$0x1] =	wrdreg $0xFFFFFFFF  }
0xc3: {  	_ =	task.clear_ibuf [dreg:s6], $0x2FFFF;
	_ =	strace $0x9FFFFFFF  }
0xc4: {  	(tm) =	ssettm $0x7FFFFFFF  }
0xc5: {  	_ =	shalt  }
tec
execute0_lowered:
.L_overlay_start_1:
0x0: {  	(tag) =	ssettag $0x1  }
0x1: {  	s2 =	rddreg [dreg:$0x0]  }
0x2: {  	s1 =	rddreg [dreg:$0x1]  }
0x3: {  	s4 =	srdreg.scid;
	s0 =	stileid.u32  }
0x4: {  	s3 =	rddreg [dreg:$0x2];
	s7 =	simm.s32 $0x0;
	s18 =	simm.s32 $0xA990  }
0x5: {  	s19 =	simm.s32 $0x5100;
	s20 =	simm.s32 $0x510;
	s21 =	simm.s32 $0xA200  }
0x6: {  	s28 =	simm.s32 $0x1;
	s30 =	simm.s32 $0x14A90;
	s31 =	simm.s32 $0x2  }
0x7: {  	s17 =	simm.s32 $0x3;
	s22 =	simm.s32 $0x0;
	s11 =	smul.u32 $0x2800, s0  }
0x8: {  	s5 =	sand.u32 $0x1, s4;
	s4 =	rddreg [dreg:$0x3];
	s25 =	smul.u32 $0xA00, s0  }
0x9: {  	[smem:$0x7FF] =	sst s7;
	s10 =	sadd.s32 $0x6400, s2;
	s12 =	smul.u32 $0xA20, s0  }
0xa: {  	s8 =	sshll.u32 s0, $0x3;
	s6 =	smul.u32 $0x28000, s5;
	_ =	strace $0x80000047  }
0xb: {  	s26 =	sshll.u32 s5, $0x7;
	s9 =	ssub.s32 $0x2, s5;
	p0 =	sne.s32 s5, $0x0  }
0xc: {  	s24 =	sshrl.u32 s11, $0x3;
	s7 =	sor.u32 s8, s26;
	s29 =	sshrl.u32 s9, $0x1  }
0xd: {  	s14 =	sshrl.u32 s25, $0x2;
	s26 =	simm.s32 $0x5;
	s6 =	sadd.s32 s11, s6  }
0xe: {  	s15 =	smul.u32 $0xA2, s7;
	s16 =	ssub.s32 s9, s29;
	s7 =	sadd.s32 s14, s3  }
0xf: {  	s9 =	sadd.s32 s10, s12;
	s6 =	sshrl.u32 s6, $0x3;
	s14 =	smax.u32 s16, $0x1  }
0x10: {  	s16 =	simm.s32 $0x6;
	s13 =	sadd.s32 s6, s2;
	s2 =	sadd.s32 s24, s2  }
0x11: {  	s6 =	sadd.s32 s11, s1;
	s10 =	sadd.s32 s10, s15;
	s11 =	sadd.s32 s11, s4  }
0x12: {  	s15 =	simm.s32 $0xF990;
	s24 =	simm.s32 $0x4;
	s8 =	sadd.s32 $0x1400, s2  }
0x13: {  	v0 =	vimm.f32 $0.0e+00;
	v1 =	vimm.f32 $1.000000000e+00;
	s12 =	sadd.s32 $0x10600, s2;
	s13 =	sadd.s32 $0x15600, s13;
	s2 =	simm.s32 $0x4BF0  }
.LBB2_1:
0x14: {  	s23 =	simm.s32 $0x100;
	s5 =	simm.s32 $0x0  }
.LBB2_2:
0x15: {  	p1 =	sne.s32 s23, $0x9F00;
	[tilespmem:s5+$0xF9C0] =	vst v0;
	s25 =	smov.u32 s23;
	s23 =	sadd.s32 $0x100, s23  }
.Ltmp0:
0x16: {  	[tilespmem:s5+$0xF9B0] =	vst v0;
	(pc) =	sbr.rel @p1 .LBB2_2-.Ltmp0, $3  }
0x17: {  	[tilespmem:s5+$0xF990] =	vst v0  }
0x18: {  	[tilespmem:s5+$0xF9A0] =	vst v0;
	_ =	sdelay $0x1  }
0x19: {  	s5 =	sshra.s32 s25, $0x2  }
0x1a: {  	[tilespmem:s5+$0xF9C0] =	vst v0  }
0x1b: {  	[tilespmem:s5+$0xF9B0] =	vst v0  }
0x1c: {  	[tilespmem:s5+$0xF990] =	vst v0  }
0x1d: {  	[tilespmem:s5+$0xF9A0] =	vst v0  }
0x1e: {  	[tilespmem:$0xA710] =	vst v0  }
0x1f: {  	[tilespmem:$0xA720] =	vst v0  }
0x20: {  	[tilespmem:$0xA730] =	vst v0  }
0x21: {  	[tilespmem:$0xA740] =	vst v0  }
0x22: {  	[tilespmem:$0xA750] =	vst v0  }
0x23: {  	[tilespmem:$0xA760] =	vst v0  }
0x24: {  	[tilespmem:$0xA770] =	vst v0  }
0x25: {  	[tilespmem:$0xA780] =	vst v0  }
0x26: {  	[tilespmem:$0xA790] =	vst v0  }
0x27: {  	[tilespmem:$0xA7A0] =	vst v0  }
0x28: {  	[tilespmem:$0xA7B0] =	vst v0  }
0x29: {  	[tilespmem:$0xA7C0] =	vst v0  }
0x2a: {  	[tilespmem:$0xA7D0] =	vst v0  }
0x2b: {  	[tilespmem:$0xA7E0] =	vst v0  }
0x2c: {  	[tilespmem:$0xA7F0] =	vst v0  }
0x2d: {  	[tilespmem:$0xA800] =	vst v0  }
0x2e: {  	[tilespmem:$0xA810] =	vst v0  }
0x2f: {  	[tilespmem:$0xA820] =	vst v0  }
0x30: {  	[tilespmem:$0xA830] =	vst v0  }
0x31: {  	[tilespmem:$0xA840] =	vst v0  }
0x32: {  	[tilespmem:$0xA850] =	vst v0  }
0x33: {  	[tilespmem:$0xA860] =	vst v0  }
0x34: {  	[tilespmem:$0xA870] =	vst v0  }
0x35: {  	[tilespmem:$0xA880] =	vst v0  }
0x36: {  	[tilespmem:$0xA890] =	vst v0  }
0x37: {  	[tilespmem:$0xA8A0] =	vst v0  }
0x38: {  	[tilespmem:$0xA8B0] =	vst v0  }
0x39: {  	[tilespmem:$0xA8C0] =	vst v0  }
0x3a: {  	[tilespmem:$0xA8D0] =	vst v0  }
0x3b: {  	[tilespmem:$0xA8E0] =	vst v0  }
0x3c: {  	[tilespmem:$0xA8F0] =	vst v0  }
0x3d: {  	[tilespmem:$0xA900] =	vst v0  }
0x3e: {  	[tilespmem:$0xA910] =	vst v0  }
0x3f: {  	[tilespmem:$0xA920] =	vst v0  }
0x40: {  	[tilespmem:$0xA930] =	vst v0  }
0x41: {  	[tilespmem:$0xA940] =	vst v0  }
0x42: {  	[tilespmem:$0xA950] =	vst v0  }
0x43: {  	[tilespmem:$0xA960] =	vst v0  }
0x44: {  	[tilespmem:$0xA970] =	vst v0  }
0x45: {  	s5 =	simm.s32 $0x40;
	s23 =	simm.s32 $0x0;
	[tilespmem:$0xA980] =	vst v0  }
.LBB2_4:
0x46: {  	p1 =	sne.s32 s5, $0x1400;
	[tilespmem:s23+$0xA200] =	vst v1;
	s23 =	smov.u32 s5;
	s5 =	sadd.s32 $0x40, s5  }
.Ltmp1:
0x47: {  	(pc) =	sbr.rel @p1 .LBB2_4-.Ltmp1, $2  }
0x48: {  	_ =	sdelay $0x2  }
0x49: {  	s23 =	sshra.s32 s23, $0x2  }
0x4a: {  	[tilespmem:s23+$0xA200] =	vst v1  }
0x4b: {  	[spmem:s6] =	stream.linear.scatter [tilespmem:s15], [sflag:$0x6], $0x2800, $0x38;
	[tilespmem:$0x1EE10] =	vst v63  }
0x4c: {  	_ =	swait.ge [sflag:s16], $0x2800  }
0x4d: {  	[sflag:s16] =	ssyncset.done $0x0  }
0x4e: {  	s5 =	simm.s32 $0xA710;
	[sflag:s16] =	ssyncadd.s32 $0xFFFFD800  }
0x4f: {  	[spmem:s7] =	stream.linear.scatter [tilespmem:s5], [sflag:$0x6], $0x280, $0x38;
	[tilespmem:$0x1EE10] =	vst v63  }
0x50: {  	_ =	swait.ge [sflag:s16], $0x280  }
0x51: {  	[sflag:s16] =	ssyncset.done $0x0  }
0x52: {  	s29 =	simm.s32 $0x0;
	[sflag:s16] =	ssyncadd.s32 $0xFFFFFD80  }
0x53: {  	[tilespmem:s18], [sflag:$0x6] =	stream.linear.gather [hbm4b:s8+s29], $0x2800, $0x38;
	[tilespmem:$0x1EE10] =	vst v63  }
0x54: {  	_ =	swait.ge [sflag:s16], $0x2800  }
0x55: {  	[sflag:s16] =	ssyncset.done $0x0  }
0x56: {  	[sflag:s16] =	ssyncadd.s32 $0xFFFFD800  }
0x57: {  	[tilespmem:s19], [sflag:$0x6] =	stream.linear.gather [hbm4b:s9+s29], $0x5100, $0x38;
	[tilespmem:$0x1EE10] =	vst v63  }
0x58: {  	_ =	swait.ge [sflag:s16], $0x5100  }
0x59: {  	[sflag:s16] =	ssyncset.done $0x0  }
0x5a: {  	[sflag:s16] =	ssyncadd.s32 $0xFFFFAF00  }
0x5b: {  	[tilespmem:s29], [sflag:$0x6] =	stream.linear.gather [hbm4b:s10+s29], $0x2880, $0x38;
	[tilespmem:$0x1EE10] =	vst v63  }
0x5c: {  	_ =	swait.ge [sflag:s16], $0x2880  }
0x5d: {  	[sflag:s16] =	ssyncset.done $0x0  }
0x5e: {  	s5 =	simm.s32 $0x0;
	[sflag:s16] =	ssyncadd.s32 $0xFFFFD780  }
0x5f: {  	v3 =	vld [tilespmem:s5+$0x5100]  }
0x60: {  	s25 =	simm.s32 $0xC0;
	s23 =	simm.s32 $0x0;
	v2 =	vld [tilespmem:s5+$0x5110]  }
.LBB2_6:
0x61: {  	p1 =	sne.s32 s25, $0x1380;
	v4 =	vld [tilespmem:s23+$0x5120];
	_ =	sdelay $0x1  }
.Ltmp2:
0x62: {  	(pc) =	sbr.rel @p1 .LBB2_6-.Ltmp2, $4  }
0x63: {  	v3 =	vshra.s32 v3, $0x10  }
0x64: {  	s29 =	sshra.s32 s25, $0x2;
	[tilespmem:s23+$0x5100] =	vst v3;
	v2 =	vshra.s32 v2, $0x10  }
0x65: {  	v3 =	vld [tilespmem:s29+$0x5100];
	[tilespmem:s23+$0x5110] =	vst v2;
	v4 =	vshra.s32 v4, $0x10  }
0x66: {  	s25 =	sadd.s32 $0xC0, s25;
	v2 =	vld [tilespmem:s29+$0x5110];
	[tilespmem:s23+$0x5120] =	vst v4;
	s23 =	smov.u32 s29  }
0x67: {  	v4 =	vld [tilespmem:s23+$0x5120];
	_ =	sdelay $0x2  }
0x68: {  	v3 =	vshra.s32 v3, $0x10  }
0x69: {  	[tilespmem:s23+$0x5100] =	vst v3;
	v2 =	vshra.s32 v2, $0x10  }
0x6a: {  	[tilespmem:s23+$0x5110] =	vst v2;
	v2 =	vshra.s32 v4, $0x10  }
0x6b: {  	[tilespmem:s23+$0x5120] =	vst v2  }
0x6c: {  	v3 =	vld [tilespmem:s5+$0x5610]  }
0x6d: {  	s23 =	simm.s32 $0xC0;
	v2 =	vld [tilespmem:s5+$0x5620]  }
.LBB2_8:
0x6e: {  	p1 =	sne.s32 s23, $0x1380;
	v4 =	vld [tilespmem:s5+$0x5630];
	_ =	sdelay $0x1  }
.Ltmp3:
0x6f: {  	(pc) =	sbr.rel @p1 .LBB2_8-.Ltmp3, $4  }
0x70: {  	v3 =	vshra.s32 v3, $0x10  }
0x71: {  	s25 =	sshra.s32 s23, $0x2;
	[tilespmem:s5+$0x5610] =	vst v3;
	v2 =	vshra.s32 v2, $0x10  }
0x72: {  	v3 =	vld [tilespmem:s25+$0x5610];
	[tilespmem:s5+$0x5620] =	vst v2;
	v4 =	vshra.s32 v4, $0x10  }
0x73: {  	s23 =	sadd.s32 $0xC0, s23;
	v2 =	vld [tilespmem:s25+$0x5620];
	[tilespmem:s5+$0x5630] =	vst v4;
	s5 =	smov.u32 s25  }
0x74: {  	v4 =	vld [tilespmem:s5+$0x5630];
	_ =	sdelay $0x2  }
0x75: {  	v3 =	vshra.s32 v3, $0x10  }
0x76: {  	[tilespmem:s5+$0x5610] =	vst v3;
	v2 =	vshra.s32 v2, $0x10  }
0x77: {  	[tilespmem:s5+$0x5620] =	vst v2;
	v2 =	vshra.s32 v4, $0x10  }
0x78: {  	[tilespmem:s5+$0x5630] =	vst v2;
	s5 =	simm.s32 $0x0  }
0x79: {  	v3 =	vld [tilespmem:s5+$0x5B20]  }
0x7a: {  	s25 =	simm.s32 $0xC0;
	s23 =	simm.s32 $0x0;
	v2 =	vld [tilespmem:s5+$0x5B30]  }
.LBB2_10:
0x7b: {  	p1 =	sne.s32 s25, $0x1380;
	v4 =	vld [tilespmem:s23+$0x5B40];
	_ =	sdelay $0x1  }
.Ltmp4:
0x7c: {  	(pc) =	sbr.rel @p1 .LBB2_10-.Ltmp4, $4  }
0x7d: {  	v3 =	vshra.s32 v3, $0x10  }
0x7e: {  	s29 =	sshra.s32 s25, $0x2;
	[tilespmem:s23+$0x5B20] =	vst v3;
	v2 =	vshra.s32 v2, $0x10  }
0x7f: {  	v3 =	vld [tilespmem:s29+$0x5B20];
	[tilespmem:s23+$0x5B30] =	vst v2;
	v4 =	vshra.s32 v4, $0x10  }
0x80: {  	s25 =	sadd.s32 $0xC0, s25;
	v2 =	vld [tilespmem:s29+$0x5B30];
	[tilespmem:s23+$0x5B40] =	vst v4;
	s23 =	smov.u32 s29  }
0x81: {  	v4 =	vld [tilespmem:s23+$0x5B40];
	_ =	sdelay $0x2  }
0x82: {  	v3 =	vshra.s32 v3, $0x10  }
0x83: {  	[tilespmem:s23+$0x5B20] =	vst v3;
	v2 =	vshra.s32 v2, $0x10  }
0x84: {  	[tilespmem:s23+$0x5B30] =	vst v2;
	v2 =	vshra.s32 v4, $0x10  }
0x85: {  	[tilespmem:s23+$0x5B40] =	vst v2  }
0x86: {  	v3 =	vld [tilespmem:s5+$0x6030]  }
0x87: {  	s23 =	simm.s32 $0xC0;
	v2 =	vld [tilespmem:s5+$0x6040]  }
.LBB2_12:
0x88: {  	p1 =	sne.s32 s23, $0x1380;
	v4 =	vld [tilespmem:s5+$0x6050];
	_ =	sdelay $0x1  }
.Ltmp5:
0x89: {  	(pc) =	sbr.rel @p1 .LBB2_12-.Ltmp5, $4  }
0x8a: {  	v3 =	vshra.s32 v3, $0x10  }
0x8b: {  	s25 =	sshra.s32 s23, $0x2;
	[tilespmem:s5+$0x6030] =	vst v3;
	v2 =	vshra.s32 v2, $0x10  }
0x8c: {  	v3 =	vld [tilespmem:s25+$0x6030];
	[tilespmem:s5+$0x6040] =	vst v2;
	v4 =	vshra.s32 v4, $0x10  }
0x8d: {  	s23 =	sadd.s32 $0xC0, s23;
	v2 =	vld [tilespmem:s25+$0x6040];
	[tilespmem:s5+$0x6050] =	vst v4;
	s5 =	smov.u32 s25  }
0x8e: {  	v4 =	vld [tilespmem:s5+$0x6050];
	_ =	sdelay $0x2  }
0x8f: {  	v3 =	vshra.s32 v3, $0x10  }
0x90: {  	[tilespmem:s5+$0x6030] =	vst v3;
	v2 =	vshra.s32 v2, $0x10  }
0x91: {  	[tilespmem:s5+$0x6040] =	vst v2;
	v2 =	vshra.s32 v4, $0x10  }
0x92: {  	[tilespmem:s5+$0x6050] =	vst v2;
	s5 =	simm.s32 $0x0  }
0x93: {  	v3 =	vld [tilespmem:s5+$0x6540]  }
0x94: {  	s25 =	simm.s32 $0xC0;
	s23 =	simm.s32 $0x0;
	v2 =	vld [tilespmem:s5+$0x6550]  }
.LBB2_14:
0x95: {  	p1 =	sne.s32 s25, $0x1380;
	v4 =	vld [tilespmem:s23+$0x6560];
	_ =	sdelay $0x1  }
.Ltmp6:
0x96: {  	(pc) =	sbr.rel @p1 .LBB2_14-.Ltmp6, $4  }
0x97: {  	v3 =	vshra.s32 v3, $0x10  }
0x98: {  	s29 =	sshra.s32 s25, $0x2;
	[tilespmem:s23+$0x6540] =	vst v3;
	v2 =	vshra.s32 v2, $0x10  }
0x99: {  	v3 =	vld [tilespmem:s29+$0x6540];
	[tilespmem:s23+$0x6550] =	vst v2;
	v4 =	vshra.s32 v4, $0x10  }
0x9a: {  	s25 =	sadd.s32 $0xC0, s25;
	v2 =	vld [tilespmem:s29+$0x6550];
	[tilespmem:s23+$0x6560] =	vst v4;
	s23 =	smov.u32 s29  }
0x9b: {  	v4 =	vld [tilespmem:s23+$0x6560];
	_ =	sdelay $0x2  }
0x9c: {  	v3 =	vshra.s32 v3, $0x10  }
0x9d: {  	[tilespmem:s23+$0x6540] =	vst v3;
	v2 =	vshra.s32 v2, $0x10  }
0x9e: {  	[tilespmem:s23+$0x6550] =	vst v2;
	v2 =	vshra.s32 v4, $0x10  }
0x9f: {  	[tilespmem:s23+$0x6560] =	vst v2  }
0xa0: {  	v3 =	vld [tilespmem:s5+$0x6A50]  }
0xa1: {  	s23 =	simm.s32 $0xC0;
	v2 =	vld [tilespmem:s5+$0x6A60]  }
.LBB2_16:
0xa2: {  	p1 =	sne.s32 s23, $0x1380;
	v4 =	vld [tilespmem:s5+$0x6A70];
	_ =	sdelay $0x1  }
.Ltmp7:
0xa3: {  	(pc) =	sbr.rel @p1 .LBB2_16-.Ltmp7, $4  }
0xa4: {  	v3 =	vshra.s32 v3, $0x10  }
0xa5: {  	s25 =	sshra.s32 s23, $0x2;
	[tilespmem:s5+$0x6A50] =	vst v3;
	v2 =	vshra.s32 v2, $0x10  }
0xa6: {  	v3 =	vld [tilespmem:s25+$0x6A50];
	[tilespmem:s5+$0x6A60] =	vst v2;
	v4 =	vshra.s32 v4, $0x10  }
0xa7: {  	s23 =	sadd.s32 $0xC0, s23;
	v2 =	vld [tilespmem:s25+$0x6A60];
	[tilespmem:s5+$0x6A70] =	vst v4;
	s5 =	smov.u32 s25  }
0xa8: {  	v4 =	vld [tilespmem:s5+$0x6A70];
	_ =	sdelay $0x2  }
0xa9: {  	v3 =	vshra.s32 v3, $0x10  }
0xaa: {  	[tilespmem:s5+$0x6A50] =	vst v3;
	v2 =	vshra.s32 v2, $0x10  }
0xab: {  	[tilespmem:s5+$0x6A60] =	vst v2;
	v2 =	vshra.s32 v4, $0x10  }
0xac: {  	[tilespmem:s5+$0x6A70] =	vst v2;
	s5 =	simm.s32 $0x0  }
0xad: {  	v3 =	vld [tilespmem:s5+$0x6F60]  }
0xae: {  	s25 =	simm.s32 $0xC0;
	s23 =	simm.s32 $0x0;
	v2 =	vld [tilespmem:s5+$0x6F70]  }
.LBB2_18:
0xaf: {  	p1 =	sne.s32 s25, $0x1380;
	v4 =	vld [tilespmem:s23+$0x6F80];
	_ =	sdelay $0x1  }
.Ltmp8:
0xb0: {  	(pc) =	sbr.rel @p1 .LBB2_18-.Ltmp8, $4  }
0xb1: {  	v3 =	vshra.s32 v3, $0x10  }
0xb2: {  	s29 =	sshra.s32 s25, $0x2;
	[tilespmem:s23+$0x6F60] =	vst v3;
	v2 =	vshra.s32 v2, $0x10  }
0xb3: {  	v3 =	vld [tilespmem:s29+$0x6F60];
	[tilespmem:s23+$0x6F70] =	vst v2;
	v4 =	vshra.s32 v4, $0x10  }
0xb4: {  	s25 =	sadd.s32 $0xC0, s25;
	v2 =	vld [tilespmem:s29+$0x6F70];
	[tilespmem:s23+$0x6F80] =	vst v4;
	s23 =	smov.u32 s29  }
0xb5: {  	v4 =	vld [tilespmem:s23+$0x6F80];
	_ =	sdelay $0x2  }
0xb6: {  	v3 =	vshra.s32 v3, $0x10  }
0xb7: {  	[tilespmem:s23+$0x6F60] =	vst v3;
	v2 =	vshra.s32 v2, $0x10  }
0xb8: {  	[tilespmem:s23+$0x6F70] =	vst v2;
	v2 =	vshra.s32 v4, $0x10  }
0xb9: {  	[tilespmem:s23+$0x6F80] =	vst v2  }
0xba: {  	v3 =	vld [tilespmem:s5+$0x7470]  }
0xbb: {  	s23 =	simm.s32 $0xC0;
	v2 =	vld [tilespmem:s5+$0x7480]  }
.LBB2_20:
0xbc: {  	p1 =	sne.s32 s23, $0x1380;
	v4 =	vld [tilespmem:s5+$0x7490];
	_ =	sdelay $0x1  }
.Ltmp9:
0xbd: {  	(pc) =	sbr.rel @p1 .LBB2_20-.Ltmp9, $4  }
0xbe: {  	v3 =	vshra.s32 v3, $0x10  }
0xbf: {  	s25 =	sshra.s32 s23, $0x2;
	[tilespmem:s5+$0x7470] =	vst v3;
	v2 =	vshra.s32 v2, $0x10  }
0xc0: {  	v3 =	vld [tilespmem:s25+$0x7470];
	[tilespmem:s5+$0x7480] =	vst v2;
	v4 =	vshra.s32 v4, $0x10  }
0xc1: {  	s23 =	sadd.s32 $0xC0, s23;
	v2 =	vld [tilespmem:s25+$0x7480];
	[tilespmem:s5+$0x7490] =	vst v4;
	s5 =	smov.u32 s25  }
0xc2: {  	v4 =	vld [tilespmem:s5+$0x7490];
	_ =	sdelay $0x2  }
0xc3: {  	v3 =	vshra.s32 v3, $0x10  }
0xc4: {  	[tilespmem:s5+$0x7470] =	vst v3;
	v2 =	vshra.s32 v2, $0x10  }
0xc5: {  	[tilespmem:s5+$0x7480] =	vst v2;
	v2 =	vshra.s32 v4, $0x10  }
0xc6: {  	[tilespmem:s5+$0x7490] =	vst v2;
	s5 =	simm.s32 $0x0  }
0xc7: {  	v3 =	vld [tilespmem:s5+$0x7980]  }
0xc8: {  	s25 =	simm.s32 $0xC0;
	s23 =	simm.s32 $0x0;
	v2 =	vld [tilespmem:s5+$0x7990]  }
.LBB2_22:
0xc9: {  	p1 =	sne.s32 s25, $0x1380;
	v4 =	vld [tilespmem:s23+$0x79A0];
	_ =	sdelay $0x1  }
.Ltmp10:
0xca: {  	(pc) =	sbr.rel @p1 .LBB2_22-.Ltmp10, $4  }
0xcb: {  	v3 =	vshra.s32 v3, $0x10  }
0xcc: {  	s29 =	sshra.s32 s25, $0x2;
	[tilespmem:s23+$0x7980] =	vst v3;
	v2 =	vshra.s32 v2, $0x10  }
0xcd: {  	v3 =	vld [tilespmem:s29+$0x7980];
	[tilespmem:s23+$0x7990] =	vst v2;
	v4 =	vshra.s32 v4, $0x10  }
0xce: {  	s25 =	sadd.s32 $0xC0, s25;
	v2 =	vld [tilespmem:s29+$0x7990];
	[tilespmem:s23+$0x79A0] =	vst v4;
	s23 =	smov.u32 s29  }
0xcf: {  	v4 =	vld [tilespmem:s23+$0x79A0];
	_ =	sdelay $0x2  }
0xd0: {  	v3 =	vshra.s32 v3, $0x10  }
0xd1: {  	[tilespmem:s23+$0x7980] =	vst v3;
	v2 =	vshra.s32 v2, $0x10  }
0xd2: {  	[tilespmem:s23+$0x7990] =	vst v2;
	v2 =	vshra.s32 v4, $0x10  }
0xd3: {  	[tilespmem:s23+$0x79A0] =	vst v2  }
0xd4: {  	v3 =	vld [tilespmem:s5+$0x7E90]  }
0xd5: {  	s23 =	simm.s32 $0xC0;
	v2 =	vld [tilespmem:s5+$0x7EA0]  }
.LBB2_24:
0xd6: {  	p1 =	sne.s32 s23, $0x1380;
	v4 =	vld [tilespmem:s5+$0x7EB0];
	_ =	sdelay $0x1  }
.Ltmp11:
0xd7: {  	(pc) =	sbr.rel @p1 .LBB2_24-.Ltmp11, $4  }
0xd8: {  	v3 =	vshra.s32 v3, $0x10  }
0xd9: {  	s25 =	sshra.s32 s23, $0x2;
	[tilespmem:s5+$0x7E90] =	vst v3;
	v2 =	vshra.s32 v2, $0x10  }
0xda: {  	v3 =	vld [tilespmem:s25+$0x7E90];
	[tilespmem:s5+$0x7EA0] =	vst v2;
	v4 =	vshra.s32 v4, $0x10  }
0xdb: {  	s23 =	sadd.s32 $0xC0, s23;
	v2 =	vld [tilespmem:s25+$0x7EA0];
	[tilespmem:s5+$0x7EB0] =	vst v4;
	s5 =	smov.u32 s25  }
0xdc: {  	v4 =	vld [tilespmem:s5+$0x7EB0];
	_ =	sdelay $0x2  }
0xdd: {  	v3 =	vshra.s32 v3, $0x10  }
0xde: {  	[tilespmem:s5+$0x7E90] =	vst v3;
	v2 =	vshra.s32 v2, $0x10  }
0xdf: {  	[tilespmem:s5+$0x7EA0] =	vst v2;
	v2 =	vshra.s32 v4, $0x10  }
0xe0: {  	[tilespmem:s5+$0x7EB0] =	vst v2;
	s5 =	simm.s32 $0x0  }
0xe1: {  	v3 =	vld [tilespmem:s5+$0x83A0]  }
0xe2: {  	s25 =	simm.s32 $0xC0;
	s23 =	simm.s32 $0x0;
	v2 =	vld [tilespmem:s5+$0x83B0]  }
.LBB2_26:
0xe3: {  	p1 =	sne.s32 s25, $0x1380;
	v4 =	vld [tilespmem:s23+$0x83C0];
	_ =	sdelay $0x1  }
.Ltmp12:
0xe4: {  	(pc) =	sbr.rel @p1 .LBB2_26-.Ltmp12, $4  }
0xe5: {  	v3 =	vshra.s32 v3, $0x10  }
0xe6: {  	s29 =	sshra.s32 s25, $0x2;
	[tilespmem:s23+$0x83A0] =	vst v3;
	v2 =	vshra.s32 v2, $0x10  }
0xe7: {  	v3 =	vld [tilespmem:s29+$0x83A0];
	[tilespmem:s23+$0x83B0] =	vst v2;
	v4 =	vshra.s32 v4, $0x10  }
0xe8: {  	s25 =	sadd.s32 $0xC0, s25;
	v2 =	vld [tilespmem:s29+$0x83B0];
	[tilespmem:s23+$0x83C0] =	vst v4;
	s23 =	smov.u32 s29  }
0xe9: {  	v4 =	vld [tilespmem:s23+$0x83C0];
	_ =	sdelay $0x2  }
0xea: {  	v3 =	vshra.s32 v3, $0x10  }
0xeb: {  	[tilespmem:s23+$0x83A0] =	vst v3;
	v2 =	vshra.s32 v2, $0x10  }
0xec: {  	[tilespmem:s23+$0x83B0] =	vst v2;
	v2 =	vshra.s32 v4, $0x10  }
0xed: {  	[tilespmem:s23+$0x83C0] =	vst v2  }
0xee: {  	v3 =	vld [tilespmem:s5+$0x88B0]  }
0xef: {  	s23 =	simm.s32 $0xC0;
	v2 =	vld [tilespmem:s5+$0x88C0]  }
.LBB2_28:
0xf0: {  	p1 =	sne.s32 s23, $0x1380;
	v4 =	vld [tilespmem:s5+$0x88D0];
	_ =	sdelay $0x1  }
.Ltmp13:
0xf1: {  	(pc) =	sbr.rel @p1 .LBB2_28-.Ltmp13, $4  }
0xf2: {  	v3 =	vshra.s32 v3, $0x10  }
0xf3: {  	s25 =	sshra.s32 s23, $0x2;
	[tilespmem:s5+$0x88B0] =	vst v3;
	v2 =	vshra.s32 v2, $0x10  }
0xf4: {  	v3 =	vld [tilespmem:s25+$0x88B0];
	[tilespmem:s5+$0x88C0] =	vst v2;
	v4 =	vshra.s32 v4, $0x10  }
0xf5: {  	s23 =	sadd.s32 $0xC0, s23;
	v2 =	vld [tilespmem:s25+$0x88C0];
	[tilespmem:s5+$0x88D0] =	vst v4;
	s5 =	smov.u32 s25  }
0xf6: {  	v4 =	vld [tilespmem:s5+$0x88D0];
	_ =	sdelay $0x2  }
0xf7: {  	v3 =	vshra.s32 v3, $0x10  }
0xf8: {  	[tilespmem:s5+$0x88B0] =	vst v3;
	v2 =	vshra.s32 v2, $0x10  }
0xf9: {  	[tilespmem:s5+$0x88C0] =	vst v2;
	v2 =	vshra.s32 v4, $0x10  }
0xfa: {  	[tilespmem:s5+$0x88D0] =	vst v2;
	s5 =	simm.s32 $0x0  }
0xfb: {  	v3 =	vld [tilespmem:s5+$0x8DC0]  }
0xfc: {  	s25 =	simm.s32 $0xC0;
	s23 =	simm.s32 $0x0;
	v2 =	vld [tilespmem:s5+$0x8DD0]  }
.LBB2_30:
0xfd: {  	p1 =	sne.s32 s25, $0x1380;
	v4 =	vld [tilespmem:s23+$0x8DE0];
	_ =	sdelay $0x1  }
.Ltmp14:
0xfe: {  	(pc) =	sbr.rel @p1 .LBB2_30-.Ltmp14, $4  }
0xff: {  	v3 =	vshra.s32 v3, $0x10  }
0x100: {  	s29 =	sshra.s32 s25, $0x2;
	[tilespmem:s23+$0x8DC0] =	vst v3;
	v2 =	vshra.s32 v2, $0x10  }
0x101: {  	v3 =	vld [tilespmem:s29+$0x8DC0];
	[tilespmem:s23+$0x8DD0] =	vst v2;
	v4 =	vshra.s32 v4, $0x10  }
0x102: {  	s25 =	sadd.s32 $0xC0, s25;
	v2 =	vld [tilespmem:s29+$0x8DD0];
	[tilespmem:s23+$0x8DE0] =	vst v4;
	s23 =	smov.u32 s29  }
0x103: {  	v4 =	vld [tilespmem:s23+$0x8DE0];
	_ =	sdelay $0x2  }
0x104: {  	v3 =	vshra.s32 v3, $0x10  }
0x105: {  	[tilespmem:s23+$0x8DC0] =	vst v3;
	v2 =	vshra.s32 v2, $0x10  }
0x106: {  	[tilespmem:s23+$0x8DD0] =	vst v2;
	v2 =	vshra.s32 v4, $0x10  }
0x107: {  	[tilespmem:s23+$0x8DE0] =	vst v2  }
0x108: {  	v3 =	vld [tilespmem:s5+$0x92D0]  }
0x109: {  	s23 =	simm.s32 $0xC0;
	v2 =	vld [tilespmem:s5+$0x92E0]  }
.LBB2_32:
0x10a: {  	p1 =	sne.s32 s23, $0x1380;
	v4 =	vld [tilespmem:s5+$0x92F0];
	_ =	sdelay $0x1  }
.Ltmp15:
0x10b: {  	(pc) =	sbr.rel @p1 .LBB2_32-.Ltmp15, $4  }
0x10c: {  	v3 =	vshra.s32 v3, $0x10  }
0x10d: {  	s25 =	sshra.s32 s23, $0x2;
	[tilespmem:s5+$0x92D0] =	vst v3;
	v2 =	vshra.s32 v2, $0x10  }
0x10e: {  	v3 =	vld [tilespmem:s25+$0x92D0];
	[tilespmem:s5+$0x92E0] =	vst v2;
	v4 =	vshra.s32 v4, $0x10  }
0x10f: {  	s23 =	sadd.s32 $0xC0, s23;
	v2 =	vld [tilespmem:s25+$0x92E0];
	[tilespmem:s5+$0x92F0] =	vst v4;
	s5 =	smov.u32 s25  }
0x110: {  	v4 =	vld [tilespmem:s5+$0x92F0];
	_ =	sdelay $0x2  }
0x111: {  	v3 =	vshra.s32 v3, $0x10  }
0x112: {  	[tilespmem:s5+$0x92D0] =	vst v3;
	v2 =	vshra.s32 v2, $0x10  }
0x113: {  	[tilespmem:s5+$0x92E0] =	vst v2;
	v2 =	vshra.s32 v4, $0x10  }
0x114: {  	[tilespmem:s5+$0x92F0] =	vst v2;
	s5 =	simm.s32 $0x0  }
0x115: {  	v3 =	vld [tilespmem:s5+$0x97E0]  }
0x116: {  	s25 =	simm.s32 $0xC0;
	s23 =	simm.s32 $0x0;
	v2 =	vld [tilespmem:s5+$0x97F0]  }
.LBB2_34:
0x117: {  	p1 =	sne.s32 s25, $0x1380;
	v4 =	vld [tilespmem:s23+$0x9800];
	_ =	sdelay $0x1  }
.Ltmp16:
0x118: {  	(pc) =	sbr.rel @p1 .LBB2_34-.Ltmp16, $4  }
0x119: {  	v3 =	vshra.s32 v3, $0x10  }
0x11a: {  	s29 =	sshra.s32 s25, $0x2;
	[tilespmem:s23+$0x97E0] =	vst v3;
	v2 =	vshra.s32 v2, $0x10  }
0x11b: {  	v3 =	vld [tilespmem:s29+$0x97E0];
	[tilespmem:s23+$0x97F0] =	vst v2;
	v4 =	vshra.s32 v4, $0x10  }
0x11c: {  	s25 =	sadd.s32 $0xC0, s25;
	v2 =	vld [tilespmem:s29+$0x97F0];
	[tilespmem:s23+$0x9800] =	vst v4;
	s23 =	smov.u32 s29  }
0x11d: {  	v4 =	vld [tilespmem:s23+$0x9800];
	_ =	sdelay $0x2  }
0x11e: {  	v3 =	vshra.s32 v3, $0x10  }
0x11f: {  	[tilespmem:s23+$0x97E0] =	vst v3;
	v2 =	vshra.s32 v2, $0x10  }
0x120: {  	[tilespmem:s23+$0x97F0] =	vst v2;
	v2 =	vshra.s32 v4, $0x10  }
0x121: {  	[tilespmem:s23+$0x9800] =	vst v2  }
0x122: {  	v3 =	vld [tilespmem:s5+$0x9CF0]  }
0x123: {  	s23 =	simm.s32 $0xC0;
	v2 =	vld [tilespmem:s5+$0x9D00]  }
.LBB2_36:
0x124: {  	p1 =	sne.s32 s23, $0x1380;
	v4 =	vld [tilespmem:s5+$0x9D10];
	_ =	sdelay $0x1  }
.Ltmp17:
0x125: {  	(pc) =	sbr.rel @p1 .LBB2_36-.Ltmp17, $4  }
0x126: {  	v3 =	vshra.s32 v3, $0x10  }
0x127: {  	s25 =	sshra.s32 s23, $0x2;
	[tilespmem:s5+$0x9CF0] =	vst v3;
	v2 =	vshra.s32 v2, $0x10  }
0x128: {  	v3 =	vld [tilespmem:s25+$0x9CF0];
	[tilespmem:s5+$0x9D00] =	vst v2;
	v4 =	vshra.s32 v4, $0x10  }
0x129: {  	s23 =	sadd.s32 $0xC0, s23;
	v2 =	vld [tilespmem:s25+$0x9D00];
	[tilespmem:s5+$0x9D10] =	vst v4;
	s5 =	smov.u32 s25  }
0x12a: {  	v4 =	vld [tilespmem:s5+$0x9D10];
	_ =	sdelay $0x2  }
0x12b: {  	v3 =	vshra.s32 v3, $0x10  }
0x12c: {  	[tilespmem:s5+$0x9CF0] =	vst v3;
	v2 =	vshra.s32 v2, $0x10  }
0x12d: {  	[tilespmem:s5+$0x9D00] =	vst v2;
	v2 =	vshra.s32 v4, $0x10  }
0x12e: {  	[tilespmem:s5+$0x9D10] =	vst v2;
	s5 =	simm.s32 $0x0  }
0x12f: {  	v4 =	vld [tilespmem:s5+$0x0]  }
0x130: {  	v5 =	vld [tilespmem:s5+$0x10]  }
0x131: {  	v6 =	vld [tilespmem:s5+$0x20];
	_ =	sdelay $0x2  }
0x132: {  	v2 =	vand.u32 $0xFFFF, v4  }
0x133: {  	s23 =	simm.s32 $0x30;
	v3 =	vand.u32 $0xFFFF, v5;
	[tilespmem:s5+$0x0] =	vst v2  }
0x134: {  	v7 =	vand.u32 $0xFFFF, v6;
	v2 =	vld [tilespmem:s23+$0x0];
	[tilespmem:s5+$0x10] =	vst v3  }
0x135: {  	s29 =	simm.s32 $0x180;
	s25 =	simm.s32 $0x0;
	v4 =	vshra.s32 v4, $0x10;
	v5 =	vshra.s32 v5, $0x10;
	v6 =	vshra.s32 v6, $0x10;
	v3 =	vld [tilespmem:s23+$0x10];
	[tilespmem:s5+$0x20] =	vst v7  }
.LBB2_38:
0x136: {  	p1 =	sne.s32 s29, $0x1380;
	v7 =	vld [tilespmem:s23+$0x20];
	[tilespmem:s25+$0x2880] =	vst v4  }
0x137: {  	[tilespmem:s25+$0x2890] =	vst v5  }
.Ltmp18:
0x138: {  	[tilespmem:s25+$0x28A0] =	vst v6;
	s25 =	smov.u32 s23;
	(pc) =	sbr.rel @p1 .LBB2_38-.Ltmp18, $4  }
0x139: {  	v4 =	vshra.s32 v2, $0x10;
	v2 =	vand.u32 $0xFFFF, v2  }
0x13a: {  	s23 =	sshra.s32 s29, $0x2;
	[tilespmem:s25+$0x0] =	vst v2;
	v5 =	vshra.s32 v3, $0x10;
	v3 =	vand.u32 $0xFFFF, v3  }
0x13b: {  	v2 =	vld [tilespmem:s23+$0x0];
	[tilespmem:s25+$0x10] =	vst v3;
	v6 =	vshra.s32 v7, $0x10;
	v7 =	vand.u32 $0xFFFF, v7  }
0x13c: {  	s29 =	sadd.s32 $0xC0, s29;
	v3 =	vld [tilespmem:s23+$0x10];
	[tilespmem:s25+$0x20] =	vst v7  }
0x13d: {  	_ = 	snop  }
0x13e: {  	v7 =	vld [tilespmem:s23+$0x20];
	[tilespmem:s25+$0x2880] =	vst v4  }
0x13f: {  	[tilespmem:s25+$0x2890] =	vst v5  }
0x140: {  	[tilespmem:s25+$0x28A0] =	vst v6;
	v4 =	vand.u32 $0xFFFF, v2  }
0x141: {  	v2 =	vshra.s32 v2, $0x10;
	[tilespmem:s23+$0x0] =	vst v4  }
0x142: {  	v4 =	vand.u32 $0xFFFF, v3;
	[tilespmem:s23+$0x2880] =	vst v2  }
0x143: {  	v3 =	vshra.s32 v3, $0x10;
	[tilespmem:s23+$0x10] =	vst v4  }
0x144: {  	v4 =	vand.u32 $0xFFFF, v7;
	[tilespmem:s23+$0x2890] =	vst v3  }
0x145: {  	v2 =	vshra.s32 v7, $0x10;
	[tilespmem:s23+$0x20] =	vst v4  }
0x146: {  	[tilespmem:s23+$0x28A0] =	vst v2  }
0x147: {  	v4 =	vld [tilespmem:s5+$0x510]  }
0x148: {  	v5 =	vld [tilespmem:s5+$0x520]  }
0x149: {  	v6 =	vld [tilespmem:s5+$0x530];
	_ =	sdelay $0x2  }
0x14a: {  	v2 =	vand.u32 $0xFFFF, v4  }
0x14b: {  	s23 =	simm.s32 $0x30;
	v3 =	vand.u32 $0xFFFF, v5;
	[tilespmem:s5+$0x510] =	vst v2  }
0x14c: {  	v7 =	vand.u32 $0xFFFF, v6;
	v2 =	vld [tilespmem:s23+$0x510];
	[tilespmem:s5+$0x520] =	vst v3  }
0x14d: {  	s25 =	simm.s32 $0x180;
	v4 =	vshra.s32 v4, $0x10;
	v5 =	vshra.s32 v5, $0x10;
	v6 =	vshra.s32 v6, $0x10;
	v3 =	vld [tilespmem:s23+$0x520];
	[tilespmem:s5+$0x530] =	vst v7  }
.LBB2_40:
0x14e: {  	p1 =	sne.s32 s25, $0x1380;
	v7 =	vld [tilespmem:s23+$0x530];
	[tilespmem:s5+$0x2D90] =	vst v4  }
0x14f: {  	[tilespmem:s5+$0x2DA0] =	vst v5  }
.Ltmp19:
0x150: {  	[tilespmem:s5+$0x2DB0] =	vst v6;
	s5 =	smov.u32 s23;
	(pc) =	sbr.rel @p1 .LBB2_40-.Ltmp19, $4  }
0x151: {  	v4 =	vshra.s32 v2, $0x10;
	v2 =	vand.u32 $0xFFFF, v2  }
0x152: {  	s23 =	sshra.s32 s25, $0x2;
	[tilespmem:s5+$0x510] =	vst v2;
	v5 =	vshra.s32 v3, $0x10;
	v3 =	vand.u32 $0xFFFF, v3  }
0x153: {  	v2 =	vld [tilespmem:s23+$0x510];
	[tilespmem:s5+$0x520] =	vst v3;
	v6 =	vshra.s32 v7, $0x10;
	v7 =	vand.u32 $0xFFFF, v7  }
0x154: {  	s25 =	sadd.s32 $0xC0, s25;
	v3 =	vld [tilespmem:s23+$0x520];
	[tilespmem:s5+$0x530] =	vst v7  }
0x155: {  	_ = 	snop  }
0x156: {  	v7 =	vld [tilespmem:s23+$0x530];
	[tilespmem:s5+$0x2D90] =	vst v4  }
0x157: {  	[tilespmem:s5+$0x2DA0] =	vst v5  }
0x158: {  	[tilespmem:s5+$0x2DB0] =	vst v6;
	v4 =	vand.u32 $0xFFFF, v2  }
0x159: {  	v2 =	vshra.s32 v2, $0x10;
	[tilespmem:s23+$0x510] =	vst v4  }
0x15a: {  	v4 =	vand.u32 $0xFFFF, v3;
	[tilespmem:s23+$0x2D90] =	vst v2  }
0x15b: {  	p2 =	por $0x1, $0x1;
	v3 =	vshra.s32 v3, $0x10;
	[tilespmem:s23+$0x520] =	vst v4  }
.Ltmp20:
0x15c: {  	v4 =	vand.u32 $0xFFFF, v7;
	[tilespmem:s23+$0x2DA0] =	vst v3;
	(pc) =	sbr.rel @!p2 .LBB2_42-.Ltmp20, $4  }
0x15d: {  	v2 =	vshra.s32 v7, $0x10;
	[tilespmem:s23+$0x530] =	vst v4  }
0x15e: {  	s5 =	simm.s32 $0x0;
	[tilespmem:s23+$0x2DB0] =	vst v2  }
0x15f: {  	v3 =	vld [tilespmem:s5+$0xA20]  }
0x160: {  	p1 =	por $0x0, $0x0;
	v2 =	vld [tilespmem:s5+$0xA30]  }
0x161: {  	v6 =	vld [tilespmem:s5+$0xA40]  }
0x162: {  	p4 =	por $0x1, $0x1  }
.Ltmp21:
0x163: {  	_ = 	snop;
	(pc) =	sbr.rel @!p4 .LBB2_44-.Ltmp21, $4  }
0x164: {  	v5 =	vand.u32 $0xFFFF, v3  }
0x165: {  	s23 =	simm.s32 $0x30;
	[tilespmem:s5+$0xA20] =	vst v5;
	v7 =	vand.u32 $0xFFFF, v2  }
0x166: {  	v4 =	vshra.s32 v3, $0x10;
	v3 =	vld [tilespmem:s23+$0xA20];
	[tilespmem:s5+$0xA30] =	vst v7;
	v7 =	vand.u32 $0xFFFF, v6  }
0x167: {  	s29 =	simm.s32 $0x180;
	p3 =	por $0x1, $0x1;
	s25 =	simm.s32 $0x0;
	v5 =	vshra.s32 v2, $0x10;
	v6 =	vshra.s32 v6, $0x10;
	v2 =	vld [tilespmem:s23+$0xA30];
	[tilespmem:s5+$0xA40] =	vst v7  }
.LBB2_45:
0x168: {  	p4 =	sne.s32 s29, $0x1380;
	v7 =	vld [tilespmem:s23+$0xA40];
	[tilespmem:s25+$0x32A0] =	vst v4  }
0x169: {  	[tilespmem:s25+$0x32B0] =	vst v5  }
.Ltmp22:
0x16a: {  	[tilespmem:s25+$0x32C0] =	vst v6;
	s25 =	smov.u32 s23;
	(pc) =	sbr.rel @p4 .LBB2_45-.Ltmp22, $4  }
0x16b: {  	v4 =	vshra.s32 v3, $0x10;
	v3 =	vand.u32 $0xFFFF, v3  }
0x16c: {  	s23 =	sshra.s32 s29, $0x2;
	[tilespmem:s25+$0xA20] =	vst v3;
	v5 =	vshra.s32 v2, $0x10;
	v2 =	vand.u32 $0xFFFF, v2  }
0x16d: {  	v3 =	vld [tilespmem:s23+$0xA20];
	[tilespmem:s25+$0xA30] =	vst v2;
	v6 =	vshra.s32 v7, $0x10;
	v7 =	vand.u32 $0xFFFF, v7  }
0x16e: {  	s29 =	sadd.s32 $0xC0, s29;
	v2 =	vld [tilespmem:s23+$0xA30];
	[tilespmem:s25+$0xA40] =	vst v7  }
.LBB2_46:
0x16f: {  	_ = 	snop  }
0x170: {  	v7 =	vld [tilespmem:s23+$0xA40];
	[tilespmem:s25+$0x32A0] =	vst @p3 v4  }
0x171: {  	[tilespmem:s25+$0x32B0] =	vst @p3 v5  }
0x172: {  	[tilespmem:s25+$0x32C0] =	vst @p3 v6;
	v4 =	vand.u32 $0xFFFF, v3  }
0x173: {  	v3 =	vshra.s32 v3, $0x10;
	[tilespmem:s23+$0xA20] =	vst v4  }
0x174: {  	v4 =	vand.u32 $0xFFFF, v2;
	[tilespmem:s23+$0x32A0] =	vst v3  }
0x175: {  	v2 =	vshra.s32 v2, $0x10;
	[tilespmem:s23+$0xA30] =	vst v4  }
.Ltmp23:
0x176: {  	v4 =	vand.u32 $0xFFFF, v7;
	[tilespmem:s23+$0x32B0] =	vst v2;
	(pc) =	sbr.rel @!p2 .LBB2_47-.Ltmp23, $4  }
0x177: {  	v3 =	vshra.s32 v7, $0x10;
	[tilespmem:s23+$0xA40] =	vst v4  }
0x178: {  	[tilespmem:s23+$0x32C0] =	vst v3  }
0x179: {  	v3 =	vld [tilespmem:s5+$0xF30]  }
0x17a: {  	v2 =	vld [tilespmem:s5+$0xF40]  }
0x17b: {  	v6 =	vld [tilespmem:s5+$0xF50]  }
0x17c: {  	p2 =	por $0x1, $0x1  }
.Ltmp24:
0x17d: {  	_ = 	snop;
	(pc) =	sbr.rel @!p2 .LBB2_50-.Ltmp24, $4  }
0x17e: {  	v5 =	vand.u32 $0xFFFF, v3  }
0x17f: {  	s23 =	simm.s32 $0x30;
	[tilespmem:s5+$0xF30] =	vst v5;
	v7 =	vand.u32 $0xFFFF, v2  }
0x180: {  	v4 =	vshra.s32 v3, $0x10;
	v3 =	vld [tilespmem:s23+$0xF30];
	[tilespmem:s5+$0xF40] =	vst v7;
	v7 =	vand.u32 $0xFFFF, v6  }
0x181: {  	s25 =	simm.s32 $0x180;
	p1 =	por $0x1, $0x1;
	v5 =	vshra.s32 v2, $0x10;
	v6 =	vshra.s32 v6, $0x10;
	v2 =	vld [tilespmem:s23+$0xF40];
	[tilespmem:s5+$0xF50] =	vst v7  }
.LBB2_49:
0x182: {  	p2 =	sne.s32 s25, $0x1380;
	v7 =	vld [tilespmem:s23+$0xF50];
	[tilespmem:s5+$0x37B0] =	vst v4  }
0x183: {  	[tilespmem:s5+$0x37C0] =	vst v5  }
.Ltmp25:
0x184: {  	[tilespmem:s5+$0x37D0] =	vst v6;
	s5 =	smov.u32 s23;
	(pc) =	sbr.rel @p2 .LBB2_49-.Ltmp25, $4  }
0x185: {  	v4 =	vshra.s32 v3, $0x10;
	v3 =	vand.u32 $0xFFFF, v3  }
0x186: {  	s23 =	sshra.s32 s25, $0x2;
	[tilespmem:s5+$0xF30] =	vst v3;
	v5 =	vshra.s32 v2, $0x10;
	v2 =	vand.u32 $0xFFFF, v2  }
0x187: {  	v3 =	vld [tilespmem:s23+$0xF30];
	[tilespmem:s5+$0xF40] =	vst v2;
	v6 =	vshra.s32 v7, $0x10;
	v7 =	vand.u32 $0xFFFF, v7  }
0x188: {  	s25 =	sadd.s32 $0xC0, s25;
	v2 =	vld [tilespmem:s23+$0xF40];
	[tilespmem:s5+$0xF50] =	vst v7  }
.LBB2_50:
0x189: {  	_ = 	snop  }
0x18a: {  	v7 =	vld [tilespmem:s23+$0xF50];
	[tilespmem:s5+$0x37B0] =	vst @p1 v4  }
0x18b: {  	[tilespmem:s5+$0x37C0] =	vst @p1 v5  }
0x18c: {  	[tilespmem:s5+$0x37D0] =	vst @p1 v6;
	v4 =	vand.u32 $0xFFFF, v3  }
0x18d: {  	v3 =	vshra.s32 v3, $0x10;
	[tilespmem:s23+$0xF30] =	vst v4  }
0x18e: {  	v4 =	vand.u32 $0xFFFF, v2;
	[tilespmem:s23+$0x37B0] =	vst v3  }
0x18f: {  	p2 =	por $0x1, $0x1;
	v2 =	vshra.s32 v2, $0x10;
	[tilespmem:s23+$0xF40] =	vst v4  }
.Ltmp26:
0x190: {  	v4 =	vand.u32 $0xFFFF, v7;
	[tilespmem:s23+$0x37C0] =	vst v2;
	(pc) =	sbr.rel @!p2 .LBB2_51-.Ltmp26, $4  }
0x191: {  	v3 =	vshra.s32 v7, $0x10;
	[tilespmem:s23+$0xF50] =	vst v4  }
0x192: {  	s5 =	simm.s32 $0x0;
	[tilespmem:s23+$0x37D0] =	vst v3  }
0x193: {  	v3 =	vld [tilespmem:s5+$0x1440]  }
0x194: {  	p1 =	por $0x0, $0x0;
	v2 =	vld [tilespmem:s5+$0x1450]  }
0x195: {  	v6 =	vld [tilespmem:s5+$0x1460]  }
0x196: {  	p4 =	por $0x1, $0x1  }
.Ltmp27:
0x197: {  	_ = 	snop;
	(pc) =	sbr.rel @!p4 .LBB2_53-.Ltmp27, $4  }
0x198: {  	v5 =	vand.u32 $0xFFFF, v3  }
0x199: {  	s23 =	simm.s32 $0x30;
	[tilespmem:s5+$0x1440] =	vst v5;
	v7 =	vand.u32 $0xFFFF, v2  }
0x19a: {  	v4 =	vshra.s32 v3, $0x10;
	v3 =	vld [tilespmem:s23+$0x1440];
	[tilespmem:s5+$0x1450] =	vst v7;
	v7 =	vand.u32 $0xFFFF, v6  }
0x19b: {  	s29 =	simm.s32 $0x180;
	p3 =	por $0x1, $0x1;
	s25 =	simm.s32 $0x0;
	v5 =	vshra.s32 v2, $0x10;
	v6 =	vshra.s32 v6, $0x10;
	v2 =	vld [tilespmem:s23+$0x1450];
	[tilespmem:s5+$0x1460] =	vst v7  }
.LBB2_54:
0x19c: {  	p4 =	sne.s32 s29, $0x1380;
	v7 =	vld [tilespmem:s23+$0x1460];
	[tilespmem:s25+$0x3CC0] =	vst v4  }
0x19d: {  	[tilespmem:s25+$0x3CD0] =	vst v5  }
.Ltmp28:
0x19e: {  	[tilespmem:s25+$0x3CE0] =	vst v6;
	s25 =	smov.u32 s23;
	(pc) =	sbr.rel @p4 .LBB2_54-.Ltmp28, $4  }
0x19f: {  	v4 =	vshra.s32 v3, $0x10;
	v3 =	vand.u32 $0xFFFF, v3  }
0x1a0: {  	s23 =	sshra.s32 s29, $0x2;
	[tilespmem:s25+$0x1440] =	vst v3;
	v5 =	vshra.s32 v2, $0x10;
	v2 =	vand.u32 $0xFFFF, v2  }
0x1a1: {  	v3 =	vld [tilespmem:s23+$0x1440];
	[tilespmem:s25+$0x1450] =	vst v2;
	v6 =	vshra.s32 v7, $0x10;
	v7 =	vand.u32 $0xFFFF, v7  }
0x1a2: {  	s29 =	sadd.s32 $0xC0, s29;
	v2 =	vld [tilespmem:s23+$0x1450];
	[tilespmem:s25+$0x1460] =	vst v7  }
.LBB2_55:
0x1a3: {  	_ = 	snop  }
0x1a4: {  	v7 =	vld [tilespmem:s23+$0x1460];
	[tilespmem:s25+$0x3CC0] =	vst @p3 v4  }
0x1a5: {  	[tilespmem:s25+$0x3CD0] =	vst @p3 v5  }
0x1a6: {  	[tilespmem:s25+$0x3CE0] =	vst @p3 v6;
	v4 =	vand.u32 $0xFFFF, v3  }
0x1a7: {  	v3 =	vshra.s32 v3, $0x10;
	[tilespmem:s23+$0x1440] =	vst v4  }
0x1a8: {  	v4 =	vand.u32 $0xFFFF, v2;
	[tilespmem:s23+$0x3CC0] =	vst v3  }
0x1a9: {  	v2 =	vshra.s32 v2, $0x10;
	[tilespmem:s23+$0x1450] =	vst v4  }
.Ltmp29:
0x1aa: {  	v4 =	vand.u32 $0xFFFF, v7;
	[tilespmem:s23+$0x3CD0] =	vst v2;
	(pc) =	sbr.rel @!p2 .LBB2_56-.Ltmp29, $4  }
0x1ab: {  	v3 =	vshra.s32 v7, $0x10;
	[tilespmem:s23+$0x1460] =	vst v4  }
0x1ac: {  	[tilespmem:s23+$0x3CE0] =	vst v3  }
0x1ad: {  	v3 =	vld [tilespmem:s5+$0x1950]  }
0x1ae: {  	v2 =	vld [tilespmem:s5+$0x1960]  }
0x1af: {  	v6 =	vld [tilespmem:s5+$0x1970]  }
0x1b0: {  	p2 =	por $0x1, $0x1  }
.Ltmp30:
0x1b1: {  	_ = 	snop;
	(pc) =	sbr.rel @!p2 .LBB2_59-.Ltmp30, $4  }
0x1b2: {  	v5 =	vand.u32 $0xFFFF, v3  }
0x1b3: {  	s23 =	simm.s32 $0x30;
	[tilespmem:s5+$0x1950] =	vst v5;
	v7 =	vand.u32 $0xFFFF, v2  }
0x1b4: {  	v4 =	vshra.s32 v3, $0x10;
	v3 =	vld [tilespmem:s23+$0x1950];
	[tilespmem:s5+$0x1960] =	vst v7;
	v7 =	vand.u32 $0xFFFF, v6  }
0x1b5: {  	s25 =	simm.s32 $0x180;
	p1 =	por $0x1, $0x1;
	v5 =	vshra.s32 v2, $0x10;
	v6 =	vshra.s32 v6, $0x10;
	v2 =	vld [tilespmem:s23+$0x1960];
	[tilespmem:s5+$0x1970] =	vst v7  }
.LBB2_58:
0x1b6: {  	p2 =	sne.s32 s25, $0x1380;
	v7 =	vld [tilespmem:s23+$0x1970];
	[tilespmem:s5+$0x41D0] =	vst v4  }
0x1b7: {  	[tilespmem:s5+$0x41E0] =	vst v5  }
.Ltmp31:
0x1b8: {  	[tilespmem:s5+$0x41F0] =	vst v6;
	s5 =	smov.u32 s23;
	(pc) =	sbr.rel @p2 .LBB2_58-.Ltmp31, $4  }
0x1b9: {  	v4 =	vshra.s32 v3, $0x10;
	v3 =	vand.u32 $0xFFFF, v3  }
0x1ba: {  	s23 =	sshra.s32 s25, $0x2;
	[tilespmem:s5+$0x1950] =	vst v3;
	v5 =	vshra.s32 v2, $0x10;
	v2 =	vand.u32 $0xFFFF, v2  }
0x1bb: {  	v3 =	vld [tilespmem:s23+$0x1950];
	[tilespmem:s5+$0x1960] =	vst v2;
	v6 =	vshra.s32 v7, $0x10;
	v7 =	vand.u32 $0xFFFF, v7  }
0x1bc: {  	s25 =	sadd.s32 $0xC0, s25;
	v2 =	vld [tilespmem:s23+$0x1960];
	[tilespmem:s5+$0x1970] =	vst v7  }
.LBB2_59:
0x1bd: {  	_ = 	snop  }
0x1be: {  	v7 =	vld [tilespmem:s23+$0x1970];
	[tilespmem:s5+$0x41D0] =	vst @p1 v4  }
0x1bf: {  	[tilespmem:s5+$0x41E0] =	vst @p1 v5  }
0x1c0: {  	[tilespmem:s5+$0x41F0] =	vst @p1 v6;
	v4 =	vand.u32 $0xFFFF, v3  }
0x1c1: {  	v3 =	vshra.s32 v3, $0x10;
	[tilespmem:s23+$0x1950] =	vst v4  }
0x1c2: {  	v4 =	vand.u32 $0xFFFF, v2;
	[tilespmem:s23+$0x41D0] =	vst v3  }
0x1c3: {  	p2 =	por $0x1, $0x1;
	v2 =	vshra.s32 v2, $0x10;
	[tilespmem:s23+$0x1960] =	vst v4  }
.Ltmp32:
0x1c4: {  	v4 =	vand.u32 $0xFFFF, v7;
	[tilespmem:s23+$0x41E0] =	vst v2;
	(pc) =	sbr.rel @!p2 .LBB2_60-.Ltmp32, $4  }
0x1c5: {  	v3 =	vshra.s32 v7, $0x10;
	[tilespmem:s23+$0x1970] =	vst v4  }
0x1c6: {  	s5 =	simm.s32 $0x0;
	[tilespmem:s23+$0x41F0] =	vst v3  }
0x1c7: {  	v3 =	vld [tilespmem:s5+$0x1E60]  }
0x1c8: {  	p1 =	por $0x0, $0x0;
	v2 =	vld [tilespmem:s5+$0x1E70]  }
0x1c9: {  	v6 =	vld [tilespmem:s5+$0x1E80]  }
0x1ca: {  	p4 =	por $0x1, $0x1  }
.Ltmp33:
0x1cb: {  	_ = 	snop;
	(pc) =	sbr.rel @!p4 .LBB2_62-.Ltmp33, $4  }
0x1cc: {  	v5 =	vand.u32 $0xFFFF, v3  }
0x1cd: {  	s23 =	simm.s32 $0x30;
	[tilespmem:s5+$0x1E60] =	vst v5;
	v7 =	vand.u32 $0xFFFF, v2  }
0x1ce: {  	v4 =	vshra.s32 v3, $0x10;
	v3 =	vld [tilespmem:s23+$0x1E60];
	[tilespmem:s5+$0x1E70] =	vst v7;
	v7 =	vand.u32 $0xFFFF, v6  }
0x1cf: {  	s29 =	simm.s32 $0x180;
	p3 =	por $0x1, $0x1;
	s25 =	simm.s32 $0x0;
	v5 =	vshra.s32 v2, $0x10;
	v6 =	vshra.s32 v6, $0x10;
	v2 =	vld [tilespmem:s23+$0x1E70];
	[tilespmem:s5+$0x1E80] =	vst v7  }
.LBB2_63:
0x1d0: {  	p4 =	sne.s32 s29, $0x1380;
	v7 =	vld [tilespmem:s23+$0x1E80];
	[tilespmem:s25+$0x46E0] =	vst v4  }
0x1d1: {  	[tilespmem:s25+$0x46F0] =	vst v5  }
.Ltmp34:
0x1d2: {  	[tilespmem:s25+$0x4700] =	vst v6;
	s25 =	smov.u32 s23;
	(pc) =	sbr.rel @p4 .LBB2_63-.Ltmp34, $4  }
0x1d3: {  	v4 =	vshra.s32 v3, $0x10;
	v3 =	vand.u32 $0xFFFF, v3  }
0x1d4: {  	s23 =	sshra.s32 s29, $0x2;
	[tilespmem:s25+$0x1E60] =	vst v3;
	v5 =	vshra.s32 v2, $0x10;
	v2 =	vand.u32 $0xFFFF, v2  }
0x1d5: {  	v3 =	vld [tilespmem:s23+$0x1E60];
	[tilespmem:s25+$0x1E70] =	vst v2;
	v6 =	vshra.s32 v7, $0x10;
	v7 =	vand.u32 $0xFFFF, v7  }
0x1d6: {  	s29 =	sadd.s32 $0xC0, s29;
	v2 =	vld [tilespmem:s23+$0x1E70];
	[tilespmem:s25+$0x1E80] =	vst v7  }
.LBB2_64:
0x1d7: {  	_ = 	snop  }
0x1d8: {  	v7 =	vld [tilespmem:s23+$0x1E80];
	[tilespmem:s25+$0x46E0] =	vst @p3 v4  }
0x1d9: {  	[tilespmem:s25+$0x46F0] =	vst @p3 v5  }
0x1da: {  	[tilespmem:s25+$0x4700] =	vst @p3 v6;
	v4 =	vand.u32 $0xFFFF, v3  }
0x1db: {  	v3 =	vshra.s32 v3, $0x10;
	[tilespmem:s23+$0x1E60] =	vst v4  }
0x1dc: {  	v4 =	vand.u32 $0xFFFF, v2;
	[tilespmem:s23+$0x46E0] =	vst v3  }
0x1dd: {  	v2 =	vshra.s32 v2, $0x10;
	[tilespmem:s23+$0x1E70] =	vst v4  }
.Ltmp35:
0x1de: {  	v4 =	vand.u32 $0xFFFF, v7;
	[tilespmem:s23+$0x46F0] =	vst v2;
	(pc) =	sbr.rel @!p2 .LBB2_65-.Ltmp35, $4  }
0x1df: {  	v3 =	vshra.s32 v7, $0x10;
	[tilespmem:s23+$0x1E80] =	vst v4  }
0x1e0: {  	[tilespmem:s23+$0x4700] =	vst v3  }
0x1e1: {  	v3 =	vld [tilespmem:s5+$0x2370]  }
0x1e2: {  	v2 =	vld [tilespmem:s5+$0x2380]  }
0x1e3: {  	v6 =	vld [tilespmem:s5+$0x2390]  }
0x1e4: {  	p2 =	por $0x1, $0x1  }
.Ltmp36:
0x1e5: {  	_ = 	snop;
	(pc) =	sbr.rel @!p2 .LBB2_68-.Ltmp36, $4  }
0x1e6: {  	v5 =	vand.u32 $0xFFFF, v3  }
0x1e7: {  	s23 =	simm.s32 $0x30;
	[tilespmem:s5+$0x2370] =	vst v5;
	v7 =	vand.u32 $0xFFFF, v2  }
0x1e8: {  	v4 =	vshra.s32 v3, $0x10;
	v3 =	vld [tilespmem:s23+$0x2370];
	[tilespmem:s5+$0x2380] =	vst v7;
	v7 =	vand.u32 $0xFFFF, v6  }
0x1e9: {  	s25 =	simm.s32 $0x180;
	p1 =	por $0x1, $0x1;
	v5 =	vshra.s32 v2, $0x10;
	v6 =	vshra.s32 v6, $0x10;
	v2 =	vld [tilespmem:s23+$0x2380];
	[tilespmem:s5+$0x2390] =	vst v7  }
.LBB2_67:
0x1ea: {  	p2 =	sne.s32 s25, $0x1380;
	v7 =	vld [tilespmem:s23+$0x2390];
	[tilespmem:s5+$0x4BF0] =	vst v4  }
0x1eb: {  	[tilespmem:s5+$0x4C00] =	vst v5  }
.Ltmp37:
0x1ec: {  	[tilespmem:s5+$0x4C10] =	vst v6;
	s5 =	smov.u32 s23;
	(pc) =	sbr.rel @p2 .LBB2_67-.Ltmp37, $4  }
0x1ed: {  	v4 =	vshra.s32 v3, $0x10;
	v3 =	vand.u32 $0xFFFF, v3  }
0x1ee: {  	s23 =	sshra.s32 s25, $0x2;
	[tilespmem:s5+$0x2370] =	vst v3;
	v5 =	vshra.s32 v2, $0x10;
	v2 =	vand.u32 $0xFFFF, v2  }
0x1ef: {  	v3 =	vld [tilespmem:s23+$0x2370];
	[tilespmem:s5+$0x2380] =	vst v2;
	v6 =	vshra.s32 v7, $0x10;
	v7 =	vand.u32 $0xFFFF, v7  }
0x1f0: {  	s25 =	sadd.s32 $0xC0, s25;
	v2 =	vld [tilespmem:s23+$0x2380];
	[tilespmem:s5+$0x2390] =	vst v7  }
.LBB2_68:
0x1f1: {  	_ = 	snop  }
0x1f2: {  	v7 =	vld [tilespmem:s23+$0x2390];
	[tilespmem:s5+$0x4BF0] =	vst @p1 v4  }
0x1f3: {  	[tilespmem:s5+$0x4C00] =	vst @p1 v5  }
0x1f4: {  	[tilespmem:s5+$0x4C10] =	vst @p1 v6;
	v61 =	vand.u32 $0xFFFF, v3  }
0x1f5: {  	v3 =	vshra.s32 v3, $0x10;
	[tilespmem:s23+$0x2370] =	vst v61  }
0x1f6: {  	v62 =	vand.u32 $0xFFFF, v2;
	[tilespmem:s23+$0x4BF0] =	vst v3  }
0x1f7: {  	v2 =	vshra.s32 v2, $0x10;
	[tilespmem:s23+$0x2380] =	vst v62  }
0x1f8: {  	v63 =	vand.u32 $0xFFFF, v7;
	[tilespmem:s23+$0x4C00] =	vst v2  }
0x1f9: {  	v3 =	vshra.s32 v7, $0x10;
	[tilespmem:s23+$0x2390] =	vst v63  }
0x1fa: {  	[tilespmem:s23+$0x4C10] =	vst v3  }
0x1fb: {  	[bflag:$0x0] =	sbarrier.arrive $0xFFFF  }
0x1fc: {  	[spmem:s3] =	stream.indirect.scatter.add.f32 [tilespmem:s21], [sflag:$0x5], $0x1, s19, s20, $0xb8;
	[tilespmem:$0x1EE10] =	vst v63  }
0x1fd: {  	s23 =	simm.s32 $0x5610  }
0x1fe: {  	[spmem:s3] =	stream.indirect.scatter.add.f32 [tilespmem:s21], [sflag:$0x5], $0x1, s23, s20, $0xb8;
	[tilespmem:$0x1EE10] =	vst v63  }
0x1ff: {  	s25 =	simm.s32 $0x5B20  }
0x200: {  	[spmem:s3] =	stream.indirect.scatter.add.f32 [tilespmem:s21], [sflag:$0x5], $0x1, s25, s20, $0xb8;
	[tilespmem:$0x1EE10] =	vst v63  }
0x201: {  	s29 =	simm.s32 $0x6030  }
0x202: {  	[spmem:s3] =	stream.indirect.scatter.add.f32 [tilespmem:s21], [sflag:$0x5], $0x1, s29, s20, $0xb8;
	[tilespmem:$0x1EE10] =	vst v63  }
0x203: {  	s23 =	simm.s32 $0x6540  }
0x204: {  	[spmem:s3] =	stream.indirect.scatter.add.f32 [tilespmem:s21], [sflag:$0x5], $0x1, s23, s20, $0xb8;
	[tilespmem:$0x1EE10] =	vst v63  }
0x205: {  	s25 =	simm.s32 $0x6A50  }
0x206: {  	[spmem:s3] =	stream.indirect.scatter.add.f32 [tilespmem:s21], [sflag:$0x5], $0x1, s25, s20, $0xb8;
	[tilespmem:$0x1EE10] =	vst v63  }
0x207: {  	s29 =	simm.s32 $0x6F60  }
0x208: {  	[spmem:s3] =	stream.indirect.scatter.add.f32 [tilespmem:s21], [sflag:$0x5], $0x1, s29, s20, $0xb8;
	[tilespmem:$0x1EE10] =	vst v63  }
0x209: {  	s23 =	simm.s32 $0x7470  }
0x20a: {  	[spmem:s3] =	stream.indirect.scatter.add.f32 [tilespmem:s21], [sflag:$0x5], $0x1, s23, s20, $0xb8;
	[tilespmem:$0x1EE10] =	vst v63  }
0x20b: {  	s25 =	simm.s32 $0x7980  }
0x20c: {  	[spmem:s3] =	stream.indirect.scatter.add.f32 [tilespmem:s21], [sflag:$0x5], $0x1, s25, s20, $0xb8;
	[tilespmem:$0x1EE10] =	vst v63  }
0x20d: {  	s29 =	simm.s32 $0x7E90  }
0x20e: {  	[spmem:s3] =	stream.indirect.scatter.add.f32 [tilespmem:s21], [sflag:$0x5], $0x1, s29, s20, $0xb8;
	[tilespmem:$0x1EE10] =	vst v63  }
0x20f: {  	s23 =	simm.s32 $0x83A0  }
0x210: {  	[spmem:s3] =	stream.indirect.scatter.add.f32 [tilespmem:s21], [sflag:$0x5], $0x1, s23, s20, $0xb8;
	[tilespmem:$0x1EE10] =	vst v63  }
0x211: {  	s25 =	simm.s32 $0x88B0  }
0x212: {  	[spmem:s3] =	stream.indirect.scatter.add.f32 [tilespmem:s21], [sflag:$0x5], $0x1, s25, s20, $0xb8;
	[tilespmem:$0x1EE10] =	vst v63  }
0x213: {  	s29 =	simm.s32 $0x8DC0  }
0x214: {  	[spmem:s3] =	stream.indirect.scatter.add.f32 [tilespmem:s21], [sflag:$0x5], $0x1, s29, s20, $0xb8;
	[tilespmem:$0x1EE10] =	vst v63  }
0x215: {  	s23 =	simm.s32 $0x92D0  }
0x216: {  	[spmem:s3] =	stream.indirect.scatter.add.f32 [tilespmem:s21], [sflag:$0x5], $0x1, s23, s20, $0xb8;
	[tilespmem:$0x1EE10] =	vst v63  }
0x217: {  	s25 =	simm.s32 $0x97E0  }
0x218: {  	[spmem:s3] =	stream.indirect.scatter.add.f32 [tilespmem:s21], [sflag:$0x5], $0x1, s25, s20, $0xb8;
	[tilespmem:$0x1EE10] =	vst v63  }
0x219: {  	s29 =	simm.s32 $0x9CF0  }
0x21a: {  	[spmem:s3] =	stream.indirect.scatter.add.f32 [tilespmem:s21], [sflag:$0x5], $0x1, s29, s20, $0xb8;
	[tilespmem:$0x1EE10] =	vst v63  }
0x21b: {  	_ =	swait.ge [sflag:s26], $0x510  }
0x21c: {  	[sflag:s26] =	ssyncset.done $0x0  }
0x21d: {  	[sflag:s26] =	ssyncadd.s32 $0xFFFFFAF0  }
0x21e: {  	_ =	swait.ge [sflag:s26], $0x510  }
0x21f: {  	[sflag:s26] =	ssyncset.done $0x0  }
0x220: {  	[sflag:s26] =	ssyncadd.s32 $0xFFFFFAF0  }
0x221: {  	_ =	swait.ge [sflag:s26], $0x510  }
0x222: {  	[sflag:s26] =	ssyncset.done $0x0  }
0x223: {  	[sflag:s26] =	ssyncadd.s32 $0xFFFFFAF0  }
0x224: {  	_ =	swait.ge [sflag:s26], $0x510  }
0x225: {  	[sflag:s26] =	ssyncset.done $0x0  }
0x226: {  	[sflag:s26] =	ssyncadd.s32 $0xFFFFFAF0  }
0x227: {  	_ =	swait.ge [sflag:s26], $0x510  }
0x228: {  	[sflag:s26] =	ssyncset.done $0x0  }
0x229: {  	[sflag:s26] =	ssyncadd.s32 $0xFFFFFAF0  }
0x22a: {  	_ =	swait.ge [sflag:s26], $0x510  }
0x22b: {  	[sflag:s26] =	ssyncset.done $0x0  }
0x22c: {  	[sflag:s26] =	ssyncadd.s32 $0xFFFFFAF0  }
0x22d: {  	_ =	swait.ge [sflag:s26], $0x510  }
0x22e: {  	[sflag:s26] =	ssyncset.done $0x0  }
0x22f: {  	[sflag:s26] =	ssyncadd.s32 $0xFFFFFAF0  }
0x230: {  	_ =	swait.ge [sflag:s26], $0x510  }
0x231: {  	[sflag:s26] =	ssyncset.done $0x0  }
0x232: {  	[sflag:s26] =	ssyncadd.s32 $0xFFFFFAF0  }
0x233: {  	_ =	swait.ge [sflag:s26], $0x510  }
0x234: {  	[sflag:s26] =	ssyncset.done $0x0  }
0x235: {  	[sflag:s26] =	ssyncadd.s32 $0xFFFFFAF0  }
0x236: {  	_ =	swait.ge [sflag:s26], $0x510  }
0x237: {  	[sflag:s26] =	ssyncset.done $0x0  }
0x238: {  	[sflag:s26] =	ssyncadd.s32 $0xFFFFFAF0  }
0x239: {  	_ =	swait.ge [sflag:s26], $0x510  }
0x23a: {  	[sflag:s26] =	ssyncset.done $0x0  }
0x23b: {  	[sflag:s26] =	ssyncadd.s32 $0xFFFFFAF0  }
0x23c: {  	_ =	swait.ge [sflag:s26], $0x510  }
0x23d: {  	[sflag:s26] =	ssyncset.done $0x0  }
0x23e: {  	[sflag:s26] =	ssyncadd.s32 $0xFFFFFAF0  }
0x23f: {  	_ =	swait.ge [sflag:s26], $0x510  }
0x240: {  	[sflag:s26] =	ssyncset.done $0x0  }
0x241: {  	[sflag:s26] =	ssyncadd.s32 $0xFFFFFAF0  }
0x242: {  	_ =	swait.ge [sflag:s26], $0x510  }
0x243: {  	[sflag:s26] =	ssyncset.done $0x0  }
0x244: {  	[sflag:s26] =	ssyncadd.s32 $0xFFFFFAF0  }
0x245: {  	_ =	swait.ge [sflag:s26], $0x510  }
0x246: {  	[sflag:s26] =	ssyncset.done $0x0  }
0x247: {  	[sflag:s26] =	ssyncadd.s32 $0xFFFFFAF0  }
0x248: {  	_ =	swait.ge [sflag:s26], $0x510  }
0x249: {  	[sflag:s26] =	ssyncset.done $0x0  }
0x24a: {  	[sflag:s26] =	ssyncadd.s32 $0xFFFFFAF0  }
0x24b: {  	s25 =	simm.s32 $0xA710;
	[bflag:$0x0] =	sbarrier.arrive $0xFFFF  }
0x24c: {  	[tilespmem:s25], [sflag:$0x6] =	stream.linear.gather [spmem:s7], $0x280, $0x38;
	[tilespmem:$0x1EE10] =	vst v63  }
0x24d: {  	_ =	swait.ge [sflag:s16], $0x280  }
0x24e: {  	[sflag:s16] =	ssyncset.done $0x0  }
0x24f: {  	[sflag:s16] =	ssyncadd.s32 $0xFFFFFD80  }
0x250: {  	s5 =	simm.s32 $0x400;
	s23 =	simm.s32 $0x0;
	v2 =	vld [tilespmem:s25+$0x0]  }
.LBB2_69:
0x251: {  	p1 =	sne.s32 s5, $0x9C00;
	_ =	sdelay $0x3  }
0x252: {  	v2 =	vmax.f32 v2, $1.000000000e+00  }
0x253: {  	v3 =	vshra.s32 v2, $0x1;
	v2 =	vmul.f32 $5.000000000e-01, v2  }
0x254: {  	v3 =	vsub.s32 $0x5F3759DF, v3  }
0x255: {  	v4 =	vmul.f32 v3, v2;
	_ =	sdelay $0x1  }
0x256: {  	v4 =	vmul.f32 v3, v4;
	_ =	sdelay $0x1  }
0x257: {  	v4 =	vsub.f32 $1.500000000e+00, v4;
	_ =	sdelay $0x1  }
0x258: {  	v3 =	vmul.f32 v3, v4;
	_ =	sdelay $0x1  }
0x259: {  	v4 =	vmul.f32 v3, v2;
	_ =	sdelay $0x1  }
0x25a: {  	v4 =	vmul.f32 v4, v3;
	_ =	sdelay $0x1  }
0x25b: {  	v4 =	vsub.f32 $1.500000000e+00, v4;
	_ =	sdelay $0x1  }
0x25c: {  	v3 =	vmul.f32 v4, v3;
	_ =	sdelay $0x1  }
0x25d: {  	v2 =	vmul.f32 v3, v2;
	_ =	sdelay $0x1  }
0x25e: {  	s29 =	sshra.s32 s23, $0x2;
	s23 =	smov.u32 s5;
	v2 =	vmul.f32 v2, v3  }
0x25f: {  	v4 =	vld [tilespmem:s29+$0xA9C0]  }
0x260: {  	v2 =	vsub.f32 $1.500000000e+00, v2;
	v5 =	vld [tilespmem:s29+$0xA9A0]  }
0x261: {  	v6 =	vld [tilespmem:s29+$0xA990]  }
0x262: {  	v2 =	vmul.f32 v2, v3;
	v3 =	vld [tilespmem:s29+$0xA9B0]  }
0x263: {  	v7 =	vld [tilespmem:s29+$0xAA00]  }
0x264: {  	v8 =	vbroadcast v2, $0x0;
	v9 =	vbroadcast v2, $0x1;
	v10 =	vld [tilespmem:s29+$0xA9E0]  }
0x265: {  	v11 =	vbroadcast v2, $0x2;
	v12 =	vbroadcast v2, $0x3;
	v13 =	vld [tilespmem:s29+$0xA9D0]  }
0x266: {  	[tilespmem:s29+$0xD190] =	vst v8;
	v6 =	vmul.f32 v8, v6;
	v5 =	vmul.f32 v9, v5;
	v8 =	vld [tilespmem:s29+$0xA9F0]  }
0x267: {  	v4 =	vmul.f32 v12, v4;
	[tilespmem:s29+$0xD1A0] =	vst v9;
	v3 =	vmul.f32 v11, v3;
	v9 =	vld [tilespmem:s29+$0xAA40]  }
0x268: {  	v14 =	vbroadcast v2, $0x5;
	[tilespmem:s29+$0xA990] =	vst v6;
	v6 =	vbroadcast v2, $0x4;
	v15 =	vld [tilespmem:s29+$0xAA20]  }
0x269: {  	v16 =	vbroadcast v2, $0x7;
	[tilespmem:s29+$0xA9A0] =	vst v5;
	v5 =	vbroadcast v2, $0x6;
	v17 =	vld [tilespmem:s29+$0xAA10]  }
0x26a: {  	v10 =	vmul.f32 v14, v10;
	[tilespmem:s29+$0xA9B0] =	vst v3;
	v3 =	vmul.f32 v6, v13;
	v13 =	vld [tilespmem:s29+$0xAA30]  }
0x26b: {  	v7 =	vmul.f32 v7, v16;
	[tilespmem:s29+$0xA9C0] =	vst v4;
	v4 =	vmul.f32 v8, v5;
	v8 =	vld [tilespmem:s29+$0xAA80]  }
0x26c: {  	v18 =	vbroadcast v2, $0x9;
	[tilespmem:s29+$0xA9D0] =	vst v3;
	v3 =	vbroadcast v2, $0x8;
	v19 =	vld [tilespmem:s29+$0xAA60]  }
0x26d: {  	v20 =	vbroadcast v2, $0xB;
	[tilespmem:s29+$0xA9E0] =	vst v10;
	v10 =	vbroadcast v2, $0xA;
	v21 =	vld [tilespmem:s29+$0xAA50]  }
0x26e: {  	v15 =	vmul.f32 v15, v18;
	[tilespmem:s29+$0xA9F0] =	vst v4;
	v4 =	vmul.f32 v17, v3;
	v17 =	vld [tilespmem:s29+$0xAA70]  }
0x26f: {  	v9 =	vmul.f32 v9, v20;
	[tilespmem:s29+$0xAA00] =	vst v7;
	v7 =	vmul.f32 v13, v10  }
0x270: {  	v13 =	vbroadcast v2, $0xD;
	[tilespmem:s29+$0xAA10] =	vst v4;
	v4 =	vbroadcast v2, $0xC  }
0x271: {  	[tilespmem:s29+$0xAA20] =	vst v15;
	v15 =	vbroadcast v2, $0xE;
	v2 =	vbroadcast v2, $0xF  }
0x272: {  	v19 =	vmul.f32 v19, v13;
	[tilespmem:s29+$0xAA30] =	vst v7;
	v7 =	vmul.f32 v21, v4  }
0x273: {  	[tilespmem:s29+$0xAA40] =	vst v9;
	v9 =	vmul.f32 v17, v15;
	v8 =	vmul.f32 v8, v2  }
0x274: {  	[tilespmem:s29+$0xAA50] =	vst v7  }
0x275: {  	[tilespmem:s29+$0xAA60] =	vst v19  }
0x276: {  	[tilespmem:s29+$0xAA70] =	vst v9  }
0x277: {  	[tilespmem:s29+$0xAA80] =	vst v8  }
0x278: {  	[tilespmem:s29+$0xD1B0] =	vst v11  }
0x279: {  	[tilespmem:s29+$0xD1C0] =	vst v12  }
0x27a: {  	[tilespmem:s29+$0xD1D0] =	vst v6  }
0x27b: {  	[tilespmem:s29+$0xD1E0] =	vst v14  }
0x27c: {  	[tilespmem:s29+$0xD1F0] =	vst v5  }
0x27d: {  	[tilespmem:s29+$0xD200] =	vst v16  }
0x27e: {  	[tilespmem:s29+$0xD210] =	vst v3  }
0x27f: {  	[tilespmem:s29+$0xD220] =	vst v18  }
0x280: {  	[tilespmem:s29+$0xD230] =	vst v10  }
0x281: {  	[tilespmem:s29+$0xD240] =	vst v20  }
.Ltmp38:
0x282: {  	[tilespmem:s29+$0xD250] =	vst v4;
	(pc) =	sbr.rel @p1 .LBB2_69-.Ltmp38, $4  }
0x283: {  	[tilespmem:s29+$0xD260] =	vst v13  }
0x284: {  	[tilespmem:s29+$0xD270] =	vst v15  }
0x285: {  	s25 =	sadd.s32 $0x10, s25;
	[tilespmem:s29+$0xD280] =	vst v2  }
0x286: {  	s5 =	sadd.s32 $0x400, s5;
	v2 =	vld [tilespmem:s25+$0x0]  }
0x287: {  	_ =	sdelay $0x3  }
0x288: {  	v2 =	vmax.f32 v2, $1.000000000e+00  }
0x289: {  	v3 =	vshra.s32 v2, $0x1;
	v2 =	vmul.f32 $5.000000000e-01, v2  }
0x28a: {  	v3 =	vsub.s32 $0x5F3759DF, v3  }
0x28b: {  	v4 =	vmul.f32 v3, v2;
	_ =	sdelay $0x1  }
0x28c: {  	v4 =	vmul.f32 v3, v4;
	_ =	sdelay $0x1  }
0x28d: {  	v4 =	vsub.f32 $1.500000000e+00, v4;
	_ =	sdelay $0x1  }
0x28e: {  	v3 =	vmul.f32 v3, v4;
	_ =	sdelay $0x1  }
0x28f: {  	v4 =	vmul.f32 v3, v2;
	_ =	sdelay $0x1  }
0x290: {  	v4 =	vmul.f32 v4, v3;
	_ =	sdelay $0x1  }
0x291: {  	v4 =	vsub.f32 $1.500000000e+00, v4;
	_ =	sdelay $0x1  }
0x292: {  	v3 =	vmul.f32 v4, v3;
	_ =	sdelay $0x1  }
0x293: {  	v2 =	vmul.f32 v3, v2;
	_ =	sdelay $0x1  }
0x294: {  	v2 =	vmul.f32 v2, v3;
	_ =	sdelay $0x1  }
0x295: {  	v2 =	vsub.f32 $1.500000000e+00, v2;
	_ =	sdelay $0x1  }
0x296: {  	v2 =	vmul.f32 v2, v3;
	_ =	sdelay $0x1  }
0x297: {  	v7 =	vbroadcast v2, $0x0  }
0x298: {  	s5 =	sshra.s32 s23, $0x2;
	v8 =	vbroadcast v2, $0x1  }
0x299: {  	v11 =	vbroadcast v2, $0x2;
	[tilespmem:s5+$0xD190] =	vst v7  }
0x29a: {  	v51 =	vbroadcast v2, $0x3;
	[tilespmem:s5+$0xD1A0] =	vst v8  }
0x29b: {  	v53 =	vbroadcast v2, $0x4;
	[tilespmem:s5+$0xD1B0] =	vst v11  }
0x29c: {  	v13 =	vbroadcast v2, $0x5;
	[tilespmem:s5+$0xD1C0] =	vst v51  }
0x29d: {  	v15 =	vbroadcast v2, $0x6;
	[tilespmem:s5+$0xD1D0] =	vst v53  }
0x29e: {  	v55 =	vbroadcast v2, $0x7;
	[tilespmem:s5+$0xD1E0] =	vst v13  }
0x29f: {  	v17 =	vbroadcast v2, $0x9;
	[tilespmem:s5+$0xD1F0] =	vst v15  }
0x2a0: {  	v50 =	vld [tilespmem:s5+$0xA990];
	v19 =	vbroadcast v2, $0xA;
	[tilespmem:s5+$0xD200] =	vst v55  }
0x2a1: {  	v5 =	vld [tilespmem:s5+$0xA9A0];
	v58 =	vbroadcast v2, $0xB;
	[tilespmem:s5+$0xD220] =	vst v17  }
0x2a2: {  	v6 =	vld [tilespmem:s5+$0xA9C0];
	v60 =	vbroadcast v2, $0xC;
	[tilespmem:s5+$0xD230] =	vst v19  }
0x2a3: {  	v10 =	vld [tilespmem:s5+$0xA9E0];
	v21 =	vbroadcast v2, $0xD;
	[tilespmem:s5+$0xD240] =	vst v58  }
0x2a4: {  	v12 =	vld [tilespmem:s5+$0xA9F0];
	v61 =	vbroadcast v2, $0xE;
	[tilespmem:s5+$0xD250] =	vst v60  }
0x2a5: {  	v52 =	vld [tilespmem:s5+$0xAA00];
	v4 =	vmul.f32 v7, v50;
	[tilespmem:s5+$0xD260] =	vst v21  }
0x2a6: {  	v14 =	vld [tilespmem:s5+$0xAA20];
	v5 =	vmul.f32 v8, v5;
	[tilespmem:s5+$0xD270] =	vst v61  }
0x2a7: {  	v16 =	vld [tilespmem:s5+$0xAA30];
	v6 =	vmul.f32 v51, v6;
	[tilespmem:s5+$0xA990] =	vst v4  }
0x2a8: {  	v18 =	vld [tilespmem:s5+$0xAA60];
	v10 =	vmul.f32 v13, v10;
	[tilespmem:s5+$0xA9A0] =	vst v5  }
0x2a9: {  	v20 =	vld [tilespmem:s5+$0xAA70];
	v12 =	vmul.f32 v12, v15;
	[tilespmem:s5+$0xA9C0] =	vst v6  }
0x2aa: {  	v3 =	vld [tilespmem:s5+$0xA9B0];
	v8 =	vmul.f32 v52, v55;
	[tilespmem:s5+$0xA9E0] =	vst v10  }
0x2ab: {  	v56 =	vld [tilespmem:s5+$0xAA40];
	v14 =	vmul.f32 v14, v17;
	[tilespmem:s5+$0xA9F0] =	vst v12  }
0x2ac: {  	v9 =	vld [tilespmem:s5+$0xA9D0];
	v16 =	vmul.f32 v16, v19;
	[tilespmem:s5+$0xAA00] =	vst v8  }
0x2ad: {  	v57 =	vld [tilespmem:s5+$0xAA50];
	v62 =	vmul.f32 v18, v21;
	[tilespmem:s5+$0xAA20] =	vst v14  }
0x2ae: {  	v63 =	vmul.f32 v20, v61;
	[tilespmem:s5+$0xAA30] =	vst v16  }
0x2af: {  	v3 =	vmul.f32 v11, v3;
	[tilespmem:s5+$0xAA60] =	vst v62  }
0x2b0: {  	v54 =	vld [tilespmem:s5+$0xAA10];
	v6 =	vmul.f32 v56, v58;
	[tilespmem:s5+$0xAA70] =	vst v63  }
0x2b1: {  	v59 =	vld [tilespmem:s5+$0xAA80];
	[tilespmem:s5+$0xA9B0] =	vst v3;
	v3 =	vmul.f32 v53, v9  }
0x2b2: {  	v10 =	vmul.f32 v57, v60;
	[tilespmem:s5+$0xAA40] =	vst v6  }
0x2b3: {  	[tilespmem:s5+$0xA9D0] =	vst v3;
	v3 =	vbroadcast v2, $0x8  }
0x2b4: {  	[tilespmem:s5+$0xAA50] =	vst v10;
	v2 =	vbroadcast v2, $0xF  }
0x2b5: {  	v5 =	vmul.f32 v54, v3;
	[tilespmem:s5+$0xD210] =	vst v3  }
0x2b6: {  	v8 =	vmul.f32 v59, v2;
	[tilespmem:s5+$0xD280] =	vst v2  }
0x2b7: {  	[tilespmem:s5+$0xAA10] =	vst v5  }
0x2b8: {  	[tilespmem:s5+$0xAA80] =	vst v8  }
0x2b9: {  	[spmem:s11] =	stream.linear.scatter [tilespmem:s18], [sflag:$0x6], $0x2800, $0x38;
	[tilespmem:$0x1EE10] =	vst v63  }
0x2ba: {  	_ =	swait.ge [sflag:s16], $0x2800  }
0x2bb: {  	[sflag:s16] =	ssyncset.done $0x0  }
0x2bc: {  	s23 =	simm.s32 @!p0 $0xD190;
	s5 =	simm.s32 @!p0 $0x0;
	[sflag:s16] =	ssyncadd.s32 $0xFFFFD800  }
0x2bd: {  	[hbm4b:s12+s5] =	stream.linear.scatter @!p0 [tilespmem:s23], [sflag:$0x6], $0x2800, $0x38;
	[tilespmem:$0x1EE10] =	vst v63  }
0x2be: {  	s5 =	simm.s32 @!p0 $0x6  }
0x2bf: {  	_ =	swait.ge @!p0 [sflag:s5], $0x2800  }
0x2c0: {  	[sflag:s5] =	ssyncset.done @!p0 $0x0  }
0x2c1: {  	[sflag:s5] =	ssyncadd.s32 @!p0 $0xFFFFD800  }
0x2c2: {  	s29 =	simm.s32 $0x0;
	[bflag:$0x0] =	sbarrier.arrive $0xFFFF  }
0x2c3: {  	[tilespmem:s15], [sflag:$0x1] =	stream.indirect.gather [spmem:s4], $0x10, s29, s20, $0xb8;
	[tilespmem:$0x1EE10] =	vst v63  }
0x2c4: {  	_ =	swait.ge [sflag:s28], $0x5100  }
0x2c5: {  	[sflag:s28] =	ssyncset.done $0x0  }
0x2c6: {  	s23 =	simm.s32 $0x2880;
	[sflag:s28] =	ssyncadd.s32 $0xFFFFAF00  }
0x2c7: {  	[spmem:s1] =	stream.indirect.scatter.add.f32 [tilespmem:s15], [sflag:$0x3], $0x10, s23, s20, $0xb8;
	[tilespmem:$0x1EE10] =	vst v63  }
0x2c8: {  	_ = 	snop  }
0x2c9: {  	[tilespmem:s30], [sflag:$0x2] =	stream.indirect.gather [spmem:s4], $0x10, s20, s20, $0xb8;
	[tilespmem:$0x1EE10] =	vst v63  }
0x2ca: {  	_ =	swait.ge [sflag:s31], $0x5100  }
0x2cb: {  	[sflag:s31] =	ssyncset.done $0x0  }
0x2cc: {  	s25 =	simm.s32 $0x2D90;
	[sflag:s31] =	ssyncadd.s32 $0xFFFFAF00  }
0x2cd: {  	[spmem:s1] =	stream.indirect.scatter.add.f32 [tilespmem:s30], [sflag:$0x4], $0x10, s25, s20, $0xb8;
	[tilespmem:$0x1EE10] =	vst v63  }
0x2ce: {  	_ =	swait.ge [sflag:s17], $0x5100  }
0x2cf: {  	[sflag:s17] =	ssyncset.done $0x0  }
0x2d0: {  	s29 =	simm.s32 $0xA20;
	[sflag:s17] =	ssyncadd.s32 $0xFFFFAF00  }
0x2d1: {  	[tilespmem:s15], [sflag:$0x1] =	stream.indirect.gather [spmem:s4], $0x10, s29, s20, $0xb8;
	[tilespmem:$0x1EE10] =	vst v63  }
0x2d2: {  	_ =	swait.ge [sflag:s28], $0x5100  }
0x2d3: {  	[sflag:s28] =	ssyncset.done $0x0  }
0x2d4: {  	s23 =	simm.s32 $0x32A0;
	[sflag:s28] =	ssyncadd.s32 $0xFFFFAF00  }
0x2d5: {  	[spmem:s1] =	stream.indirect.scatter.add.f32 [tilespmem:s15], [sflag:$0x3], $0x10, s23, s20, $0xb8;
	[tilespmem:$0x1EE10] =	vst v63  }
0x2d6: {  	_ =	swait.ge [sflag:s24], $0x5100  }
0x2d7: {  	[sflag:s24] =	ssyncset.done $0x0  }
0x2d8: {  	s25 =	simm.s32 $0xF30;
	[sflag:s24] =	ssyncadd.s32 $0xFFFFAF00  }
0x2d9: {  	[tilespmem:s30], [sflag:$0x2] =	stream.indirect.gather [spmem:s4], $0x10, s25, s20, $0xb8;
	[tilespmem:$0x1EE10] =	vst v63  }
0x2da: {  	_ =	swait.ge [sflag:s31], $0x5100  }
0x2db: {  	[sflag:s31] =	ssyncset.done $0x0  }
0x2dc: {  	s29 =	simm.s32 $0x37B0;
	[sflag:s31] =	ssyncadd.s32 $0xFFFFAF00  }
0x2dd: {  	[spmem:s1] =	stream.indirect.scatter.add.f32 [tilespmem:s30], [sflag:$0x4], $0x10, s29, s20, $0xb8;
	[tilespmem:$0x1EE10] =	vst v63  }
0x2de: {  	_ =	swait.ge [sflag:s17], $0x5100  }
0x2df: {  	[sflag:s17] =	ssyncset.done $0x0  }
0x2e0: {  	s23 =	simm.s32 $0x1440;
	[sflag:s17] =	ssyncadd.s32 $0xFFFFAF00  }
0x2e1: {  	[tilespmem:s15], [sflag:$0x1] =	stream.indirect.gather [spmem:s4], $0x10, s23, s20, $0xb8;
	[tilespmem:$0x1EE10] =	vst v63  }
0x2e2: {  	_ =	swait.ge [sflag:s28], $0x5100  }
0x2e3: {  	[sflag:s28] =	ssyncset.done $0x0  }
0x2e4: {  	s25 =	simm.s32 $0x3CC0;
	[sflag:s28] =	ssyncadd.s32 $0xFFFFAF00  }
0x2e5: {  	[spmem:s1] =	stream.indirect.scatter.add.f32 [tilespmem:s15], [sflag:$0x3], $0x10, s25, s20, $0xb8;
	[tilespmem:$0x1EE10] =	vst v63  }
0x2e6: {  	_ =	swait.ge [sflag:s24], $0x5100  }
0x2e7: {  	[sflag:s24] =	ssyncset.done $0x0  }
0x2e8: {  	s29 =	simm.s32 $0x1950;
	[sflag:s24] =	ssyncadd.s32 $0xFFFFAF00  }
0x2e9: {  	[tilespmem:s30], [sflag:$0x2] =	stream.indirect.gather [spmem:s4], $0x10, s29, s20, $0xb8;
	[tilespmem:$0x1EE10] =	vst v63  }
0x2ea: {  	_ =	swait.ge [sflag:s31], $0x5100  }
0x2eb: {  	[sflag:s31] =	ssyncset.done $0x0  }
0x2ec: {  	s23 =	simm.s32 $0x41D0;
	[sflag:s31] =	ssyncadd.s32 $0xFFFFAF00  }
0x2ed: {  	[spmem:s1] =	stream.indirect.scatter.add.f32 [tilespmem:s30], [sflag:$0x4], $0x10, s23, s20, $0xb8;
	[tilespmem:$0x1EE10] =	vst v63  }
0x2ee: {  	_ =	swait.ge [sflag:s17], $0x5100  }
0x2ef: {  	[sflag:s17] =	ssyncset.done $0x0  }
0x2f0: {  	s25 =	simm.s32 $0x1E60;
	[sflag:s17] =	ssyncadd.s32 $0xFFFFAF00  }
0x2f1: {  	[tilespmem:s15], [sflag:$0x1] =	stream.indirect.gather [spmem:s4], $0x10, s25, s20, $0xb8;
	[tilespmem:$0x1EE10] =	vst v63  }
0x2f2: {  	_ =	swait.ge [sflag:s28], $0x5100  }
0x2f3: {  	[sflag:s28] =	ssyncset.done $0x0  }
0x2f4: {  	s29 =	simm.s32 $0x46E0;
	[sflag:s28] =	ssyncadd.s32 $0xFFFFAF00  }
0x2f5: {  	[spmem:s1] =	stream.indirect.scatter.add.f32 [tilespmem:s15], [sflag:$0x3], $0x10, s29, s20, $0xb8;
	[tilespmem:$0x1EE10] =	vst v63  }
0x2f6: {  	_ =	swait.ge [sflag:s24], $0x5100  }
0x2f7: {  	[sflag:s24] =	ssyncset.done $0x0  }
0x2f8: {  	s23 =	simm.s32 $0x2370;
	[sflag:s24] =	ssyncadd.s32 $0xFFFFAF00  }
0x2f9: {  	[tilespmem:s30], [sflag:$0x2] =	stream.indirect.gather [spmem:s4], $0x10, s23, s20, $0xb8;
	[tilespmem:$0x1EE10] =	vst v63  }
0x2fa: {  	_ =	swait.ge [sflag:s31], $0x5100  }
0x2fb: {  	[sflag:s31] =	ssyncset.done $0x0  }
0x2fc: {  	[sflag:s31] =	ssyncadd.s32 $0xFFFFAF00  }
0x2fd: {  	[spmem:s1] =	stream.indirect.scatter.add.f32 [tilespmem:s30], [sflag:$0x4], $0x10, s2, s20, $0xb8;
	[tilespmem:$0x1EE10] =	vst v63  }
0x2fe: {  	_ =	swait.ge [sflag:s17], $0x5100  }
0x2ff: {  	[sflag:s17] =	ssyncset.done $0x0  }
0x300: {  	[sflag:s17] =	ssyncadd.s32 $0xFFFFAF00  }
0x301: {  	_ =	swait.ge [sflag:s24], $0x5100  }
0x302: {  	s22 =	sadd.s32 $0x1, s22;
	[sflag:s24] =	ssyncset.done $0x0  }
0x303: {  	p1 =	sne.s32 s22, s14;
	s25 =	sshll.u32 s0, $0x6;
	[sflag:s24] =	ssyncadd.s32 $0xFFFFAF00  }
0x304: {  	s5 =	sor.u32 $0x1C06, s25;
	s29 =	sshrl.u32 s6, $0x3;
	[bflag:$0x0] =	sbarrier.arrive $0xFFFF  }
0x305: {  	[hbm:s13], [sflag:s5] =	dma.local [spmem:s29], $0x500  }
.Ltmp39:
0x306: {  	_ = 	snop;
	(pc) =	sbr.rel @p1 .LBB2_1-.Ltmp39, $4  }
.Ltmp40:
0x307: {  	_ = 	snop;
	(pc) =	sbr.rel @!p1 .LBB2_71-.Ltmp40, $4  }
0x308: {  	_ =	swait.ge [sflag:s16], $0x500  }
0x309: {  	[sflag:s16] =	ssyncset.done $0x0  }
0x30a: {  	[sflag:s16] =	ssyncadd.s32 $0xFFFFFB00  }
0x30b: {  	_ = 	snop  }
.LBB2_42:
.Ltmp41:
0x30c: {  	(pc) =	sbr.rel .LBB2_46-.Ltmp41, $2  }
0x30d: {  	_ =	sdelay $0x2  }
0x30e: {  	s23 =	simm.s32 $0x0;
	p3 =	por $0x0, $0x0  }
.LBB2_47:
.Ltmp42:
0x30f: {  	(pc) =	sbr.rel .LBB2_50-.Ltmp42, $2  }
0x310: {  	_ =	sdelay $0x2  }
0x311: {  	s23 =	simm.s32 $0x0  }
.LBB2_51:
.Ltmp43:
0x312: {  	(pc) =	sbr.rel .LBB2_55-.Ltmp43, $2  }
0x313: {  	_ =	sdelay $0x2  }
0x314: {  	s23 =	simm.s32 $0x0;
	p3 =	por $0x0, $0x0  }
.LBB2_56:
.Ltmp44:
0x315: {  	(pc) =	sbr.rel .LBB2_59-.Ltmp44, $2  }
0x316: {  	_ =	sdelay $0x2  }
0x317: {  	s23 =	simm.s32 $0x0  }
.LBB2_60:
.Ltmp45:
0x318: {  	(pc) =	sbr.rel .LBB2_64-.Ltmp45, $2  }
0x319: {  	_ =	sdelay $0x2  }
0x31a: {  	s23 =	simm.s32 $0x0;
	p3 =	por $0x0, $0x0  }
.LBB2_65:
.Ltmp46:
0x31b: {  	(pc) =	sbr.rel .LBB2_68-.Ltmp46, $2  }
0x31c: {  	_ =	sdelay $0x2  }
0x31d: {  	s23 =	simm.s32 $0x0  }
.LBB2_44:
.Ltmp47:
0x31e: {  	(pc) =	sbr.rel .LBB2_46-.Ltmp47, $2  }
0x31f: {  	_ =	sdelay $0x2  }
0x320: {  	s25 =	simm.s32 $0x0  }
.LBB2_53:
.Ltmp48:
0x321: {  	(pc) =	sbr.rel .LBB2_55-.Ltmp48, $2  }
0x322: {  	_ =	sdelay $0x2  }
0x323: {  	s25 =	simm.s32 $0x0  }
.LBB2_62:
.Ltmp49:
0x324: {  	(pc) =	sbr.rel .LBB2_64-.Ltmp49, $2  }
0x325: {  	_ =	sdelay $0x2  }
0x326: {  	s25 =	simm.s32 $0x0  }
.LBB2_71:
0x327: {  	_ =	sfence.sel $0x180000  }
0x328: {  	[bflag:$0x0] =	sbarrier.arrive $0xFFFF  }
0x329: {  	_ =	strace $0x90000047  }
0x32a: {  	[bflag:$0x2] =	sbarrier.arrive $0xFFFF  }
0x32b: {  	p0 =	sne.s32 s0, $0x0;
	s0 =	rddreg [dreg:$0x4]  }
0x32c: {  	s0 =	sadd.s32 @!p0 $0x100000, s0  }
0x32d: {  	[sflag:s0] =	ssyncadd.tile.s32 @!p0 $0x1;
	_ =	shalt  }
.Lfunc_end2:
_tile_overlayer_lowered:
.L_overlay_start_2:
0x32e: {  	(tag) =	ssettag $0x2  }
0x32f: {  	s0 =	rddreg [dreg:$0x0];
	s2 =	stileid.u32  }
0x330: {  	s1 =	rddreg [dreg:$0x1];
	p0 =	sne.s32 s2, $0x0  }
0x331: {  	s3 =	rddreg [dreg:$0x2];
	[bflag:$0x3] =	sbarrier.arrive $0xFFFF;
	s2 =	simm.s32 @!p0 $0x1C06  }
0x332: {  	[timem:s3], [sflag:s2] =	dma.local @!p0 [hbm:s0], s1  }
0x333: {  	s0 =	simm.s32 @!p0 $0x6  }
0x334: {  	_ =	swait.ge @!p0 [sflag:s0], s1  }
0x335: {  	s1 =	ssub.s32 @!p0 $0x0, s1;
	[sflag:s0] =	ssyncset.done @!p0 $0x0  }
0x336: {  	[sflag:s0] =	ssyncadd.s32 @!p0 s1  }
0x337: {  	[bflag:$0x3] =	sbarrier.arrive $0xFFFF  }
0x338: {  	_ =	shalt  }

</sc_bundles>
